<compile_context>
chip_gen: v7x
topology: tpu7x:2x2x1
jax: 0.10.2.dev20260603
libtpu: 0.0.44.dev20260713+nightly
codegen_flags: <defaults>
</compile_context>

<pallas_src>
import functools

import jax
import jax.numpy as jnp
from jax import lax
from jax.experimental import pallas as pl
from jax.experimental.pallas import tpu as pltpu
from jax.experimental.pallas import tpu_sc as plsc

NUM_CORES = 2
NUM_SUBCORES = 16
LANES = 16
CHUNK = 128
SUPER = 512
CPS = SUPER // CHUNK


def _sc_spmm(u_tiles, src, dst, w, n):
    e = w.shape[0]
    e_half = e // NUM_CORES
    n_super = e_half // SUPER

    mesh = plsc.VectorSubcoreMesh(
        core_axis_name="c", subcore_axis_name="s",
        num_cores=NUM_CORES, num_subcores=NUM_SUBCORES)

    @functools.partial(
        pl.kernel,
        out_type=jax.ShapeDtypeStruct(
            (NUM_CORES, NUM_SUBCORES, n * LANES), jnp.float32),
        mesh=mesh,
        compiler_params=pltpu.CompilerParams(
            use_tc_tiling_on_sc=False, needs_layout_passes=False),
        scratch_types=[
            pltpu.VMEM((2, SUPER), jnp.int32),
            pltpu.VMEM((2, SUPER), jnp.int32),
            pltpu.VMEM((2, SUPER), jnp.float32),
            pltpu.VMEM((4, CHUNK), jnp.int32),
            pltpu.VMEM((4, CHUNK, LANES), jnp.float32),
            pltpu.VMEM((n * LANES,), jnp.float32),
            pltpu.SemaphoreType.DMA,
            pltpu.SemaphoreType.DMA,
            pltpu.SemaphoreType.DMA,
            pltpu.SemaphoreType.DMA,
            pltpu.SemaphoreType.DMA,
            pltpu.SemaphoreType.DMA,
        ],
    )
    def sc_kernel(u_hbm, src_hbm, dst_hbm, w_hbm, out_hbm,
                  dst2, src2, w2, idx2, rows2, acc_v,
                  msem0, msem1, gsem0, gsem1, gsem2, gsem3):
        msem = (msem0, msem1)
        gsem = (gsem0, gsem1, gsem2, gsem3)
        cid = lax.axis_index("c")
        sid = lax.axis_index("s")
        ebase = cid * e_half

        zero = jnp.zeros((LANES,), jnp.float32)

        @plsc.parallel_loop(0, n * LANES, step=LANES, unroll=8)
        def zero_row(r):
            acc_v[pl.ds(r, LANES)] = zero

        lane_iota = lax.iota(jnp.int32, LANES)

        def meta_descs(t, mp):
            off = ebase + lax.rem(t, n_super) * SUPER
            sl = pl.ds(off, SUPER)
            return ((dst_hbm.at[sl], dst2.at[mp]),
                    (src_hbm.at[sl], src2.at[mp]),
                    (w_hbm.at[sl], w2.at[mp]))

        def issue_meta(t, mp):
            for s_ref, d_ref in meta_descs(t, mp):
                pltpu.async_copy(s_ref, d_ref, msem[mp])

        def wait_meta(t, mp):
            for s_ref, d_ref in meta_descs(t, mp):
                pltpu.make_async_copy(s_ref, d_ref, msem[mp]).wait()

        def mkidx(mp, koff, gp):
            @plsc.parallel_loop(0, CHUNK, step=LANES, unroll=2)
            def body(i):
                idx2[gp, pl.ds(i, LANES)] = (
                    (dst2[mp, pl.ds(koff * CHUNK + i, LANES)] << 4) + sid)

        def issue_gather(gp):
            pltpu.async_copy(u_hbm.at[idx2.at[gp]], rows2.at[gp], gsem[gp])

        def wait_gather(gp):
            pltpu.make_async_copy(
                u_hbm.at[idx2.at[gp]], rows2.at[gp], gsem[gp]).wait()

        def process(mp, k, gp):
            @plsc.parallel_loop(0, CHUNK // LANES, unroll=4)
            def group(g):
                base = k * CHUNK + g * LANES
                wg = w2[mp, pl.ds(base, LANES)]
                sg16 = src2[mp, pl.ds(base, LANES)] << 4
                rbase = g * LANES
                for j in range(LANES):
                    sel = jnp.full((LANES,), j, jnp.int32)
                    wj = jnp.take_along_axis(
                        wg, sel, axis=0, mode="promise_in_bounds")
                    aj = jnp.take_along_axis(
                        sg16, sel, axis=0, mode="promise_in_bounds") | lane_iota
                    plsc.addupdate_scatter(
                        acc_v, [aj], rows2[gp, rbase + j] * wj)

        issue_meta(0, 0)
        wait_meta(0, 0)
        mkidx(0, 0, 0)
        issue_gather(0)
        mkidx(0, 1, 1)
        issue_gather(1)
        mkidx(0, 2, 2)
        issue_gather(2)
        issue_meta(1, 1)

        def outer(jj, _):
            for phase in range(2):
                s = 2 * jj + phase
                for k in range(CPS):
                    if k == CPS - 3:
                        wait_meta(s + 1, (phase + 1) % 2)
                    mp2 = phase if k < CPS - 3 else (phase + 1) % 2
                    mkidx(mp2, (k + 3) % CPS, (k + 3) % 4)
                    issue_gather((k + 3) % 4)
                    wait_gather(k)
                    process(phase, k, k)
                    if k == CPS - 1:
                        issue_meta(s + 2, phase)
            return 0

        lax.fori_loop(0, n_super // 2, outer, 0)

        wait_gather(0)
        wait_gather(1)
        wait_gather(2)
        wait_meta(n_super + 1, 1)

        pltpu.sync_copy(acc_v, out_hbm.at[cid, sid])

    return sc_kernel(u_tiles, src, dst, w)


TC_BLK = 512


def _tc_finish_body(acc_ref, w_ref, b_ref, out_ref, ssq_ref):
    i = pl.program_id(0)

    @pl.when(i == 0)
    def _():
        ssq_ref[0] = 0.0

    a = acc_ref[0] + acc_ref[1]
    half = NUM_SUBCORES // 2
    left = jnp.concatenate([a[t] for t in range(half)], axis=1)
    right = jnp.concatenate([a[t] for t in range(half, NUM_SUBCORES)], axis=1)
    s = jnp.dot(left, w_ref[...], preferred_element_type=jnp.float32) + b_ref[...]
    t = jnp.dot(right, w_ref[...], preferred_element_type=jnp.float32) + b_ref[...]
    diff = jnp.maximum(s, 0.0) - jnp.maximum(t, 0.0)
    ssq_ref[0] += jnp.sum(diff * diff)

    @pl.when(i == pl.num_programs(0) - 1)
    def _():
        out_ref[...] = jnp.exp(-jnp.sqrt(ssq_ref[0])).reshape(1, 1)


def kernel(x, edge_index, edge_weight, feat_a, W, b):
    n, d_in = x.shape
    d_hid = W.shape[1]
    u = jnp.concatenate([x, feat_a], axis=1)
    u_tiles = u.reshape(n * NUM_SUBCORES, LANES)
    acc = _sc_spmm(u_tiles, edge_index[0], edge_index[1], edge_weight, n)
    acc = acc.reshape(NUM_CORES, NUM_SUBCORES, n, LANES)
    out = pl.pallas_call(
        _tc_finish_body,
        grid=(n // TC_BLK,),
        in_specs=[
            pl.BlockSpec((NUM_CORES, NUM_SUBCORES, TC_BLK, LANES),
                         lambda i: (0, 0, i, 0)),
            pl.BlockSpec((d_in, d_hid), lambda i: (0, 0)),
            pl.BlockSpec((1, d_hid), lambda i: (0, 0)),
        ],
        out_specs=pl.BlockSpec((1, 1), lambda i: (0, 0)),
        out_shape=jax.ShapeDtypeStruct((1, 1), jnp.float32),
        scratch_shapes=[pltpu.SMEM((1,), jnp.float32)],
    )(acc, W, b.reshape(1, -1))
    return out[0, 0]

# --- scband reference (transcript-rebuilt; emitter-appended) ---
"""Pipeline reference for scband-explainable-encoder-90400471646282 (READ-ONLY COPY).

The authoritative reference and input builder live on the scoring server;
editing this copy changes nothing except your own understanding.
"""

import jax, jax.numpy as jnp
import numpy as np

N = 4096
E = 65536
D_IN = 128
D_HID = 256

def setup_inputs(seed: int = 0) -> dict:
    key = jax.random.key(seed)
    k1, k2, k3, k4, k5 = jax.random.split(key, 5)
    x = jax.random.normal(k1, (N, D_IN), dtype=jnp.float32)
    edge_index = jax.random.randint(k2, (2, E), 0, N, dtype=jnp.int32)
    edge_weight = jax.random.uniform(k3, (E,), dtype=jnp.float32)
    # learned params: corrupted/augmented feature view feat_a, encoder weight W, bias b
    feat_a = jax.random.normal(k4, (N, D_IN), dtype=jnp.float32)
    W = jax.random.normal(k5, (D_IN, D_HID), dtype=jnp.float32) * 0.05
    b = jnp.zeros((D_HID,), dtype=jnp.float32)
    return {"x": x, "edge_index": edge_index, "edge_weight": edge_weight, "feat_a": feat_a, "W": W, "b": b}

def _base_encoder(feat, feat_a, adj, W, b):
    # single-layer GCN-style contrastive encoder returning the 6-tuple the
    # wrapper expects: (hiden_emb, h, ret, ret_a, emb, emb_a)
    hiden_emb = jax.nn.relu(adj @ (feat @ W) + b)
    h = jax.nn.relu(adj @ (feat_a @ W) + b)
    emb = jax.nn.sigmoid(jnp.mean(hiden_emb, axis=0))
    emb_a = jax.nn.sigmoid(jnp.mean(h, axis=0))
    ret = hiden_emb @ emb
    ret_a = h @ emb_a
    return hiden_emb, h, ret, ret_a, emb, emb_a

def reference(x, edge_index, edge_weight, feat_a, W, b):
    n = x.shape[0]
    # scatter-overwrite edge weights into a dense NxN adjacency (the memory-bound op)
    adj = jnp.zeros((n, n), dtype=x.dtype).at[edge_index[0], edge_index[1]].set(edge_weight)
    hiden_emb, h, ret, ret_a, emb, emb_a = _base_encoder(x, feat_a, adj, W, b)
    # default_similarity_fn: exp(-||hiden_emb - h||_2)
    similarity = jnp.exp(-jnp.linalg.norm(hiden_emb - h))
    return similarity

if __name__ == "__main__":
    import jax
    _d = setup_inputs()
    print(jax.jit(kernel)(*tuple(_d.values())))

</pallas_src>

<mosaic_0001>
#map = affine_map<(d0, d1) -> (0, 0)>
#map1 = affine_map<(d0, d1) -> (0)>
#map2 = affine_map<(d0, d1) -> (0, 0, 0)>
module attributes {stable_mosaic.version = 14 : i64} {
  func.func @sc_kernel(%arg0: i32, %arg1: i32, %arg2: memref<65536x16xf32, #tpu.memory_space<hbm>>, %arg3: memref<65536xi32, #tpu.memory_space<hbm>>, %arg4: memref<65536xi32, #tpu.memory_space<hbm>>, %arg5: memref<65536xf32, #tpu.memory_space<hbm>>, %arg6: memref<2x16x65536xf32, #tpu.memory_space<hbm>>, %arg7: memref<2x512xi32, #tpu.memory_space<vmem>>, %arg8: memref<2x512xi32, #tpu.memory_space<vmem>>, %arg9: memref<2x512xf32, #tpu.memory_space<vmem>>, %arg10: memref<4x128xi32, #tpu.memory_space<vmem>>, %arg11: memref<4x128x16xf32, #tpu.memory_space<vmem>>, %arg12: memref<65536xf32, #tpu.memory_space<vmem>>, %arg13: memref<!tpu.dma_semaphore, #tpu.memory_space<semaphore_mem>>, %arg14: memref<!tpu.dma_semaphore, #tpu.memory_space<semaphore_mem>>, %arg15: memref<!tpu.dma_semaphore, #tpu.memory_space<semaphore_mem>>, %arg16: memref<!tpu.dma_semaphore, #tpu.memory_space<semaphore_mem>>, %arg17: memref<!tpu.dma_semaphore, #tpu.memory_space<semaphore_mem>>, %arg18: memref<!tpu.dma_semaphore, #tpu.memory_space<semaphore_mem>>) attributes {dimension_semantics = [#tpu.dimension_semantics<core_parallel>, #tpu.dimension_semantics<subcore_parallel>], iteration_bounds = array<i64: 2, 16>, scalar_prefetch = 0 : i64, scratch_operands = 12 : i64, tpu.core_type = #tpu.core_type<sc_vector_subcore>, window_params = [{transform_indices = #map}, {transform_indices = #map1}, {transform_indices = #map1}, {transform_indices = #map1}, {transform_indices = #map2}]} {
    %mul3A = arith.constant 32768 : i32
    %mul3A_0 = arith.muli %arg0, %mul3A : i32
    %broadcast_in_dim3A = arith.constant 0.000000e+00 : f32
    %broadcast_in_dim3A_1 = vector.broadcast %broadcast_in_dim3A : f32 to vector<16xf32>
    %parallel_loop3A = arith.constant 0 : i32
    %parallel_loop3A_2 = arith.constant 65536 : i32
    %parallel_loop3A_3 = arith.constant 16 : i32
    scf.for %parallel_loop3A_219 = %parallel_loop3A to %parallel_loop3A_2 step %parallel_loop3A_3  : i32 {
      %parallel_loop3A_220 = arith.index_cast %parallel_loop3A_219 : i32 to index
      %parallel_loop3A_221 = tpu.vector_load %arg12[%parallel_loop3A_220] {strides = array<i32>} : memref<65536xf32, #tpu.memory_space<vmem>>, vector<16xf32>,
      tpu.vector_store %arg12[%parallel_loop3A_220], %broadcast_in_dim3A_1 {strides = array<i32>} : memref<65536xf32, #tpu.memory_space<vmem>>, vector<16xf32>,
    } {sc.loop_unroll_factor = 8 : i64, sc.parallel_access}
    %iota3A = tpu.iota {dimensions = array<i32: 0>} : vector<16xi32>
    %rem3A = arith.constant 0 : i32
    %rem3A_4 = arith.constant 64 : i32
    %rem3A_5 = arith.remsi %rem3A, %rem3A_4 : i32
    %mul3A_6 = arith.constant 512 : i32
    %mul3A_7 = arith.muli %rem3A_5, %mul3A_6 : i32
    %add3A = arith.addi %mul3A_0, %mul3A_7 : i32
    %dma_start3A = arith.constant 0 : i32
    %dma_start3A_8 = arith.constant 0 : i32
    %dma_start3A_9 = tpu.memref_slice %arg7[%dma_start3A, %dma_start3A_8] : memref<2x512xi32, #tpu.memory_space<vmem>> -> memref<1x512xi32, #tpu.memory_space<vmem>>
    %dma_start3A_10 = tpu.memref_squeeze %dma_start3A_9 : memref<1x512xi32, #tpu.memory_space<vmem>> -> memref<512xi32, #tpu.memory_space<vmem>>
    %dma_start3A_11 = tpu.memref_slice %arg4[%add3A] : memref<65536xi32, #tpu.memory_space<hbm>> -> memref<512xi32, #tpu.memory_space<hbm>>
    %dma_start3A_12 = arith.constant 0 : i32
    %dma_start3A_13 = tpu.memref_slice %arg7[%dma_start3A, %dma_start3A_12] : memref<2x512xi32, #tpu.memory_space<vmem>> -> memref<1x512xi32, #tpu.memory_space<vmem>>
    %dma_start3A_14 = tpu.memref_squeeze %dma_start3A_13 : memref<1x512xi32, #tpu.memory_space<vmem>> -> memref<512xi32, #tpu.memory_space<vmem>>
    %dma_start3A_15 = tpu.memref_slice %arg4[%add3A] : memref<65536xi32, #tpu.memory_space<hbm>> -> memref<512xi32, #tpu.memory_space<hbm>>
    tpu.enqueue_dma source(%dma_start3A_15 : memref<512xi32, #tpu.memory_space<hbm>>) target(%dma_start3A_14 : memref<512xi32, #tpu.memory_space<vmem>>) target_semaphore(%arg13 : memref<!tpu.dma_semaphore, #tpu.memory_space<semaphore_mem>>)
    %dma_start3A_16 = arith.constant 0 : i32
    %dma_start3A_17 = arith.constant 0 : i32
    %dma_start3A_18 = tpu.memref_slice %arg8[%dma_start3A_16, %dma_start3A_17] : memref<2x512xi32, #tpu.memory_space<vmem>> -> memref<1x512xi32, #tpu.memory_space<vmem>>
    %dma_start3A_19 = tpu.memref_squeeze %dma_start3A_18 : memref<1x512xi32, #tpu.memory_space<vmem>> -> memref<512xi32, #tpu.memory_space<vmem>>
    %dma_start3A_20 = tpu.memref_slice %arg3[%add3A] : memref<65536xi32, #tpu.memory_space<hbm>> -> memref<512xi32, #tpu.memory_space<hbm>>
    %dma_start3A_21 = arith.constant 0 : i32
    %dma_start3A_22 = tpu.memref_slice %arg8[%dma_start3A_16, %dma_start3A_21] : memref<2x512xi32, #tpu.memory_space<vmem>> -> memref<1x512xi32, #tpu.memory_space<vmem>>
    %dma_start3A_23 = tpu.memref_squeeze %dma_start3A_22 : memref<1x512xi32, #tpu.memory_space<vmem>> -> memref<512xi32, #tpu.memory_space<vmem>>
    %dma_start3A_24 = tpu.memref_slice %arg3[%add3A] : memref<65536xi32, #tpu.memory_space<hbm>> -> memref<512xi32, #tpu.memory_space<hbm>>
    tpu.enqueue_dma source(%dma_start3A_24 : memref<512xi32, #tpu.memory_space<hbm>>) target(%dma_start3A_23 : memref<512xi32, #tpu.memory_space<vmem>>) target_semaphore(%arg13 : memref<!tpu.dma_semaphore, #tpu.memory_space<semaphore_mem>>)
    %dma_start3A_25 = arith.constant 0 : i32
    %dma_start3A_26 = arith.constant 0 : i32
    %dma_start3A_27 = tpu.memref_slice %arg9[%dma_start3A_25, %dma_start3A_26] : memref<2x512xf32, #tpu.memory_space<vmem>> -> memref<1x512xf32, #tpu.memory_space<vmem>>
    %dma_start3A_28 = tpu.memref_squeeze %dma_start3A_27 : memref<1x512xf32, #tpu.memory_space<vmem>> -> memref<512xf32, #tpu.memory_space<vmem>>
    %dma_start3A_29 = tpu.memref_slice %arg5[%add3A] : memref<65536xf32, #tpu.memory_space<hbm>> -> memref<512xf32, #tpu.memory_space<hbm>>
    %dma_start3A_30 = arith.constant 0 : i32
    %dma_start3A_31 = tpu.memref_slice %arg9[%dma_start3A_25, %dma_start3A_30] : memref<2x512xf32, #tpu.memory_space<vmem>> -> memref<1x512xf32, #tpu.memory_space<vmem>>
    %dma_start3A_32 = tpu.memref_squeeze %dma_start3A_31 : memref<1x512xf32, #tpu.memory_space<vmem>> -> memref<512xf32, #tpu.memory_space<vmem>>
    %dma_start3A_33 = tpu.memref_slice %arg5[%add3A] : memref<65536xf32, #tpu.memory_space<hbm>> -> memref<512xf32, #tpu.memory_space<hbm>>
    tpu.enqueue_dma source(%dma_start3A_33 : memref<512xf32, #tpu.memory_space<hbm>>) target(%dma_start3A_32 : memref<512xf32, #tpu.memory_space<vmem>>) target_semaphore(%arg13 : memref<!tpu.dma_semaphore, #tpu.memory_space<semaphore_mem>>)
    %rem3A_34 = arith.constant 0 : i32
    %rem3A_35 = arith.constant 64 : i32
    %rem3A_36 = arith.remsi %rem3A_34, %rem3A_35 : i32
    %mul3A_37 = arith.constant 512 : i32
    %mul3A_38 = arith.muli %rem3A_36, %mul3A_37 : i32
    %add3A_39 = arith.addi %mul3A_0, %mul3A_38 : i32
    %dma_wait3A = arith.constant 0 : i32
    %dma_wait3A_40 = arith.constant 0 : i32
    %dma_wait3A_41 = tpu.memref_slice %arg7[%dma_wait3A, %dma_wait3A_40] : memref<2x512xi32, #tpu.memory_space<vmem>> -> memref<1x512xi32, #tpu.memory_space<vmem>>
    %dma_wait3A_42 = tpu.memref_squeeze %dma_wait3A_41 : memref<1x512xi32, #tpu.memory_space<vmem>> -> memref<512xi32, #tpu.memory_space<vmem>>
    %dma_wait3A_43 = tpu.memref_slice %arg4[%add3A_39] : memref<65536xi32, #tpu.memory_space<hbm>> -> memref<512xi32, #tpu.memory_space<hbm>>
    %dma_wait3A_44 = arith.constant 0 : i32
    %dma_wait3A_45 = tpu.memref_slice %arg7[%dma_wait3A, %dma_wait3A_44] : memref<2x512xi32, #tpu.memory_space<vmem>> -> memref<1x512xi32, #tpu.memory_space<vmem>>
    %dma_wait3A_46 = tpu.memref_squeeze %dma_wait3A_45 : memref<1x512xi32, #tpu.memory_space<vmem>> -> memref<512xi32, #tpu.memory_space<vmem>>
    %dma_wait3A_47 = tpu.memref_slice %arg4[%add3A_39] : memref<65536xi32, #tpu.memory_space<hbm>> -> memref<512xi32, #tpu.memory_space<hbm>>
    tpu.wait_dma2 semaphore(%arg13 : memref<!tpu.dma_semaphore, #tpu.memory_space<semaphore_mem>>) src(%dma_wait3A_47 : memref<512xi32, #tpu.memory_space<hbm>>) dst(%dma_wait3A_46 : memref<512xi32, #tpu.memory_space<vmem>>)
    %dma_wait3A_48 = arith.constant 0 : i32
    %dma_wait3A_49 = arith.constant 0 : i32
    %dma_wait3A_50 = tpu.memref_slice %arg8[%dma_wait3A_48, %dma_wait3A_49] : memref<2x512xi32, #tpu.memory_space<vmem>> -> memref<1x512xi32, #tpu.memory_space<vmem>>
    %dma_wait3A_51 = tpu.memref_squeeze %dma_wait3A_50 : memref<1x512xi32, #tpu.memory_space<vmem>> -> memref<512xi32, #tpu.memory_space<vmem>>
    %dma_wait3A_52 = tpu.memref_slice %arg3[%add3A_39] : memref<65536xi32, #tpu.memory_space<hbm>> -> memref<512xi32, #tpu.memory_space<hbm>>
    %dma_wait3A_53 = arith.constant 0 : i32
    %dma_wait3A_54 = tpu.memref_slice %arg8[%dma_wait3A_48, %dma_wait3A_53] : memref<2x512xi32, #tpu.memory_space<vmem>> -> memref<1x512xi32, #tpu.memory_space<vmem>>
    %dma_wait3A_55 = tpu.memref_squeeze %dma_wait3A_54 : memref<1x512xi32, #tpu.memory_space<vmem>> -> memref<512xi32, #tpu.memory_space<vmem>>
    %dma_wait3A_56 = tpu.memref_slice %arg3[%add3A_39] : memref<65536xi32, #tpu.memory_space<hbm>> -> memref<512xi32, #tpu.memory_space<hbm>>
    tpu.wait_dma2 semaphore(%arg13 : memref<!tpu.dma_semaphore, #tpu.memory_space<semaphore_mem>>) src(%dma_wait3A_56 : memref<512xi32, #tpu.memory_space<hbm>>) dst(%dma_wait3A_55 : memref<512xi32, #tpu.memory_space<vmem>>)
    %dma_wait3A_57 = arith.constant 0 : i32
    %dma_wait3A_58 = arith.constant 0 : i32
    %dma_wait3A_59 = tpu.memref_slice %arg9[%dma_wait3A_57, %dma_wait3A_58] : memref<2x512xf32, #tpu.memory_space<vmem>> -> memref<1x512xf32, #tpu.memory_space<vmem>>
    %dma_wait3A_60 = tpu.memref_squeeze %dma_wait3A_59 : memref<1x512xf32, #tpu.memory_space<vmem>> -> memref<512xf32, #tpu.memory_space<vmem>>
    %dma_wait3A_61 = tpu.memref_slice %arg5[%add3A_39] : memref<65536xf32, #tpu.memory_space<hbm>> -> memref<512xf32, #tpu.memory_space<hbm>>
    %dma_wait3A_62 = arith.constant 0 : i32
    %dma_wait3A_63 = tpu.memref_slice %arg9[%dma_wait3A_57, %dma_wait3A_62] : memref<2x512xf32, #tpu.memory_space<vmem>> -> memref<1x512xf32, #tpu.memory_space<vmem>>
    %dma_wait3A_64 = tpu.memref_squeeze %dma_wait3A_63 : memref<1x512xf32, #tpu.memory_space<vmem>> -> memref<512xf32, #tpu.memory_space<vmem>>
    %dma_wait3A_65 = tpu.memref_slice %arg5[%add3A_39] : memref<65536xf32, #tpu.memory_space<hbm>> -> memref<512xf32, #tpu.memory_space<hbm>>
    tpu.wait_dma2 semaphore(%arg13 : memref<!tpu.dma_semaphore, #tpu.memory_space<semaphore_mem>>) src(%dma_wait3A_65 : memref<512xf32, #tpu.memory_space<hbm>>) dst(%dma_wait3A_64 : memref<512xf32, #tpu.memory_space<vmem>>)
    %parallel_loop3A_66 = arith.constant 0 : i32
    %parallel_loop3A_67 = arith.constant 128 : i32
    %parallel_loop3A_68 = arith.constant 16 : i32
    scf.for %parallel_loop3A_219 = %parallel_loop3A_66 to %parallel_loop3A_67 step %parallel_loop3A_68  : i32 {
      %parallel_loop3A_220 = arith.constant 0 : i32
      %parallel_loop3A_221 = arith.addi %parallel_loop3A_220, %parallel_loop3A_219 : i32
      %parallel_loop3A_222 = arith.constant 0 : i32
      %parallel_loop3A_223 = arith.index_cast %parallel_loop3A_222 : i32 to index
      %parallel_loop3A_224 = arith.index_cast %parallel_loop3A_221 : i32 to index
      %parallel_loop3A_225 = tpu.vector_load %arg7[%parallel_loop3A_223, %parallel_loop3A_224] {strides = array<i32>} : memref<2x512xi32, #tpu.memory_space<vmem>>, vector<16xi32>,
      %parallel_loop3A_226 = arith.constant 4 : i32
      %parallel_loop3A_227 = vector.broadcast %parallel_loop3A_226 : i32 to vector<16xi32>
      %parallel_loop3A_228 = arith.shli %parallel_loop3A_225, %parallel_loop3A_227 : vector<16xi32>
      %parallel_loop3A_229 = vector.broadcast %arg1 : i32 to vector<16xi32>
      %parallel_loop3A_230 = arith.addi %parallel_loop3A_228, %parallel_loop3A_229 : vector<16xi32>
      %parallel_loop3A_231 = arith.constant 0 : i32
      %parallel_loop3A_232 = arith.index_cast %parallel_loop3A_231 : i32 to index
      %parallel_loop3A_233 = arith.index_cast %parallel_loop3A_219 : i32 to index
      %parallel_loop3A_234 = tpu.vector_load %arg10[%parallel_loop3A_232, %parallel_loop3A_233] {strides = array<i32>} : memref<4x128xi32, #tpu.memory_space<vmem>>, vector<16xi32>,
      tpu.vector_store %arg10[%parallel_loop3A_232, %parallel_loop3A_233], %parallel_loop3A_230 {strides = array<i32>} : memref<4x128xi32, #tpu.memory_space<vmem>>, vector<16xi32>,
    } {sc.loop_unroll_factor = 2 : i64, sc.parallel_access}
    %dma_start3A_69 = arith.constant 0 : i32
    %dma_start3A_70 = arith.constant 0 : i32
    %dma_start3A_71 = arith.constant 0 : i32
    %dma_start3A_72 = arith.constant 0 : i32
    %dma_start3A_73 = tpu.memref_slice %arg11[%dma_start3A_70, %dma_start3A_71, %dma_start3A_72] : memref<4x128x16xf32, #tpu.memory_space<vmem>> -> memref<1x128x16xf32, #tpu.memory_space<vmem>>
    %dma_start3A_74 = tpu.memref_squeeze %dma_start3A_73 : memref<1x128x16xf32, #tpu.memory_space<vmem>> -> memref<128x16xf32, #tpu.memory_space<vmem>>
    %dma_start3A_75 = arith.constant 0 : i32
    %dma_start3A_76 = tpu.memref_slice %arg10[%dma_start3A_69, %dma_start3A_75] : memref<4x128xi32, #tpu.memory_space<vmem>> -> memref<1x128xi32, #tpu.memory_space<vmem>>
    %dma_start3A_77 = tpu.memref_squeeze %dma_start3A_76 : memref<1x128xi32, #tpu.memory_space<vmem>> -> memref<128xi32, #tpu.memory_space<vmem>>
    %dma_start3A_78 = arith.constant 0 : i32
    %dma_start3A_79 = arith.constant 0 : i32
    %dma_start3A_80 = tpu.memref_slice %arg2[%dma_start3A_78, %dma_start3A_79] : memref<65536x16xf32, #tpu.memory_space<hbm>> -> memref<65536x16xf32, #tpu.memory_space<hbm>>
    tpu.enqueue_indirect_dma source(%dma_start3A_80 : memref<65536x16xf32, #tpu.memory_space<hbm>>) target(%dma_start3A_74 : memref<128x16xf32, #tpu.memory_space<vmem>>) offsets(%dma_start3A_77 : memref<128xi32, #tpu.memory_space<vmem>>) semaphore(%arg15 : memref<!tpu.dma_semaphore, #tpu.memory_space<semaphore_mem>>)
    %parallel_loop3A_81 = arith.constant 0 : i32
    %parallel_loop3A_82 = arith.constant 128 : i32
    %parallel_loop3A_83 = arith.constant 16 : i32
    scf.for %parallel_loop3A_219 = %parallel_loop3A_81 to %parallel_loop3A_82 step %parallel_loop3A_83  : i32 {
      %parallel_loop3A_220 = arith.constant 128 : i32
      %parallel_loop3A_221 = arith.addi %parallel_loop3A_220, %parallel_loop3A_219 : i32
      %parallel_loop3A_222 = arith.constant 0 : i32
      %parallel_loop3A_223 = arith.index_cast %parallel_loop3A_222 : i32 to index
      %parallel_loop3A_224 = arith.index_cast %parallel_loop3A_221 : i32 to index
      %parallel_loop3A_225 = tpu.vector_load %arg7[%parallel_loop3A_223, %parallel_loop3A_224] {strides = array<i32>} : memref<2x512xi32, #tpu.memory_space<vmem>>, vector<16xi32>,
      %parallel_loop3A_226 = arith.constant 4 : i32
      %parallel_loop3A_227 = vector.broadcast %parallel_loop3A_226 : i32 to vector<16xi32>
      %parallel_loop3A_228 = arith.shli %parallel_loop3A_225, %parallel_loop3A_227 : vector<16xi32>
      %parallel_loop3A_229 = vector.broadcast %arg1 : i32 to vector<16xi32>
      %parallel_loop3A_230 = arith.addi %parallel_loop3A_228, %parallel_loop3A_229 : vector<16xi32>
      %parallel_loop3A_231 = arith.constant 1 : i32
      %parallel_loop3A_232 = arith.index_cast %parallel_loop3A_231 : i32 to index
      %parallel_loop3A_233 = arith.index_cast %parallel_loop3A_219 : i32 to index
      %parallel_loop3A_234 = tpu.vector_load %arg10[%parallel_loop3A_232, %parallel_loop3A_233] {strides = array<i32>} : memref<4x128xi32, #tpu.memory_space<vmem>>, vector<16xi32>,
      tpu.vector_store %arg10[%parallel_loop3A_232, %parallel_loop3A_233], %parallel_loop3A_230 {strides = array<i32>} : memref<4x128xi32, #tpu.memory_space<vmem>>, vector<16xi32>,
    } {sc.loop_unroll_factor = 2 : i64, sc.parallel_access}
    %dma_start3A_84 = arith.constant 1 : i32
    %dma_start3A_85 = arith.constant 1 : i32
    %dma_start3A_86 = arith.constant 0 : i32
    %dma_start3A_87 = arith.constant 0 : i32
    %dma_start3A_88 = tpu.memref_slice %arg11[%dma_start3A_85, %dma_start3A_86, %dma_start3A_87] : memref<4x128x16xf32, #tpu.memory_space<vmem>> -> memref<1x128x16xf32, #tpu.memory_space<vmem>>
    %dma_start3A_89 = tpu.memref_squeeze %dma_start3A_88 : memref<1x128x16xf32, #tpu.memory_space<vmem>> -> memref<128x16xf32, #tpu.memory_space<vmem>>
    %dma_start3A_90 = arith.constant 0 : i32
    %dma_start3A_91 = tpu.memref_slice %arg10[%dma_start3A_84, %dma_start3A_90] : memref<4x128xi32, #tpu.memory_space<vmem>> -> memref<1x128xi32, #tpu.memory_space<vmem>>
    %dma_start3A_92 = tpu.memref_squeeze %dma_start3A_91 : memref<1x128xi32, #tpu.memory_space<vmem>> -> memref<128xi32, #tpu.memory_space<vmem>>
    %dma_start3A_93 = arith.constant 0 : i32
    %dma_start3A_94 = arith.constant 0 : i32
    %dma_start3A_95 = tpu.memref_slice %arg2[%dma_start3A_93, %dma_start3A_94] : memref<65536x16xf32, #tpu.memory_space<hbm>> -> memref<65536x16xf32, #tpu.memory_space<hbm>>
    tpu.enqueue_indirect_dma source(%dma_start3A_95 : memref<65536x16xf32, #tpu.memory_space<hbm>>) target(%dma_start3A_89 : memref<128x16xf32, #tpu.memory_space<vmem>>) offsets(%dma_start3A_92 : memref<128xi32, #tpu.memory_space<vmem>>) semaphore(%arg16 : memref<!tpu.dma_semaphore, #tpu.memory_space<semaphore_mem>>)
    %parallel_loop3A_96 = arith.constant 0 : i32
    %parallel_loop3A_97 = arith.constant 128 : i32
    %parallel_loop3A_98 = arith.constant 16 : i32
    scf.for %parallel_loop3A_219 = %parallel_loop3A_96 to %parallel_loop3A_97 step %parallel_loop3A_98  : i32 {
      %parallel_loop3A_220 = arith.constant 256 : i32
      %parallel_loop3A_221 = arith.addi %parallel_loop3A_220, %parallel_loop3A_219 : i32
      %parallel_loop3A_222 = arith.constant 0 : i32
      %parallel_loop3A_223 = arith.index_cast %parallel_loop3A_222 : i32 to index
      %parallel_loop3A_224 = arith.index_cast %parallel_loop3A_221 : i32 to index
      %parallel_loop3A_225 = tpu.vector_load %arg7[%parallel_loop3A_223, %parallel_loop3A_224] {strides = array<i32>} : memref<2x512xi32, #tpu.memory_space<vmem>>, vector<16xi32>,
      %parallel_loop3A_226 = arith.constant 4 : i32
      %parallel_loop3A_227 = vector.broadcast %parallel_loop3A_226 : i32 to vector<16xi32>
      %parallel_loop3A_228 = arith.shli %parallel_loop3A_225, %parallel_loop3A_227 : vector<16xi32>
      %parallel_loop3A_229 = vector.broadcast %arg1 : i32 to vector<16xi32>
      %parallel_loop3A_230 = arith.addi %parallel_loop3A_228, %parallel_loop3A_229 : vector<16xi32>
      %parallel_loop3A_231 = arith.constant 2 : i32
      %parallel_loop3A_232 = arith.index_cast %parallel_loop3A_231 : i32 to index
      %parallel_loop3A_233 = arith.index_cast %parallel_loop3A_219 : i32 to index
      %parallel_loop3A_234 = tpu.vector_load %arg10[%parallel_loop3A_232, %parallel_loop3A_233] {strides = array<i32>} : memref<4x128xi32, #tpu.memory_space<vmem>>, vector<16xi32>,
      tpu.vector_store %arg10[%parallel_loop3A_232, %parallel_loop3A_233], %parallel_loop3A_230 {strides = array<i32>} : memref<4x128xi32, #tpu.memory_space<vmem>>, vector<16xi32>,
    } {sc.loop_unroll_factor = 2 : i64, sc.parallel_access}
    %dma_start3A_99 = arith.constant 2 : i32
    %dma_start3A_100 = arith.constant 2 : i32
    %dma_start3A_101 = arith.constant 0 : i32
    %dma_start3A_102 = arith.constant 0 : i32
    %dma_start3A_103 = tpu.memref_slice %arg11[%dma_start3A_100, %dma_start3A_101, %dma_start3A_102] : memref<4x128x16xf32, #tpu.memory_space<vmem>> -> memref<1x128x16xf32, #tpu.memory_space<vmem>>
    %dma_start3A_104 = tpu.memref_squeeze %dma_start3A_103 : memref<1x128x16xf32, #tpu.memory_space<vmem>> -> memref<128x16xf32, #tpu.memory_space<vmem>>
    %dma_start3A_105 = arith.constant 0 : i32
    %dma_start3A_106 = tpu.memref_slice %arg10[%dma_start3A_99, %dma_start3A_105] : memref<4x128xi32, #tpu.memory_space<vmem>> -> memref<1x128xi32, #tpu.memory_space<vmem>>
    %dma_start3A_107 = tpu.memref_squeeze %dma_start3A_106 : memref<1x128xi32, #tpu.memory_space<vmem>> -> memref<128xi32, #tpu.memory_space<vmem>>
    %dma_start3A_108 = arith.constant 0 : i32
    %dma_start3A_109 = arith.constant 0 : i32
    %dma_start3A_110 = tpu.memref_slice %arg2[%dma_start3A_108, %dma_start3A_109] : memref<65536x16xf32, #tpu.memory_space<hbm>> -> memref<65536x16xf32, #tpu.memory_space<hbm>>
    tpu.enqueue_indirect_dma source(%dma_start3A_110 : memref<65536x16xf32, #tpu.memory_space<hbm>>) target(%dma_start3A_104 : memref<128x16xf32, #tpu.memory_space<vmem>>) offsets(%dma_start3A_107 : memref<128xi32, #tpu.memory_space<vmem>>) semaphore(%arg17 : memref<!tpu.dma_semaphore, #tpu.memory_space<semaphore_mem>>)
    %rem3A_111 = arith.constant 1 : i32
    %rem3A_112 = arith.constant 64 : i32
    %rem3A_113 = arith.remsi %rem3A_111, %rem3A_112 : i32
    %mul3A_114 = arith.constant 512 : i32
    %mul3A_115 = arith.muli %rem3A_113, %mul3A_114 : i32
    %add3A_116 = arith.addi %mul3A_0, %mul3A_115 : i32
    %dma_start3A_117 = arith.constant 1 : i32
    %dma_start3A_118 = arith.constant 0 : i32
    %dma_start3A_119 = tpu.memref_slice %arg7[%dma_start3A_117, %dma_start3A_118] : memref<2x512xi32, #tpu.memory_space<vmem>> -> memref<1x512xi32, #tpu.memory_space<vmem>>
    %dma_start3A_120 = tpu.memref_squeeze %dma_start3A_119 : memref<1x512xi32, #tpu.memory_space<vmem>> -> memref<512xi32, #tpu.memory_space<vmem>>
    %dma_start3A_121 = tpu.memref_slice %arg4[%add3A_116] : memref<65536xi32, #tpu.memory_space<hbm>> -> memref<512xi32, #tpu.memory_space<hbm>>
    %dma_start3A_122 = arith.constant 0 : i32
    %dma_start3A_123 = tpu.memref_slice %arg7[%dma_start3A_117, %dma_start3A_122] : memref<2x512xi32, #tpu.memory_space<vmem>> -> memref<1x512xi32, #tpu.memory_space<vmem>>
    %dma_start3A_124 = tpu.memref_squeeze %dma_start3A_123 : memref<1x512xi32, #tpu.memory_space<vmem>> -> memref<512xi32, #tpu.memory_space<vmem>>
    %dma_start3A_125 = tpu.memref_slice %arg4[%add3A_116] : memref<65536xi32, #tpu.memory_space<hbm>> -> memref<512xi32, #tpu.memory_space<hbm>>
    tpu.enqueue_dma source(%dma_start3A_125 : memref<512xi32, #tpu.memory_space<hbm>>) target(%dma_start3A_124 : memref<512xi32, #tpu.memory_space<vmem>>) target_semaphore(%arg14 : memref<!tpu.dma_semaphore, #tpu.memory_space<semaphore_mem>>)
    %dma_start3A_126 = arith.constant 1 : i32
    %dma_start3A_127 = arith.constant 0 : i32
    %dma_start3A_128 = tpu.memref_slice %arg8[%dma_start3A_126, %dma_start3A_127] : memref<2x512xi32, #tpu.memory_space<vmem>> -> memref<1x512xi32, #tpu.memory_space<vmem>>
    %dma_start3A_129 = tpu.memref_squeeze %dma_start3A_128 : memref<1x512xi32, #tpu.memory_space<vmem>> -> memref<512xi32, #tpu.memory_space<vmem>>
    %dma_start3A_130 = tpu.memref_slice %arg3[%add3A_116] : memref<65536xi32, #tpu.memory_space<hbm>> -> memref<512xi32, #tpu.memory_space<hbm>>
    %dma_start3A_131 = arith.constant 0 : i32
    %dma_start3A_132 = tpu.memref_slice %arg8[%dma_start3A_126, %dma_start3A_131] : memref<2x512xi32, #tpu.memory_space<vmem>> -> memref<1x512xi32, #tpu.memory_space<vmem>>
    %dma_start3A_133 = tpu.memref_squeeze %dma_start3A_132 : memref<1x512xi32, #tpu.memory_space<vmem>> -> memref<512xi32, #tpu.memory_space<vmem>>
    %dma_start3A_134 = tpu.memref_slice %arg3[%add3A_116] : memref<65536xi32, #tpu.memory_space<hbm>> -> memref<512xi32, #tpu.memory_space<hbm>>
    tpu.enqueue_dma source(%dma_start3A_134 : memref<512xi32, #tpu.memory_space<hbm>>) target(%dma_start3A_133 : memref<512xi32, #tpu.memory_space<vmem>>) target_semaphore(%arg14 : memref<!tpu.dma_semaphore, #tpu.memory_space<semaphore_mem>>)
    %dma_start3A_135 = arith.constant 1 : i32
    %dma_start3A_136 = arith.constant 0 : i32
    %dma_start3A_137 = tpu.memref_slice %arg9[%dma_start3A_135, %dma_start3A_136] : memref<2x512xf32, #tpu.memory_space<vmem>> -> memref<1x512xf32, #tpu.memory_space<vmem>>
    %dma_start3A_138 = tpu.memref_squeeze %dma_start3A_137 : memref<1x512xf32, #tpu.memory_space<vmem>> -> memref<512xf32, #tpu.memory_space<vmem>>
    %dma_start3A_139 = tpu.memref_slice %arg5[%add3A_116] : memref<65536xf32, #tpu.memory_space<hbm>> -> memref<512xf32, #tpu.memory_space<hbm>>
    %dma_start3A_140 = arith.constant 0 : i32
    %dma_start3A_141 = tpu.memref_slice %arg9[%dma_start3A_135, %dma_start3A_140] : memref<2x512xf32, #tpu.memory_space<vmem>> -> memref<1x512xf32, #tpu.memory_space<vmem>>
    %dma_start3A_142 = tpu.memref_squeeze %dma_start3A_141 : memref<1x512xf32, #tpu.memory_space<vmem>> -> memref<512xf32, #tpu.memory_space<vmem>>
    %dma_start3A_143 = tpu.memref_slice %arg5[%add3A_116] : memref<65536xf32, #tpu.memory_space<hbm>> -> memref<512xf32, #tpu.memory_space<hbm>>
    tpu.enqueue_dma source(%dma_start3A_143 : memref<512xf32, #tpu.memory_space<hbm>>) target(%dma_start3A_142 : memref<512xf32, #tpu.memory_space<vmem>>) target_semaphore(%arg14 : memref<!tpu.dma_semaphore, #tpu.memory_space<semaphore_mem>>)
    %scan3A = arith.constant 0 : i32
    %scan3A_144 = arith.constant 0 : i32
    %scan3A_145 = arith.constant 32 : i32
    %scan3A_146 = arith.addi %scan3A_144, %scan3A_145 : i32
    %scan3A_147 = arith.constant 1 : i32
    %scan3A_148 = scf.for %scan3A_219 = %scan3A_144 to %scan3A_146 step %scan3A_147 iter_args(%scan3A_220 = %scan3A) -> (i32)  : i32 {
      %mul3A_221 = arith.constant 2 : i32
      %mul3A_222 = arith.muli %mul3A_221, %scan3A_219 : i32
      %add3A_223 = arith.constant 0 : i32
      %add3A_224 = arith.addi %mul3A_222, %add3A_223 : i32
      %parallel_loop3A_225 = arith.constant 0 : i32
      %parallel_loop3A_226 = arith.constant 128 : i32
      %parallel_loop3A_227 = arith.constant 16 : i32
      scf.for %parallel_loop3A_606 = %parallel_loop3A_225 to %parallel_loop3A_226 step %parallel_loop3A_227  : i32 {
        %parallel_loop3A_607 = arith.constant 384 : i32
        %parallel_loop3A_608 = arith.addi %parallel_loop3A_607, %parallel_loop3A_606 : i32
        %parallel_loop3A_609 = arith.constant 0 : i32
        %parallel_loop3A_610 = arith.index_cast %parallel_loop3A_609 : i32 to index
        %parallel_loop3A_611 = arith.index_cast %parallel_loop3A_608 : i32 to index
        %parallel_loop3A_612 = tpu.vector_load %arg7[%parallel_loop3A_610, %parallel_loop3A_611] {strides = array<i32>} : memref<2x512xi32, #tpu.memory_space<vmem>>, vector<16xi32>,
        %parallel_loop3A_613 = arith.constant 4 : i32
        %parallel_loop3A_614 = vector.broadcast %parallel_loop3A_613 : i32 to vector<16xi32>
        %parallel_loop3A_615 = arith.shli %parallel_loop3A_612, %parallel_loop3A_614 : vector<16xi32>
        %parallel_loop3A_616 = vector.broadcast %arg1 : i32 to vector<16xi32>
        %parallel_loop3A_617 = arith.addi %parallel_loop3A_615, %parallel_loop3A_616 : vector<16xi32>
        %parallel_loop3A_618 = arith.constant 3 : i32
        %parallel_loop3A_619 = arith.index_cast %parallel_loop3A_618 : i32 to index
        %parallel_loop3A_620 = arith.index_cast %parallel_loop3A_606 : i32 to index
        %parallel_loop3A_621 = tpu.vector_load %arg10[%parallel_loop3A_619, %parallel_loop3A_620] {strides = array<i32>} : memref<4x128xi32, #tpu.memory_space<vmem>>, vector<16xi32>,
        tpu.vector_store %arg10[%parallel_loop3A_619, %parallel_loop3A_620], %parallel_loop3A_617 {strides = array<i32>} : memref<4x128xi32, #tpu.memory_space<vmem>>, vector<16xi32>,
      } {sc.loop_unroll_factor = 2 : i64, sc.parallel_access}
      %dma_start3A_228 = arith.constant 3 : i32
      %dma_start3A_229 = arith.constant 3 : i32
      %dma_start3A_230 = arith.constant 0 : i32
      %dma_start3A_231 = arith.constant 0 : i32
      %dma_start3A_232 = tpu.memref_slice %arg11[%dma_start3A_229, %dma_start3A_230, %dma_start3A_231] : memref<4x128x16xf32, #tpu.memory_space<vmem>> -> memref<1x128x16xf32, #tpu.memory_space<vmem>>
      %dma_start3A_233 = tpu.memref_squeeze %dma_start3A_232 : memref<1x128x16xf32, #tpu.memory_space<vmem>> -> memref<128x16xf32, #tpu.memory_space<vmem>>
      %dma_start3A_234 = arith.constant 0 : i32
      %dma_start3A_235 = tpu.memref_slice %arg10[%dma_start3A_228, %dma_start3A_234] : memref<4x128xi32, #tpu.memory_space<vmem>> -> memref<1x128xi32, #tpu.memory_space<vmem>>
      %dma_start3A_236 = tpu.memref_squeeze %dma_start3A_235 : memref<1x128xi32, #tpu.memory_space<vmem>> -> memref<128xi32, #tpu.memory_space<vmem>>
      %dma_start3A_237 = arith.constant 0 : i32
      %dma_start3A_238 = arith.constant 0 : i32
      %dma_start3A_239 = tpu.memref_slice %arg2[%dma_start3A_237, %dma_start3A_238] : memref<65536x16xf32, #tpu.memory_space<hbm>> -> memref<65536x16xf32, #tpu.memory_space<hbm>>
      tpu.enqueue_indirect_dma source(%dma_start3A_239 : memref<65536x16xf32, #tpu.memory_space<hbm>>) target(%dma_start3A_233 : memref<128x16xf32, #tpu.memory_space<vmem>>) offsets(%dma_start3A_236 : memref<128xi32, #tpu.memory_space<vmem>>) semaphore(%arg18 : memref<!tpu.dma_semaphore, #tpu.memory_space<semaphore_mem>>)
      %dma_wait3A_240 = arith.constant 0 : i32
      %dma_wait3A_241 = arith.constant 0 : i32
      %dma_wait3A_242 = arith.constant 0 : i32
      %dma_wait3A_243 = arith.constant 0 : i32
      %dma_wait3A_244 = tpu.memref_slice %arg11[%dma_wait3A_241, %dma_wait3A_242, %dma_wait3A_243] : memref<4x128x16xf32, #tpu.memory_space<vmem>> -> memref<1x128x16xf32, #tpu.memory_space<vmem>>
      %dma_wait3A_245 = tpu.memref_squeeze %dma_wait3A_244 : memref<1x128x16xf32, #tpu.memory_space<vmem>> -> memref<128x16xf32, #tpu.memory_space<vmem>>
      %dma_wait3A_246 = arith.constant 0 : i32
      %dma_wait3A_247 = tpu.memref_slice %arg10[%dma_wait3A_240, %dma_wait3A_246] : memref<4x128xi32, #tpu.memory_space<vmem>> -> memref<1x128xi32, #tpu.memory_space<vmem>>
      %dma_wait3A_248 = tpu.memref_squeeze %dma_wait3A_247 : memref<1x128xi32, #tpu.memory_space<vmem>> -> memref<128xi32, #tpu.memory_space<vmem>>
      %dma_wait3A_249 = arith.constant 0 : i32
      %dma_wait3A_250 = arith.constant 0 : i32
      %dma_wait3A_251 = tpu.memref_slice %arg2[%dma_wait3A_249, %dma_wait3A_250] : memref<65536x16xf32, #tpu.memory_space<hbm>> -> memref<65536x16xf32, #tpu.memory_space<hbm>>
      tpu.wait_indirect_dma semaphore(%arg15 : memref<!tpu.dma_semaphore, #tpu.memory_space<semaphore_mem>>) src(%dma_wait3A_251 : memref<65536x16xf32, #tpu.memory_space<hbm>>) dst(%dma_wait3A_245 : memref<128x16xf32, #tpu.memory_space<vmem>>)
      %parallel_loop3A_252 = arith.constant 0 : i32
      %parallel_loop3A_253 = arith.constant 8 : i32
      %parallel_loop3A_254 = arith.constant 1 : i32
      scf.for %parallel_loop3A_606 = %parallel_loop3A_252 to %parallel_loop3A_253 step %parallel_loop3A_254  : i32 {
        %parallel_loop3A_607 = arith.constant 16 : i32
        %parallel_loop3A_608 = arith.muli %parallel_loop3A_606, %parallel_loop3A_607 : i32
        %parallel_loop3A_609 = arith.constant 0 : i32
        %parallel_loop3A_610 = arith.addi %parallel_loop3A_609, %parallel_loop3A_608 : i32
        %parallel_loop3A_611 = arith.constant 0 : i32
        %parallel_loop3A_612 = arith.index_cast %parallel_loop3A_611 : i32 to index
        %parallel_loop3A_613 = arith.index_cast %parallel_loop3A_610 : i32 to index
        %parallel_loop3A_614 = tpu.vector_load %arg9[%parallel_loop3A_612, %parallel_loop3A_613] {strides = array<i32>} : memref<2x512xf32, #tpu.memory_space<vmem>>, vector<16xf32>,
        %parallel_loop3A_615 = arith.constant 0 : i32
        %parallel_loop3A_616 = arith.index_cast %parallel_loop3A_615 : i32 to index
        %parallel_loop3A_617 = arith.index_cast %parallel_loop3A_610 : i32 to index
        %parallel_loop3A_618 = tpu.vector_load %arg8[%parallel_loop3A_616, %parallel_loop3A_617] {strides = array<i32>} : memref<2x512xi32, #tpu.memory_space<vmem>>, vector<16xi32>,
        %parallel_loop3A_619 = arith.constant 4 : i32
        %parallel_loop3A_620 = vector.broadcast %parallel_loop3A_619 : i32 to vector<16xi32>
        %parallel_loop3A_621 = arith.shli %parallel_loop3A_618, %parallel_loop3A_620 : vector<16xi32>
        %parallel_loop3A_622 = arith.constant 16 : i32
        %parallel_loop3A_623 = arith.muli %parallel_loop3A_606, %parallel_loop3A_622 : i32
        %parallel_loop3A_624 = arith.constant 0 : i32
        %parallel_loop3A_625 = vector.broadcast %parallel_loop3A_624 : i32 to vector<16xi32>
        %parallel_loop3A_626 = vector.shape_cast %parallel_loop3A_625 : vector<16xi32> to vector<16x1xi32>
        %parallel_loop3A_627 = vector.shape_cast %parallel_loop3A_626 : vector<16x1xi32> to vector<16xi32>
        %parallel_loop3A_628 = tpu.dynamic_gather %parallel_loop3A_614[%parallel_loop3A_627] in [0] : vector<16xf32>, vector<16xi32> -> vector<16xf32>
        %parallel_loop3A_629 = vector.shape_cast %parallel_loop3A_625 : vector<16xi32> to vector<16x1xi32>
        %parallel_loop3A_630 = vector.shape_cast %parallel_loop3A_629 : vector<16x1xi32> to vector<16xi32>
        %parallel_loop3A_631 = tpu.dynamic_gather %parallel_loop3A_621[%parallel_loop3A_630] in [0] : vector<16xi32>, vector<16xi32> -> vector<16xi32>
        %parallel_loop3A_632 = arith.ori %parallel_loop3A_631, %iota3A : vector<16xi32>
        %parallel_loop3A_633 = arith.constant 0 : i32
        %parallel_loop3A_634 = arith.addi %parallel_loop3A_623, %parallel_loop3A_633 : i32
        %parallel_loop3A_635 = arith.constant 0 : i32
        %parallel_loop3A_636 = arith.index_cast %parallel_loop3A_635 : i32 to index
        %parallel_loop3A_637 = arith.index_cast %parallel_loop3A_634 : i32 to index
        %parallel_loop3A_638 = arith.constant 0 : index
        %parallel_loop3A_639 = tpu.vector_load %arg11[%parallel_loop3A_636, %parallel_loop3A_637, %parallel_loop3A_638] {strides = array<i32>} : memref<4x128x16xf32, #tpu.memory_space<vmem>>, vector<16xf32>,
        %parallel_loop3A_640 = arith.mulf %parallel_loop3A_639, %parallel_loop3A_628 : vector<16xf32>
        tpu.vector_store_idx %arg12[%parallel_loop3A_632], %parallel_loop3A_640 {add = true} : memref<65536xf32, #tpu.memory_space<vmem>>[vector<16xi32>], vector<16xf32>,
        %parallel_loop3A_641 = arith.constant 1 : i32
        %parallel_loop3A_642 = vector.broadcast %parallel_loop3A_641 : i32 to vector<16xi32>
        %parallel_loop3A_643 = vector.shape_cast %parallel_loop3A_642 : vector<16xi32> to vector<16x1xi32>
        %parallel_loop3A_644 = vector.shape_cast %parallel_loop3A_643 : vector<16x1xi32> to vector<16xi32>
        %parallel_loop3A_645 = tpu.dynamic_gather %parallel_loop3A_614[%parallel_loop3A_644] in [0] : vector<16xf32>, vector<16xi32> -> vector<16xf32>
        %parallel_loop3A_646 = vector.shape_cast %parallel_loop3A_642 : vector<16xi32> to vector<16x1xi32>
        %parallel_loop3A_647 = vector.shape_cast %parallel_loop3A_646 : vector<16x1xi32> to vector<16xi32>
        %parallel_loop3A_648 = tpu.dynamic_gather %parallel_loop3A_621[%parallel_loop3A_647] in [0] : vector<16xi32>, vector<16xi32> -> vector<16xi32>
        %parallel_loop3A_649 = arith.ori %parallel_loop3A_648, %iota3A : vector<16xi32>
        %parallel_loop3A_650 = arith.constant 1 : i32
        %parallel_loop3A_651 = arith.addi %parallel_loop3A_623, %parallel_loop3A_650 : i32
        %parallel_loop3A_652 = arith.constant 0 : i32
        %parallel_loop3A_653 = arith.index_cast %parallel_loop3A_652 : i32 to index
        %parallel_loop3A_654 = arith.index_cast %parallel_loop3A_651 : i32 to index
        %parallel_loop3A_655 = arith.constant 0 : index
        %parallel_loop3A_656 = tpu.vector_load %arg11[%parallel_loop3A_653, %parallel_loop3A_654, %parallel_loop3A_655] {strides = array<i32>} : memref<4x128x16xf32, #tpu.memory_space<vmem>>, vector<16xf32>,
        %parallel_loop3A_657 = arith.mulf %parallel_loop3A_656, %parallel_loop3A_645 : vector<16xf32>
        tpu.vector_store_idx %arg12[%parallel_loop3A_649], %parallel_loop3A_657 {add = true} : memref<65536xf32, #tpu.memory_space<vmem>>[vector<16xi32>], vector<16xf32>,
        %parallel_loop3A_658 = arith.constant 2 : i32
        %parallel_loop3A_659 = vector.broadcast %parallel_loop3A_658 : i32 to vector<16xi32>
        %parallel_loop3A_660 = vector.shape_cast %parallel_loop3A_659 : vector<16xi32> to vector<16x1xi32>
        %parallel_loop3A_661 = vector.shape_cast %parallel_loop3A_660 : vector<16x1xi32> to vector<16xi32>
        %parallel_loop3A_662 = tpu.dynamic_gather %parallel_loop3A_614[%parallel_loop3A_661] in [0] : vector<16xf32>, vector<16xi32> -> vector<16xf32>
        %parallel_loop3A_663 = vector.shape_cast %parallel_loop3A_659 : vector<16xi32> to vector<16x1xi32>
        %parallel_loop3A_664 = vector.shape_cast %parallel_loop3A_663 : vector<16x1xi32> to vector<16xi32>
        %parallel_loop3A_665 = tpu.dynamic_gather %parallel_loop3A_621[%parallel_loop3A_664] in [0] : vector<16xi32>, vector<16xi32> -> vector<16xi32>
        %parallel_loop3A_666 = arith.ori %parallel_loop3A_665, %iota3A : vector<16xi32>
        %parallel_loop3A_667 = arith.constant 2 : i32
        %parallel_loop3A_668 = arith.addi %parallel_loop3A_623, %parallel_loop3A_667 : i32
        %parallel_loop3A_669 = arith.constant 0 : i32
        %parallel_loop3A_670 = arith.index_cast %parallel_loop3A_669 : i32 to index
        %parallel_loop3A_671 = arith.index_cast %parallel_loop3A_668 : i32 to index
        %parallel_loop3A_672 = arith.constant 0 : index
        %parallel_loop3A_673 = tpu.vector_load %arg11[%parallel_loop3A_670, %parallel_loop3A_671, %parallel_loop3A_672] {strides = array<i32>} : memref<4x128x16xf32, #tpu.memory_space<vmem>>, vector<16xf32>,
        %parallel_loop3A_674 = arith.mulf %parallel_loop3A_673, %parallel_loop3A_662 : vector<16xf32>
        tpu.vector_store_idx %arg12[%parallel_loop3A_666], %parallel_loop3A_674 {add = true} : memref<65536xf32, #tpu.memory_space<vmem>>[vector<16xi32>], vector<16xf32>,
        %parallel_loop3A_675 = arith.constant 3 : i32
        %parallel_loop3A_676 = vector.broadcast %parallel_loop3A_675 : i32 to vector<16xi32>
        %parallel_loop3A_677 = vector.shape_cast %parallel_loop3A_676 : vector<16xi32> to vector<16x1xi32>
        %parallel_loop3A_678 = vector.shape_cast %parallel_loop3A_677 : vector<16x1xi32> to vector<16xi32>
        %parallel_loop3A_679 = tpu.dynamic_gather %parallel_loop3A_614[%parallel_loop3A_678] in [0] : vector<16xf32>, vector<16xi32> -> vector<16xf32>
        %parallel_loop3A_680 = vector.shape_cast %parallel_loop3A_676 : vector<16xi32> to vector<16x1xi32>
        %parallel_loop3A_681 = vector.shape_cast %parallel_loop3A_680 : vector<16x1xi32> to vector<16xi32>
        %parallel_loop3A_682 = tpu.dynamic_gather %parallel_loop3A_621[%parallel_loop3A_681] in [0] : vector<16xi32>, vector<16xi32> -> vector<16xi32>
        %parallel_loop3A_683 = arith.ori %parallel_loop3A_682, %iota3A : vector<16xi32>
        %parallel_loop3A_684 = arith.constant 3 : i32
        %parallel_loop3A_685 = arith.addi %parallel_loop3A_623, %parallel_loop3A_684 : i32
        %parallel_loop3A_686 = arith.constant 0 : i32
        %parallel_loop3A_687 = arith.index_cast %parallel_loop3A_686 : i32 to index
        %parallel_loop3A_688 = arith.index_cast %parallel_loop3A_685 : i32 to index
        %parallel_loop3A_689 = arith.constant 0 : index
        %parallel_loop3A_690 = tpu.vector_load %arg11[%parallel_loop3A_687, %parallel_loop3A_688, %parallel_loop3A_689] {strides = array<i32>} : memref<4x128x16xf32, #tpu.memory_space<vmem>>, vector<16xf32>,
        %parallel_loop3A_691 = arith.mulf %parallel_loop3A_690, %parallel_loop3A_679 : vector<16xf32>
        tpu.vector_store_idx %arg12[%parallel_loop3A_683], %parallel_loop3A_691 {add = true} : memref<65536xf32, #tpu.memory_space<vmem>>[vector<16xi32>], vector<16xf32>,
        %parallel_loop3A_692 = arith.constant 4 : i32
        %parallel_loop3A_693 = vector.broadcast %parallel_loop3A_692 : i32 to vector<16xi32>
        %parallel_loop3A_694 = vector.shape_cast %parallel_loop3A_693 : vector<16xi32> to vector<16x1xi32>
        %parallel_loop3A_695 = vector.shape_cast %parallel_loop3A_694 : vector<16x1xi32> to vector<16xi32>
        %parallel_loop3A_696 = tpu.dynamic_gather %parallel_loop3A_614[%parallel_loop3A_695] in [0] : vector<16xf32>, vector<16xi32> -> vector<16xf32>
        %parallel_loop3A_697 = vector.shape_cast %parallel_loop3A_693 : vector<16xi32> to vector<16x1xi32>
        %parallel_loop3A_698 = vector.shape_cast %parallel_loop3A_697 : vector<16x1xi32> to vector<16xi32>
        %parallel_loop3A_699 = tpu.dynamic_gather %parallel_loop3A_621[%parallel_loop3A_698] in [0] : vector<16xi32>, vector<16xi32> -> vector<16xi32>
        %parallel_loop3A_700 = arith.ori %parallel_loop3A_699, %iota3A : vector<16xi32>
        %parallel_loop3A_701 = arith.constant 4 : i32
        %parallel_loop3A_702 = arith.addi %parallel_loop3A_623, %parallel_loop3A_701 : i32
        %parallel_loop3A_703 = arith.constant 0 : i32
        %parallel_loop3A_704 = arith.index_cast %parallel_loop3A_703 : i32 to index
        %parallel_loop3A_705 = arith.index_cast %parallel_loop3A_702 : i32 to index
        %parallel_loop3A_706 = arith.constant 0 : index
        %parallel_loop3A_707 = tpu.vector_load %arg11[%parallel_loop3A_704, %parallel_loop3A_705, %parallel_loop3A_706] {strides = array<i32>} : memref<4x128x16xf32, #tpu.memory_space<vmem>>, vector<16xf32>,
        %parallel_loop3A_708 = arith.mulf %parallel_loop3A_707, %parallel_loop3A_696 : vector<16xf32>
        tpu.vector_store_idx %arg12[%parallel_loop3A_700], %parallel_loop3A_708 {add = true} : memref<65536xf32, #tpu.memory_space<vmem>>[vector<16xi32>], vector<16xf32>,
        %parallel_loop3A_709 = arith.constant 5 : i32
        %parallel_loop3A_710 = vector.broadcast %parallel_loop3A_709 : i32 to vector<16xi32>
        %parallel_loop3A_711 = vector.shape_cast %parallel_loop3A_710 : vector<16xi32> to vector<16x1xi32>
        %parallel_loop3A_712 = vector.shape_cast %parallel_loop3A_711 : vector<16x1xi32> to vector<16xi32>
        %parallel_loop3A_713 = tpu.dynamic_gather %parallel_loop3A_614[%parallel_loop3A_712] in [0] : vector<16xf32>, vector<16xi32> -> vector<16xf32>
        %parallel_loop3A_714 = vector.shape_cast %parallel_loop3A_710 : vector<16xi32> to vector<16x1xi32>
        %parallel_loop3A_715 = vector.shape_cast %parallel_loop3A_714 : vector<16x1xi32> to vector<16xi32>
        %parallel_loop3A_716 = tpu.dynamic_gather %parallel_loop3A_621[%parallel_loop3A_715] in [0] : vector<16xi32>, vector<16xi32> -> vector<16xi32>
        %parallel_loop3A_717 = arith.ori %parallel_loop3A_716, %iota3A : vector<16xi32>
        %parallel_loop3A_718 = arith.constant 5 : i32
        %parallel_loop3A_719 = arith.addi %parallel_loop3A_623, %parallel_loop3A_718 : i32
        %parallel_loop3A_720 = arith.constant 0 : i32
        %parallel_loop3A_721 = arith.index_cast %parallel_loop3A_720 : i32 to index
        %parallel_loop3A_722 = arith.index_cast %parallel_loop3A_719 : i32 to index
        %parallel_loop3A_723 = arith.constant 0 : index
        %parallel_loop3A_724 = tpu.vector_load %arg11[%parallel_loop3A_721, %parallel_loop3A_722, %parallel_loop3A_723] {strides = array<i32>} : memref<4x128x16xf32, #tpu.memory_space<vmem>>, vector<16xf32>,
        %parallel_loop3A_725 = arith.mulf %parallel_loop3A_724, %parallel_loop3A_713 : vector<16xf32>
        tpu.vector_store_idx %arg12[%parallel_loop3A_717], %parallel_loop3A_725 {add = true} : memref<65536xf32, #tpu.memory_space<vmem>>[vector<16xi32>], vector<16xf32>,
        %parallel_loop3A_726 = arith.constant 6 : i32
        %parallel_loop3A_727 = vector.broadcast %parallel_loop3A_726 : i32 to vector<16xi32>
        %parallel_loop3A_728 = vector.shape_cast %parallel_loop3A_727 : vector<16xi32> to vector<16x1xi32>
        %parallel_loop3A_729 = vector.shape_cast %parallel_loop3A_728 : vector<16x1xi32> to vector<16xi32>
        %parallel_loop3A_730 = tpu.dynamic_gather %parallel_loop3A_614[%parallel_loop3A_729] in [0] : vector<16xf32>, vector<16xi32> -> vector<16xf32>
        %parallel_loop3A_731 = vector.shape_cast %parallel_loop3A_727 : vector<16xi32> to vector<16x1xi32>
        %parallel_loop3A_732 = vector.shape_cast %parallel_loop3A_731 : vector<16x1xi32> to vector<16xi32>
        %parallel_loop3A_733 = tpu.dynamic_gather %parallel_loop3A_621[%parallel_loop3A_732] in [0] : vector<16xi32>, vector<16xi32> -> vector<16xi32>
        %parallel_loop3A_734 = arith.ori %parallel_loop3A_733, %iota3A : vector<16xi32>
        %parallel_loop3A_735 = arith.constant 6 : i32
        %parallel_loop3A_736 = arith.addi %parallel_loop3A_623, %parallel_loop3A_735 : i32
        %parallel_loop3A_737 = arith.constant 0 : i32
        %parallel_loop3A_738 = arith.index_cast %parallel_loop3A_737 : i32 to index
        %parallel_loop3A_739 = arith.index_cast %parallel_loop3A_736 : i32 to index
        %parallel_loop3A_740 = arith.constant 0 : index
        %parallel_loop3A_741 = tpu.vector_load %arg11[%parallel_loop3A_738, %parallel_loop3A_739, %parallel_loop3A_740] {strides = array<i32>} : memref<4x128x16xf32, #tpu.memory_space<vmem>>, vector<16xf32>,
        %parallel_loop3A_742 = arith.mulf %parallel_loop3A_741, %parallel_loop3A_730 : vector<16xf32>
        tpu.vector_store_idx %arg12[%parallel_loop3A_734], %parallel_loop3A_742 {add = true} : memref<65536xf32, #tpu.memory_space<vmem>>[vector<16xi32>], vector<16xf32>,
        %parallel_loop3A_743 = arith.constant 7 : i32
        %parallel_loop3A_744 = vector.broadcast %parallel_loop3A_743 : i32 to vector<16xi32>
        %parallel_loop3A_745 = vector.shape_cast %parallel_loop3A_744 : vector<16xi32> to vector<16x1xi32>
        %parallel_loop3A_746 = vector.shape_cast %parallel_loop3A_745 : vector<16x1xi32> to vector<16xi32>
        %parallel_loop3A_747 = tpu.dynamic_gather %parallel_loop3A_614[%parallel_loop3A_746] in [0] : vector<16xf32>, vector<16xi32> -> vector<16xf32>
        %parallel_loop3A_748 = vector.shape_cast %parallel_loop3A_744 : vector<16xi32> to vector<16x1xi32>
        %parallel_loop3A_749 = vector.shape_cast %parallel_loop3A_748 : vector<16x1xi32> to vector<16xi32>
        %parallel_loop3A_750 = tpu.dynamic_gather %parallel_loop3A_621[%parallel_loop3A_749] in [0] : vector<16xi32>, vector<16xi32> -> vector<16xi32>
        %parallel_loop3A_751 = arith.ori %parallel_loop3A_750, %iota3A : vector<16xi32>
        %parallel_loop3A_752 = arith.constant 7 : i32
        %parallel_loop3A_753 = arith.addi %parallel_loop3A_623, %parallel_loop3A_752 : i32
        %parallel_loop3A_754 = arith.constant 0 : i32
        %parallel_loop3A_755 = arith.index_cast %parallel_loop3A_754 : i32 to index
        %parallel_loop3A_756 = arith.index_cast %parallel_loop3A_753 : i32 to index
        %parallel_loop3A_757 = arith.constant 0 : index
        %parallel_loop3A_758 = tpu.vector_load %arg11[%parallel_loop3A_755, %parallel_loop3A_756, %parallel_loop3A_757] {strides = array<i32>} : memref<4x128x16xf32, #tpu.memory_space<vmem>>, vector<16xf32>,
        %parallel_loop3A_759 = arith.mulf %parallel_loop3A_758, %parallel_loop3A_747 : vector<16xf32>
        tpu.vector_store_idx %arg12[%parallel_loop3A_751], %parallel_loop3A_759 {add = true} : memref<65536xf32, #tpu.memory_space<vmem>>[vector<16xi32>], vector<16xf32>,
        %parallel_loop3A_760 = arith.constant 8 : i32
        %parallel_loop3A_761 = vector.broadcast %parallel_loop3A_760 : i32 to vector<16xi32>
        %parallel_loop3A_762 = vector.shape_cast %parallel_loop3A_761 : vector<16xi32> to vector<16x1xi32>
        %parallel_loop3A_763 = vector.shape_cast %parallel_loop3A_762 : vector<16x1xi32> to vector<16xi32>
        %parallel_loop3A_764 = tpu.dynamic_gather %parallel_loop3A_614[%parallel_loop3A_763] in [0] : vector<16xf32>, vector<16xi32> -> vector<16xf32>
        %parallel_loop3A_765 = vector.shape_cast %parallel_loop3A_761 : vector<16xi32> to vector<16x1xi32>
        %parallel_loop3A_766 = vector.shape_cast %parallel_loop3A_765 : vector<16x1xi32> to vector<16xi32>
        %parallel_loop3A_767 = tpu.dynamic_gather %parallel_loop3A_621[%parallel_loop3A_766] in [0] : vector<16xi32>, vector<16xi32> -> vector<16xi32>
        %parallel_loop3A_768 = arith.ori %parallel_loop3A_767, %iota3A : vector<16xi32>
        %parallel_loop3A_769 = arith.constant 8 : i32
        %parallel_loop3A_770 = arith.addi %parallel_loop3A_623, %parallel_loop3A_769 : i32
        %parallel_loop3A_771 = arith.constant 0 : i32
        %parallel_loop3A_772 = arith.index_cast %parallel_loop3A_771 : i32 to index
        %parallel_loop3A_773 = arith.index_cast %parallel_loop3A_770 : i32 to index
        %parallel_loop3A_774 = arith.constant 0 : index
        %parallel_loop3A_775 = tpu.vector_load %arg11[%parallel_loop3A_772, %parallel_loop3A_773, %parallel_loop3A_774] {strides = array<i32>} : memref<4x128x16xf32, #tpu.memory_space<vmem>>, vector<16xf32>,
        %parallel_loop3A_776 = arith.mulf %parallel_loop3A_775, %parallel_loop3A_764 : vector<16xf32>
        tpu.vector_store_idx %arg12[%parallel_loop3A_768], %parallel_loop3A_776 {add = true} : memref<65536xf32, #tpu.memory_space<vmem>>[vector<16xi32>], vector<16xf32>,
        %parallel_loop3A_777 = arith.constant 9 : i32
        %parallel_loop3A_778 = vector.broadcast %parallel_loop3A_777 : i32 to vector<16xi32>
        %parallel_loop3A_779 = vector.shape_cast %parallel_loop3A_778 : vector<16xi32> to vector<16x1xi32>
        %parallel_loop3A_780 = vector.shape_cast %parallel_loop3A_779 : vector<16x1xi32> to vector<16xi32>
        %parallel_loop3A_781 = tpu.dynamic_gather %parallel_loop3A_614[%parallel_loop3A_780] in [0] : vector<16xf32>, vector<16xi32> -> vector<16xf32>
        %parallel_loop3A_782 = vector.shape_cast %parallel_loop3A_778 : vector<16xi32> to vector<16x1xi32>
        %parallel_loop3A_783 = vector.shape_cast %parallel_loop3A_782 : vector<16x1xi32> to vector<16xi32>
        %parallel_loop3A_784 = tpu.dynamic_gather %parallel_loop3A_621[%parallel_loop3A_783] in [0] : vector<16xi32>, vector<16xi32> -> vector<16xi32>
        %parallel_loop3A_785 = arith.ori %parallel_loop3A_784, %iota3A : vector<16xi32>
        %parallel_loop3A_786 = arith.constant 9 : i32
        %parallel_loop3A_787 = arith.addi %parallel_loop3A_623, %parallel_loop3A_786 : i32
        %parallel_loop3A_788 = arith.constant 0 : i32
        %parallel_loop3A_789 = arith.index_cast %parallel_loop3A_788 : i32 to index
        %parallel_loop3A_790 = arith.index_cast %parallel_loop3A_787 : i32 to index
        %parallel_loop3A_791 = arith.constant 0 : index
        %parallel_loop3A_792 = tpu.vector_load %arg11[%parallel_loop3A_789, %parallel_loop3A_790, %parallel_loop3A_791] {strides = array<i32>} : memref<4x128x16xf32, #tpu.memory_space<vmem>>, vector<16xf32>,
        %parallel_loop3A_793 = arith.mulf %parallel_loop3A_792, %parallel_loop3A_781 : vector<16xf32>
        tpu.vector_store_idx %arg12[%parallel_loop3A_785], %parallel_loop3A_793 {add = true} : memref<65536xf32, #tpu.memory_space<vmem>>[vector<16xi32>], vector<16xf32>,
        %parallel_loop3A_794 = arith.constant 10 : i32
        %parallel_loop3A_795 = vector.broadcast %parallel_loop3A_794 : i32 to vector<16xi32>
        %parallel_loop3A_796 = vector.shape_cast %parallel_loop3A_795 : vector<16xi32> to vector<16x1xi32>
        %parallel_loop3A_797 = vector.shape_cast %parallel_loop3A_796 : vector<16x1xi32> to vector<16xi32>
        %parallel_loop3A_798 = tpu.dynamic_gather %parallel_loop3A_614[%parallel_loop3A_797] in [0] : vector<16xf32>, vector<16xi32> -> vector<16xf32>
        %parallel_loop3A_799 = vector.shape_cast %parallel_loop3A_795 : vector<16xi32> to vector<16x1xi32>
        %parallel_loop3A_800 = vector.shape_cast %parallel_loop3A_799 : vector<16x1xi32> to vector<16xi32>
        %parallel_loop3A_801 = tpu.dynamic_gather %parallel_loop3A_621[%parallel_loop3A_800] in [0] : vector<16xi32>, vector<16xi32> -> vector<16xi32>
        %parallel_loop3A_802 = arith.ori %parallel_loop3A_801, %iota3A : vector<16xi32>
        %parallel_loop3A_803 = arith.constant 10 : i32
        %parallel_loop3A_804 = arith.addi %parallel_loop3A_623, %parallel_loop3A_803 : i32
        %parallel_loop3A_805 = arith.constant 0 : i32
        %parallel_loop3A_806 = arith.index_cast %parallel_loop3A_805 : i32 to index
        %parallel_loop3A_807 = arith.index_cast %parallel_loop3A_804 : i32 to index
        %parallel_loop3A_808 = arith.constant 0 : index
        %parallel_loop3A_809 = tpu.vector_load %arg11[%parallel_loop3A_806, %parallel_loop3A_807, %parallel_loop3A_808] {strides = array<i32>} : memref<4x128x16xf32, #tpu.memory_space<vmem>>, vector<16xf32>,
        %parallel_loop3A_810 = arith.mulf %parallel_loop3A_809, %parallel_loop3A_798 : vector<16xf32>
        tpu.vector_store_idx %arg12[%parallel_loop3A_802], %parallel_loop3A_810 {add = true} : memref<65536xf32, #tpu.memory_space<vmem>>[vector<16xi32>], vector<16xf32>,
        %parallel_loop3A_811 = arith.constant 11 : i32
        %parallel_loop3A_812 = vector.broadcast %parallel_loop3A_811 : i32 to vector<16xi32>
        %parallel_loop3A_813 = vector.shape_cast %parallel_loop3A_812 : vector<16xi32> to vector<16x1xi32>
        %parallel_loop3A_814 = vector.shape_cast %parallel_loop3A_813 : vector<16x1xi32> to vector<16xi32>
        %parallel_loop3A_815 = tpu.dynamic_gather %parallel_loop3A_614[%parallel_loop3A_814] in [0] : vector<16xf32>, vector<16xi32> -> vector<16xf32>
        %parallel_loop3A_816 = vector.shape_cast %parallel_loop3A_812 : vector<16xi32> to vector<16x1xi32>
        %parallel_loop3A_817 = vector.shape_cast %parallel_loop3A_816 : vector<16x1xi32> to vector<16xi32>
        %parallel_loop3A_818 = tpu.dynamic_gather %parallel_loop3A_621[%parallel_loop3A_817] in [0] : vector<16xi32>, vector<16xi32> -> vector<16xi32>
        %parallel_loop3A_819 = arith.ori %parallel_loop3A_818, %iota3A : vector<16xi32>
        %parallel_loop3A_820 = arith.constant 11 : i32
        %parallel_loop3A_821 = arith.addi %parallel_loop3A_623, %parallel_loop3A_820 : i32
        %parallel_loop3A_822 = arith.constant 0 : i32
        %parallel_loop3A_823 = arith.index_cast %parallel_loop3A_822 : i32 to index
        %parallel_loop3A_824 = arith.index_cast %parallel_loop3A_821 : i32 to index
        %parallel_loop3A_825 = arith.constant 0 : index
        %parallel_loop3A_826 = tpu.vector_load %arg11[%parallel_loop3A_823, %parallel_loop3A_824, %parallel_loop3A_825] {strides = array<i32>} : memref<4x128x16xf32, #tpu.memory_space<vmem>>, vector<16xf32>,
        %parallel_loop3A_827 = arith.mulf %parallel_loop3A_826, %parallel_loop3A_815 : vector<16xf32>
        tpu.vector_store_idx %arg12[%parallel_loop3A_819], %parallel_loop3A_827 {add = true} : memref<65536xf32, #tpu.memory_space<vmem>>[vector<16xi32>], vector<16xf32>,
        %parallel_loop3A_828 = arith.constant 12 : i32
        %parallel_loop3A_829 = vector.broadcast %parallel_loop3A_828 : i32 to vector<16xi32>
        %parallel_loop3A_830 = vector.shape_cast %parallel_loop3A_829 : vector<16xi32> to vector<16x1xi32>
        %parallel_loop3A_831 = vector.shape_cast %parallel_loop3A_830 : vector<16x1xi32> to vector<16xi32>
        %parallel_loop3A_832 = tpu.dynamic_gather %parallel_loop3A_614[%parallel_loop3A_831] in [0] : vector<16xf32>, vector<16xi32> -> vector<16xf32>
        %parallel_loop3A_833 = vector.shape_cast %parallel_loop3A_829 : vector<16xi32> to vector<16x1xi32>
        %parallel_loop3A_834 = vector.shape_cast %parallel_loop3A_833 : vector<16x1xi32> to vector<16xi32>
        %parallel_loop3A_835 = tpu.dynamic_gather %parallel_loop3A_621[%parallel_loop3A_834] in [0] : vector<16xi32>, vector<16xi32> -> vector<16xi32>
        %parallel_loop3A_836 = arith.ori %parallel_loop3A_835, %iota3A : vector<16xi32>
        %parallel_loop3A_837 = arith.constant 12 : i32
        %parallel_loop3A_838 = arith.addi %parallel_loop3A_623, %parallel_loop3A_837 : i32
        %parallel_loop3A_839 = arith.constant 0 : i32
        %parallel_loop3A_840 = arith.index_cast %parallel_loop3A_839 : i32 to index
        %parallel_loop3A_841 = arith.index_cast %parallel_loop3A_838 : i32 to index
        %parallel_loop3A_842 = arith.constant 0 : index
        %parallel_loop3A_843 = tpu.vector_load %arg11[%parallel_loop3A_840, %parallel_loop3A_841, %parallel_loop3A_842] {strides = array<i32>} : memref<4x128x16xf32, #tpu.memory_space<vmem>>, vector<16xf32>,
        %parallel_loop3A_844 = arith.mulf %parallel_loop3A_843, %parallel_loop3A_832 : vector<16xf32>
        tpu.vector_store_idx %arg12[%parallel_loop3A_836], %parallel_loop3A_844 {add = true} : memref<65536xf32, #tpu.memory_space<vmem>>[vector<16xi32>], vector<16xf32>,
        %parallel_loop3A_845 = arith.constant 13 : i32
        %parallel_loop3A_846 = vector.broadcast %parallel_loop3A_845 : i32 to vector<16xi32>
        %parallel_loop3A_847 = vector.shape_cast %parallel_loop3A_846 : vector<16xi32> to vector<16x1xi32>
        %parallel_loop3A_848 = vector.shape_cast %parallel_loop3A_847 : vector<16x1xi32> to vector<16xi32>
        %parallel_loop3A_849 = tpu.dynamic_gather %parallel_loop3A_614[%parallel_loop3A_848] in [0] : vector<16xf32>, vector<16xi32> -> vector<16xf32>
        %parallel_loop3A_850 = vector.shape_cast %parallel_loop3A_846 : vector<16xi32> to vector<16x1xi32>
        %parallel_loop3A_851 = vector.shape_cast %parallel_loop3A_850 : vector<16x1xi32> to vector<16xi32>
        %parallel_loop3A_852 = tpu.dynamic_gather %parallel_loop3A_621[%parallel_loop3A_851] in [0] : vector<16xi32>, vector<16xi32> -> vector<16xi32>
        %parallel_loop3A_853 = arith.ori %parallel_loop3A_852, %iota3A : vector<16xi32>
        %parallel_loop3A_854 = arith.constant 13 : i32
        %parallel_loop3A_855 = arith.addi %parallel_loop3A_623, %parallel_loop3A_854 : i32
        %parallel_loop3A_856 = arith.constant 0 : i32
        %parallel_loop3A_857 = arith.index_cast %parallel_loop3A_856 : i32 to index
        %parallel_loop3A_858 = arith.index_cast %parallel_loop3A_855 : i32 to index
        %parallel_loop3A_859 = arith.constant 0 : index
        %parallel_loop3A_860 = tpu.vector_load %arg11[%parallel_loop3A_857, %parallel_loop3A_858, %parallel_loop3A_859] {strides = array<i32>} : memref<4x128x16xf32, #tpu.memory_space<vmem>>, vector<16xf32>,
        %parallel_loop3A_861 = arith.mulf %parallel_loop3A_860, %parallel_loop3A_849 : vector<16xf32>
        tpu.vector_store_idx %arg12[%parallel_loop3A_853], %parallel_loop3A_861 {add = true} : memref<65536xf32, #tpu.memory_space<vmem>>[vector<16xi32>], vector<16xf32>,
        %parallel_loop3A_862 = arith.constant 14 : i32
        %parallel_loop3A_863 = vector.broadcast %parallel_loop3A_862 : i32 to vector<16xi32>
        %parallel_loop3A_864 = vector.shape_cast %parallel_loop3A_863 : vector<16xi32> to vector<16x1xi32>
        %parallel_loop3A_865 = vector.shape_cast %parallel_loop3A_864 : vector<16x1xi32> to vector<16xi32>
        %parallel_loop3A_866 = tpu.dynamic_gather %parallel_loop3A_614[%parallel_loop3A_865] in [0] : vector<16xf32>, vector<16xi32> -> vector<16xf32>
        %parallel_loop3A_867 = vector.shape_cast %parallel_loop3A_863 : vector<16xi32> to vector<16x1xi32>
        %parallel_loop3A_868 = vector.shape_cast %parallel_loop3A_867 : vector<16x1xi32> to vector<16xi32>
        %parallel_loop3A_869 = tpu.dynamic_gather %parallel_loop3A_621[%parallel_loop3A_868] in [0] : vector<16xi32>, vector<16xi32> -> vector<16xi32>
        %parallel_loop3A_870 = arith.ori %parallel_loop3A_869, %iota3A : vector<16xi32>
        %parallel_loop3A_871 = arith.constant 14 : i32
        %parallel_loop3A_872 = arith.addi %parallel_loop3A_623, %parallel_loop3A_871 : i32
        %parallel_loop3A_873 = arith.constant 0 : i32
        %parallel_loop3A_874 = arith.index_cast %parallel_loop3A_873 : i32 to index
        %parallel_loop3A_875 = arith.index_cast %parallel_loop3A_872 : i32 to index
        %parallel_loop3A_876 = arith.constant 0 : index
        %parallel_loop3A_877 = tpu.vector_load %arg11[%parallel_loop3A_874, %parallel_loop3A_875, %parallel_loop3A_876] {strides = array<i32>} : memref<4x128x16xf32, #tpu.memory_space<vmem>>, vector<16xf32>,
        %parallel_loop3A_878 = arith.mulf %parallel_loop3A_877, %parallel_loop3A_866 : vector<16xf32>
        tpu.vector_store_idx %arg12[%parallel_loop3A_870], %parallel_loop3A_878 {add = true} : memref<65536xf32, #tpu.memory_space<vmem>>[vector<16xi32>], vector<16xf32>,
        %parallel_loop3A_879 = arith.constant 15 : i32
        %parallel_loop3A_880 = vector.broadcast %parallel_loop3A_879 : i32 to vector<16xi32>
        %parallel_loop3A_881 = vector.shape_cast %parallel_loop3A_880 : vector<16xi32> to vector<16x1xi32>
        %parallel_loop3A_882 = vector.shape_cast %parallel_loop3A_881 : vector<16x1xi32> to vector<16xi32>
        %parallel_loop3A_883 = tpu.dynamic_gather %parallel_loop3A_614[%parallel_loop3A_882] in [0] : vector<16xf32>, vector<16xi32> -> vector<16xf32>
        %parallel_loop3A_884 = vector.shape_cast %parallel_loop3A_880 : vector<16xi32> to vector<16x1xi32>
        %parallel_loop3A_885 = vector.shape_cast %parallel_loop3A_884 : vector<16x1xi32> to vector<16xi32>
        %parallel_loop3A_886 = tpu.dynamic_gather %parallel_loop3A_621[%parallel_loop3A_885] in [0] : vector<16xi32>, vector<16xi32> -> vector<16xi32>
        %parallel_loop3A_887 = arith.ori %parallel_loop3A_886, %iota3A : vector<16xi32>
        %parallel_loop3A_888 = arith.constant 15 : i32
        %parallel_loop3A_889 = arith.addi %parallel_loop3A_623, %parallel_loop3A_888 : i32
        %parallel_loop3A_890 = arith.constant 0 : i32
        %parallel_loop3A_891 = arith.index_cast %parallel_loop3A_890 : i32 to index
        %parallel_loop3A_892 = arith.index_cast %parallel_loop3A_889 : i32 to index
        %parallel_loop3A_893 = arith.constant 0 : index
        %parallel_loop3A_894 = tpu.vector_load %arg11[%parallel_loop3A_891, %parallel_loop3A_892, %parallel_loop3A_893] {strides = array<i32>} : memref<4x128x16xf32, #tpu.memory_space<vmem>>, vector<16xf32>,
        %parallel_loop3A_895 = arith.mulf %parallel_loop3A_894, %parallel_loop3A_883 : vector<16xf32>
        tpu.vector_store_idx %arg12[%parallel_loop3A_887], %parallel_loop3A_895 {add = true} : memref<65536xf32, #tpu.memory_space<vmem>>[vector<16xi32>], vector<16xf32>,
      } {sc.loop_unroll_factor = 4 : i64, sc.parallel_access}
      %add3A_255 = arith.constant 1 : i32
      %add3A_256 = arith.addi %add3A_224, %add3A_255 : i32
      %rem3A_257 = arith.constant 64 : i32
      %rem3A_258 = arith.remsi %add3A_256, %rem3A_257 : i32
      %mul3A_259 = arith.constant 512 : i32
      %mul3A_260 = arith.muli %rem3A_258, %mul3A_259 : i32
      %add3A_261 = arith.addi %mul3A_0, %mul3A_260 : i32
      %dma_wait3A_262 = arith.constant 1 : i32
      %dma_wait3A_263 = arith.constant 0 : i32
      %dma_wait3A_264 = tpu.memref_slice %arg7[%dma_wait3A_262, %dma_wait3A_263] : memref<2x512xi32, #tpu.memory_space<vmem>> -> memref<1x512xi32, #tpu.memory_space<vmem>>
      %dma_wait3A_265 = tpu.memref_squeeze %dma_wait3A_264 : memref<1x512xi32, #tpu.memory_space<vmem>> -> memref<512xi32, #tpu.memory_space<vmem>>
      %dma_wait3A_266 = tpu.memref_slice %arg4[%add3A_261] : memref<65536xi32, #tpu.memory_space<hbm>> -> memref<512xi32, #tpu.memory_space<hbm>>
      %dma_wait3A_267 = arith.constant 0 : i32
      %dma_wait3A_268 = tpu.memref_slice %arg7[%dma_wait3A_262, %dma_wait3A_267] : memref<2x512xi32, #tpu.memory_space<vmem>> -> memref<1x512xi32, #tpu.memory_space<vmem>>
      %dma_wait3A_269 = tpu.memref_squeeze %dma_wait3A_268 : memref<1x512xi32, #tpu.memory_space<vmem>> -> memref<512xi32, #tpu.memory_space<vmem>>
      %dma_wait3A_270 = tpu.memref_slice %arg4[%add3A_261] : memref<65536xi32, #tpu.memory_space<hbm>> -> memref<512xi32, #tpu.memory_space<hbm>>
      tpu.wait_dma2 semaphore(%arg14 : memref<!tpu.dma_semaphore, #tpu.memory_space<semaphore_mem>>) src(%dma_wait3A_270 : memref<512xi32, #tpu.memory_space<hbm>>) dst(%dma_wait3A_269 : memref<512xi32, #tpu.memory_space<vmem>>)
      %dma_wait3A_271 = arith.constant 1 : i32
      %dma_wait3A_272 = arith.constant 0 : i32
      %dma_wait3A_273 = tpu.memref_slice %arg8[%dma_wait3A_271, %dma_wait3A_272] : memref<2x512xi32, #tpu.memory_space<vmem>> -> memref<1x512xi32, #tpu.memory_space<vmem>>
      %dma_wait3A_274 = tpu.memref_squeeze %dma_wait3A_273 : memref<1x512xi32, #tpu.memory_space<vmem>> -> memref<512xi32, #tpu.memory_space<vmem>>
      %dma_wait3A_275 = tpu.memref_slice %arg3[%add3A_261] : memref<65536xi32, #tpu.memory_space<hbm>> -> memref<512xi32, #tpu.memory_space<hbm>>
      %dma_wait3A_276 = arith.constant 0 : i32
      %dma_wait3A_277 = tpu.memref_slice %arg8[%dma_wait3A_271, %dma_wait3A_276] : memref<2x512xi32, #tpu.memory_space<vmem>> -> memref<1x512xi32, #tpu.memory_space<vmem>>
      %dma_wait3A_278 = tpu.memref_squeeze %dma_wait3A_277 : memref<1x512xi32, #tpu.memory_space<vmem>> -> memref<512xi32, #tpu.memory_space<vmem>>
      %dma_wait3A_279 = tpu.memref_slice %arg3[%add3A_261] : memref<65536xi32, #tpu.memory_space<hbm>> -> memref<512xi32, #tpu.memory_space<hbm>>
      tpu.wait_dma2 semaphore(%arg14 : memref<!tpu.dma_semaphore, #tpu.memory_space<semaphore_mem>>) src(%dma_wait3A_279 : memref<512xi32, #tpu.memory_space<hbm>>) dst(%dma_wait3A_278 : memref<512xi32, #tpu.memory_space<vmem>>)
      %dma_wait3A_280 = arith.constant 1 : i32
      %dma_wait3A_281 = arith.constant 0 : i32
      %dma_wait3A_282 = tpu.memref_slice %arg9[%dma_wait3A_280, %dma_wait3A_281] : memref<2x512xf32, #tpu.memory_space<vmem>> -> memref<1x512xf32, #tpu.memory_space<vmem>>
      %dma_wait3A_283 = tpu.memref_squeeze %dma_wait3A_282 : memref<1x512xf32, #tpu.memory_space<vmem>> -> memref<512xf32, #tpu.memory_space<vmem>>
      %dma_wait3A_284 = tpu.memref_slice %arg5[%add3A_261] : memref<65536xf32, #tpu.memory_space<hbm>> -> memref<512xf32, #tpu.memory_space<hbm>>
      %dma_wait3A_285 = arith.constant 0 : i32
      %dma_wait3A_286 = tpu.memref_slice %arg9[%dma_wait3A_280, %dma_wait3A_285] : memref<2x512xf32, #tpu.memory_space<vmem>> -> memref<1x512xf32, #tpu.memory_space<vmem>>
      %dma_wait3A_287 = tpu.memref_squeeze %dma_wait3A_286 : memref<1x512xf32, #tpu.memory_space<vmem>> -> memref<512xf32, #tpu.memory_space<vmem>>
      %dma_wait3A_288 = tpu.memref_slice %arg5[%add3A_261] : memref<65536xf32, #tpu.memory_space<hbm>> -> memref<512xf32, #tpu.memory_space<hbm>>
      tpu.wait_dma2 semaphore(%arg14 : memref<!tpu.dma_semaphore, #tpu.memory_space<semaphore_mem>>) src(%dma_wait3A_288 : memref<512xf32, #tpu.memory_space<hbm>>) dst(%dma_wait3A_287 : memref<512xf32, #tpu.memory_space<vmem>>)
      %parallel_loop3A_289 = arith.constant 0 : i32
      %parallel_loop3A_290 = arith.constant 128 : i32
      %parallel_loop3A_291 = arith.constant 16 : i32
      scf.for %parallel_loop3A_606 = %parallel_loop3A_289 to %parallel_loop3A_290 step %parallel_loop3A_291  : i32 {
        %parallel_loop3A_607 = arith.constant 0 : i32
        %parallel_loop3A_608 = arith.addi %parallel_loop3A_607, %parallel_loop3A_606 : i32
        %parallel_loop3A_609 = arith.constant 1 : i32
        %parallel_loop3A_610 = arith.index_cast %parallel_loop3A_609 : i32 to index
        %parallel_loop3A_611 = arith.index_cast %parallel_loop3A_608 : i32 to index
        %parallel_loop3A_612 = tpu.vector_load %arg7[%parallel_loop3A_610, %parallel_loop3A_611] {strides = array<i32>} : memref<2x512xi32, #tpu.memory_space<vmem>>, vector<16xi32>,
        %parallel_loop3A_613 = arith.constant 4 : i32
        %parallel_loop3A_614 = vector.broadcast %parallel_loop3A_613 : i32 to vector<16xi32>
        %parallel_loop3A_615 = arith.shli %parallel_loop3A_612, %parallel_loop3A_614 : vector<16xi32>
        %parallel_loop3A_616 = vector.broadcast %arg1 : i32 to vector<16xi32>
        %parallel_loop3A_617 = arith.addi %parallel_loop3A_615, %parallel_loop3A_616 : vector<16xi32>
        %parallel_loop3A_618 = arith.constant 0 : i32
        %parallel_loop3A_619 = arith.index_cast %parallel_loop3A_618 : i32 to index
        %parallel_loop3A_620 = arith.index_cast %parallel_loop3A_606 : i32 to index
        %parallel_loop3A_621 = tpu.vector_load %arg10[%parallel_loop3A_619, %parallel_loop3A_620] {strides = array<i32>} : memref<4x128xi32, #tpu.memory_space<vmem>>, vector<16xi32>,
        tpu.vector_store %arg10[%parallel_loop3A_619, %parallel_loop3A_620], %parallel_loop3A_617 {strides = array<i32>} : memref<4x128xi32, #tpu.memory_space<vmem>>, vector<16xi32>,
      } {sc.loop_unroll_factor = 2 : i64, sc.parallel_access}
      %dma_start3A_292 = arith.constant 0 : i32
      %dma_start3A_293 = arith.constant 0 : i32
      %dma_start3A_294 = arith.constant 0 : i32
      %dma_start3A_295 = arith.constant 0 : i32
      %dma_start3A_296 = tpu.memref_slice %arg11[%dma_start3A_293, %dma_start3A_294, %dma_start3A_295] : memref<4x128x16xf32, #tpu.memory_space<vmem>> -> memref<1x128x16xf32, #tpu.memory_space<vmem>>
      %dma_start3A_297 = tpu.memref_squeeze %dma_start3A_296 : memref<1x128x16xf32, #tpu.memory_space<vmem>> -> memref<128x16xf32, #tpu.memory_space<vmem>>
      %dma_start3A_298 = arith.constant 0 : i32
      %dma_start3A_299 = tpu.memref_slice %arg10[%dma_start3A_292, %dma_start3A_298] : memref<4x128xi32, #tpu.memory_space<vmem>> -> memref<1x128xi32, #tpu.memory_space<vmem>>
      %dma_start3A_300 = tpu.memref_squeeze %dma_start3A_299 : memref<1x128xi32, #tpu.memory_space<vmem>> -> memref<128xi32, #tpu.memory_space<vmem>>
      %dma_start3A_301 = arith.constant 0 : i32
      %dma_start3A_302 = arith.constant 0 : i32
      %dma_start3A_303 = tpu.memref_slice %arg2[%dma_start3A_301, %dma_start3A_302] : memref<65536x16xf32, #tpu.memory_space<hbm>> -> memref<65536x16xf32, #tpu.memory_space<hbm>>
      tpu.enqueue_indirect_dma source(%dma_start3A_303 : memref<65536x16xf32, #tpu.memory_space<hbm>>) target(%dma_start3A_297 : memref<128x16xf32, #tpu.memory_space<vmem>>) offsets(%dma_start3A_300 : memref<128xi32, #tpu.memory_space<vmem>>) semaphore(%arg15 : memref<!tpu.dma_semaphore, #tpu.memory_space<semaphore_mem>>)
      %dma_wait3A_304 = arith.constant 1 : i32
      %dma_wait3A_305 = arith.constant 1 : i32
      %dma_wait3A_306 = arith.constant 0 : i32
      %dma_wait3A_307 = arith.constant 0 : i32
      %dma_wait3A_308 = tpu.memref_slice %arg11[%dma_wait3A_305, %dma_wait3A_306, %dma_wait3A_307] : memref<4x128x16xf32, #tpu.memory_space<vmem>> -> memref<1x128x16xf32, #tpu.memory_space<vmem>>
      %dma_wait3A_309 = tpu.memref_squeeze %dma_wait3A_308 : memref<1x128x16xf32, #tpu.memory_space<vmem>> -> memref<128x16xf32, #tpu.memory_space<vmem>>
      %dma_wait3A_310 = arith.constant 0 : i32
      %dma_wait3A_311 = tpu.memref_slice %arg10[%dma_wait3A_304, %dma_wait3A_310] : memref<4x128xi32, #tpu.memory_space<vmem>> -> memref<1x128xi32, #tpu.memory_space<vmem>>
      %dma_wait3A_312 = tpu.memref_squeeze %dma_wait3A_311 : memref<1x128xi32, #tpu.memory_space<vmem>> -> memref<128xi32, #tpu.memory_space<vmem>>
      %dma_wait3A_313 = arith.constant 0 : i32
      %dma_wait3A_314 = arith.constant 0 : i32
      %dma_wait3A_315 = tpu.memref_slice %arg2[%dma_wait3A_313, %dma_wait3A_314] : memref<65536x16xf32, #tpu.memory_space<hbm>> -> memref<65536x16xf32, #tpu.memory_space<hbm>>
      tpu.wait_indirect_dma semaphore(%arg16 : memref<!tpu.dma_semaphore, #tpu.memory_space<semaphore_mem>>) src(%dma_wait3A_315 : memref<65536x16xf32, #tpu.memory_space<hbm>>) dst(%dma_wait3A_309 : memref<128x16xf32, #tpu.memory_space<vmem>>)
      %parallel_loop3A_316 = arith.constant 0 : i32
      %parallel_loop3A_317 = arith.constant 8 : i32
      %parallel_loop3A_318 = arith.constant 1 : i32
      scf.for %parallel_loop3A_606 = %parallel_loop3A_316 to %parallel_loop3A_317 step %parallel_loop3A_318  : i32 {
        %parallel_loop3A_607 = arith.constant 16 : i32
        %parallel_loop3A_608 = arith.muli %parallel_loop3A_606, %parallel_loop3A_607 : i32
        %parallel_loop3A_609 = arith.constant 128 : i32
        %parallel_loop3A_610 = arith.addi %parallel_loop3A_609, %parallel_loop3A_608 : i32
        %parallel_loop3A_611 = arith.constant 0 : i32
        %parallel_loop3A_612 = arith.index_cast %parallel_loop3A_611 : i32 to index
        %parallel_loop3A_613 = arith.index_cast %parallel_loop3A_610 : i32 to index
        %parallel_loop3A_614 = tpu.vector_load %arg9[%parallel_loop3A_612, %parallel_loop3A_613] {strides = array<i32>} : memref<2x512xf32, #tpu.memory_space<vmem>>, vector<16xf32>,
        %parallel_loop3A_615 = arith.constant 0 : i32
        %parallel_loop3A_616 = arith.index_cast %parallel_loop3A_615 : i32 to index
        %parallel_loop3A_617 = arith.index_cast %parallel_loop3A_610 : i32 to index
        %parallel_loop3A_618 = tpu.vector_load %arg8[%parallel_loop3A_616, %parallel_loop3A_617] {strides = array<i32>} : memref<2x512xi32, #tpu.memory_space<vmem>>, vector<16xi32>,
        %parallel_loop3A_619 = arith.constant 4 : i32
        %parallel_loop3A_620 = vector.broadcast %parallel_loop3A_619 : i32 to vector<16xi32>
        %parallel_loop3A_621 = arith.shli %parallel_loop3A_618, %parallel_loop3A_620 : vector<16xi32>
        %parallel_loop3A_622 = arith.constant 16 : i32
        %parallel_loop3A_623 = arith.muli %parallel_loop3A_606, %parallel_loop3A_622 : i32
        %parallel_loop3A_624 = arith.constant 0 : i32
        %parallel_loop3A_625 = vector.broadcast %parallel_loop3A_624 : i32 to vector<16xi32>
        %parallel_loop3A_626 = vector.shape_cast %parallel_loop3A_625 : vector<16xi32> to vector<16x1xi32>
        %parallel_loop3A_627 = vector.shape_cast %parallel_loop3A_626 : vector<16x1xi32> to vector<16xi32>
        %parallel_loop3A_628 = tpu.dynamic_gather %parallel_loop3A_614[%parallel_loop3A_627] in [0] : vector<16xf32>, vector<16xi32> -> vector<16xf32>
        %parallel_loop3A_629 = vector.shape_cast %parallel_loop3A_625 : vector<16xi32> to vector<16x1xi32>
        %parallel_loop3A_630 = vector.shape_cast %parallel_loop3A_629 : vector<16x1xi32> to vector<16xi32>
        %parallel_loop3A_631 = tpu.dynamic_gather %parallel_loop3A_621[%parallel_loop3A_630] in [0] : vector<16xi32>, vector<16xi32> -> vector<16xi32>
        %parallel_loop3A_632 = arith.ori %parallel_loop3A_631, %iota3A : vector<16xi32>
        %parallel_loop3A_633 = arith.constant 0 : i32
        %parallel_loop3A_634 = arith.addi %parallel_loop3A_623, %parallel_loop3A_633 : i32
        %parallel_loop3A_635 = arith.constant 1 : i32
        %parallel_loop3A_636 = arith.index_cast %parallel_loop3A_635 : i32 to index
        %parallel_loop3A_637 = arith.index_cast %parallel_loop3A_634 : i32 to index
        %parallel_loop3A_638 = arith.constant 0 : index
        %parallel_loop3A_639 = tpu.vector_load %arg11[%parallel_loop3A_636, %parallel_loop3A_637, %parallel_loop3A_638] {strides = array<i32>} : memref<4x128x16xf32, #tpu.memory_space<vmem>>, vector<16xf32>,
        %parallel_loop3A_640 = arith.mulf %parallel_loop3A_639, %parallel_loop3A_628 : vector<16xf32>
        tpu.vector_store_idx %arg12[%parallel_loop3A_632], %parallel_loop3A_640 {add = true} : memref<65536xf32, #tpu.memory_space<vmem>>[vector<16xi32>], vector<16xf32>,
        %parallel_loop3A_641 = arith.constant 1 : i32
        %parallel_loop3A_642 = vector.broadcast %parallel_loop3A_641 : i32 to vector<16xi32>
        %parallel_loop3A_643 = vector.shape_cast %parallel_loop3A_642 : vector<16xi32> to vector<16x1xi32>
        %parallel_loop3A_644 = vector.shape_cast %parallel_loop3A_643 : vector<16x1xi32> to vector<16xi32>
        %parallel_loop3A_645 = tpu.dynamic_gather %parallel_loop3A_614[%parallel_loop3A_644] in [0] : vector<16xf32>, vector<16xi32> -> vector<16xf32>
        %parallel_loop3A_646 = vector.shape_cast %parallel_loop3A_642 : vector<16xi32> to vector<16x1xi32>
        %parallel_loop3A_647 = vector.shape_cast %parallel_loop3A_646 : vector<16x1xi32> to vector<16xi32>
        %parallel_loop3A_648 = tpu.dynamic_gather %parallel_loop3A_621[%parallel_loop3A_647] in [0] : vector<16xi32>, vector<16xi32> -> vector<16xi32>
        %parallel_loop3A_649 = arith.ori %parallel_loop3A_648, %iota3A : vector<16xi32>
        %parallel_loop3A_650 = arith.constant 1 : i32
        %parallel_loop3A_651 = arith.addi %parallel_loop3A_623, %parallel_loop3A_650 : i32
        %parallel_loop3A_652 = arith.constant 1 : i32
        %parallel_loop3A_653 = arith.index_cast %parallel_loop3A_652 : i32 to index
        %parallel_loop3A_654 = arith.index_cast %parallel_loop3A_651 : i32 to index
        %parallel_loop3A_655 = arith.constant 0 : index
        %parallel_loop3A_656 = tpu.vector_load %arg11[%parallel_loop3A_653, %parallel_loop3A_654, %parallel_loop3A_655] {strides = array<i32>} : memref<4x128x16xf32, #tpu.memory_space<vmem>>, vector<16xf32>,
        %parallel_loop3A_657 = arith.mulf %parallel_loop3A_656, %parallel_loop3A_645 : vector<16xf32>
        tpu.vector_store_idx %arg12[%parallel_loop3A_649], %parallel_loop3A_657 {add = true} : memref<65536xf32, #tpu.memory_space<vmem>>[vector<16xi32>], vector<16xf32>,
        %parallel_loop3A_658 = arith.constant 2 : i32
        %parallel_loop3A_659 = vector.broadcast %parallel_loop3A_658 : i32 to vector<16xi32>
        %parallel_loop3A_660 = vector.shape_cast %parallel_loop3A_659 : vector<16xi32> to vector<16x1xi32>
        %parallel_loop3A_661 = vector.shape_cast %parallel_loop3A_660 : vector<16x1xi32> to vector<16xi32>
        %parallel_loop3A_662 = tpu.dynamic_gather %parallel_loop3A_614[%parallel_loop3A_661] in [0] : vector<16xf32>, vector<16xi32> -> vector<16xf32>
        %parallel_loop3A_663 = vector.shape_cast %parallel_loop3A_659 : vector<16xi32> to vector<16x1xi32>
        %parallel_loop3A_664 = vector.shape_cast %parallel_loop3A_663 : vector<16x1xi32> to vector<16xi32>
        %parallel_loop3A_665 = tpu.dynamic_gather %parallel_loop3A_621[%parallel_loop3A_664] in [0] : vector<16xi32>, vector<16xi32> -> vector<16xi32>
        %parallel_loop3A_666 = arith.ori %parallel_loop3A_665, %iota3A : vector<16xi32>
        %parallel_loop3A_667 = arith.constant 2 : i32
        %parallel_loop3A_668 = arith.addi %parallel_loop3A_623, %parallel_loop3A_667 : i32
        %parallel_loop3A_669 = arith.constant 1 : i32
        %parallel_loop3A_670 = arith.index_cast %parallel_loop3A_669 : i32 to index
        %parallel_loop3A_671 = arith.index_cast %parallel_loop3A_668 : i32 to index
        %parallel_loop3A_672 = arith.constant 0 : index
        %parallel_loop3A_673 = tpu.vector_load %arg11[%parallel_loop3A_670, %parallel_loop3A_671, %parallel_loop3A_672] {strides = array<i32>} : memref<4x128x16xf32, #tpu.memory_space<vmem>>, vector<16xf32>,
        %parallel_loop3A_674 = arith.mulf %parallel_loop3A_673, %parallel_loop3A_662 : vector<16xf32>
        tpu.vector_store_idx %arg12[%parallel_loop3A_666], %parallel_loop3A_674 {add = true} : memref<65536xf32, #tpu.memory_space<vmem>>[vector<16xi32>], vector<16xf32>,
        %parallel_loop3A_675 = arith.constant 3 : i32
        %parallel_loop3A_676 = vector.broadcast %parallel_loop3A_675 : i32 to vector<16xi32>
        %parallel_loop3A_677 = vector.shape_cast %parallel_loop3A_676 : vector<16xi32> to vector<16x1xi32>
        %parallel_loop3A_678 = vector.shape_cast %parallel_loop3A_677 : vector<16x1xi32> to vector<16xi32>
        %parallel_loop3A_679 = tpu.dynamic_gather %parallel_loop3A_614[%parallel_loop3A_678] in [0] : vector<16xf32>, vector<16xi32> -> vector<16xf32>
        %parallel_loop3A_680 = vector.shape_cast %parallel_loop3A_676 : vector<16xi32> to vector<16x1xi32>
        %parallel_loop3A_681 = vector.shape_cast %parallel_loop3A_680 : vector<16x1xi32> to vector<16xi32>
        %parallel_loop3A_682 = tpu.dynamic_gather %parallel_loop3A_621[%parallel_loop3A_681] in [0] : vector<16xi32>, vector<16xi32> -> vector<16xi32>
        %parallel_loop3A_683 = arith.ori %parallel_loop3A_682, %iota3A : vector<16xi32>
        %parallel_loop3A_684 = arith.constant 3 : i32
        %parallel_loop3A_685 = arith.addi %parallel_loop3A_623, %parallel_loop3A_684 : i32
        %parallel_loop3A_686 = arith.constant 1 : i32
        %parallel_loop3A_687 = arith.index_cast %parallel_loop3A_686 : i32 to index
        %parallel_loop3A_688 = arith.index_cast %parallel_loop3A_685 : i32 to index
        %parallel_loop3A_689 = arith.constant 0 : index
        %parallel_loop3A_690 = tpu.vector_load %arg11[%parallel_loop3A_687, %parallel_loop3A_688, %parallel_loop3A_689] {strides = array<i32>} : memref<4x128x16xf32, #tpu.memory_space<vmem>>, vector<16xf32>,
        %parallel_loop3A_691 = arith.mulf %parallel_loop3A_690, %parallel_loop3A_679 : vector<16xf32>
        tpu.vector_store_idx %arg12[%parallel_loop3A_683], %parallel_loop3A_691 {add = true} : memref<65536xf32, #tpu.memory_space<vmem>>[vector<16xi32>], vector<16xf32>,
        %parallel_loop3A_692 = arith.constant 4 : i32
        %parallel_loop3A_693 = vector.broadcast %parallel_loop3A_692 : i32 to vector<16xi32>
        %parallel_loop3A_694 = vector.shape_cast %parallel_loop3A_693 : vector<16xi32> to vector<16x1xi32>
        %parallel_loop3A_695 = vector.shape_cast %parallel_loop3A_694 : vector<16x1xi32> to vector<16xi32>
        %parallel_loop3A_696 = tpu.dynamic_gather %parallel_loop3A_614[%parallel_loop3A_695] in [0] : vector<16xf32>, vector<16xi32> -> vector<16xf32>
        %parallel_loop3A_697 = vector.shape_cast %parallel_loop3A_693 : vector<16xi32> to vector<16x1xi32>
        %parallel_loop3A_698 = vector.shape_cast %parallel_loop3A_697 : vector<16x1xi32> to vector<16xi32>
        %parallel_loop3A_699 = tpu.dynamic_gather %parallel_loop3A_621[%parallel_loop3A_698] in [0] : vector<16xi32>, vector<16xi32> -> vector<16xi32>
        %parallel_loop3A_700 = arith.ori %parallel_loop3A_699, %iota3A : vector<16xi32>
        %parallel_loop3A_701 = arith.constant 4 : i32
        %parallel_loop3A_702 = arith.addi %parallel_loop3A_623, %parallel_loop3A_701 : i32
        %parallel_loop3A_703 = arith.constant 1 : i32
        %parallel_loop3A_704 = arith.index_cast %parallel_loop3A_703 : i32 to index
        %parallel_loop3A_705 = arith.index_cast %parallel_loop3A_702 : i32 to index
        %parallel_loop3A_706 = arith.constant 0 : index
        %parallel_loop3A_707 = tpu.vector_load %arg11[%parallel_loop3A_704, %parallel_loop3A_705, %parallel_loop3A_706] {strides = array<i32>} : memref<4x128x16xf32, #tpu.memory_space<vmem>>, vector<16xf32>,
        %parallel_loop3A_708 = arith.mulf %parallel_loop3A_707, %parallel_loop3A_696 : vector<16xf32>
        tpu.vector_store_idx %arg12[%parallel_loop3A_700], %parallel_loop3A_708 {add = true} : memref<65536xf32, #tpu.memory_space<vmem>>[vector<16xi32>], vector<16xf32>,
        %parallel_loop3A_709 = arith.constant 5 : i32
        %parallel_loop3A_710 = vector.broadcast %parallel_loop3A_709 : i32 to vector<16xi32>
        %parallel_loop3A_711 = vector.shape_cast %parallel_loop3A_710 : vector<16xi32> to vector<16x1xi32>
        %parallel_loop3A_712 = vector.shape_cast %parallel_loop3A_711 : vector<16x1xi32> to vector<16xi32>
        %parallel_loop3A_713 = tpu.dynamic_gather %parallel_loop3A_614[%parallel_loop3A_712] in [0] : vector<16xf32>, vector<16xi32> -> vector<16xf32>
        %parallel_loop3A_714 = vector.shape_cast %parallel_loop3A_710 : vector<16xi32> to vector<16x1xi32>
        %parallel_loop3A_715 = vector.shape_cast %parallel_loop3A_714 : vector<16x1xi32> to vector<16xi32>
        %parallel_loop3A_716 = tpu.dynamic_gather %parallel_loop3A_621[%parallel_loop3A_715] in [0] : vector<16xi32>, vector<16xi32> -> vector<16xi32>
        %parallel_loop3A_717 = arith.ori %parallel_loop3A_716, %iota3A : vector<16xi32>
        %parallel_loop3A_718 = arith.constant 5 : i32
        %parallel_loop3A_719 = arith.addi %parallel_loop3A_623, %parallel_loop3A_718 : i32
        %parallel_loop3A_720 = arith.constant 1 : i32
        %parallel_loop3A_721 = arith.index_cast %parallel_loop3A_720 : i32 to index
        %parallel_loop3A_722 = arith.index_cast %parallel_loop3A_719 : i32 to index
        %parallel_loop3A_723 = arith.constant 0 : index
        %parallel_loop3A_724 = tpu.vector_load %arg11[%parallel_loop3A_721, %parallel_loop3A_722, %parallel_loop3A_723] {strides = array<i32>} : memref<4x128x16xf32, #tpu.memory_space<vmem>>, vector<16xf32>,
        %parallel_loop3A_725 = arith.mulf %parallel_loop3A_724, %parallel_loop3A_713 : vector<16xf32>
        tpu.vector_store_idx %arg12[%parallel_loop3A_717], %parallel_loop3A_725 {add = true} : memref<65536xf32, #tpu.memory_space<vmem>>[vector<16xi32>], vector<16xf32>,
        %parallel_loop3A_726 = arith.constant 6 : i32
        %parallel_loop3A_727 = vector.broadcast %parallel_loop3A_726 : i32 to vector<16xi32>
        %parallel_loop3A_728 = vector.shape_cast %parallel_loop3A_727 : vector<16xi32> to vector<16x1xi32>
        %parallel_loop3A_729 = vector.shape_cast %parallel_loop3A_728 : vector<16x1xi32> to vector<16xi32>
        %parallel_loop3A_730 = tpu.dynamic_gather %parallel_loop3A_614[%parallel_loop3A_729] in [0] : vector<16xf32>, vector<16xi32> -> vector<16xf32>
        %parallel_loop3A_731 = vector.shape_cast %parallel_loop3A_727 : vector<16xi32> to vector<16x1xi32>
        %parallel_loop3A_732 = vector.shape_cast %parallel_loop3A_731 : vector<16x1xi32> to vector<16xi32>
        %parallel_loop3A_733 = tpu.dynamic_gather %parallel_loop3A_621[%parallel_loop3A_732] in [0] : vector<16xi32>, vector<16xi32> -> vector<16xi32>
        %parallel_loop3A_734 = arith.ori %parallel_loop3A_733, %iota3A : vector<16xi32>
        %parallel_loop3A_735 = arith.constant 6 : i32
        %parallel_loop3A_736 = arith.addi %parallel_loop3A_623, %parallel_loop3A_735 : i32
        %parallel_loop3A_737 = arith.constant 1 : i32
        %parallel_loop3A_738 = arith.index_cast %parallel_loop3A_737 : i32 to index
        %parallel_loop3A_739 = arith.index_cast %parallel_loop3A_736 : i32 to index
        %parallel_loop3A_740 = arith.constant 0 : index
        %parallel_loop3A_741 = tpu.vector_load %arg11[%parallel_loop3A_738, %parallel_loop3A_739, %parallel_loop3A_740] {strides = array<i32>} : memref<4x128x16xf32, #tpu.memory_space<vmem>>, vector<16xf32>,
        %parallel_loop3A_742 = arith.mulf %parallel_loop3A_741, %parallel_loop3A_730 : vector<16xf32>
        tpu.vector_store_idx %arg12[%parallel_loop3A_734], %parallel_loop3A_742 {add = true} : memref<65536xf32, #tpu.memory_space<vmem>>[vector<16xi32>], vector<16xf32>,
        %parallel_loop3A_743 = arith.constant 7 : i32
        %parallel_loop3A_744 = vector.broadcast %parallel_loop3A_743 : i32 to vector<16xi32>
        %parallel_loop3A_745 = vector.shape_cast %parallel_loop3A_744 : vector<16xi32> to vector<16x1xi32>
        %parallel_loop3A_746 = vector.shape_cast %parallel_loop3A_745 : vector<16x1xi32> to vector<16xi32>
        %parallel_loop3A_747 = tpu.dynamic_gather %parallel_loop3A_614[%parallel_loop3A_746] in [0] : vector<16xf32>, vector<16xi32> -> vector<16xf32>
        %parallel_loop3A_748 = vector.shape_cast %parallel_loop3A_744 : vector<16xi32> to vector<16x1xi32>
        %parallel_loop3A_749 = vector.shape_cast %parallel_loop3A_748 : vector<16x1xi32> to vector<16xi32>
        %parallel_loop3A_750 = tpu.dynamic_gather %parallel_loop3A_621[%parallel_loop3A_749] in [0] : vector<16xi32>, vector<16xi32> -> vector<16xi32>
        %parallel_loop3A_751 = arith.ori %parallel_loop3A_750, %iota3A : vector<16xi32>
        %parallel_loop3A_752 = arith.constant 7 : i32
        %parallel_loop3A_753 = arith.addi %parallel_loop3A_623, %parallel_loop3A_752 : i32
        %parallel_loop3A_754 = arith.constant 1 : i32
        %parallel_loop3A_755 = arith.index_cast %parallel_loop3A_754 : i32 to index
        %parallel_loop3A_756 = arith.index_cast %parallel_loop3A_753 : i32 to index
        %parallel_loop3A_757 = arith.constant 0 : index
        %parallel_loop3A_758 = tpu.vector_load %arg11[%parallel_loop3A_755, %parallel_loop3A_756, %parallel_loop3A_757] {strides = array<i32>} : memref<4x128x16xf32, #tpu.memory_space<vmem>>, vector<16xf32>,
        %parallel_loop3A_759 = arith.mulf %parallel_loop3A_758, %parallel_loop3A_747 : vector<16xf32>
        tpu.vector_store_idx %arg12[%parallel_loop3A_751], %parallel_loop3A_759 {add = true} : memref<65536xf32, #tpu.memory_space<vmem>>[vector<16xi32>], vector<16xf32>,
        %parallel_loop3A_760 = arith.constant 8 : i32
        %parallel_loop3A_761 = vector.broadcast %parallel_loop3A_760 : i32 to vector<16xi32>
        %parallel_loop3A_762 = vector.shape_cast %parallel_loop3A_761 : vector<16xi32> to vector<16x1xi32>
        %parallel_loop3A_763 = vector.shape_cast %parallel_loop3A_762 : vector<16x1xi32> to vector<16xi32>
        %parallel_loop3A_764 = tpu.dynamic_gather %parallel_loop3A_614[%parallel_loop3A_763] in [0] : vector<16xf32>, vector<16xi32> -> vector<16xf32>
        %parallel_loop3A_765 = vector.shape_cast %parallel_loop3A_761 : vector<16xi32> to vector<16x1xi32>
        %parallel_loop3A_766 = vector.shape_cast %parallel_loop3A_765 : vector<16x1xi32> to vector<16xi32>
        %parallel_loop3A_767 = tpu.dynamic_gather %parallel_loop3A_621[%parallel_loop3A_766] in [0] : vector<16xi32>, vector<16xi32> -> vector<16xi32>
        %parallel_loop3A_768 = arith.ori %parallel_loop3A_767, %iota3A : vector<16xi32>
        %parallel_loop3A_769 = arith.constant 8 : i32
        %parallel_loop3A_770 = arith.addi %parallel_loop3A_623, %parallel_loop3A_769 : i32
        %parallel_loop3A_771 = arith.constant 1 : i32
        %parallel_loop3A_772 = arith.index_cast %parallel_loop3A_771 : i32 to index
        %parallel_loop3A_773 = arith.index_cast %parallel_loop3A_770 : i32 to index
        %parallel_loop3A_774 = arith.constant 0 : index
        %parallel_loop3A_775 = tpu.vector_load %arg11[%parallel_loop3A_772, %parallel_loop3A_773, %parallel_loop3A_774] {strides = array<i32>} : memref<4x128x16xf32, #tpu.memory_space<vmem>>, vector<16xf32>,
        %parallel_loop3A_776 = arith.mulf %parallel_loop3A_775, %parallel_loop3A_764 : vector<16xf32>
        tpu.vector_store_idx %arg12[%parallel_loop3A_768], %parallel_loop3A_776 {add = true} : memref<65536xf32, #tpu.memory_space<vmem>>[vector<16xi32>], vector<16xf32>,
        %parallel_loop3A_777 = arith.constant 9 : i32
        %parallel_loop3A_778 = vector.broadcast %parallel_loop3A_777 : i32 to vector<16xi32>
        %parallel_loop3A_779 = vector.shape_cast %parallel_loop3A_778 : vector<16xi32> to vector<16x1xi32>
        %parallel_loop3A_780 = vector.shape_cast %parallel_loop3A_779 : vector<16x1xi32> to vector<16xi32>
        %parallel_loop3A_781 = tpu.dynamic_gather %parallel_loop3A_614[%parallel_loop3A_780] in [0] : vector<16xf32>, vector<16xi32> -> vector<16xf32>
        %parallel_loop3A_782 = vector.shape_cast %parallel_loop3A_778 : vector<16xi32> to vector<16x1xi32>
        %parallel_loop3A_783 = vector.shape_cast %parallel_loop3A_782 : vector<16x1xi32> to vector<16xi32>
        %parallel_loop3A_784 = tpu.dynamic_gather %parallel_loop3A_621[%parallel_loop3A_783] in [0] : vector<16xi32>, vector<16xi32> -> vector<16xi32>
        %parallel_loop3A_785 = arith.ori %parallel_loop3A_784, %iota3A : vector<16xi32>
        %parallel_loop3A_786 = arith.constant 9 : i32
        %parallel_loop3A_787 = arith.addi %parallel_loop3A_623, %parallel_loop3A_786 : i32
        %parallel_loop3A_788 = arith.constant 1 : i32
        %parallel_loop3A_789 = arith.index_cast %parallel_loop3A_788 : i32 to index
        %parallel_loop3A_790 = arith.index_cast %parallel_loop3A_787 : i32 to index
        %parallel_loop3A_791 = arith.constant 0 : index
        %parallel_loop3A_792 = tpu.vector_load %arg11[%parallel_loop3A_789, %parallel_loop3A_790, %parallel_loop3A_791] {strides = array<i32>} : memref<4x128x16xf32, #tpu.memory_space<vmem>>, vector<16xf32>,
        %parallel_loop3A_793 = arith.mulf %parallel_loop3A_792, %parallel_loop3A_781 : vector<16xf32>
        tpu.vector_store_idx %arg12[%parallel_loop3A_785], %parallel_loop3A_793 {add = true} : memref<65536xf32, #tpu.memory_space<vmem>>[vector<16xi32>], vector<16xf32>,
        %parallel_loop3A_794 = arith.constant 10 : i32
        %parallel_loop3A_795 = vector.broadcast %parallel_loop3A_794 : i32 to vector<16xi32>
        %parallel_loop3A_796 = vector.shape_cast %parallel_loop3A_795 : vector<16xi32> to vector<16x1xi32>
        %parallel_loop3A_797 = vector.shape_cast %parallel_loop3A_796 : vector<16x1xi32> to vector<16xi32>
        %parallel_loop3A_798 = tpu.dynamic_gather %parallel_loop3A_614[%parallel_loop3A_797] in [0] : vector<16xf32>, vector<16xi32> -> vector<16xf32>
        %parallel_loop3A_799 = vector.shape_cast %parallel_loop3A_795 : vector<16xi32> to vector<16x1xi32>
        %parallel_loop3A_800 = vector.shape_cast %parallel_loop3A_799 : vector<16x1xi32> to vector<16xi32>
        %parallel_loop3A_801 = tpu.dynamic_gather %parallel_loop3A_621[%parallel_loop3A_800] in [0] : vector<16xi32>, vector<16xi32> -> vector<16xi32>
        %parallel_loop3A_802 = arith.ori %parallel_loop3A_801, %iota3A : vector<16xi32>
        %parallel_loop3A_803 = arith.constant 10 : i32
        %parallel_loop3A_804 = arith.addi %parallel_loop3A_623, %parallel_loop3A_803 : i32
        %parallel_loop3A_805 = arith.constant 1 : i32
        %parallel_loop3A_806 = arith.index_cast %parallel_loop3A_805 : i32 to index
        %parallel_loop3A_807 = arith.index_cast %parallel_loop3A_804 : i32 to index
        %parallel_loop3A_808 = arith.constant 0 : index
        %parallel_loop3A_809 = tpu.vector_load %arg11[%parallel_loop3A_806, %parallel_loop3A_807, %parallel_loop3A_808] {strides = array<i32>} : memref<4x128x16xf32, #tpu.memory_space<vmem>>, vector<16xf32>,
        %parallel_loop3A_810 = arith.mulf %parallel_loop3A_809, %parallel_loop3A_798 : vector<16xf32>
        tpu.vector_store_idx %arg12[%parallel_loop3A_802], %parallel_loop3A_810 {add = true} : memref<65536xf32, #tpu.memory_space<vmem>>[vector<16xi32>], vector<16xf32>,
        %parallel_loop3A_811 = arith.constant 11 : i32
        %parallel_loop3A_812 = vector.broadcast %parallel_loop3A_811 : i32 to vector<16xi32>
        %parallel_loop3A_813 = vector.shape_cast %parallel_loop3A_812 : vector<16xi32> to vector<16x1xi32>
        %parallel_loop3A_814 = vector.shape_cast %parallel_loop3A_813 : vector<16x1xi32> to vector<16xi32>
        %parallel_loop3A_815 = tpu.dynamic_gather %parallel_loop3A_614[%parallel_loop3A_814] in [0] : vector<16xf32>, vector<16xi32> -> vector<16xf32>
        %parallel_loop3A_816 = vector.shape_cast %parallel_loop3A_812 : vector<16xi32> to vector<16x1xi32>
        %parallel_loop3A_817 = vector.shape_cast %parallel_loop3A_816 : vector<16x1xi32> to vector<16xi32>
        %parallel_loop3A_818 = tpu.dynamic_gather %parallel_loop3A_621[%parallel_loop3A_817] in [0] : vector<16xi32>, vector<16xi32> -> vector<16xi32>
        %parallel_loop3A_819 = arith.ori %parallel_loop3A_818, %iota3A : vector<16xi32>
        %parallel_loop3A_820 = arith.constant 11 : i32
        %parallel_loop3A_821 = arith.addi %parallel_loop3A_623, %parallel_loop3A_820 : i32
        %parallel_loop3A_822 = arith.constant 1 : i32
        %parallel_loop3A_823 = arith.index_cast %parallel_loop3A_822 : i32 to index
        %parallel_loop3A_824 = arith.index_cast %parallel_loop3A_821 : i32 to index
        %parallel_loop3A_825 = arith.constant 0 : index
        %parallel_loop3A_826 = tpu.vector_load %arg11[%parallel_loop3A_823, %parallel_loop3A_824, %parallel_loop3A_825] {strides = array<i32>} : memref<4x128x16xf32, #tpu.memory_space<vmem>>, vector<16xf32>,
        %parallel_loop3A_827 = arith.mulf %parallel_loop3A_826, %parallel_loop3A_815 : vector<16xf32>
        tpu.vector_store_idx %arg12[%parallel_loop3A_819], %parallel_loop3A_827 {add = true} : memref<65536xf32, #tpu.memory_space<vmem>>[vector<16xi32>], vector<16xf32>,
        %parallel_loop3A_828 = arith.constant 12 : i32
        %parallel_loop3A_829 = vector.broadcast %parallel_loop3A_828 : i32 to vector<16xi32>
        %parallel_loop3A_830 = vector.shape_cast %parallel_loop3A_829 : vector<16xi32> to vector<16x1xi32>
        %parallel_loop3A_831 = vector.shape_cast %parallel_loop3A_830 : vector<16x1xi32> to vector<16xi32>
        %parallel_loop3A_832 = tpu.dynamic_gather %parallel_loop3A_614[%parallel_loop3A_831] in [0] : vector<16xf32>, vector<16xi32> -> vector<16xf32>
        %parallel_loop3A_833 = vector.shape_cast %parallel_loop3A_829 : vector<16xi32> to vector<16x1xi32>
        %parallel_loop3A_834 = vector.shape_cast %parallel_loop3A_833 : vector<16x1xi32> to vector<16xi32>
        %parallel_loop3A_835 = tpu.dynamic_gather %parallel_loop3A_621[%parallel_loop3A_834] in [0] : vector<16xi32>, vector<16xi32> -> vector<16xi32>
        %parallel_loop3A_836 = arith.ori %parallel_loop3A_835, %iota3A : vector<16xi32>
        %parallel_loop3A_837 = arith.constant 12 : i32
        %parallel_loop3A_838 = arith.addi %parallel_loop3A_623, %parallel_loop3A_837 : i32
        %parallel_loop3A_839 = arith.constant 1 : i32
        %parallel_loop3A_840 = arith.index_cast %parallel_loop3A_839 : i32 to index
        %parallel_loop3A_841 = arith.index_cast %parallel_loop3A_838 : i32 to index
        %parallel_loop3A_842 = arith.constant 0 : index
        %parallel_loop3A_843 = tpu.vector_load %arg11[%parallel_loop3A_840, %parallel_loop3A_841, %parallel_loop3A_842] {strides = array<i32>} : memref<4x128x16xf32, #tpu.memory_space<vmem>>, vector<16xf32>,
        %parallel_loop3A_844 = arith.mulf %parallel_loop3A_843, %parallel_loop3A_832 : vector<16xf32>
        tpu.vector_store_idx %arg12[%parallel_loop3A_836], %parallel_loop3A_844 {add = true} : memref<65536xf32, #tpu.memory_space<vmem>>[vector<16xi32>], vector<16xf32>,
        %parallel_loop3A_845 = arith.constant 13 : i32
        %parallel_loop3A_846 = vector.broadcast %parallel_loop3A_845 : i32 to vector<16xi32>
        %parallel_loop3A_847 = vector.shape_cast %parallel_loop3A_846 : vector<16xi32> to vector<16x1xi32>
        %parallel_loop3A_848 = vector.shape_cast %parallel_loop3A_847 : vector<16x1xi32> to vector<16xi32>
        %parallel_loop3A_849 = tpu.dynamic_gather %parallel_loop3A_614[%parallel_loop3A_848] in [0] : vector<16xf32>, vector<16xi32> -> vector<16xf32>
        %parallel_loop3A_850 = vector.shape_cast %parallel_loop3A_846 : vector<16xi32> to vector<16x1xi32>
        %parallel_loop3A_851 = vector.shape_cast %parallel_loop3A_850 : vector<16x1xi32> to vector<16xi32>
        %parallel_loop3A_852 = tpu.dynamic_gather %parallel_loop3A_621[%parallel_loop3A_851] in [0] : vector<16xi32>, vector<16xi32> -> vector<16xi32>
        %parallel_loop3A_853 = arith.ori %parallel_loop3A_852, %iota3A : vector<16xi32>
        %parallel_loop3A_854 = arith.constant 13 : i32
        %parallel_loop3A_855 = arith.addi %parallel_loop3A_623, %parallel_loop3A_854 : i32
        %parallel_loop3A_856 = arith.constant 1 : i32
        %parallel_loop3A_857 = arith.index_cast %parallel_loop3A_856 : i32 to index
        %parallel_loop3A_858 = arith.index_cast %parallel_loop3A_855 : i32 to index
        %parallel_loop3A_859 = arith.constant 0 : index
        %parallel_loop3A_860 = tpu.vector_load %arg11[%parallel_loop3A_857, %parallel_loop3A_858, %parallel_loop3A_859] {strides = array<i32>} : memref<4x128x16xf32, #tpu.memory_space<vmem>>, vector<16xf32>,
        %parallel_loop3A_861 = arith.mulf %parallel_loop3A_860, %parallel_loop3A_849 : vector<16xf32>
        tpu.vector_store_idx %arg12[%parallel_loop3A_853], %parallel_loop3A_861 {add = true} : memref<65536xf32, #tpu.memory_space<vmem>>[vector<16xi32>], vector<16xf32>,
        %parallel_loop3A_862 = arith.constant 14 : i32
        %parallel_loop3A_863 = vector.broadcast %parallel_loop3A_862 : i32 to vector<16xi32>
        %parallel_loop3A_864 = vector.shape_cast %parallel_loop3A_863 : vector<16xi32> to vector<16x1xi32>
        %parallel_loop3A_865 = vector.shape_cast %parallel_loop3A_864 : vector<16x1xi32> to vector<16xi32>
        %parallel_loop3A_866 = tpu.dynamic_gather %parallel_loop3A_614[%parallel_loop3A_865] in [0] : vector<16xf32>, vector<16xi32> -> vector<16xf32>
        %parallel_loop3A_867 = vector.shape_cast %parallel_loop3A_863 : vector<16xi32> to vector<16x1xi32>
        %parallel_loop3A_868 = vector.shape_cast %parallel_loop3A_867 : vector<16x1xi32> to vector<16xi32>
        %parallel_loop3A_869 = tpu.dynamic_gather %parallel_loop3A_621[%parallel_loop3A_868] in [0] : vector<16xi32>, vector<16xi32> -> vector<16xi32>
        %parallel_loop3A_870 = arith.ori %parallel_loop3A_869, %iota3A : vector<16xi32>
        %parallel_loop3A_871 = arith.constant 14 : i32
        %parallel_loop3A_872 = arith.addi %parallel_loop3A_623, %parallel_loop3A_871 : i32
        %parallel_loop3A_873 = arith.constant 1 : i32
        %parallel_loop3A_874 = arith.index_cast %parallel_loop3A_873 : i32 to index
        %parallel_loop3A_875 = arith.index_cast %parallel_loop3A_872 : i32 to index
        %parallel_loop3A_876 = arith.constant 0 : index
        %parallel_loop3A_877 = tpu.vector_load %arg11[%parallel_loop3A_874, %parallel_loop3A_875, %parallel_loop3A_876] {strides = array<i32>} : memref<4x128x16xf32, #tpu.memory_space<vmem>>, vector<16xf32>,
        %parallel_loop3A_878 = arith.mulf %parallel_loop3A_877, %parallel_loop3A_866 : vector<16xf32>
        tpu.vector_store_idx %arg12[%parallel_loop3A_870], %parallel_loop3A_878 {add = true} : memref<65536xf32, #tpu.memory_space<vmem>>[vector<16xi32>], vector<16xf32>,
        %parallel_loop3A_879 = arith.constant 15 : i32
        %parallel_loop3A_880 = vector.broadcast %parallel_loop3A_879 : i32 to vector<16xi32>
        %parallel_loop3A_881 = vector.shape_cast %parallel_loop3A_880 : vector<16xi32> to vector<16x1xi32>
        %parallel_loop3A_882 = vector.shape_cast %parallel_loop3A_881 : vector<16x1xi32> to vector<16xi32>
        %parallel_loop3A_883 = tpu.dynamic_gather %parallel_loop3A_614[%parallel_loop3A_882] in [0] : vector<16xf32>, vector<16xi32> -> vector<16xf32>
        %parallel_loop3A_884 = vector.shape_cast %parallel_loop3A_880 : vector<16xi32> to vector<16x1xi32>
        %parallel_loop3A_885 = vector.shape_cast %parallel_loop3A_884 : vector<16x1xi32> to vector<16xi32>
        %parallel_loop3A_886 = tpu.dynamic_gather %parallel_loop3A_621[%parallel_loop3A_885] in [0] : vector<16xi32>, vector<16xi32> -> vector<16xi32>
        %parallel_loop3A_887 = arith.ori %parallel_loop3A_886, %iota3A : vector<16xi32>
        %parallel_loop3A_888 = arith.constant 15 : i32
        %parallel_loop3A_889 = arith.addi %parallel_loop3A_623, %parallel_loop3A_888 : i32
        %parallel_loop3A_890 = arith.constant 1 : i32
        %parallel_loop3A_891 = arith.index_cast %parallel_loop3A_890 : i32 to index
        %parallel_loop3A_892 = arith.index_cast %parallel_loop3A_889 : i32 to index
        %parallel_loop3A_893 = arith.constant 0 : index
        %parallel_loop3A_894 = tpu.vector_load %arg11[%parallel_loop3A_891, %parallel_loop3A_892, %parallel_loop3A_893] {strides = array<i32>} : memref<4x128x16xf32, #tpu.memory_space<vmem>>, vector<16xf32>,
        %parallel_loop3A_895 = arith.mulf %parallel_loop3A_894, %parallel_loop3A_883 : vector<16xf32>
        tpu.vector_store_idx %arg12[%parallel_loop3A_887], %parallel_loop3A_895 {add = true} : memref<65536xf32, #tpu.memory_space<vmem>>[vector<16xi32>], vector<16xf32>,
      } {sc.loop_unroll_factor = 4 : i64, sc.parallel_access}
      %parallel_loop3A_319 = arith.constant 0 : i32
      %parallel_loop3A_320 = arith.constant 128 : i32
      %parallel_loop3A_321 = arith.constant 16 : i32
      scf.for %parallel_loop3A_606 = %parallel_loop3A_319 to %parallel_loop3A_320 step %parallel_loop3A_321  : i32 {
        %parallel_loop3A_607 = arith.constant 128 : i32
        %parallel_loop3A_608 = arith.addi %parallel_loop3A_607, %parallel_loop3A_606 : i32
        %parallel_loop3A_609 = arith.constant 1 : i32
        %parallel_loop3A_610 = arith.index_cast %parallel_loop3A_609 : i32 to index
        %parallel_loop3A_611 = arith.index_cast %parallel_loop3A_608 : i32 to index
        %parallel_loop3A_612 = tpu.vector_load %arg7[%parallel_loop3A_610, %parallel_loop3A_611] {strides = array<i32>} : memref<2x512xi32, #tpu.memory_space<vmem>>, vector<16xi32>,
        %parallel_loop3A_613 = arith.constant 4 : i32
        %parallel_loop3A_614 = vector.broadcast %parallel_loop3A_613 : i32 to vector<16xi32>
        %parallel_loop3A_615 = arith.shli %parallel_loop3A_612, %parallel_loop3A_614 : vector<16xi32>
        %parallel_loop3A_616 = vector.broadcast %arg1 : i32 to vector<16xi32>
        %parallel_loop3A_617 = arith.addi %parallel_loop3A_615, %parallel_loop3A_616 : vector<16xi32>
        %parallel_loop3A_618 = arith.constant 1 : i32
        %parallel_loop3A_619 = arith.index_cast %parallel_loop3A_618 : i32 to index
        %parallel_loop3A_620 = arith.index_cast %parallel_loop3A_606 : i32 to index
        %parallel_loop3A_621 = tpu.vector_load %arg10[%parallel_loop3A_619, %parallel_loop3A_620] {strides = array<i32>} : memref<4x128xi32, #tpu.memory_space<vmem>>, vector<16xi32>,
        tpu.vector_store %arg10[%parallel_loop3A_619, %parallel_loop3A_620], %parallel_loop3A_617 {strides = array<i32>} : memref<4x128xi32, #tpu.memory_space<vmem>>, vector<16xi32>,
      } {sc.loop_unroll_factor = 2 : i64, sc.parallel_access}
      %dma_start3A_322 = arith.constant 1 : i32
      %dma_start3A_323 = arith.constant 1 : i32
      %dma_start3A_324 = arith.constant 0 : i32
      %dma_start3A_325 = arith.constant 0 : i32
      %dma_start3A_326 = tpu.memref_slice %arg11[%dma_start3A_323, %dma_start3A_324, %dma_start3A_325] : memref<4x128x16xf32, #tpu.memory_space<vmem>> -> memref<1x128x16xf32, #tpu.memory_space<vmem>>
      %dma_start3A_327 = tpu.memref_squeeze %dma_start3A_326 : memref<1x128x16xf32, #tpu.memory_space<vmem>> -> memref<128x16xf32, #tpu.memory_space<vmem>>
      %dma_start3A_328 = arith.constant 0 : i32
      %dma_start3A_329 = tpu.memref_slice %arg10[%dma_start3A_322, %dma_start3A_328] : memref<4x128xi32, #tpu.memory_space<vmem>> -> memref<1x128xi32, #tpu.memory_space<vmem>>
      %dma_start3A_330 = tpu.memref_squeeze %dma_start3A_329 : memref<1x128xi32, #tpu.memory_space<vmem>> -> memref<128xi32, #tpu.memory_space<vmem>>
      %dma_start3A_331 = arith.constant 0 : i32
      %dma_start3A_332 = arith.constant 0 : i32
      %dma_start3A_333 = tpu.memref_slice %arg2[%dma_start3A_331, %dma_start3A_332] : memref<65536x16xf32, #tpu.memory_space<hbm>> -> memref<65536x16xf32, #tpu.memory_space<hbm>>
      tpu.enqueue_indirect_dma source(%dma_start3A_333 : memref<65536x16xf32, #tpu.memory_space<hbm>>) target(%dma_start3A_327 : memref<128x16xf32, #tpu.memory_space<vmem>>) offsets(%dma_start3A_330 : memref<128xi32, #tpu.memory_space<vmem>>) semaphore(%arg16 : memref<!tpu.dma_semaphore, #tpu.memory_space<semaphore_mem>>)
      %dma_wait3A_334 = arith.constant 2 : i32
      %dma_wait3A_335 = arith.constant 2 : i32
      %dma_wait3A_336 = arith.constant 0 : i32
      %dma_wait3A_337 = arith.constant 0 : i32
      %dma_wait3A_338 = tpu.memref_slice %arg11[%dma_wait3A_335, %dma_wait3A_336, %dma_wait3A_337] : memref<4x128x16xf32, #tpu.memory_space<vmem>> -> memref<1x128x16xf32, #tpu.memory_space<vmem>>
      %dma_wait3A_339 = tpu.memref_squeeze %dma_wait3A_338 : memref<1x128x16xf32, #tpu.memory_space<vmem>> -> memref<128x16xf32, #tpu.memory_space<vmem>>
      %dma_wait3A_340 = arith.constant 0 : i32
      %dma_wait3A_341 = tpu.memref_slice %arg10[%dma_wait3A_334, %dma_wait3A_340] : memref<4x128xi32, #tpu.memory_space<vmem>> -> memref<1x128xi32, #tpu.memory_space<vmem>>
      %dma_wait3A_342 = tpu.memref_squeeze %dma_wait3A_341 : memref<1x128xi32, #tpu.memory_space<vmem>> -> memref<128xi32, #tpu.memory_space<vmem>>
      %dma_wait3A_343 = arith.constant 0 : i32
      %dma_wait3A_344 = arith.constant 0 : i32
      %dma_wait3A_345 = tpu.memref_slice %arg2[%dma_wait3A_343, %dma_wait3A_344] : memref<65536x16xf32, #tpu.memory_space<hbm>> -> memref<65536x16xf32, #tpu.memory_space<hbm>>
      tpu.wait_indirect_dma semaphore(%arg17 : memref<!tpu.dma_semaphore, #tpu.memory_space<semaphore_mem>>) src(%dma_wait3A_345 : memref<65536x16xf32, #tpu.memory_space<hbm>>) dst(%dma_wait3A_339 : memref<128x16xf32, #tpu.memory_space<vmem>>)
      %parallel_loop3A_346 = arith.constant 0 : i32
      %parallel_loop3A_347 = arith.constant 8 : i32
      %parallel_loop3A_348 = arith.constant 1 : i32
      scf.for %parallel_loop3A_606 = %parallel_loop3A_346 to %parallel_loop3A_347 step %parallel_loop3A_348  : i32 {
        %parallel_loop3A_607 = arith.constant 16 : i32
        %parallel_loop3A_608 = arith.muli %parallel_loop3A_606, %parallel_loop3A_607 : i32
        %parallel_loop3A_609 = arith.constant 256 : i32
        %parallel_loop3A_610 = arith.addi %parallel_loop3A_609, %parallel_loop3A_608 : i32
        %parallel_loop3A_611 = arith.constant 0 : i32
        %parallel_loop3A_612 = arith.index_cast %parallel_loop3A_611 : i32 to index
        %parallel_loop3A_613 = arith.index_cast %parallel_loop3A_610 : i32 to index
        %parallel_loop3A_614 = tpu.vector_load %arg9[%parallel_loop3A_612, %parallel_loop3A_613] {strides = array<i32>} : memref<2x512xf32, #tpu.memory_space<vmem>>, vector<16xf32>,
        %parallel_loop3A_615 = arith.constant 0 : i32
        %parallel_loop3A_616 = arith.index_cast %parallel_loop3A_615 : i32 to index
        %parallel_loop3A_617 = arith.index_cast %parallel_loop3A_610 : i32 to index
        %parallel_loop3A_618 = tpu.vector_load %arg8[%parallel_loop3A_616, %parallel_loop3A_617] {strides = array<i32>} : memref<2x512xi32, #tpu.memory_space<vmem>>, vector<16xi32>,
        %parallel_loop3A_619 = arith.constant 4 : i32
        %parallel_loop3A_620 = vector.broadcast %parallel_loop3A_619 : i32 to vector<16xi32>
        %parallel_loop3A_621 = arith.shli %parallel_loop3A_618, %parallel_loop3A_620 : vector<16xi32>
        %parallel_loop3A_622 = arith.constant 16 : i32
        %parallel_loop3A_623 = arith.muli %parallel_loop3A_606, %parallel_loop3A_622 : i32
        %parallel_loop3A_624 = arith.constant 0 : i32
        %parallel_loop3A_625 = vector.broadcast %parallel_loop3A_624 : i32 to vector<16xi32>
        %parallel_loop3A_626 = vector.shape_cast %parallel_loop3A_625 : vector<16xi32> to vector<16x1xi32>
        %parallel_loop3A_627 = vector.shape_cast %parallel_loop3A_626 : vector<16x1xi32> to vector<16xi32>
        %parallel_loop3A_628 = tpu.dynamic_gather %parallel_loop3A_614[%parallel_loop3A_627] in [0] : vector<16xf32>, vector<16xi32> -> vector<16xf32>
        %parallel_loop3A_629 = vector.shape_cast %parallel_loop3A_625 : vector<16xi32> to vector<16x1xi32>
        %parallel_loop3A_630 = vector.shape_cast %parallel_loop3A_629 : vector<16x1xi32> to vector<16xi32>
        %parallel_loop3A_631 = tpu.dynamic_gather %parallel_loop3A_621[%parallel_loop3A_630] in [0] : vector<16xi32>, vector<16xi32> -> vector<16xi32>
        %parallel_loop3A_632 = arith.ori %parallel_loop3A_631, %iota3A : vector<16xi32>
        %parallel_loop3A_633 = arith.constant 0 : i32
        %parallel_loop3A_634 = arith.addi %parallel_loop3A_623, %parallel_loop3A_633 : i32
        %parallel_loop3A_635 = arith.constant 2 : i32
        %parallel_loop3A_636 = arith.index_cast %parallel_loop3A_635 : i32 to index
        %parallel_loop3A_637 = arith.index_cast %parallel_loop3A_634 : i32 to index
        %parallel_loop3A_638 = arith.constant 0 : index
        %parallel_loop3A_639 = tpu.vector_load %arg11[%parallel_loop3A_636, %parallel_loop3A_637, %parallel_loop3A_638] {strides = array<i32>} : memref<4x128x16xf32, #tpu.memory_space<vmem>>, vector<16xf32>,
        %parallel_loop3A_640 = arith.mulf %parallel_loop3A_639, %parallel_loop3A_628 : vector<16xf32>
        tpu.vector_store_idx %arg12[%parallel_loop3A_632], %parallel_loop3A_640 {add = true} : memref<65536xf32, #tpu.memory_space<vmem>>[vector<16xi32>], vector<16xf32>,
        %parallel_loop3A_641 = arith.constant 1 : i32
        %parallel_loop3A_642 = vector.broadcast %parallel_loop3A_641 : i32 to vector<16xi32>
        %parallel_loop3A_643 = vector.shape_cast %parallel_loop3A_642 : vector<16xi32> to vector<16x1xi32>
        %parallel_loop3A_644 = vector.shape_cast %parallel_loop3A_643 : vector<16x1xi32> to vector<16xi32>
        %parallel_loop3A_645 = tpu.dynamic_gather %parallel_loop3A_614[%parallel_loop3A_644] in [0] : vector<16xf32>, vector<16xi32> -> vector<16xf32>
        %parallel_loop3A_646 = vector.shape_cast %parallel_loop3A_642 : vector<16xi32> to vector<16x1xi32>
        %parallel_loop3A_647 = vector.shape_cast %parallel_loop3A_646 : vector<16x1xi32> to vector<16xi32>
        %parallel_loop3A_648 = tpu.dynamic_gather %parallel_loop3A_621[%parallel_loop3A_647] in [0] : vector<16xi32>, vector<16xi32> -> vector<16xi32>
        %parallel_loop3A_649 = arith.ori %parallel_loop3A_648, %iota3A : vector<16xi32>
        %parallel_loop3A_650 = arith.constant 1 : i32
        %parallel_loop3A_651 = arith.addi %parallel_loop3A_623, %parallel_loop3A_650 : i32
        %parallel_loop3A_652 = arith.constant 2 : i32
        %parallel_loop3A_653 = arith.index_cast %parallel_loop3A_652 : i32 to index
        %parallel_loop3A_654 = arith.index_cast %parallel_loop3A_651 : i32 to index
        %parallel_loop3A_655 = arith.constant 0 : index
        %parallel_loop3A_656 = tpu.vector_load %arg11[%parallel_loop3A_653, %parallel_loop3A_654, %parallel_loop3A_655] {strides = array<i32>} : memref<4x128x16xf32, #tpu.memory_space<vmem>>, vector<16xf32>,
        %parallel_loop3A_657 = arith.mulf %parallel_loop3A_656, %parallel_loop3A_645 : vector<16xf32>
        tpu.vector_store_idx %arg12[%parallel_loop3A_649], %parallel_loop3A_657 {add = true} : memref<65536xf32, #tpu.memory_space<vmem>>[vector<16xi32>], vector<16xf32>,
        %parallel_loop3A_658 = arith.constant 2 : i32
        %parallel_loop3A_659 = vector.broadcast %parallel_loop3A_658 : i32 to vector<16xi32>
        %parallel_loop3A_660 = vector.shape_cast %parallel_loop3A_659 : vector<16xi32> to vector<16x1xi32>
        %parallel_loop3A_661 = vector.shape_cast %parallel_loop3A_660 : vector<16x1xi32> to vector<16xi32>
        %parallel_loop3A_662 = tpu.dynamic_gather %parallel_loop3A_614[%parallel_loop3A_661] in [0] : vector<16xf32>, vector<16xi32> -> vector<16xf32>
        %parallel_loop3A_663 = vector.shape_cast %parallel_loop3A_659 : vector<16xi32> to vector<16x1xi32>
        %parallel_loop3A_664 = vector.shape_cast %parallel_loop3A_663 : vector<16x1xi32> to vector<16xi32>
        %parallel_loop3A_665 = tpu.dynamic_gather %parallel_loop3A_621[%parallel_loop3A_664] in [0] : vector<16xi32>, vector<16xi32> -> vector<16xi32>
        %parallel_loop3A_666 = arith.ori %parallel_loop3A_665, %iota3A : vector<16xi32>
        %parallel_loop3A_667 = arith.constant 2 : i32
        %parallel_loop3A_668 = arith.addi %parallel_loop3A_623, %parallel_loop3A_667 : i32
        %parallel_loop3A_669 = arith.constant 2 : i32
        %parallel_loop3A_670 = arith.index_cast %parallel_loop3A_669 : i32 to index
        %parallel_loop3A_671 = arith.index_cast %parallel_loop3A_668 : i32 to index
        %parallel_loop3A_672 = arith.constant 0 : index
        %parallel_loop3A_673 = tpu.vector_load %arg11[%parallel_loop3A_670, %parallel_loop3A_671, %parallel_loop3A_672] {strides = array<i32>} : memref<4x128x16xf32, #tpu.memory_space<vmem>>, vector<16xf32>,
        %parallel_loop3A_674 = arith.mulf %parallel_loop3A_673, %parallel_loop3A_662 : vector<16xf32>
        tpu.vector_store_idx %arg12[%parallel_loop3A_666], %parallel_loop3A_674 {add = true} : memref<65536xf32, #tpu.memory_space<vmem>>[vector<16xi32>], vector<16xf32>,
        %parallel_loop3A_675 = arith.constant 3 : i32
        %parallel_loop3A_676 = vector.broadcast %parallel_loop3A_675 : i32 to vector<16xi32>
        %parallel_loop3A_677 = vector.shape_cast %parallel_loop3A_676 : vector<16xi32> to vector<16x1xi32>
        %parallel_loop3A_678 = vector.shape_cast %parallel_loop3A_677 : vector<16x1xi32> to vector<16xi32>
        %parallel_loop3A_679 = tpu.dynamic_gather %parallel_loop3A_614[%parallel_loop3A_678] in [0] : vector<16xf32>, vector<16xi32> -> vector<16xf32>
        %parallel_loop3A_680 = vector.shape_cast %parallel_loop3A_676 : vector<16xi32> to vector<16x1xi32>
        %parallel_loop3A_681 = vector.shape_cast %parallel_loop3A_680 : vector<16x1xi32> to vector<16xi32>
        %parallel_loop3A_682 = tpu.dynamic_gather %parallel_loop3A_621[%parallel_loop3A_681] in [0] : vector<16xi32>, vector<16xi32> -> vector<16xi32>
        %parallel_loop3A_683 = arith.ori %parallel_loop3A_682, %iota3A : vector<16xi32>
        %parallel_loop3A_684 = arith.constant 3 : i32
        %parallel_loop3A_685 = arith.addi %parallel_loop3A_623, %parallel_loop3A_684 : i32
        %parallel_loop3A_686 = arith.constant 2 : i32
        %parallel_loop3A_687 = arith.index_cast %parallel_loop3A_686 : i32 to index
        %parallel_loop3A_688 = arith.index_cast %parallel_loop3A_685 : i32 to index
        %parallel_loop3A_689 = arith.constant 0 : index
        %parallel_loop3A_690 = tpu.vector_load %arg11[%parallel_loop3A_687, %parallel_loop3A_688, %parallel_loop3A_689] {strides = array<i32>} : memref<4x128x16xf32, #tpu.memory_space<vmem>>, vector<16xf32>,
        %parallel_loop3A_691 = arith.mulf %parallel_loop3A_690, %parallel_loop3A_679 : vector<16xf32>
        tpu.vector_store_idx %arg12[%parallel_loop3A_683], %parallel_loop3A_691 {add = true} : memref<65536xf32, #tpu.memory_space<vmem>>[vector<16xi32>], vector<16xf32>,
        %parallel_loop3A_692 = arith.constant 4 : i32
        %parallel_loop3A_693 = vector.broadcast %parallel_loop3A_692 : i32 to vector<16xi32>
        %parallel_loop3A_694 = vector.shape_cast %parallel_loop3A_693 : vector<16xi32> to vector<16x1xi32>
        %parallel_loop3A_695 = vector.shape_cast %parallel_loop3A_694 : vector<16x1xi32> to vector<16xi32>
        %parallel_loop3A_696 = tpu.dynamic_gather %parallel_loop3A_614[%parallel_loop3A_695] in [0] : vector<16xf32>, vector<16xi32> -> vector<16xf32>
        %parallel_loop3A_697 = vector.shape_cast %parallel_loop3A_693 : vector<16xi32> to vector<16x1xi32>
        %parallel_loop3A_698 = vector.shape_cast %parallel_loop3A_697 : vector<16x1xi32> to vector<16xi32>
        %parallel_loop3A_699 = tpu.dynamic_gather %parallel_loop3A_621[%parallel_loop3A_698] in [0] : vector<16xi32>, vector<16xi32> -> vector<16xi32>
        %parallel_loop3A_700 = arith.ori %parallel_loop3A_699, %iota3A : vector<16xi32>
        %parallel_loop3A_701 = arith.constant 4 : i32
        %parallel_loop3A_702 = arith.addi %parallel_loop3A_623, %parallel_loop3A_701 : i32
        %parallel_loop3A_703 = arith.constant 2 : i32
        %parallel_loop3A_704 = arith.index_cast %parallel_loop3A_703 : i32 to index
        %parallel_loop3A_705 = arith.index_cast %parallel_loop3A_702 : i32 to index
        %parallel_loop3A_706 = arith.constant 0 : index
        %parallel_loop3A_707 = tpu.vector_load %arg11[%parallel_loop3A_704, %parallel_loop3A_705, %parallel_loop3A_706] {strides = array<i32>} : memref<4x128x16xf32, #tpu.memory_space<vmem>>, vector<16xf32>,
        %parallel_loop3A_708 = arith.mulf %parallel_loop3A_707, %parallel_loop3A_696 : vector<16xf32>
        tpu.vector_store_idx %arg12[%parallel_loop3A_700], %parallel_loop3A_708 {add = true} : memref<65536xf32, #tpu.memory_space<vmem>>[vector<16xi32>], vector<16xf32>,
        %parallel_loop3A_709 = arith.constant 5 : i32
        %parallel_loop3A_710 = vector.broadcast %parallel_loop3A_709 : i32 to vector<16xi32>
        %parallel_loop3A_711 = vector.shape_cast %parallel_loop3A_710 : vector<16xi32> to vector<16x1xi32>
        %parallel_loop3A_712 = vector.shape_cast %parallel_loop3A_711 : vector<16x1xi32> to vector<16xi32>
        %parallel_loop3A_713 = tpu.dynamic_gather %parallel_loop3A_614[%parallel_loop3A_712] in [0] : vector<16xf32>, vector<16xi32> -> vector<16xf32>
        %parallel_loop3A_714 = vector.shape_cast %parallel_loop3A_710 : vector<16xi32> to vector<16x1xi32>
        %parallel_loop3A_715 = vector.shape_cast %parallel_loop3A_714 : vector<16x1xi32> to vector<16xi32>
        %parallel_loop3A_716 = tpu.dynamic_gather %parallel_loop3A_621[%parallel_loop3A_715] in [0] : vector<16xi32>, vector<16xi32> -> vector<16xi32>
        %parallel_loop3A_717 = arith.ori %parallel_loop3A_716, %iota3A : vector<16xi32>
        %parallel_loop3A_718 = arith.constant 5 : i32
        %parallel_loop3A_719 = arith.addi %parallel_loop3A_623, %parallel_loop3A_718 : i32
        %parallel_loop3A_720 = arith.constant 2 : i32
        %parallel_loop3A_721 = arith.index_cast %parallel_loop3A_720 : i32 to index
        %parallel_loop3A_722 = arith.index_cast %parallel_loop3A_719 : i32 to index
        %parallel_loop3A_723 = arith.constant 0 : index
        %parallel_loop3A_724 = tpu.vector_load %arg11[%parallel_loop3A_721, %parallel_loop3A_722, %parallel_loop3A_723] {strides = array<i32>} : memref<4x128x16xf32, #tpu.memory_space<vmem>>, vector<16xf32>,
        %parallel_loop3A_725 = arith.mulf %parallel_loop3A_724, %parallel_loop3A_713 : vector<16xf32>
        tpu.vector_store_idx %arg12[%parallel_loop3A_717], %parallel_loop3A_725 {add = true} : memref<65536xf32, #tpu.memory_space<vmem>>[vector<16xi32>], vector<16xf32>,
        %parallel_loop3A_726 = arith.constant 6 : i32
        %parallel_loop3A_727 = vector.broadcast %parallel_loop3A_726 : i32 to vector<16xi32>
        %parallel_loop3A_728 = vector.shape_cast %parallel_loop3A_727 : vector<16xi32> to vector<16x1xi32>
        %parallel_loop3A_729 = vector.shape_cast %parallel_loop3A_728 : vector<16x1xi32> to vector<16xi32>
        %parallel_loop3A_730 = tpu.dynamic_gather %parallel_loop3A_614[%parallel_loop3A_729] in [0] : vector<16xf32>, vector<16xi32> -> vector<16xf32>
        %parallel_loop3A_731 = vector.shape_cast %parallel_loop3A_727 : vector<16xi32> to vector<16x1xi32>
        %parallel_loop3A_732 = vector.shape_cast %parallel_loop3A_731 : vector<16x1xi32> to vector<16xi32>
        %parallel_loop3A_733 = tpu.dynamic_gather %parallel_loop3A_621[%parallel_loop3A_732] in [0] : vector<16xi32>, vector<16xi32> -> vector<16xi32>
        %parallel_loop3A_734 = arith.ori %parallel_loop3A_733, %iota3A : vector<16xi32>
        %parallel_loop3A_735 = arith.constant 6 : i32
        %parallel_loop3A_736 = arith.addi %parallel_loop3A_623, %parallel_loop3A_735 : i32
        %parallel_loop3A_737 = arith.constant 2 : i32
        %parallel_loop3A_738 = arith.index_cast %parallel_loop3A_737 : i32 to index
        %parallel_loop3A_739 = arith.index_cast %parallel_loop3A_736 : i32 to index
        %parallel_loop3A_740 = arith.constant 0 : index
        %parallel_loop3A_741 = tpu.vector_load %arg11[%parallel_loop3A_738, %parallel_loop3A_739, %parallel_loop3A_740] {strides = array<i32>} : memref<4x128x16xf32, #tpu.memory_space<vmem>>, vector<16xf32>,
        %parallel_loop3A_742 = arith.mulf %parallel_loop3A_741, %parallel_loop3A_730 : vector<16xf32>
        tpu.vector_store_idx %arg12[%parallel_loop3A_734], %parallel_loop3A_742 {add = true} : memref<65536xf32, #tpu.memory_space<vmem>>[vector<16xi32>], vector<16xf32>,
        %parallel_loop3A_743 = arith.constant 7 : i32
        %parallel_loop3A_744 = vector.broadcast %parallel_loop3A_743 : i32 to vector<16xi32>
        %parallel_loop3A_745 = vector.shape_cast %parallel_loop3A_744 : vector<16xi32> to vector<16x1xi32>
        %parallel_loop3A_746 = vector.shape_cast %parallel_loop3A_745 : vector<16x1xi32> to vector<16xi32>
        %parallel_loop3A_747 = tpu.dynamic_gather %parallel_loop3A_614[%parallel_loop3A_746] in [0] : vector<16xf32>, vector<16xi32> -> vector<16xf32>
        %parallel_loop3A_748 = vector.shape_cast %parallel_loop3A_744 : vector<16xi32> to vector<16x1xi32>
        %parallel_loop3A_749 = vector.shape_cast %parallel_loop3A_748 : vector<16x1xi32> to vector<16xi32>
        %parallel_loop3A_750 = tpu.dynamic_gather %parallel_loop3A_621[%parallel_loop3A_749] in [0] : vector<16xi32>, vector<16xi32> -> vector<16xi32>
        %parallel_loop3A_751 = arith.ori %parallel_loop3A_750, %iota3A : vector<16xi32>
        %parallel_loop3A_752 = arith.constant 7 : i32
        %parallel_loop3A_753 = arith.addi %parallel_loop3A_623, %parallel_loop3A_752 : i32
        %parallel_loop3A_754 = arith.constant 2 : i32
        %parallel_loop3A_755 = arith.index_cast %parallel_loop3A_754 : i32 to index
        %parallel_loop3A_756 = arith.index_cast %parallel_loop3A_753 : i32 to index
        %parallel_loop3A_757 = arith.constant 0 : index
        %parallel_loop3A_758 = tpu.vector_load %arg11[%parallel_loop3A_755, %parallel_loop3A_756, %parallel_loop3A_757] {strides = array<i32>} : memref<4x128x16xf32, #tpu.memory_space<vmem>>, vector<16xf32>,
        %parallel_loop3A_759 = arith.mulf %parallel_loop3A_758, %parallel_loop3A_747 : vector<16xf32>
        tpu.vector_store_idx %arg12[%parallel_loop3A_751], %parallel_loop3A_759 {add = true} : memref<65536xf32, #tpu.memory_space<vmem>>[vector<16xi32>], vector<16xf32>,
        %parallel_loop3A_760 = arith.constant 8 : i32
        %parallel_loop3A_761 = vector.broadcast %parallel_loop3A_760 : i32 to vector<16xi32>
        %parallel_loop3A_762 = vector.shape_cast %parallel_loop3A_761 : vector<16xi32> to vector<16x1xi32>
        %parallel_loop3A_763 = vector.shape_cast %parallel_loop3A_762 : vector<16x1xi32> to vector<16xi32>
        %parallel_loop3A_764 = tpu.dynamic_gather %parallel_loop3A_614[%parallel_loop3A_763] in [0] : vector<16xf32>, vector<16xi32> -> vector<16xf32>
        %parallel_loop3A_765 = vector.shape_cast %parallel_loop3A_761 : vector<16xi32> to vector<16x1xi32>
        %parallel_loop3A_766 = vector.shape_cast %parallel_loop3A_765 : vector<16x1xi32> to vector<16xi32>
        %parallel_loop3A_767 = tpu.dynamic_gather %parallel_loop3A_621[%parallel_loop3A_766] in [0] : vector<16xi32>, vector<16xi32> -> vector<16xi32>
        %parallel_loop3A_768 = arith.ori %parallel_loop3A_767, %iota3A : vector<16xi32>
        %parallel_loop3A_769 = arith.constant 8 : i32
        %parallel_loop3A_770 = arith.addi %parallel_loop3A_623, %parallel_loop3A_769 : i32
        %parallel_loop3A_771 = arith.constant 2 : i32
        %parallel_loop3A_772 = arith.index_cast %parallel_loop3A_771 : i32 to index
        %parallel_loop3A_773 = arith.index_cast %parallel_loop3A_770 : i32 to index
        %parallel_loop3A_774 = arith.constant 0 : index
        %parallel_loop3A_775 = tpu.vector_load %arg11[%parallel_loop3A_772, %parallel_loop3A_773, %parallel_loop3A_774] {strides = array<i32>} : memref<4x128x16xf32, #tpu.memory_space<vmem>>, vector<16xf32>,
        %parallel_loop3A_776 = arith.mulf %parallel_loop3A_775, %parallel_loop3A_764 : vector<16xf32>
        tpu.vector_store_idx %arg12[%parallel_loop3A_768], %parallel_loop3A_776 {add = true} : memref<65536xf32, #tpu.memory_space<vmem>>[vector<16xi32>], vector<16xf32>,
        %parallel_loop3A_777 = arith.constant 9 : i32
        %parallel_loop3A_778 = vector.broadcast %parallel_loop3A_777 : i32 to vector<16xi32>
        %parallel_loop3A_779 = vector.shape_cast %parallel_loop3A_778 : vector<16xi32> to vector<16x1xi32>
        %parallel_loop3A_780 = vector.shape_cast %parallel_loop3A_779 : vector<16x1xi32> to vector<16xi32>
        %parallel_loop3A_781 = tpu.dynamic_gather %parallel_loop3A_614[%parallel_loop3A_780] in [0] : vector<16xf32>, vector<16xi32> -> vector<16xf32>
        %parallel_loop3A_782 = vector.shape_cast %parallel_loop3A_778 : vector<16xi32> to vector<16x1xi32>
        %parallel_loop3A_783 = vector.shape_cast %parallel_loop3A_782 : vector<16x1xi32> to vector<16xi32>
        %parallel_loop3A_784 = tpu.dynamic_gather %parallel_loop3A_621[%parallel_loop3A_783] in [0] : vector<16xi32>, vector<16xi32> -> vector<16xi32>
        %parallel_loop3A_785 = arith.ori %parallel_loop3A_784, %iota3A : vector<16xi32>
        %parallel_loop3A_786 = arith.constant 9 : i32
        %parallel_loop3A_787 = arith.addi %parallel_loop3A_623, %parallel_loop3A_786 : i32
        %parallel_loop3A_788 = arith.constant 2 : i32
        %parallel_loop3A_789 = arith.index_cast %parallel_loop3A_788 : i32 to index
        %parallel_loop3A_790 = arith.index_cast %parallel_loop3A_787 : i32 to index
        %parallel_loop3A_791 = arith.constant 0 : index
        %parallel_loop3A_792 = tpu.vector_load %arg11[%parallel_loop3A_789, %parallel_loop3A_790, %parallel_loop3A_791] {strides = array<i32>} : memref<4x128x16xf32, #tpu.memory_space<vmem>>, vector<16xf32>,
        %parallel_loop3A_793 = arith.mulf %parallel_loop3A_792, %parallel_loop3A_781 : vector<16xf32>
        tpu.vector_store_idx %arg12[%parallel_loop3A_785], %parallel_loop3A_793 {add = true} : memref<65536xf32, #tpu.memory_space<vmem>>[vector<16xi32>], vector<16xf32>,
        %parallel_loop3A_794 = arith.constant 10 : i32
        %parallel_loop3A_795 = vector.broadcast %parallel_loop3A_794 : i32 to vector<16xi32>
        %parallel_loop3A_796 = vector.shape_cast %parallel_loop3A_795 : vector<16xi32> to vector<16x1xi32>
        %parallel_loop3A_797 = vector.shape_cast %parallel_loop3A_796 : vector<16x1xi32> to vector<16xi32>
        %parallel_loop3A_798 = tpu.dynamic_gather %parallel_loop3A_614[%parallel_loop3A_797] in [0] : vector<16xf32>, vector<16xi32> -> vector<16xf32>
        %parallel_loop3A_799 = vector.shape_cast %parallel_loop3A_795 : vector<16xi32> to vector<16x1xi32>
        %parallel_loop3A_800 = vector.shape_cast %parallel_loop3A_799 : vector<16x1xi32> to vector<16xi32>
        %parallel_loop3A_801 = tpu.dynamic_gather %parallel_loop3A_621[%parallel_loop3A_800] in [0] : vector<16xi32>, vector<16xi32> -> vector<16xi32>
        %parallel_loop3A_802 = arith.ori %parallel_loop3A_801, %iota3A : vector<16xi32>
        %parallel_loop3A_803 = arith.constant 10 : i32
        %parallel_loop3A_804 = arith.addi %parallel_loop3A_623, %parallel_loop3A_803 : i32
        %parallel_loop3A_805 = arith.constant 2 : i32
        %parallel_loop3A_806 = arith.index_cast %parallel_loop3A_805 : i32 to index
        %parallel_loop3A_807 = arith.index_cast %parallel_loop3A_804 : i32 to index
        %parallel_loop3A_808 = arith.constant 0 : index
        %parallel_loop3A_809 = tpu.vector_load %arg11[%parallel_loop3A_806, %parallel_loop3A_807, %parallel_loop3A_808] {strides = array<i32>} : memref<4x128x16xf32, #tpu.memory_space<vmem>>, vector<16xf32>,
        %parallel_loop3A_810 = arith.mulf %parallel_loop3A_809, %parallel_loop3A_798 : vector<16xf32>
        tpu.vector_store_idx %arg12[%parallel_loop3A_802], %parallel_loop3A_810 {add = true} : memref<65536xf32, #tpu.memory_space<vmem>>[vector<16xi32>], vector<16xf32>,
        %parallel_loop3A_811 = arith.constant 11 : i32
        %parallel_loop3A_812 = vector.broadcast %parallel_loop3A_811 : i32 to vector<16xi32>
        %parallel_loop3A_813 = vector.shape_cast %parallel_loop3A_812 : vector<16xi32> to vector<16x1xi32>
        %parallel_loop3A_814 = vector.shape_cast %parallel_loop3A_813 : vector<16x1xi32> to vector<16xi32>
        %parallel_loop3A_815 = tpu.dynamic_gather %parallel_loop3A_614[%parallel_loop3A_814] in [0] : vector<16xf32>, vector<16xi32> -> vector<16xf32>
        %parallel_loop3A_816 = vector.shape_cast %parallel_loop3A_812 : vector<16xi32> to vector<16x1xi32>
        %parallel_loop3A_817 = vector.shape_cast %parallel_loop3A_816 : vector<16x1xi32> to vector<16xi32>
        %parallel_loop3A_818 = tpu.dynamic_gather %parallel_loop3A_621[%parallel_loop3A_817] in [0] : vector<16xi32>, vector<16xi32> -> vector<16xi32>
        %parallel_loop3A_819 = arith.ori %parallel_loop3A_818, %iota3A : vector<16xi32>
        %parallel_loop3A_820 = arith.constant 11 : i32
        %parallel_loop3A_821 = arith.addi %parallel_loop3A_623, %parallel_loop3A_820 : i32
        %parallel_loop3A_822 = arith.constant 2 : i32
        %parallel_loop3A_823 = arith.index_cast %parallel_loop3A_822 : i32 to index
        %parallel_loop3A_824 = arith.index_cast %parallel_loop3A_821 : i32 to index
        %parallel_loop3A_825 = arith.constant 0 : index
        %parallel_loop3A_826 = tpu.vector_load %arg11[%parallel_loop3A_823, %parallel_loop3A_824, %parallel_loop3A_825] {strides = array<i32>} : memref<4x128x16xf32, #tpu.memory_space<vmem>>, vector<16xf32>,
        %parallel_loop3A_827 = arith.mulf %parallel_loop3A_826, %parallel_loop3A_815 : vector<16xf32>
        tpu.vector_store_idx %arg12[%parallel_loop3A_819], %parallel_loop3A_827 {add = true} : memref<65536xf32, #tpu.memory_space<vmem>>[vector<16xi32>], vector<16xf32>,
        %parallel_loop3A_828 = arith.constant 12 : i32
        %parallel_loop3A_829 = vector.broadcast %parallel_loop3A_828 : i32 to vector<16xi32>
        %parallel_loop3A_830 = vector.shape_cast %parallel_loop3A_829 : vector<16xi32> to vector<16x1xi32>
        %parallel_loop3A_831 = vector.shape_cast %parallel_loop3A_830 : vector<16x1xi32> to vector<16xi32>
        %parallel_loop3A_832 = tpu.dynamic_gather %parallel_loop3A_614[%parallel_loop3A_831] in [0] : vector<16xf32>, vector<16xi32> -> vector<16xf32>
        %parallel_loop3A_833 = vector.shape_cast %parallel_loop3A_829 : vector<16xi32> to vector<16x1xi32>
        %parallel_loop3A_834 = vector.shape_cast %parallel_loop3A_833 : vector<16x1xi32> to vector<16xi32>
        %parallel_loop3A_835 = tpu.dynamic_gather %parallel_loop3A_621[%parallel_loop3A_834] in [0] : vector<16xi32>, vector<16xi32> -> vector<16xi32>
        %parallel_loop3A_836 = arith.ori %parallel_loop3A_835, %iota3A : vector<16xi32>
        %parallel_loop3A_837 = arith.constant 12 : i32
        %parallel_loop3A_838 = arith.addi %parallel_loop3A_623, %parallel_loop3A_837 : i32
        %parallel_loop3A_839 = arith.constant 2 : i32
        %parallel_loop3A_840 = arith.index_cast %parallel_loop3A_839 : i32 to index
        %parallel_loop3A_841 = arith.index_cast %parallel_loop3A_838 : i32 to index
        %parallel_loop3A_842 = arith.constant 0 : index
        %parallel_loop3A_843 = tpu.vector_load %arg11[%parallel_loop3A_840, %parallel_loop3A_841, %parallel_loop3A_842] {strides = array<i32>} : memref<4x128x16xf32, #tpu.memory_space<vmem>>, vector<16xf32>,
        %parallel_loop3A_844 = arith.mulf %parallel_loop3A_843, %parallel_loop3A_832 : vector<16xf32>
        tpu.vector_store_idx %arg12[%parallel_loop3A_836], %parallel_loop3A_844 {add = true} : memref<65536xf32, #tpu.memory_space<vmem>>[vector<16xi32>], vector<16xf32>,
        %parallel_loop3A_845 = arith.constant 13 : i32
        %parallel_loop3A_846 = vector.broadcast %parallel_loop3A_845 : i32 to vector<16xi32>
        %parallel_loop3A_847 = vector.shape_cast %parallel_loop3A_846 : vector<16xi32> to vector<16x1xi32>
        %parallel_loop3A_848 = vector.shape_cast %parallel_loop3A_847 : vector<16x1xi32> to vector<16xi32>
        %parallel_loop3A_849 = tpu.dynamic_gather %parallel_loop3A_614[%parallel_loop3A_848] in [0] : vector<16xf32>, vector<16xi32> -> vector<16xf32>
        %parallel_loop3A_850 = vector.shape_cast %parallel_loop3A_846 : vector<16xi32> to vector<16x1xi32>
        %parallel_loop3A_851 = vector.shape_cast %parallel_loop3A_850 : vector<16x1xi32> to vector<16xi32>
        %parallel_loop3A_852 = tpu.dynamic_gather %parallel_loop3A_621[%parallel_loop3A_851] in [0] : vector<16xi32>, vector<16xi32> -> vector<16xi32>
        %parallel_loop3A_853 = arith.ori %parallel_loop3A_852, %iota3A : vector<16xi32>
        %parallel_loop3A_854 = arith.constant 13 : i32
        %parallel_loop3A_855 = arith.addi %parallel_loop3A_623, %parallel_loop3A_854 : i32
        %parallel_loop3A_856 = arith.constant 2 : i32
        %parallel_loop3A_857 = arith.index_cast %parallel_loop3A_856 : i32 to index
        %parallel_loop3A_858 = arith.index_cast %parallel_loop3A_855 : i32 to index
        %parallel_loop3A_859 = arith.constant 0 : index
        %parallel_loop3A_860 = tpu.vector_load %arg11[%parallel_loop3A_857, %parallel_loop3A_858, %parallel_loop3A_859] {strides = array<i32>} : memref<4x128x16xf32, #tpu.memory_space<vmem>>, vector<16xf32>,
        %parallel_loop3A_861 = arith.mulf %parallel_loop3A_860, %parallel_loop3A_849 : vector<16xf32>
        tpu.vector_store_idx %arg12[%parallel_loop3A_853], %parallel_loop3A_861 {add = true} : memref<65536xf32, #tpu.memory_space<vmem>>[vector<16xi32>], vector<16xf32>,
        %parallel_loop3A_862 = arith.constant 14 : i32
        %parallel_loop3A_863 = vector.broadcast %parallel_loop3A_862 : i32 to vector<16xi32>
        %parallel_loop3A_864 = vector.shape_cast %parallel_loop3A_863 : vector<16xi32> to vector<16x1xi32>
        %parallel_loop3A_865 = vector.shape_cast %parallel_loop3A_864 : vector<16x1xi32> to vector<16xi32>
        %parallel_loop3A_866 = tpu.dynamic_gather %parallel_loop3A_614[%parallel_loop3A_865] in [0] : vector<16xf32>, vector<16xi32> -> vector<16xf32>
        %parallel_loop3A_867 = vector.shape_cast %parallel_loop3A_863 : vector<16xi32> to vector<16x1xi32>
        %parallel_loop3A_868 = vector.shape_cast %parallel_loop3A_867 : vector<16x1xi32> to vector<16xi32>
        %parallel_loop3A_869 = tpu.dynamic_gather %parallel_loop3A_621[%parallel_loop3A_868] in [0] : vector<16xi32>, vector<16xi32> -> vector<16xi32>
        %parallel_loop3A_870 = arith.ori %parallel_loop3A_869, %iota3A : vector<16xi32>
        %parallel_loop3A_871 = arith.constant 14 : i32
        %parallel_loop3A_872 = arith.addi %parallel_loop3A_623, %parallel_loop3A_871 : i32
        %parallel_loop3A_873 = arith.constant 2 : i32
        %parallel_loop3A_874 = arith.index_cast %parallel_loop3A_873 : i32 to index
        %parallel_loop3A_875 = arith.index_cast %parallel_loop3A_872 : i32 to index
        %parallel_loop3A_876 = arith.constant 0 : index
        %parallel_loop3A_877 = tpu.vector_load %arg11[%parallel_loop3A_874, %parallel_loop3A_875, %parallel_loop3A_876] {strides = array<i32>} : memref<4x128x16xf32, #tpu.memory_space<vmem>>, vector<16xf32>,
        %parallel_loop3A_878 = arith.mulf %parallel_loop3A_877, %parallel_loop3A_866 : vector<16xf32>
        tpu.vector_store_idx %arg12[%parallel_loop3A_870], %parallel_loop3A_878 {add = true} : memref<65536xf32, #tpu.memory_space<vmem>>[vector<16xi32>], vector<16xf32>,
        %parallel_loop3A_879 = arith.constant 15 : i32
        %parallel_loop3A_880 = vector.broadcast %parallel_loop3A_879 : i32 to vector<16xi32>
        %parallel_loop3A_881 = vector.shape_cast %parallel_loop3A_880 : vector<16xi32> to vector<16x1xi32>
        %parallel_loop3A_882 = vector.shape_cast %parallel_loop3A_881 : vector<16x1xi32> to vector<16xi32>
        %parallel_loop3A_883 = tpu.dynamic_gather %parallel_loop3A_614[%parallel_loop3A_882] in [0] : vector<16xf32>, vector<16xi32> -> vector<16xf32>
        %parallel_loop3A_884 = vector.shape_cast %parallel_loop3A_880 : vector<16xi32> to vector<16x1xi32>
        %parallel_loop3A_885 = vector.shape_cast %parallel_loop3A_884 : vector<16x1xi32> to vector<16xi32>
        %parallel_loop3A_886 = tpu.dynamic_gather %parallel_loop3A_621[%parallel_loop3A_885] in [0] : vector<16xi32>, vector<16xi32> -> vector<16xi32>
        %parallel_loop3A_887 = arith.ori %parallel_loop3A_886, %iota3A : vector<16xi32>
        %parallel_loop3A_888 = arith.constant 15 : i32
        %parallel_loop3A_889 = arith.addi %parallel_loop3A_623, %parallel_loop3A_888 : i32
        %parallel_loop3A_890 = arith.constant 2 : i32
        %parallel_loop3A_891 = arith.index_cast %parallel_loop3A_890 : i32 to index
        %parallel_loop3A_892 = arith.index_cast %parallel_loop3A_889 : i32 to index
        %parallel_loop3A_893 = arith.constant 0 : index
        %parallel_loop3A_894 = tpu.vector_load %arg11[%parallel_loop3A_891, %parallel_loop3A_892, %parallel_loop3A_893] {strides = array<i32>} : memref<4x128x16xf32, #tpu.memory_space<vmem>>, vector<16xf32>,
        %parallel_loop3A_895 = arith.mulf %parallel_loop3A_894, %parallel_loop3A_883 : vector<16xf32>
        tpu.vector_store_idx %arg12[%parallel_loop3A_887], %parallel_loop3A_895 {add = true} : memref<65536xf32, #tpu.memory_space<vmem>>[vector<16xi32>], vector<16xf32>,
      } {sc.loop_unroll_factor = 4 : i64, sc.parallel_access}
      %parallel_loop3A_349 = arith.constant 0 : i32
      %parallel_loop3A_350 = arith.constant 128 : i32
      %parallel_loop3A_351 = arith.constant 16 : i32
      scf.for %parallel_loop3A_606 = %parallel_loop3A_349 to %parallel_loop3A_350 step %parallel_loop3A_351  : i32 {
        %parallel_loop3A_607 = arith.constant 256 : i32
        %parallel_loop3A_608 = arith.addi %parallel_loop3A_607, %parallel_loop3A_606 : i32
        %parallel_loop3A_609 = arith.constant 1 : i32
        %parallel_loop3A_610 = arith.index_cast %parallel_loop3A_609 : i32 to index
        %parallel_loop3A_611 = arith.index_cast %parallel_loop3A_608 : i32 to index
        %parallel_loop3A_612 = tpu.vector_load %arg7[%parallel_loop3A_610, %parallel_loop3A_611] {strides = array<i32>} : memref<2x512xi32, #tpu.memory_space<vmem>>, vector<16xi32>,
        %parallel_loop3A_613 = arith.constant 4 : i32
        %parallel_loop3A_614 = vector.broadcast %parallel_loop3A_613 : i32 to vector<16xi32>
        %parallel_loop3A_615 = arith.shli %parallel_loop3A_612, %parallel_loop3A_614 : vector<16xi32>
        %parallel_loop3A_616 = vector.broadcast %arg1 : i32 to vector<16xi32>
        %parallel_loop3A_617 = arith.addi %parallel_loop3A_615, %parallel_loop3A_616 : vector<16xi32>
        %parallel_loop3A_618 = arith.constant 2 : i32
        %parallel_loop3A_619 = arith.index_cast %parallel_loop3A_618 : i32 to index
        %parallel_loop3A_620 = arith.index_cast %parallel_loop3A_606 : i32 to index
        %parallel_loop3A_621 = tpu.vector_load %arg10[%parallel_loop3A_619, %parallel_loop3A_620] {strides = array<i32>} : memref<4x128xi32, #tpu.memory_space<vmem>>, vector<16xi32>,
        tpu.vector_store %arg10[%parallel_loop3A_619, %parallel_loop3A_620], %parallel_loop3A_617 {strides = array<i32>} : memref<4x128xi32, #tpu.memory_space<vmem>>, vector<16xi32>,
      } {sc.loop_unroll_factor = 2 : i64, sc.parallel_access}
      %dma_start3A_352 = arith.constant 2 : i32
      %dma_start3A_353 = arith.constant 2 : i32
      %dma_start3A_354 = arith.constant 0 : i32
      %dma_start3A_355 = arith.constant 0 : i32
      %dma_start3A_356 = tpu.memref_slice %arg11[%dma_start3A_353, %dma_start3A_354, %dma_start3A_355] : memref<4x128x16xf32, #tpu.memory_space<vmem>> -> memref<1x128x16xf32, #tpu.memory_space<vmem>>
      %dma_start3A_357 = tpu.memref_squeeze %dma_start3A_356 : memref<1x128x16xf32, #tpu.memory_space<vmem>> -> memref<128x16xf32, #tpu.memory_space<vmem>>
      %dma_start3A_358 = arith.constant 0 : i32
      %dma_start3A_359 = tpu.memref_slice %arg10[%dma_start3A_352, %dma_start3A_358] : memref<4x128xi32, #tpu.memory_space<vmem>> -> memref<1x128xi32, #tpu.memory_space<vmem>>
      %dma_start3A_360 = tpu.memref_squeeze %dma_start3A_359 : memref<1x128xi32, #tpu.memory_space<vmem>> -> memref<128xi32, #tpu.memory_space<vmem>>
      %dma_start3A_361 = arith.constant 0 : i32
      %dma_start3A_362 = arith.constant 0 : i32
      %dma_start3A_363 = tpu.memref_slice %arg2[%dma_start3A_361, %dma_start3A_362] : memref<65536x16xf32, #tpu.memory_space<hbm>> -> memref<65536x16xf32, #tpu.memory_space<hbm>>
      tpu.enqueue_indirect_dma source(%dma_start3A_363 : memref<65536x16xf32, #tpu.memory_space<hbm>>) target(%dma_start3A_357 : memref<128x16xf32, #tpu.memory_space<vmem>>) offsets(%dma_start3A_360 : memref<128xi32, #tpu.memory_space<vmem>>) semaphore(%arg17 : memref<!tpu.dma_semaphore, #tpu.memory_space<semaphore_mem>>)
      %dma_wait3A_364 = arith.constant 3 : i32
      %dma_wait3A_365 = arith.constant 3 : i32
      %dma_wait3A_366 = arith.constant 0 : i32
      %dma_wait3A_367 = arith.constant 0 : i32
      %dma_wait3A_368 = tpu.memref_slice %arg11[%dma_wait3A_365, %dma_wait3A_366, %dma_wait3A_367] : memref<4x128x16xf32, #tpu.memory_space<vmem>> -> memref<1x128x16xf32, #tpu.memory_space<vmem>>
      %dma_wait3A_369 = tpu.memref_squeeze %dma_wait3A_368 : memref<1x128x16xf32, #tpu.memory_space<vmem>> -> memref<128x16xf32, #tpu.memory_space<vmem>>
      %dma_wait3A_370 = arith.constant 0 : i32
      %dma_wait3A_371 = tpu.memref_slice %arg10[%dma_wait3A_364, %dma_wait3A_370] : memref<4x128xi32, #tpu.memory_space<vmem>> -> memref<1x128xi32, #tpu.memory_space<vmem>>
      %dma_wait3A_372 = tpu.memref_squeeze %dma_wait3A_371 : memref<1x128xi32, #tpu.memory_space<vmem>> -> memref<128xi32, #tpu.memory_space<vmem>>
      %dma_wait3A_373 = arith.constant 0 : i32
      %dma_wait3A_374 = arith.constant 0 : i32
      %dma_wait3A_375 = tpu.memref_slice %arg2[%dma_wait3A_373, %dma_wait3A_374] : memref<65536x16xf32, #tpu.memory_space<hbm>> -> memref<65536x16xf32, #tpu.memory_space<hbm>>
      tpu.wait_indirect_dma semaphore(%arg18 : memref<!tpu.dma_semaphore, #tpu.memory_space<semaphore_mem>>) src(%dma_wait3A_375 : memref<65536x16xf32, #tpu.memory_space<hbm>>) dst(%dma_wait3A_369 : memref<128x16xf32, #tpu.memory_space<vmem>>)
      %parallel_loop3A_376 = arith.constant 0 : i32
      %parallel_loop3A_377 = arith.constant 8 : i32
      %parallel_loop3A_378 = arith.constant 1 : i32
      scf.for %parallel_loop3A_606 = %parallel_loop3A_376 to %parallel_loop3A_377 step %parallel_loop3A_378  : i32 {
        %parallel_loop3A_607 = arith.constant 16 : i32
        %parallel_loop3A_608 = arith.muli %parallel_loop3A_606, %parallel_loop3A_607 : i32
        %parallel_loop3A_609 = arith.constant 384 : i32
        %parallel_loop3A_610 = arith.addi %parallel_loop3A_609, %parallel_loop3A_608 : i32
        %parallel_loop3A_611 = arith.constant 0 : i32
        %parallel_loop3A_612 = arith.index_cast %parallel_loop3A_611 : i32 to index
        %parallel_loop3A_613 = arith.index_cast %parallel_loop3A_610 : i32 to index
        %parallel_loop3A_614 = tpu.vector_load %arg9[%parallel_loop3A_612, %parallel_loop3A_613] {strides = array<i32>} : memref<2x512xf32, #tpu.memory_space<vmem>>, vector<16xf32>,
        %parallel_loop3A_615 = arith.constant 0 : i32
        %parallel_loop3A_616 = arith.index_cast %parallel_loop3A_615 : i32 to index
        %parallel_loop3A_617 = arith.index_cast %parallel_loop3A_610 : i32 to index
        %parallel_loop3A_618 = tpu.vector_load %arg8[%parallel_loop3A_616, %parallel_loop3A_617] {strides = array<i32>} : memref<2x512xi32, #tpu.memory_space<vmem>>, vector<16xi32>,
        %parallel_loop3A_619 = arith.constant 4 : i32
        %parallel_loop3A_620 = vector.broadcast %parallel_loop3A_619 : i32 to vector<16xi32>
        %parallel_loop3A_621 = arith.shli %parallel_loop3A_618, %parallel_loop3A_620 : vector<16xi32>
        %parallel_loop3A_622 = arith.constant 16 : i32
        %parallel_loop3A_623 = arith.muli %parallel_loop3A_606, %parallel_loop3A_622 : i32
        %parallel_loop3A_624 = arith.constant 0 : i32
        %parallel_loop3A_625 = vector.broadcast %parallel_loop3A_624 : i32 to vector<16xi32>
        %parallel_loop3A_626 = vector.shape_cast %parallel_loop3A_625 : vector<16xi32> to vector<16x1xi32>
        %parallel_loop3A_627 = vector.shape_cast %parallel_loop3A_626 : vector<16x1xi32> to vector<16xi32>
        %parallel_loop3A_628 = tpu.dynamic_gather %parallel_loop3A_614[%parallel_loop3A_627] in [0] : vector<16xf32>, vector<16xi32> -> vector<16xf32>
        %parallel_loop3A_629 = vector.shape_cast %parallel_loop3A_625 : vector<16xi32> to vector<16x1xi32>
        %parallel_loop3A_630 = vector.shape_cast %parallel_loop3A_629 : vector<16x1xi32> to vector<16xi32>
        %parallel_loop3A_631 = tpu.dynamic_gather %parallel_loop3A_621[%parallel_loop3A_630] in [0] : vector<16xi32>, vector<16xi32> -> vector<16xi32>
        %parallel_loop3A_632 = arith.ori %parallel_loop3A_631, %iota3A : vector<16xi32>
        %parallel_loop3A_633 = arith.constant 0 : i32
        %parallel_loop3A_634 = arith.addi %parallel_loop3A_623, %parallel_loop3A_633 : i32
        %parallel_loop3A_635 = arith.constant 3 : i32
        %parallel_loop3A_636 = arith.index_cast %parallel_loop3A_635 : i32 to index
        %parallel_loop3A_637 = arith.index_cast %parallel_loop3A_634 : i32 to index
        %parallel_loop3A_638 = arith.constant 0 : index
        %parallel_loop3A_639 = tpu.vector_load %arg11[%parallel_loop3A_636, %parallel_loop3A_637, %parallel_loop3A_638] {strides = array<i32>} : memref<4x128x16xf32, #tpu.memory_space<vmem>>, vector<16xf32>,
        %parallel_loop3A_640 = arith.mulf %parallel_loop3A_639, %parallel_loop3A_628 : vector<16xf32>
        tpu.vector_store_idx %arg12[%parallel_loop3A_632], %parallel_loop3A_640 {add = true} : memref<65536xf32, #tpu.memory_space<vmem>>[vector<16xi32>], vector<16xf32>,
        %parallel_loop3A_641 = arith.constant 1 : i32
        %parallel_loop3A_642 = vector.broadcast %parallel_loop3A_641 : i32 to vector<16xi32>
        %parallel_loop3A_643 = vector.shape_cast %parallel_loop3A_642 : vector<16xi32> to vector<16x1xi32>
        %parallel_loop3A_644 = vector.shape_cast %parallel_loop3A_643 : vector<16x1xi32> to vector<16xi32>
        %parallel_loop3A_645 = tpu.dynamic_gather %parallel_loop3A_614[%parallel_loop3A_644] in [0] : vector<16xf32>, vector<16xi32> -> vector<16xf32>
        %parallel_loop3A_646 = vector.shape_cast %parallel_loop3A_642 : vector<16xi32> to vector<16x1xi32>
        %parallel_loop3A_647 = vector.shape_cast %parallel_loop3A_646 : vector<16x1xi32> to vector<16xi32>
        %parallel_loop3A_648 = tpu.dynamic_gather %parallel_loop3A_621[%parallel_loop3A_647] in [0] : vector<16xi32>, vector<16xi32> -> vector<16xi32>
        %parallel_loop3A_649 = arith.ori %parallel_loop3A_648, %iota3A : vector<16xi32>
        %parallel_loop3A_650 = arith.constant 1 : i32
        %parallel_loop3A_651 = arith.addi %parallel_loop3A_623, %parallel_loop3A_650 : i32
        %parallel_loop3A_652 = arith.constant 3 : i32
        %parallel_loop3A_653 = arith.index_cast %parallel_loop3A_652 : i32 to index
        %parallel_loop3A_654 = arith.index_cast %parallel_loop3A_651 : i32 to index
        %parallel_loop3A_655 = arith.constant 0 : index
        %parallel_loop3A_656 = tpu.vector_load %arg11[%parallel_loop3A_653, %parallel_loop3A_654, %parallel_loop3A_655] {strides = array<i32>} : memref<4x128x16xf32, #tpu.memory_space<vmem>>, vector<16xf32>,
        %parallel_loop3A_657 = arith.mulf %parallel_loop3A_656, %parallel_loop3A_645 : vector<16xf32>
        tpu.vector_store_idx %arg12[%parallel_loop3A_649], %parallel_loop3A_657 {add = true} : memref<65536xf32, #tpu.memory_space<vmem>>[vector<16xi32>], vector<16xf32>,
        %parallel_loop3A_658 = arith.constant 2 : i32
        %parallel_loop3A_659 = vector.broadcast %parallel_loop3A_658 : i32 to vector<16xi32>
        %parallel_loop3A_660 = vector.shape_cast %parallel_loop3A_659 : vector<16xi32> to vector<16x1xi32>
        %parallel_loop3A_661 = vector.shape_cast %parallel_loop3A_660 : vector<16x1xi32> to vector<16xi32>
        %parallel_loop3A_662 = tpu.dynamic_gather %parallel_loop3A_614[%parallel_loop3A_661] in [0] : vector<16xf32>, vector<16xi32> -> vector<16xf32>
        %parallel_loop3A_663 = vector.shape_cast %parallel_loop3A_659 : vector<16xi32> to vector<16x1xi32>
        %parallel_loop3A_664 = vector.shape_cast %parallel_loop3A_663 : vector<16x1xi32> to vector<16xi32>
        %parallel_loop3A_665 = tpu.dynamic_gather %parallel_loop3A_621[%parallel_loop3A_664] in [0] : vector<16xi32>, vector<16xi32> -> vector<16xi32>
        %parallel_loop3A_666 = arith.ori %parallel_loop3A_665, %iota3A : vector<16xi32>
        %parallel_loop3A_667 = arith.constant 2 : i32
        %parallel_loop3A_668 = arith.addi %parallel_loop3A_623, %parallel_loop3A_667 : i32
        %parallel_loop3A_669 = arith.constant 3 : i32
        %parallel_loop3A_670 = arith.index_cast %parallel_loop3A_669 : i32 to index
        %parallel_loop3A_671 = arith.index_cast %parallel_loop3A_668 : i32 to index
        %parallel_loop3A_672 = arith.constant 0 : index
        %parallel_loop3A_673 = tpu.vector_load %arg11[%parallel_loop3A_670, %parallel_loop3A_671, %parallel_loop3A_672] {strides = array<i32>} : memref<4x128x16xf32, #tpu.memory_space<vmem>>, vector<16xf32>,
        %parallel_loop3A_674 = arith.mulf %parallel_loop3A_673, %parallel_loop3A_662 : vector<16xf32>
        tpu.vector_store_idx %arg12[%parallel_loop3A_666], %parallel_loop3A_674 {add = true} : memref<65536xf32, #tpu.memory_space<vmem>>[vector<16xi32>], vector<16xf32>,
        %parallel_loop3A_675 = arith.constant 3 : i32
        %parallel_loop3A_676 = vector.broadcast %parallel_loop3A_675 : i32 to vector<16xi32>
        %parallel_loop3A_677 = vector.shape_cast %parallel_loop3A_676 : vector<16xi32> to vector<16x1xi32>
        %parallel_loop3A_678 = vector.shape_cast %parallel_loop3A_677 : vector<16x1xi32> to vector<16xi32>
        %parallel_loop3A_679 = tpu.dynamic_gather %parallel_loop3A_614[%parallel_loop3A_678] in [0] : vector<16xf32>, vector<16xi32> -> vector<16xf32>
        %parallel_loop3A_680 = vector.shape_cast %parallel_loop3A_676 : vector<16xi32> to vector<16x1xi32>
        %parallel_loop3A_681 = vector.shape_cast %parallel_loop3A_680 : vector<16x1xi32> to vector<16xi32>
        %parallel_loop3A_682 = tpu.dynamic_gather %parallel_loop3A_621[%parallel_loop3A_681] in [0] : vector<16xi32>, vector<16xi32> -> vector<16xi32>
        %parallel_loop3A_683 = arith.ori %parallel_loop3A_682, %iota3A : vector<16xi32>
        %parallel_loop3A_684 = arith.constant 3 : i32
        %parallel_loop3A_685 = arith.addi %parallel_loop3A_623, %parallel_loop3A_684 : i32
        %parallel_loop3A_686 = arith.constant 3 : i32
        %parallel_loop3A_687 = arith.index_cast %parallel_loop3A_686 : i32 to index
        %parallel_loop3A_688 = arith.index_cast %parallel_loop3A_685 : i32 to index
        %parallel_loop3A_689 = arith.constant 0 : index
        %parallel_loop3A_690 = tpu.vector_load %arg11[%parallel_loop3A_687, %parallel_loop3A_688, %parallel_loop3A_689] {strides = array<i32>} : memref<4x128x16xf32, #tpu.memory_space<vmem>>, vector<16xf32>,
        %parallel_loop3A_691 = arith.mulf %parallel_loop3A_690, %parallel_loop3A_679 : vector<16xf32>
        tpu.vector_store_idx %arg12[%parallel_loop3A_683], %parallel_loop3A_691 {add = true} : memref<65536xf32, #tpu.memory_space<vmem>>[vector<16xi32>], vector<16xf32>,
        %parallel_loop3A_692 = arith.constant 4 : i32
        %parallel_loop3A_693 = vector.broadcast %parallel_loop3A_692 : i32 to vector<16xi32>
        %parallel_loop3A_694 = vector.shape_cast %parallel_loop3A_693 : vector<16xi32> to vector<16x1xi32>
        %parallel_loop3A_695 = vector.shape_cast %parallel_loop3A_694 : vector<16x1xi32> to vector<16xi32>
        %parallel_loop3A_696 = tpu.dynamic_gather %parallel_loop3A_614[%parallel_loop3A_695] in [0] : vector<16xf32>, vector<16xi32> -> vector<16xf32>
        %parallel_loop3A_697 = vector.shape_cast %parallel_loop3A_693 : vector<16xi32> to vector<16x1xi32>
        %parallel_loop3A_698 = vector.shape_cast %parallel_loop3A_697 : vector<16x1xi32> to vector<16xi32>
        %parallel_loop3A_699 = tpu.dynamic_gather %parallel_loop3A_621[%parallel_loop3A_698] in [0] : vector<16xi32>, vector<16xi32> -> vector<16xi32>
        %parallel_loop3A_700 = arith.ori %parallel_loop3A_699, %iota3A : vector<16xi32>
        %parallel_loop3A_701 = arith.constant 4 : i32
        %parallel_loop3A_702 = arith.addi %parallel_loop3A_623, %parallel_loop3A_701 : i32
        %parallel_loop3A_703 = arith.constant 3 : i32
        %parallel_loop3A_704 = arith.index_cast %parallel_loop3A_703 : i32 to index
        %parallel_loop3A_705 = arith.index_cast %parallel_loop3A_702 : i32 to index
        %parallel_loop3A_706 = arith.constant 0 : index
        %parallel_loop3A_707 = tpu.vector_load %arg11[%parallel_loop3A_704, %parallel_loop3A_705, %parallel_loop3A_706] {strides = array<i32>} : memref<4x128x16xf32, #tpu.memory_space<vmem>>, vector<16xf32>,
        %parallel_loop3A_708 = arith.mulf %parallel_loop3A_707, %parallel_loop3A_696 : vector<16xf32>
        tpu.vector_store_idx %arg12[%parallel_loop3A_700], %parallel_loop3A_708 {add = true} : memref<65536xf32, #tpu.memory_space<vmem>>[vector<16xi32>], vector<16xf32>,
        %parallel_loop3A_709 = arith.constant 5 : i32
        %parallel_loop3A_710 = vector.broadcast %parallel_loop3A_709 : i32 to vector<16xi32>
        %parallel_loop3A_711 = vector.shape_cast %parallel_loop3A_710 : vector<16xi32> to vector<16x1xi32>
        %parallel_loop3A_712 = vector.shape_cast %parallel_loop3A_711 : vector<16x1xi32> to vector<16xi32>
        %parallel_loop3A_713 = tpu.dynamic_gather %parallel_loop3A_614[%parallel_loop3A_712] in [0] : vector<16xf32>, vector<16xi32> -> vector<16xf32>
        %parallel_loop3A_714 = vector.shape_cast %parallel_loop3A_710 : vector<16xi32> to vector<16x1xi32>
        %parallel_loop3A_715 = vector.shape_cast %parallel_loop3A_714 : vector<16x1xi32> to vector<16xi32>
        %parallel_loop3A_716 = tpu.dynamic_gather %parallel_loop3A_621[%parallel_loop3A_715] in [0] : vector<16xi32>, vector<16xi32> -> vector<16xi32>
        %parallel_loop3A_717 = arith.ori %parallel_loop3A_716, %iota3A : vector<16xi32>
        %parallel_loop3A_718 = arith.constant 5 : i32
        %parallel_loop3A_719 = arith.addi %parallel_loop3A_623, %parallel_loop3A_718 : i32
        %parallel_loop3A_720 = arith.constant 3 : i32
        %parallel_loop3A_721 = arith.index_cast %parallel_loop3A_720 : i32 to index
        %parallel_loop3A_722 = arith.index_cast %parallel_loop3A_719 : i32 to index
        %parallel_loop3A_723 = arith.constant 0 : index
        %parallel_loop3A_724 = tpu.vector_load %arg11[%parallel_loop3A_721, %parallel_loop3A_722, %parallel_loop3A_723] {strides = array<i32>} : memref<4x128x16xf32, #tpu.memory_space<vmem>>, vector<16xf32>,
        %parallel_loop3A_725 = arith.mulf %parallel_loop3A_724, %parallel_loop3A_713 : vector<16xf32>
        tpu.vector_store_idx %arg12[%parallel_loop3A_717], %parallel_loop3A_725 {add = true} : memref<65536xf32, #tpu.memory_space<vmem>>[vector<16xi32>], vector<16xf32>,
        %parallel_loop3A_726 = arith.constant 6 : i32
        %parallel_loop3A_727 = vector.broadcast %parallel_loop3A_726 : i32 to vector<16xi32>
        %parallel_loop3A_728 = vector.shape_cast %parallel_loop3A_727 : vector<16xi32> to vector<16x1xi32>
        %parallel_loop3A_729 = vector.shape_cast %parallel_loop3A_728 : vector<16x1xi32> to vector<16xi32>
        %parallel_loop3A_730 = tpu.dynamic_gather %parallel_loop3A_614[%parallel_loop3A_729] in [0] : vector<16xf32>, vector<16xi32> -> vector<16xf32>
        %parallel_loop3A_731 = vector.shape_cast %parallel_loop3A_727 : vector<16xi32> to vector<16x1xi32>
        %parallel_loop3A_732 = vector.shape_cast %parallel_loop3A_731 : vector<16x1xi32> to vector<16xi32>
        %parallel_loop3A_733 = tpu.dynamic_gather %parallel_loop3A_621[%parallel_loop3A_732] in [0] : vector<16xi32>, vector<16xi32> -> vector<16xi32>
        %parallel_loop3A_734 = arith.ori %parallel_loop3A_733, %iota3A : vector<16xi32>
        %parallel_loop3A_735 = arith.constant 6 : i32
        %parallel_loop3A_736 = arith.addi %parallel_loop3A_623, %parallel_loop3A_735 : i32
        %parallel_loop3A_737 = arith.constant 3 : i32
        %parallel_loop3A_738 = arith.index_cast %parallel_loop3A_737 : i32 to index
        %parallel_loop3A_739 = arith.index_cast %parallel_loop3A_736 : i32 to index
        %parallel_loop3A_740 = arith.constant 0 : index
        %parallel_loop3A_741 = tpu.vector_load %arg11[%parallel_loop3A_738, %parallel_loop3A_739, %parallel_loop3A_740] {strides = array<i32>} : memref<4x128x16xf32, #tpu.memory_space<vmem>>, vector<16xf32>,
        %parallel_loop3A_742 = arith.mulf %parallel_loop3A_741, %parallel_loop3A_730 : vector<16xf32>
        tpu.vector_store_idx %arg12[%parallel_loop3A_734], %parallel_loop3A_742 {add = true} : memref<65536xf32, #tpu.memory_space<vmem>>[vector<16xi32>], vector<16xf32>,
        %parallel_loop3A_743 = arith.constant 7 : i32
        %parallel_loop3A_744 = vector.broadcast %parallel_loop3A_743 : i32 to vector<16xi32>
        %parallel_loop3A_745 = vector.shape_cast %parallel_loop3A_744 : vector<16xi32> to vector<16x1xi32>
        %parallel_loop3A_746 = vector.shape_cast %parallel_loop3A_745 : vector<16x1xi32> to vector<16xi32>
        %parallel_loop3A_747 = tpu.dynamic_gather %parallel_loop3A_614[%parallel_loop3A_746] in [0] : vector<16xf32>, vector<16xi32> -> vector<16xf32>
        %parallel_loop3A_748 = vector.shape_cast %parallel_loop3A_744 : vector<16xi32> to vector<16x1xi32>
        %parallel_loop3A_749 = vector.shape_cast %parallel_loop3A_748 : vector<16x1xi32> to vector<16xi32>
        %parallel_loop3A_750 = tpu.dynamic_gather %parallel_loop3A_621[%parallel_loop3A_749] in [0] : vector<16xi32>, vector<16xi32> -> vector<16xi32>
        %parallel_loop3A_751 = arith.ori %parallel_loop3A_750, %iota3A : vector<16xi32>
        %parallel_loop3A_752 = arith.constant 7 : i32
        %parallel_loop3A_753 = arith.addi %parallel_loop3A_623, %parallel_loop3A_752 : i32
        %parallel_loop3A_754 = arith.constant 3 : i32
        %parallel_loop3A_755 = arith.index_cast %parallel_loop3A_754 : i32 to index
        %parallel_loop3A_756 = arith.index_cast %parallel_loop3A_753 : i32 to index
        %parallel_loop3A_757 = arith.constant 0 : index
        %parallel_loop3A_758 = tpu.vector_load %arg11[%parallel_loop3A_755, %parallel_loop3A_756, %parallel_loop3A_757] {strides = array<i32>} : memref<4x128x16xf32, #tpu.memory_space<vmem>>, vector<16xf32>,
        %parallel_loop3A_759 = arith.mulf %parallel_loop3A_758, %parallel_loop3A_747 : vector<16xf32>
        tpu.vector_store_idx %arg12[%parallel_loop3A_751], %parallel_loop3A_759 {add = true} : memref<65536xf32, #tpu.memory_space<vmem>>[vector<16xi32>], vector<16xf32>,
        %parallel_loop3A_760 = arith.constant 8 : i32
        %parallel_loop3A_761 = vector.broadcast %parallel_loop3A_760 : i32 to vector<16xi32>
        %parallel_loop3A_762 = vector.shape_cast %parallel_loop3A_761 : vector<16xi32> to vector<16x1xi32>
        %parallel_loop3A_763 = vector.shape_cast %parallel_loop3A_762 : vector<16x1xi32> to vector<16xi32>
        %parallel_loop3A_764 = tpu.dynamic_gather %parallel_loop3A_614[%parallel_loop3A_763] in [0] : vector<16xf32>, vector<16xi32> -> vector<16xf32>
        %parallel_loop3A_765 = vector.shape_cast %parallel_loop3A_761 : vector<16xi32> to vector<16x1xi32>
        %parallel_loop3A_766 = vector.shape_cast %parallel_loop3A_765 : vector<16x1xi32> to vector<16xi32>
        %parallel_loop3A_767 = tpu.dynamic_gather %parallel_loop3A_621[%parallel_loop3A_766] in [0] : vector<16xi32>, vector<16xi32> -> vector<16xi32>
        %parallel_loop3A_768 = arith.ori %parallel_loop3A_767, %iota3A : vector<16xi32>
        %parallel_loop3A_769 = arith.constant 8 : i32
        %parallel_loop3A_770 = arith.addi %parallel_loop3A_623, %parallel_loop3A_769 : i32
        %parallel_loop3A_771 = arith.constant 3 : i32
        %parallel_loop3A_772 = arith.index_cast %parallel_loop3A_771 : i32 to index
        %parallel_loop3A_773 = arith.index_cast %parallel_loop3A_770 : i32 to index
        %parallel_loop3A_774 = arith.constant 0 : index
        %parallel_loop3A_775 = tpu.vector_load %arg11[%parallel_loop3A_772, %parallel_loop3A_773, %parallel_loop3A_774] {strides = array<i32>} : memref<4x128x16xf32, #tpu.memory_space<vmem>>, vector<16xf32>,
        %parallel_loop3A_776 = arith.mulf %parallel_loop3A_775, %parallel_loop3A_764 : vector<16xf32>
        tpu.vector_store_idx %arg12[%parallel_loop3A_768], %parallel_loop3A_776 {add = true} : memref<65536xf32, #tpu.memory_space<vmem>>[vector<16xi32>], vector<16xf32>,
        %parallel_loop3A_777 = arith.constant 9 : i32
        %parallel_loop3A_778 = vector.broadcast %parallel_loop3A_777 : i32 to vector<16xi32>
        %parallel_loop3A_779 = vector.shape_cast %parallel_loop3A_778 : vector<16xi32> to vector<16x1xi32>
        %parallel_loop3A_780 = vector.shape_cast %parallel_loop3A_779 : vector<16x1xi32> to vector<16xi32>
        %parallel_loop3A_781 = tpu.dynamic_gather %parallel_loop3A_614[%parallel_loop3A_780] in [0] : vector<16xf32>, vector<16xi32> -> vector<16xf32>
        %parallel_loop3A_782 = vector.shape_cast %parallel_loop3A_778 : vector<16xi32> to vector<16x1xi32>
        %parallel_loop3A_783 = vector.shape_cast %parallel_loop3A_782 : vector<16x1xi32> to vector<16xi32>
        %parallel_loop3A_784 = tpu.dynamic_gather %parallel_loop3A_621[%parallel_loop3A_783] in [0] : vector<16xi32>, vector<16xi32> -> vector<16xi32>
        %parallel_loop3A_785 = arith.ori %parallel_loop3A_784, %iota3A : vector<16xi32>
        %parallel_loop3A_786 = arith.constant 9 : i32
        %parallel_loop3A_787 = arith.addi %parallel_loop3A_623, %parallel_loop3A_786 : i32
        %parallel_loop3A_788 = arith.constant 3 : i32
        %parallel_loop3A_789 = arith.index_cast %parallel_loop3A_788 : i32 to index
        %parallel_loop3A_790 = arith.index_cast %parallel_loop3A_787 : i32 to index
        %parallel_loop3A_791 = arith.constant 0 : index
        %parallel_loop3A_792 = tpu.vector_load %arg11[%parallel_loop3A_789, %parallel_loop3A_790, %parallel_loop3A_791] {strides = array<i32>} : memref<4x128x16xf32, #tpu.memory_space<vmem>>, vector<16xf32>,
        %parallel_loop3A_793 = arith.mulf %parallel_loop3A_792, %parallel_loop3A_781 : vector<16xf32>
        tpu.vector_store_idx %arg12[%parallel_loop3A_785], %parallel_loop3A_793 {add = true} : memref<65536xf32, #tpu.memory_space<vmem>>[vector<16xi32>], vector<16xf32>,
        %parallel_loop3A_794 = arith.constant 10 : i32
        %parallel_loop3A_795 = vector.broadcast %parallel_loop3A_794 : i32 to vector<16xi32>
        %parallel_loop3A_796 = vector.shape_cast %parallel_loop3A_795 : vector<16xi32> to vector<16x1xi32>
        %parallel_loop3A_797 = vector.shape_cast %parallel_loop3A_796 : vector<16x1xi32> to vector<16xi32>
        %parallel_loop3A_798 = tpu.dynamic_gather %parallel_loop3A_614[%parallel_loop3A_797] in [0] : vector<16xf32>, vector<16xi32> -> vector<16xf32>
        %parallel_loop3A_799 = vector.shape_cast %parallel_loop3A_795 : vector<16xi32> to vector<16x1xi32>
        %parallel_loop3A_800 = vector.shape_cast %parallel_loop3A_799 : vector<16x1xi32> to vector<16xi32>
        %parallel_loop3A_801 = tpu.dynamic_gather %parallel_loop3A_621[%parallel_loop3A_800] in [0] : vector<16xi32>, vector<16xi32> -> vector<16xi32>
        %parallel_loop3A_802 = arith.ori %parallel_loop3A_801, %iota3A : vector<16xi32>
        %parallel_loop3A_803 = arith.constant 10 : i32
        %parallel_loop3A_804 = arith.addi %parallel_loop3A_623, %parallel_loop3A_803 : i32
        %parallel_loop3A_805 = arith.constant 3 : i32
        %parallel_loop3A_806 = arith.index_cast %parallel_loop3A_805 : i32 to index
        %parallel_loop3A_807 = arith.index_cast %parallel_loop3A_804 : i32 to index
        %parallel_loop3A_808 = arith.constant 0 : index
        %parallel_loop3A_809 = tpu.vector_load %arg11[%parallel_loop3A_806, %parallel_loop3A_807, %parallel_loop3A_808] {strides = array<i32>} : memref<4x128x16xf32, #tpu.memory_space<vmem>>, vector<16xf32>,
        %parallel_loop3A_810 = arith.mulf %parallel_loop3A_809, %parallel_loop3A_798 : vector<16xf32>
        tpu.vector_store_idx %arg12[%parallel_loop3A_802], %parallel_loop3A_810 {add = true} : memref<65536xf32, #tpu.memory_space<vmem>>[vector<16xi32>], vector<16xf32>,
        %parallel_loop3A_811 = arith.constant 11 : i32
        %parallel_loop3A_812 = vector.broadcast %parallel_loop3A_811 : i32 to vector<16xi32>
        %parallel_loop3A_813 = vector.shape_cast %parallel_loop3A_812 : vector<16xi32> to vector<16x1xi32>
        %parallel_loop3A_814 = vector.shape_cast %parallel_loop3A_813 : vector<16x1xi32> to vector<16xi32>
        %parallel_loop3A_815 = tpu.dynamic_gather %parallel_loop3A_614[%parallel_loop3A_814] in [0] : vector<16xf32>, vector<16xi32> -> vector<16xf32>
        %parallel_loop3A_816 = vector.shape_cast %parallel_loop3A_812 : vector<16xi32> to vector<16x1xi32>
        %parallel_loop3A_817 = vector.shape_cast %parallel_loop3A_816 : vector<16x1xi32> to vector<16xi32>
        %parallel_loop3A_818 = tpu.dynamic_gather %parallel_loop3A_621[%parallel_loop3A_817] in [0] : vector<16xi32>, vector<16xi32> -> vector<16xi32>
        %parallel_loop3A_819 = arith.ori %parallel_loop3A_818, %iota3A : vector<16xi32>
        %parallel_loop3A_820 = arith.constant 11 : i32
        %parallel_loop3A_821 = arith.addi %parallel_loop3A_623, %parallel_loop3A_820 : i32
        %parallel_loop3A_822 = arith.constant 3 : i32
        %parallel_loop3A_823 = arith.index_cast %parallel_loop3A_822 : i32 to index
        %parallel_loop3A_824 = arith.index_cast %parallel_loop3A_821 : i32 to index
        %parallel_loop3A_825 = arith.constant 0 : index
        %parallel_loop3A_826 = tpu.vector_load %arg11[%parallel_loop3A_823, %parallel_loop3A_824, %parallel_loop3A_825] {strides = array<i32>} : memref<4x128x16xf32, #tpu.memory_space<vmem>>, vector<16xf32>,
        %parallel_loop3A_827 = arith.mulf %parallel_loop3A_826, %parallel_loop3A_815 : vector<16xf32>
        tpu.vector_store_idx %arg12[%parallel_loop3A_819], %parallel_loop3A_827 {add = true} : memref<65536xf32, #tpu.memory_space<vmem>>[vector<16xi32>], vector<16xf32>,
        %parallel_loop3A_828 = arith.constant 12 : i32
        %parallel_loop3A_829 = vector.broadcast %parallel_loop3A_828 : i32 to vector<16xi32>
        %parallel_loop3A_830 = vector.shape_cast %parallel_loop3A_829 : vector<16xi32> to vector<16x1xi32>
        %parallel_loop3A_831 = vector.shape_cast %parallel_loop3A_830 : vector<16x1xi32> to vector<16xi32>
        %parallel_loop3A_832 = tpu.dynamic_gather %parallel_loop3A_614[%parallel_loop3A_831] in [0] : vector<16xf32>, vector<16xi32> -> vector<16xf32>
        %parallel_loop3A_833 = vector.shape_cast %parallel_loop3A_829 : vector<16xi32> to vector<16x1xi32>
        %parallel_loop3A_834 = vector.shape_cast %parallel_loop3A_833 : vector<16x1xi32> to vector<16xi32>
        %parallel_loop3A_835 = tpu.dynamic_gather %parallel_loop3A_621[%parallel_loop3A_834] in [0] : vector<16xi32>, vector<16xi32> -> vector<16xi32>
        %parallel_loop3A_836 = arith.ori %parallel_loop3A_835, %iota3A : vector<16xi32>
        %parallel_loop3A_837 = arith.constant 12 : i32
        %parallel_loop3A_838 = arith.addi %parallel_loop3A_623, %parallel_loop3A_837 : i32
        %parallel_loop3A_839 = arith.constant 3 : i32
        %parallel_loop3A_840 = arith.index_cast %parallel_loop3A_839 : i32 to index
        %parallel_loop3A_841 = arith.index_cast %parallel_loop3A_838 : i32 to index
        %parallel_loop3A_842 = arith.constant 0 : index
        %parallel_loop3A_843 = tpu.vector_load %arg11[%parallel_loop3A_840, %parallel_loop3A_841, %parallel_loop3A_842] {strides = array<i32>} : memref<4x128x16xf32, #tpu.memory_space<vmem>>, vector<16xf32>,
        %parallel_loop3A_844 = arith.mulf %parallel_loop3A_843, %parallel_loop3A_832 : vector<16xf32>
        tpu.vector_store_idx %arg12[%parallel_loop3A_836], %parallel_loop3A_844 {add = true} : memref<65536xf32, #tpu.memory_space<vmem>>[vector<16xi32>], vector<16xf32>,
        %parallel_loop3A_845 = arith.constant 13 : i32
        %parallel_loop3A_846 = vector.broadcast %parallel_loop3A_845 : i32 to vector<16xi32>
        %parallel_loop3A_847 = vector.shape_cast %parallel_loop3A_846 : vector<16xi32> to vector<16x1xi32>
        %parallel_loop3A_848 = vector.shape_cast %parallel_loop3A_847 : vector<16x1xi32> to vector<16xi32>
        %parallel_loop3A_849 = tpu.dynamic_gather %parallel_loop3A_614[%parallel_loop3A_848] in [0] : vector<16xf32>, vector<16xi32> -> vector<16xf32>
        %parallel_loop3A_850 = vector.shape_cast %parallel_loop3A_846 : vector<16xi32> to vector<16x1xi32>
        %parallel_loop3A_851 = vector.shape_cast %parallel_loop3A_850 : vector<16x1xi32> to vector<16xi32>
        %parallel_loop3A_852 = tpu.dynamic_gather %parallel_loop3A_621[%parallel_loop3A_851] in [0] : vector<16xi32>, vector<16xi32> -> vector<16xi32>
        %parallel_loop3A_853 = arith.ori %parallel_loop3A_852, %iota3A : vector<16xi32>
        %parallel_loop3A_854 = arith.constant 13 : i32
        %parallel_loop3A_855 = arith.addi %parallel_loop3A_623, %parallel_loop3A_854 : i32
        %parallel_loop3A_856 = arith.constant 3 : i32
        %parallel_loop3A_857 = arith.index_cast %parallel_loop3A_856 : i32 to index
        %parallel_loop3A_858 = arith.index_cast %parallel_loop3A_855 : i32 to index
        %parallel_loop3A_859 = arith.constant 0 : index
        %parallel_loop3A_860 = tpu.vector_load %arg11[%parallel_loop3A_857, %parallel_loop3A_858, %parallel_loop3A_859] {strides = array<i32>} : memref<4x128x16xf32, #tpu.memory_space<vmem>>, vector<16xf32>,
        %parallel_loop3A_861 = arith.mulf %parallel_loop3A_860, %parallel_loop3A_849 : vector<16xf32>
        tpu.vector_store_idx %arg12[%parallel_loop3A_853], %parallel_loop3A_861 {add = true} : memref<65536xf32, #tpu.memory_space<vmem>>[vector<16xi32>], vector<16xf32>,
        %parallel_loop3A_862 = arith.constant 14 : i32
        %parallel_loop3A_863 = vector.broadcast %parallel_loop3A_862 : i32 to vector<16xi32>
        %parallel_loop3A_864 = vector.shape_cast %parallel_loop3A_863 : vector<16xi32> to vector<16x1xi32>
        %parallel_loop3A_865 = vector.shape_cast %parallel_loop3A_864 : vector<16x1xi32> to vector<16xi32>
        %parallel_loop3A_866 = tpu.dynamic_gather %parallel_loop3A_614[%parallel_loop3A_865] in [0] : vector<16xf32>, vector<16xi32> -> vector<16xf32>
        %parallel_loop3A_867 = vector.shape_cast %parallel_loop3A_863 : vector<16xi32> to vector<16x1xi32>
        %parallel_loop3A_868 = vector.shape_cast %parallel_loop3A_867 : vector<16x1xi32> to vector<16xi32>
        %parallel_loop3A_869 = tpu.dynamic_gather %parallel_loop3A_621[%parallel_loop3A_868] in [0] : vector<16xi32>, vector<16xi32> -> vector<16xi32>
        %parallel_loop3A_870 = arith.ori %parallel_loop3A_869, %iota3A : vector<16xi32>
        %parallel_loop3A_871 = arith.constant 14 : i32
        %parallel_loop3A_872 = arith.addi %parallel_loop3A_623, %parallel_loop3A_871 : i32
        %parallel_loop3A_873 = arith.constant 3 : i32
        %parallel_loop3A_874 = arith.index_cast %parallel_loop3A_873 : i32 to index
        %parallel_loop3A_875 = arith.index_cast %parallel_loop3A_872 : i32 to index
        %parallel_loop3A_876 = arith.constant 0 : index
        %parallel_loop3A_877 = tpu.vector_load %arg11[%parallel_loop3A_874, %parallel_loop3A_875, %parallel_loop3A_876] {strides = array<i32>} : memref<4x128x16xf32, #tpu.memory_space<vmem>>, vector<16xf32>,
        %parallel_loop3A_878 = arith.mulf %parallel_loop3A_877, %parallel_loop3A_866 : vector<16xf32>
        tpu.vector_store_idx %arg12[%parallel_loop3A_870], %parallel_loop3A_878 {add = true} : memref<65536xf32, #tpu.memory_space<vmem>>[vector<16xi32>], vector<16xf32>,
        %parallel_loop3A_879 = arith.constant 15 : i32
        %parallel_loop3A_880 = vector.broadcast %parallel_loop3A_879 : i32 to vector<16xi32>
        %parallel_loop3A_881 = vector.shape_cast %parallel_loop3A_880 : vector<16xi32> to vector<16x1xi32>
        %parallel_loop3A_882 = vector.shape_cast %parallel_loop3A_881 : vector<16x1xi32> to vector<16xi32>
        %parallel_loop3A_883 = tpu.dynamic_gather %parallel_loop3A_614[%parallel_loop3A_882] in [0] : vector<16xf32>, vector<16xi32> -> vector<16xf32>
        %parallel_loop3A_884 = vector.shape_cast %parallel_loop3A_880 : vector<16xi32> to vector<16x1xi32>
        %parallel_loop3A_885 = vector.shape_cast %parallel_loop3A_884 : vector<16x1xi32> to vector<16xi32>
        %parallel_loop3A_886 = tpu.dynamic_gather %parallel_loop3A_621[%parallel_loop3A_885] in [0] : vector<16xi32>, vector<16xi32> -> vector<16xi32>
        %parallel_loop3A_887 = arith.ori %parallel_loop3A_886, %iota3A : vector<16xi32>
        %parallel_loop3A_888 = arith.constant 15 : i32
        %parallel_loop3A_889 = arith.addi %parallel_loop3A_623, %parallel_loop3A_888 : i32
        %parallel_loop3A_890 = arith.constant 3 : i32
        %parallel_loop3A_891 = arith.index_cast %parallel_loop3A_890 : i32 to index
        %parallel_loop3A_892 = arith.index_cast %parallel_loop3A_889 : i32 to index
        %parallel_loop3A_893 = arith.constant 0 : index
        %parallel_loop3A_894 = tpu.vector_load %arg11[%parallel_loop3A_891, %parallel_loop3A_892, %parallel_loop3A_893] {strides = array<i32>} : memref<4x128x16xf32, #tpu.memory_space<vmem>>, vector<16xf32>,
        %parallel_loop3A_895 = arith.mulf %parallel_loop3A_894, %parallel_loop3A_883 : vector<16xf32>
        tpu.vector_store_idx %arg12[%parallel_loop3A_887], %parallel_loop3A_895 {add = true} : memref<65536xf32, #tpu.memory_space<vmem>>[vector<16xi32>], vector<16xf32>,
      } {sc.loop_unroll_factor = 4 : i64, sc.parallel_access}
      %add3A_379 = arith.constant 2 : i32
      %add3A_380 = arith.addi %add3A_224, %add3A_379 : i32
      %rem3A_381 = arith.constant 64 : i32
      %rem3A_382 = arith.remsi %add3A_380, %rem3A_381 : i32
      %mul3A_383 = arith.constant 512 : i32
      %mul3A_384 = arith.muli %rem3A_382, %mul3A_383 : i32
      %add3A_385 = arith.addi %mul3A_0, %mul3A_384 : i32
      %dma_start3A_386 = arith.constant 0 : i32
      %dma_start3A_387 = arith.constant 0 : i32
      %dma_start3A_388 = tpu.memref_slice %arg7[%dma_start3A_386, %dma_start3A_387] : memref<2x512xi32, #tpu.memory_space<vmem>> -> memref<1x512xi32, #tpu.memory_space<vmem>>
      %dma_start3A_389 = tpu.memref_squeeze %dma_start3A_388 : memref<1x512xi32, #tpu.memory_space<vmem>> -> memref<512xi32, #tpu.memory_space<vmem>>
      %dma_start3A_390 = tpu.memref_slice %arg4[%add3A_385] : memref<65536xi32, #tpu.memory_space<hbm>> -> memref<512xi32, #tpu.memory_space<hbm>>
      %dma_start3A_391 = arith.constant 0 : i32
      %dma_start3A_392 = tpu.memref_slice %arg7[%dma_start3A_386, %dma_start3A_391] : memref<2x512xi32, #tpu.memory_space<vmem>> -> memref<1x512xi32, #tpu.memory_space<vmem>>
      %dma_start3A_393 = tpu.memref_squeeze %dma_start3A_392 : memref<1x512xi32, #tpu.memory_space<vmem>> -> memref<512xi32, #tpu.memory_space<vmem>>
      %dma_start3A_394 = tpu.memref_slice %arg4[%add3A_385] : memref<65536xi32, #tpu.memory_space<hbm>> -> memref<512xi32, #tpu.memory_space<hbm>>
      tpu.enqueue_dma source(%dma_start3A_394 : memref<512xi32, #tpu.memory_space<hbm>>) target(%dma_start3A_393 : memref<512xi32, #tpu.memory_space<vmem>>) target_semaphore(%arg13 : memref<!tpu.dma_semaphore, #tpu.memory_space<semaphore_mem>>)
      %dma_start3A_395 = arith.constant 0 : i32
      %dma_start3A_396 = arith.constant 0 : i32
      %dma_start3A_397 = tpu.memref_slice %arg8[%dma_start3A_395, %dma_start3A_396] : memref<2x512xi32, #tpu.memory_space<vmem>> -> memref<1x512xi32, #tpu.memory_space<vmem>>
      %dma_start3A_398 = tpu.memref_squeeze %dma_start3A_397 : memref<1x512xi32, #tpu.memory_space<vmem>> -> memref<512xi32, #tpu.memory_space<vmem>>
      %dma_start3A_399 = tpu.memref_slice %arg3[%add3A_385] : memref<65536xi32, #tpu.memory_space<hbm>> -> memref<512xi32, #tpu.memory_space<hbm>>
      %dma_start3A_400 = arith.constant 0 : i32
      %dma_start3A_401 = tpu.memref_slice %arg8[%dma_start3A_395, %dma_start3A_400] : memref<2x512xi32, #tpu.memory_space<vmem>> -> memref<1x512xi32, #tpu.memory_space<vmem>>
      %dma_start3A_402 = tpu.memref_squeeze %dma_start3A_401 : memref<1x512xi32, #tpu.memory_space<vmem>> -> memref<512xi32, #tpu.memory_space<vmem>>
      %dma_start3A_403 = tpu.memref_slice %arg3[%add3A_385] : memref<65536xi32, #tpu.memory_space<hbm>> -> memref<512xi32, #tpu.memory_space<hbm>>
      tpu.enqueue_dma source(%dma_start3A_403 : memref<512xi32, #tpu.memory_space<hbm>>) target(%dma_start3A_402 : memref<512xi32, #tpu.memory_space<vmem>>) target_semaphore(%arg13 : memref<!tpu.dma_semaphore, #tpu.memory_space<semaphore_mem>>)
      %dma_start3A_404 = arith.constant 0 : i32
      %dma_start3A_405 = arith.constant 0 : i32
      %dma_start3A_406 = tpu.memref_slice %arg9[%dma_start3A_404, %dma_start3A_405] : memref<2x512xf32, #tpu.memory_space<vmem>> -> memref<1x512xf32, #tpu.memory_space<vmem>>
      %dma_start3A_407 = tpu.memref_squeeze %dma_start3A_406 : memref<1x512xf32, #tpu.memory_space<vmem>> -> memref<512xf32, #tpu.memory_space<vmem>>
      %dma_start3A_408 = tpu.memref_slice %arg5[%add3A_385] : memref<65536xf32, #tpu.memory_space<hbm>> -> memref<512xf32, #tpu.memory_space<hbm>>
      %dma_start3A_409 = arith.constant 0 : i32
      %dma_start3A_410 = tpu.memref_slice %arg9[%dma_start3A_404, %dma_start3A_409] : memref<2x512xf32, #tpu.memory_space<vmem>> -> memref<1x512xf32, #tpu.memory_space<vmem>>
      %dma_start3A_411 = tpu.memref_squeeze %dma_start3A_410 : memref<1x512xf32, #tpu.memory_space<vmem>> -> memref<512xf32, #tpu.memory_space<vmem>>
      %dma_start3A_412 = tpu.memref_slice %arg5[%add3A_385] : memref<65536xf32, #tpu.memory_space<hbm>> -> memref<512xf32, #tpu.memory_space<hbm>>
      tpu.enqueue_dma source(%dma_start3A_412 : memref<512xf32, #tpu.memory_space<hbm>>) target(%dma_start3A_411 : memref<512xf32, #tpu.memory_space<vmem>>) target_semaphore(%arg13 : memref<!tpu.dma_semaphore, #tpu.memory_space<semaphore_mem>>)
      %mul3A_413 = arith.constant 2 : i32
      %mul3A_414 = arith.muli %mul3A_413, %scan3A_219 : i32
      %add3A_415 = arith.constant 1 : i32
      %add3A_416 = arith.addi %mul3A_414, %add3A_415 : i32
      %parallel_loop3A_417 = arith.constant 0 : i32
      %parallel_loop3A_418 = arith.constant 128 : i32
      %parallel_loop3A_419 = arith.constant 16 : i32
      scf.for %parallel_loop3A_606 = %parallel_loop3A_417 to %parallel_loop3A_418 step %parallel_loop3A_419  : i32 {
        %parallel_loop3A_607 = arith.constant 384 : i32
        %parallel_loop3A_608 = arith.addi %parallel_loop3A_607, %parallel_loop3A_606 : i32
        %parallel_loop3A_609 = arith.constant 1 : i32
        %parallel_loop3A_610 = arith.index_cast %parallel_loop3A_609 : i32 to index
        %parallel_loop3A_611 = arith.index_cast %parallel_loop3A_608 : i32 to index
        %parallel_loop3A_612 = tpu.vector_load %arg7[%parallel_loop3A_610, %parallel_loop3A_611] {strides = array<i32>} : memref<2x512xi32, #tpu.memory_space<vmem>>, vector<16xi32>,
        %parallel_loop3A_613 = arith.constant 4 : i32
        %parallel_loop3A_614 = vector.broadcast %parallel_loop3A_613 : i32 to vector<16xi32>
        %parallel_loop3A_615 = arith.shli %parallel_loop3A_612, %parallel_loop3A_614 : vector<16xi32>
        %parallel_loop3A_616 = vector.broadcast %arg1 : i32 to vector<16xi32>
        %parallel_loop3A_617 = arith.addi %parallel_loop3A_615, %parallel_loop3A_616 : vector<16xi32>
        %parallel_loop3A_618 = arith.constant 3 : i32
        %parallel_loop3A_619 = arith.index_cast %parallel_loop3A_618 : i32 to index
        %parallel_loop3A_620 = arith.index_cast %parallel_loop3A_606 : i32 to index
        %parallel_loop3A_621 = tpu.vector_load %arg10[%parallel_loop3A_619, %parallel_loop3A_620] {strides = array<i32>} : memref<4x128xi32, #tpu.memory_space<vmem>>, vector<16xi32>,
        tpu.vector_store %arg10[%parallel_loop3A_619, %parallel_loop3A_620], %parallel_loop3A_617 {strides = array<i32>} : memref<4x128xi32, #tpu.memory_space<vmem>>, vector<16xi32>,
      } {sc.loop_unroll_factor = 2 : i64, sc.parallel_access}
      %dma_start3A_420 = arith.constant 3 : i32
      %dma_start3A_421 = arith.constant 3 : i32
      %dma_start3A_422 = arith.constant 0 : i32
      %dma_start3A_423 = arith.constant 0 : i32
      %dma_start3A_424 = tpu.memref_slice %arg11[%dma_start3A_421, %dma_start3A_422, %dma_start3A_423] : memref<4x128x16xf32, #tpu.memory_space<vmem>> -> memref<1x128x16xf32, #tpu.memory_space<vmem>>
      %dma_start3A_425 = tpu.memref_squeeze %dma_start3A_424 : memref<1x128x16xf32, #tpu.memory_space<vmem>> -> memref<128x16xf32, #tpu.memory_space<vmem>>
      %dma_start3A_426 = arith.constant 0 : i32
      %dma_start3A_427 = tpu.memref_slice %arg10[%dma_start3A_420, %dma_start3A_426] : memref<4x128xi32, #tpu.memory_space<vmem>> -> memref<1x128xi32, #tpu.memory_space<vmem>>
      %dma_start3A_428 = tpu.memref_squeeze %dma_start3A_427 : memref<1x128xi32, #tpu.memory_space<vmem>> -> memref<128xi32, #tpu.memory_space<vmem>>
      %dma_start3A_429 = arith.constant 0 : i32
      %dma_start3A_430 = arith.constant 0 : i32
      %dma_start3A_431 = tpu.memref_slice %arg2[%dma_start3A_429, %dma_start3A_430] : memref<65536x16xf32, #tpu.memory_space<hbm>> -> memref<65536x16xf32, #tpu.memory_space<hbm>>
      tpu.enqueue_indirect_dma source(%dma_start3A_431 : memref<65536x16xf32, #tpu.memory_space<hbm>>) target(%dma_start3A_425 : memref<128x16xf32, #tpu.memory_space<vmem>>) offsets(%dma_start3A_428 : memref<128xi32, #tpu.memory_space<vmem>>) semaphore(%arg18 : memref<!tpu.dma_semaphore, #tpu.memory_space<semaphore_mem>>)
      %dma_wait3A_432 = arith.constant 0 : i32
      %dma_wait3A_433 = arith.constant 0 : i32
      %dma_wait3A_434 = arith.constant 0 : i32
      %dma_wait3A_435 = arith.constant 0 : i32
      %dma_wait3A_436 = tpu.memref_slice %arg11[%dma_wait3A_433, %dma_wait3A_434, %dma_wait3A_435] : memref<4x128x16xf32, #tpu.memory_space<vmem>> -> memref<1x128x16xf32, #tpu.memory_space<vmem>>
      %dma_wait3A_437 = tpu.memref_squeeze %dma_wait3A_436 : memref<1x128x16xf32, #tpu.memory_space<vmem>> -> memref<128x16xf32, #tpu.memory_space<vmem>>
      %dma_wait3A_438 = arith.constant 0 : i32
      %dma_wait3A_439 = tpu.memref_slice %arg10[%dma_wait3A_432, %dma_wait3A_438] : memref<4x128xi32, #tpu.memory_space<vmem>> -> memref<1x128xi32, #tpu.memory_space<vmem>>
      %dma_wait3A_440 = tpu.memref_squeeze %dma_wait3A_439 : memref<1x128xi32, #tpu.memory_space<vmem>> -> memref<128xi32, #tpu.memory_space<vmem>>
      %dma_wait3A_441 = arith.constant 0 : i32
      %dma_wait3A_442 = arith.constant 0 : i32
      %dma_wait3A_443 = tpu.memref_slice %arg2[%dma_wait3A_441, %dma_wait3A_442] : memref<65536x16xf32, #tpu.memory_space<hbm>> -> memref<65536x16xf32, #tpu.memory_space<hbm>>
      tpu.wait_indirect_dma semaphore(%arg15 : memref<!tpu.dma_semaphore, #tpu.memory_space<semaphore_mem>>) src(%dma_wait3A_443 : memref<65536x16xf32, #tpu.memory_space<hbm>>) dst(%dma_wait3A_437 : memref<128x16xf32, #tpu.memory_space<vmem>>)
      %parallel_loop3A_444 = arith.constant 0 : i32
      %parallel_loop3A_445 = arith.constant 8 : i32
      %parallel_loop3A_446 = arith.constant 1 : i32
      scf.for %parallel_loop3A_606 = %parallel_loop3A_444 to %parallel_loop3A_445 step %parallel_loop3A_446  : i32 {
        %parallel_loop3A_607 = arith.constant 16 : i32
        %parallel_loop3A_608 = arith.muli %parallel_loop3A_606, %parallel_loop3A_607 : i32
        %parallel_loop3A_609 = arith.constant 0 : i32
        %parallel_loop3A_610 = arith.addi %parallel_loop3A_609, %parallel_loop3A_608 : i32
        %parallel_loop3A_611 = arith.constant 1 : i32
        %parallel_loop3A_612 = arith.index_cast %parallel_loop3A_611 : i32 to index
        %parallel_loop3A_613 = arith.index_cast %parallel_loop3A_610 : i32 to index
        %parallel_loop3A_614 = tpu.vector_load %arg9[%parallel_loop3A_612, %parallel_loop3A_613] {strides = array<i32>} : memref<2x512xf32, #tpu.memory_space<vmem>>, vector<16xf32>,
        %parallel_loop3A_615 = arith.constant 1 : i32
        %parallel_loop3A_616 = arith.index_cast %parallel_loop3A_615 : i32 to index
        %parallel_loop3A_617 = arith.index_cast %parallel_loop3A_610 : i32 to index
        %parallel_loop3A_618 = tpu.vector_load %arg8[%parallel_loop3A_616, %parallel_loop3A_617] {strides = array<i32>} : memref<2x512xi32, #tpu.memory_space<vmem>>, vector<16xi32>,
        %parallel_loop3A_619 = arith.constant 4 : i32
        %parallel_loop3A_620 = vector.broadcast %parallel_loop3A_619 : i32 to vector<16xi32>
        %parallel_loop3A_621 = arith.shli %parallel_loop3A_618, %parallel_loop3A_620 : vector<16xi32>
        %parallel_loop3A_622 = arith.constant 16 : i32
        %parallel_loop3A_623 = arith.muli %parallel_loop3A_606, %parallel_loop3A_622 : i32
        %parallel_loop3A_624 = arith.constant 0 : i32
        %parallel_loop3A_625 = vector.broadcast %parallel_loop3A_624 : i32 to vector<16xi32>
        %parallel_loop3A_626 = vector.shape_cast %parallel_loop3A_625 : vector<16xi32> to vector<16x1xi32>
        %parallel_loop3A_627 = vector.shape_cast %parallel_loop3A_626 : vector<16x1xi32> to vector<16xi32>
        %parallel_loop3A_628 = tpu.dynamic_gather %parallel_loop3A_614[%parallel_loop3A_627] in [0] : vector<16xf32>, vector<16xi32> -> vector<16xf32>
        %parallel_loop3A_629 = vector.shape_cast %parallel_loop3A_625 : vector<16xi32> to vector<16x1xi32>
        %parallel_loop3A_630 = vector.shape_cast %parallel_loop3A_629 : vector<16x1xi32> to vector<16xi32>
        %parallel_loop3A_631 = tpu.dynamic_gather %parallel_loop3A_621[%parallel_loop3A_630] in [0] : vector<16xi32>, vector<16xi32> -> vector<16xi32>
        %parallel_loop3A_632 = arith.ori %parallel_loop3A_631, %iota3A : vector<16xi32>
        %parallel_loop3A_633 = arith.constant 0 : i32
        %parallel_loop3A_634 = arith.addi %parallel_loop3A_623, %parallel_loop3A_633 : i32
        %parallel_loop3A_635 = arith.constant 0 : i32
        %parallel_loop3A_636 = arith.index_cast %parallel_loop3A_635 : i32 to index
        %parallel_loop3A_637 = arith.index_cast %parallel_loop3A_634 : i32 to index
        %parallel_loop3A_638 = arith.constant 0 : index
        %parallel_loop3A_639 = tpu.vector_load %arg11[%parallel_loop3A_636, %parallel_loop3A_637, %parallel_loop3A_638] {strides = array<i32>} : memref<4x128x16xf32, #tpu.memory_space<vmem>>, vector<16xf32>,
        %parallel_loop3A_640 = arith.mulf %parallel_loop3A_639, %parallel_loop3A_628 : vector<16xf32>
        tpu.vector_store_idx %arg12[%parallel_loop3A_632], %parallel_loop3A_640 {add = true} : memref<65536xf32, #tpu.memory_space<vmem>>[vector<16xi32>], vector<16xf32>,
        %parallel_loop3A_641 = arith.constant 1 : i32
        %parallel_loop3A_642 = vector.broadcast %parallel_loop3A_641 : i32 to vector<16xi32>
        %parallel_loop3A_643 = vector.shape_cast %parallel_loop3A_642 : vector<16xi32> to vector<16x1xi32>
        %parallel_loop3A_644 = vector.shape_cast %parallel_loop3A_643 : vector<16x1xi32> to vector<16xi32>
        %parallel_loop3A_645 = tpu.dynamic_gather %parallel_loop3A_614[%parallel_loop3A_644] in [0] : vector<16xf32>, vector<16xi32> -> vector<16xf32>
        %parallel_loop3A_646 = vector.shape_cast %parallel_loop3A_642 : vector<16xi32> to vector<16x1xi32>
        %parallel_loop3A_647 = vector.shape_cast %parallel_loop3A_646 : vector<16x1xi32> to vector<16xi32>
        %parallel_loop3A_648 = tpu.dynamic_gather %parallel_loop3A_621[%parallel_loop3A_647] in [0] : vector<16xi32>, vector<16xi32> -> vector<16xi32>
        %parallel_loop3A_649 = arith.ori %parallel_loop3A_648, %iota3A : vector<16xi32>
        %parallel_loop3A_650 = arith.constant 1 : i32
        %parallel_loop3A_651 = arith.addi %parallel_loop3A_623, %parallel_loop3A_650 : i32
        %parallel_loop3A_652 = arith.constant 0 : i32
        %parallel_loop3A_653 = arith.index_cast %parallel_loop3A_652 : i32 to index
        %parallel_loop3A_654 = arith.index_cast %parallel_loop3A_651 : i32 to index
        %parallel_loop3A_655 = arith.constant 0 : index
        %parallel_loop3A_656 = tpu.vector_load %arg11[%parallel_loop3A_653, %parallel_loop3A_654, %parallel_loop3A_655] {strides = array<i32>} : memref<4x128x16xf32, #tpu.memory_space<vmem>>, vector<16xf32>,
        %parallel_loop3A_657 = arith.mulf %parallel_loop3A_656, %parallel_loop3A_645 : vector<16xf32>
        tpu.vector_store_idx %arg12[%parallel_loop3A_649], %parallel_loop3A_657 {add = true} : memref<65536xf32, #tpu.memory_space<vmem>>[vector<16xi32>], vector<16xf32>,
        %parallel_loop3A_658 = arith.constant 2 : i32
        %parallel_loop3A_659 = vector.broadcast %parallel_loop3A_658 : i32 to vector<16xi32>
        %parallel_loop3A_660 = vector.shape_cast %parallel_loop3A_659 : vector<16xi32> to vector<16x1xi32>
        %parallel_loop3A_661 = vector.shape_cast %parallel_loop3A_660 : vector<16x1xi32> to vector<16xi32>
        %parallel_loop3A_662 = tpu.dynamic_gather %parallel_loop3A_614[%parallel_loop3A_661] in [0] : vector<16xf32>, vector<16xi32> -> vector<16xf32>
        %parallel_loop3A_663 = vector.shape_cast %parallel_loop3A_659 : vector<16xi32> to vector<16x1xi32>
        %parallel_loop3A_664 = vector.shape_cast %parallel_loop3A_663 : vector<16x1xi32> to vector<16xi32>
        %parallel_loop3A_665 = tpu.dynamic_gather %parallel_loop3A_621[%parallel_loop3A_664] in [0] : vector<16xi32>, vector<16xi32> -> vector<16xi32>
        %parallel_loop3A_666 = arith.ori %parallel_loop3A_665, %iota3A : vector<16xi32>
        %parallel_loop3A_667 = arith.constant 2 : i32
        %parallel_loop3A_668 = arith.addi %parallel_loop3A_623, %parallel_loop3A_667 : i32
        %parallel_loop3A_669 = arith.constant 0 : i32
        %parallel_loop3A_670 = arith.index_cast %parallel_loop3A_669 : i32 to index
        %parallel_loop3A_671 = arith.index_cast %parallel_loop3A_668 : i32 to index
        %parallel_loop3A_672 = arith.constant 0 : index
        %parallel_loop3A_673 = tpu.vector_load %arg11[%parallel_loop3A_670, %parallel_loop3A_671, %parallel_loop3A_672] {strides = array<i32>} : memref<4x128x16xf32, #tpu.memory_space<vmem>>, vector<16xf32>,
        %parallel_loop3A_674 = arith.mulf %parallel_loop3A_673, %parallel_loop3A_662 : vector<16xf32>
        tpu.vector_store_idx %arg12[%parallel_loop3A_666], %parallel_loop3A_674 {add = true} : memref<65536xf32, #tpu.memory_space<vmem>>[vector<16xi32>], vector<16xf32>,
        %parallel_loop3A_675 = arith.constant 3 : i32
        %parallel_loop3A_676 = vector.broadcast %parallel_loop3A_675 : i32 to vector<16xi32>
        %parallel_loop3A_677 = vector.shape_cast %parallel_loop3A_676 : vector<16xi32> to vector<16x1xi32>
        %parallel_loop3A_678 = vector.shape_cast %parallel_loop3A_677 : vector<16x1xi32> to vector<16xi32>
        %parallel_loop3A_679 = tpu.dynamic_gather %parallel_loop3A_614[%parallel_loop3A_678] in [0] : vector<16xf32>, vector<16xi32> -> vector<16xf32>
        %parallel_loop3A_680 = vector.shape_cast %parallel_loop3A_676 : vector<16xi32> to vector<16x1xi32>
        %parallel_loop3A_681 = vector.shape_cast %parallel_loop3A_680 : vector<16x1xi32> to vector<16xi32>
        %parallel_loop3A_682 = tpu.dynamic_gather %parallel_loop3A_621[%parallel_loop3A_681] in [0] : vector<16xi32>, vector<16xi32> -> vector<16xi32>
        %parallel_loop3A_683 = arith.ori %parallel_loop3A_682, %iota3A : vector<16xi32>
        %parallel_loop3A_684 = arith.constant 3 : i32
        %parallel_loop3A_685 = arith.addi %parallel_loop3A_623, %parallel_loop3A_684 : i32
        %parallel_loop3A_686 = arith.constant 0 : i32
        %parallel_loop3A_687 = arith.index_cast %parallel_loop3A_686 : i32 to index
        %parallel_loop3A_688 = arith.index_cast %parallel_loop3A_685 : i32 to index
        %parallel_loop3A_689 = arith.constant 0 : index
        %parallel_loop3A_690 = tpu.vector_load %arg11[%parallel_loop3A_687, %parallel_loop3A_688, %parallel_loop3A_689] {strides = array<i32>} : memref<4x128x16xf32, #tpu.memory_space<vmem>>, vector<16xf32>,
        %parallel_loop3A_691 = arith.mulf %parallel_loop3A_690, %parallel_loop3A_679 : vector<16xf32>
        tpu.vector_store_idx %arg12[%parallel_loop3A_683], %parallel_loop3A_691 {add = true} : memref<65536xf32, #tpu.memory_space<vmem>>[vector<16xi32>], vector<16xf32>,
        %parallel_loop3A_692 = arith.constant 4 : i32
        %parallel_loop3A_693 = vector.broadcast %parallel_loop3A_692 : i32 to vector<16xi32>
        %parallel_loop3A_694 = vector.shape_cast %parallel_loop3A_693 : vector<16xi32> to vector<16x1xi32>
        %parallel_loop3A_695 = vector.shape_cast %parallel_loop3A_694 : vector<16x1xi32> to vector<16xi32>
        %parallel_loop3A_696 = tpu.dynamic_gather %parallel_loop3A_614[%parallel_loop3A_695] in [0] : vector<16xf32>, vector<16xi32> -> vector<16xf32>
        %parallel_loop3A_697 = vector.shape_cast %parallel_loop3A_693 : vector<16xi32> to vector<16x1xi32>
        %parallel_loop3A_698 = vector.shape_cast %parallel_loop3A_697 : vector<16x1xi32> to vector<16xi32>
        %parallel_loop3A_699 = tpu.dynamic_gather %parallel_loop3A_621[%parallel_loop3A_698] in [0] : vector<16xi32>, vector<16xi32> -> vector<16xi32>
        %parallel_loop3A_700 = arith.ori %parallel_loop3A_699, %iota3A : vector<16xi32>
        %parallel_loop3A_701 = arith.constant 4 : i32
        %parallel_loop3A_702 = arith.addi %parallel_loop3A_623, %parallel_loop3A_701 : i32
        %parallel_loop3A_703 = arith.constant 0 : i32
        %parallel_loop3A_704 = arith.index_cast %parallel_loop3A_703 : i32 to index
        %parallel_loop3A_705 = arith.index_cast %parallel_loop3A_702 : i32 to index
        %parallel_loop3A_706 = arith.constant 0 : index
        %parallel_loop3A_707 = tpu.vector_load %arg11[%parallel_loop3A_704, %parallel_loop3A_705, %parallel_loop3A_706] {strides = array<i32>} : memref<4x128x16xf32, #tpu.memory_space<vmem>>, vector<16xf32>,
        %parallel_loop3A_708 = arith.mulf %parallel_loop3A_707, %parallel_loop3A_696 : vector<16xf32>
        tpu.vector_store_idx %arg12[%parallel_loop3A_700], %parallel_loop3A_708 {add = true} : memref<65536xf32, #tpu.memory_space<vmem>>[vector<16xi32>], vector<16xf32>,
        %parallel_loop3A_709 = arith.constant 5 : i32
        %parallel_loop3A_710 = vector.broadcast %parallel_loop3A_709 : i32 to vector<16xi32>
        %parallel_loop3A_711 = vector.shape_cast %parallel_loop3A_710 : vector<16xi32> to vector<16x1xi32>
        %parallel_loop3A_712 = vector.shape_cast %parallel_loop3A_711 : vector<16x1xi32> to vector<16xi32>
        %parallel_loop3A_713 = tpu.dynamic_gather %parallel_loop3A_614[%parallel_loop3A_712] in [0] : vector<16xf32>, vector<16xi32> -> vector<16xf32>
        %parallel_loop3A_714 = vector.shape_cast %parallel_loop3A_710 : vector<16xi32> to vector<16x1xi32>
        %parallel_loop3A_715 = vector.shape_cast %parallel_loop3A_714 : vector<16x1xi32> to vector<16xi32>
        %parallel_loop3A_716 = tpu.dynamic_gather %parallel_loop3A_621[%parallel_loop3A_715] in [0] : vector<16xi32>, vector<16xi32> -> vector<16xi32>
        %parallel_loop3A_717 = arith.ori %parallel_loop3A_716, %iota3A : vector<16xi32>
        %parallel_loop3A_718 = arith.constant 5 : i32
        %parallel_loop3A_719 = arith.addi %parallel_loop3A_623, %parallel_loop3A_718 : i32
        %parallel_loop3A_720 = arith.constant 0 : i32
        %parallel_loop3A_721 = arith.index_cast %parallel_loop3A_720 : i32 to index
        %parallel_loop3A_722 = arith.index_cast %parallel_loop3A_719 : i32 to index
        %parallel_loop3A_723 = arith.constant 0 : index
        %parallel_loop3A_724 = tpu.vector_load %arg11[%parallel_loop3A_721, %parallel_loop3A_722, %parallel_loop3A_723] {strides = array<i32>} : memref<4x128x16xf32, #tpu.memory_space<vmem>>, vector<16xf32>,
        %parallel_loop3A_725 = arith.mulf %parallel_loop3A_724, %parallel_loop3A_713 : vector<16xf32>
        tpu.vector_store_idx %arg12[%parallel_loop3A_717], %parallel_loop3A_725 {add = true} : memref<65536xf32, #tpu.memory_space<vmem>>[vector<16xi32>], vector<16xf32>,
        %parallel_loop3A_726 = arith.constant 6 : i32
        %parallel_loop3A_727 = vector.broadcast %parallel_loop3A_726 : i32 to vector<16xi32>
        %parallel_loop3A_728 = vector.shape_cast %parallel_loop3A_727 : vector<16xi32> to vector<16x1xi32>
        %parallel_loop3A_729 = vector.shape_cast %parallel_loop3A_728 : vector<16x1xi32> to vector<16xi32>
        %parallel_loop3A_730 = tpu.dynamic_gather %parallel_loop3A_614[%parallel_loop3A_729] in [0] : vector<16xf32>, vector<16xi32> -> vector<16xf32>
        %parallel_loop3A_731 = vector.shape_cast %parallel_loop3A_727 : vector<16xi32> to vector<16x1xi32>
        %parallel_loop3A_732 = vector.shape_cast %parallel_loop3A_731 : vector<16x1xi32> to vector<16xi32>
        %parallel_loop3A_733 = tpu.dynamic_gather %parallel_loop3A_621[%parallel_loop3A_732] in [0] : vector<16xi32>, vector<16xi32> -> vector<16xi32>
        %parallel_loop3A_734 = arith.ori %parallel_loop3A_733, %iota3A : vector<16xi32>
        %parallel_loop3A_735 = arith.constant 6 : i32
        %parallel_loop3A_736 = arith.addi %parallel_loop3A_623, %parallel_loop3A_735 : i32
        %parallel_loop3A_737 = arith.constant 0 : i32
        %parallel_loop3A_738 = arith.index_cast %parallel_loop3A_737 : i32 to index
        %parallel_loop3A_739 = arith.index_cast %parallel_loop3A_736 : i32 to index
        %parallel_loop3A_740 = arith.constant 0 : index
        %parallel_loop3A_741 = tpu.vector_load %arg11[%parallel_loop3A_738, %parallel_loop3A_739, %parallel_loop3A_740] {strides = array<i32>} : memref<4x128x16xf32, #tpu.memory_space<vmem>>, vector<16xf32>,
        %parallel_loop3A_742 = arith.mulf %parallel_loop3A_741, %parallel_loop3A_730 : vector<16xf32>
        tpu.vector_store_idx %arg12[%parallel_loop3A_734], %parallel_loop3A_742 {add = true} : memref<65536xf32, #tpu.memory_space<vmem>>[vector<16xi32>], vector<16xf32>,
        %parallel_loop3A_743 = arith.constant 7 : i32
        %parallel_loop3A_744 = vector.broadcast %parallel_loop3A_743 : i32 to vector<16xi32>
        %parallel_loop3A_745 = vector.shape_cast %parallel_loop3A_744 : vector<16xi32> to vector<16x1xi32>
        %parallel_loop3A_746 = vector.shape_cast %parallel_loop3A_745 : vector<16x1xi32> to vector<16xi32>
        %parallel_loop3A_747 = tpu.dynamic_gather %parallel_loop3A_614[%parallel_loop3A_746] in [0] : vector<16xf32>, vector<16xi32> -> vector<16xf32>
        %parallel_loop3A_748 = vector.shape_cast %parallel_loop3A_744 : vector<16xi32> to vector<16x1xi32>
        %parallel_loop3A_749 = vector.shape_cast %parallel_loop3A_748 : vector<16x1xi32> to vector<16xi32>
        %parallel_loop3A_750 = tpu.dynamic_gather %parallel_loop3A_621[%parallel_loop3A_749] in [0] : vector<16xi32>, vector<16xi32> -> vector<16xi32>
        %parallel_loop3A_751 = arith.ori %parallel_loop3A_750, %iota3A : vector<16xi32>
        %parallel_loop3A_752 = arith.constant 7 : i32
        %parallel_loop3A_753 = arith.addi %parallel_loop3A_623, %parallel_loop3A_752 : i32
        %parallel_loop3A_754 = arith.constant 0 : i32
        %parallel_loop3A_755 = arith.index_cast %parallel_loop3A_754 : i32 to index
        %parallel_loop3A_756 = arith.index_cast %parallel_loop3A_753 : i32 to index
        %parallel_loop3A_757 = arith.constant 0 : index
        %parallel_loop3A_758 = tpu.vector_load %arg11[%parallel_loop3A_755, %parallel_loop3A_756, %parallel_loop3A_757] {strides = array<i32>} : memref<4x128x16xf32, #tpu.memory_space<vmem>>, vector<16xf32>,
        %parallel_loop3A_759 = arith.mulf %parallel_loop3A_758, %parallel_loop3A_747 : vector<16xf32>
        tpu.vector_store_idx %arg12[%parallel_loop3A_751], %parallel_loop3A_759 {add = true} : memref<65536xf32, #tpu.memory_space<vmem>>[vector<16xi32>], vector<16xf32>,
        %parallel_loop3A_760 = arith.constant 8 : i32
        %parallel_loop3A_761 = vector.broadcast %parallel_loop3A_760 : i32 to vector<16xi32>
        %parallel_loop3A_762 = vector.shape_cast %parallel_loop3A_761 : vector<16xi32> to vector<16x1xi32>
        %parallel_loop3A_763 = vector.shape_cast %parallel_loop3A_762 : vector<16x1xi32> to vector<16xi32>
        %parallel_loop3A_764 = tpu.dynamic_gather %parallel_loop3A_614[%parallel_loop3A_763] in [0] : vector<16xf32>, vector<16xi32> -> vector<16xf32>
        %parallel_loop3A_765 = vector.shape_cast %parallel_loop3A_761 : vector<16xi32> to vector<16x1xi32>
        %parallel_loop3A_766 = vector.shape_cast %parallel_loop3A_765 : vector<16x1xi32> to vector<16xi32>
        %parallel_loop3A_767 = tpu.dynamic_gather %parallel_loop3A_621[%parallel_loop3A_766] in [0] : vector<16xi32>, vector<16xi32> -> vector<16xi32>
        %parallel_loop3A_768 = arith.ori %parallel_loop3A_767, %iota3A : vector<16xi32>
        %parallel_loop3A_769 = arith.constant 8 : i32
        %parallel_loop3A_770 = arith.addi %parallel_loop3A_623, %parallel_loop3A_769 : i32
        %parallel_loop3A_771 = arith.constant 0 : i32
        %parallel_loop3A_772 = arith.index_cast %parallel_loop3A_771 : i32 to index
        %parallel_loop3A_773 = arith.index_cast %parallel_loop3A_770 : i32 to index
        %parallel_loop3A_774 = arith.constant 0 : index
        %parallel_loop3A_775 = tpu.vector_load %arg11[%parallel_loop3A_772, %parallel_loop3A_773, %parallel_loop3A_774] {strides = array<i32>} : memref<4x128x16xf32, #tpu.memory_space<vmem>>, vector<16xf32>,
        %parallel_loop3A_776 = arith.mulf %parallel_loop3A_775, %parallel_loop3A_764 : vector<16xf32>
        tpu.vector_store_idx %arg12[%parallel_loop3A_768], %parallel_loop3A_776 {add = true} : memref<65536xf32, #tpu.memory_space<vmem>>[vector<16xi32>], vector<16xf32>,
        %parallel_loop3A_777 = arith.constant 9 : i32
        %parallel_loop3A_778 = vector.broadcast %parallel_loop3A_777 : i32 to vector<16xi32>
        %parallel_loop3A_779 = vector.shape_cast %parallel_loop3A_778 : vector<16xi32> to vector<16x1xi32>
        %parallel_loop3A_780 = vector.shape_cast %parallel_loop3A_779 : vector<16x1xi32> to vector<16xi32>
        %parallel_loop3A_781 = tpu.dynamic_gather %parallel_loop3A_614[%parallel_loop3A_780] in [0] : vector<16xf32>, vector<16xi32> -> vector<16xf32>
        %parallel_loop3A_782 = vector.shape_cast %parallel_loop3A_778 : vector<16xi32> to vector<16x1xi32>
        %parallel_loop3A_783 = vector.shape_cast %parallel_loop3A_782 : vector<16x1xi32> to vector<16xi32>
        %parallel_loop3A_784 = tpu.dynamic_gather %parallel_loop3A_621[%parallel_loop3A_783] in [0] : vector<16xi32>, vector<16xi32> -> vector<16xi32>
        %parallel_loop3A_785 = arith.ori %parallel_loop3A_784, %iota3A : vector<16xi32>
        %parallel_loop3A_786 = arith.constant 9 : i32
        %parallel_loop3A_787 = arith.addi %parallel_loop3A_623, %parallel_loop3A_786 : i32
        %parallel_loop3A_788 = arith.constant 0 : i32
        %parallel_loop3A_789 = arith.index_cast %parallel_loop3A_788 : i32 to index
        %parallel_loop3A_790 = arith.index_cast %parallel_loop3A_787 : i32 to index
        %parallel_loop3A_791 = arith.constant 0 : index
        %parallel_loop3A_792 = tpu.vector_load %arg11[%parallel_loop3A_789, %parallel_loop3A_790, %parallel_loop3A_791] {strides = array<i32>} : memref<4x128x16xf32, #tpu.memory_space<vmem>>, vector<16xf32>,
        %parallel_loop3A_793 = arith.mulf %parallel_loop3A_792, %parallel_loop3A_781 : vector<16xf32>
        tpu.vector_store_idx %arg12[%parallel_loop3A_785], %parallel_loop3A_793 {add = true} : memref<65536xf32, #tpu.memory_space<vmem>>[vector<16xi32>], vector<16xf32>,
        %parallel_loop3A_794 = arith.constant 10 : i32
        %parallel_loop3A_795 = vector.broadcast %parallel_loop3A_794 : i32 to vector<16xi32>
        %parallel_loop3A_796 = vector.shape_cast %parallel_loop3A_795 : vector<16xi32> to vector<16x1xi32>
        %parallel_loop3A_797 = vector.shape_cast %parallel_loop3A_796 : vector<16x1xi32> to vector<16xi32>
        %parallel_loop3A_798 = tpu.dynamic_gather %parallel_loop3A_614[%parallel_loop3A_797] in [0] : vector<16xf32>, vector<16xi32> -> vector<16xf32>
        %parallel_loop3A_799 = vector.shape_cast %parallel_loop3A_795 : vector<16xi32> to vector<16x1xi32>
        %parallel_loop3A_800 = vector.shape_cast %parallel_loop3A_799 : vector<16x1xi32> to vector<16xi32>
        %parallel_loop3A_801 = tpu.dynamic_gather %parallel_loop3A_621[%parallel_loop3A_800] in [0] : vector<16xi32>, vector<16xi32> -> vector<16xi32>
        %parallel_loop3A_802 = arith.ori %parallel_loop3A_801, %iota3A : vector<16xi32>
        %parallel_loop3A_803 = arith.constant 10 : i32
        %parallel_loop3A_804 = arith.addi %parallel_loop3A_623, %parallel_loop3A_803 : i32
        %parallel_loop3A_805 = arith.constant 0 : i32
        %parallel_loop3A_806 = arith.index_cast %parallel_loop3A_805 : i32 to index
        %parallel_loop3A_807 = arith.index_cast %parallel_loop3A_804 : i32 to index
        %parallel_loop3A_808 = arith.constant 0 : index
        %parallel_loop3A_809 = tpu.vector_load %arg11[%parallel_loop3A_806, %parallel_loop3A_807, %parallel_loop3A_808] {strides = array<i32>} : memref<4x128x16xf32, #tpu.memory_space<vmem>>, vector<16xf32>,
        %parallel_loop3A_810 = arith.mulf %parallel_loop3A_809, %parallel_loop3A_798 : vector<16xf32>
        tpu.vector_store_idx %arg12[%parallel_loop3A_802], %parallel_loop3A_810 {add = true} : memref<65536xf32, #tpu.memory_space<vmem>>[vector<16xi32>], vector<16xf32>,
        %parallel_loop3A_811 = arith.constant 11 : i32
        %parallel_loop3A_812 = vector.broadcast %parallel_loop3A_811 : i32 to vector<16xi32>
        %parallel_loop3A_813 = vector.shape_cast %parallel_loop3A_812 : vector<16xi32> to vector<16x1xi32>
        %parallel_loop3A_814 = vector.shape_cast %parallel_loop3A_813 : vector<16x1xi32> to vector<16xi32>
        %parallel_loop3A_815 = tpu.dynamic_gather %parallel_loop3A_614[%parallel_loop3A_814] in [0] : vector<16xf32>, vector<16xi32> -> vector<16xf32>
        %parallel_loop3A_816 = vector.shape_cast %parallel_loop3A_812 : vector<16xi32> to vector<16x1xi32>
        %parallel_loop3A_817 = vector.shape_cast %parallel_loop3A_816 : vector<16x1xi32> to vector<16xi32>
        %parallel_loop3A_818 = tpu.dynamic_gather %parallel_loop3A_621[%parallel_loop3A_817] in [0] : vector<16xi32>, vector<16xi32> -> vector<16xi32>
        %parallel_loop3A_819 = arith.ori %parallel_loop3A_818, %iota3A : vector<16xi32>
        %parallel_loop3A_820 = arith.constant 11 : i32
        %parallel_loop3A_821 = arith.addi %parallel_loop3A_623, %parallel_loop3A_820 : i32
        %parallel_loop3A_822 = arith.constant 0 : i32
        %parallel_loop3A_823 = arith.index_cast %parallel_loop3A_822 : i32 to index
        %parallel_loop3A_824 = arith.index_cast %parallel_loop3A_821 : i32 to index
        %parallel_loop3A_825 = arith.constant 0 : index
        %parallel_loop3A_826 = tpu.vector_load %arg11[%parallel_loop3A_823, %parallel_loop3A_824, %parallel_loop3A_825] {strides = array<i32>} : memref<4x128x16xf32, #tpu.memory_space<vmem>>, vector<16xf32>,
        %parallel_loop3A_827 = arith.mulf %parallel_loop3A_826, %parallel_loop3A_815 : vector<16xf32>
        tpu.vector_store_idx %arg12[%parallel_loop3A_819], %parallel_loop3A_827 {add = true} : memref<65536xf32, #tpu.memory_space<vmem>>[vector<16xi32>], vector<16xf32>,
        %parallel_loop3A_828 = arith.constant 12 : i32
        %parallel_loop3A_829 = vector.broadcast %parallel_loop3A_828 : i32 to vector<16xi32>
        %parallel_loop3A_830 = vector.shape_cast %parallel_loop3A_829 : vector<16xi32> to vector<16x1xi32>
        %parallel_loop3A_831 = vector.shape_cast %parallel_loop3A_830 : vector<16x1xi32> to vector<16xi32>
        %parallel_loop3A_832 = tpu.dynamic_gather %parallel_loop3A_614[%parallel_loop3A_831] in [0] : vector<16xf32>, vector<16xi32> -> vector<16xf32>
        %parallel_loop3A_833 = vector.shape_cast %parallel_loop3A_829 : vector<16xi32> to vector<16x1xi32>
        %parallel_loop3A_834 = vector.shape_cast %parallel_loop3A_833 : vector<16x1xi32> to vector<16xi32>
        %parallel_loop3A_835 = tpu.dynamic_gather %parallel_loop3A_621[%parallel_loop3A_834] in [0] : vector<16xi32>, vector<16xi32> -> vector<16xi32>
        %parallel_loop3A_836 = arith.ori %parallel_loop3A_835, %iota3A : vector<16xi32>
        %parallel_loop3A_837 = arith.constant 12 : i32
        %parallel_loop3A_838 = arith.addi %parallel_loop3A_623, %parallel_loop3A_837 : i32
        %parallel_loop3A_839 = arith.constant 0 : i32
        %parallel_loop3A_840 = arith.index_cast %parallel_loop3A_839 : i32 to index
        %parallel_loop3A_841 = arith.index_cast %parallel_loop3A_838 : i32 to index
        %parallel_loop3A_842 = arith.constant 0 : index
        %parallel_loop3A_843 = tpu.vector_load %arg11[%parallel_loop3A_840, %parallel_loop3A_841, %parallel_loop3A_842] {strides = array<i32>} : memref<4x128x16xf32, #tpu.memory_space<vmem>>, vector<16xf32>,
        %parallel_loop3A_844 = arith.mulf %parallel_loop3A_843, %parallel_loop3A_832 : vector<16xf32>
        tpu.vector_store_idx %arg12[%parallel_loop3A_836], %parallel_loop3A_844 {add = true} : memref<65536xf32, #tpu.memory_space<vmem>>[vector<16xi32>], vector<16xf32>,
        %parallel_loop3A_845 = arith.constant 13 : i32
        %parallel_loop3A_846 = vector.broadcast %parallel_loop3A_845 : i32 to vector<16xi32>
        %parallel_loop3A_847 = vector.shape_cast %parallel_loop3A_846 : vector<16xi32> to vector<16x1xi32>
        %parallel_loop3A_848 = vector.shape_cast %parallel_loop3A_847 : vector<16x1xi32> to vector<16xi32>
        %parallel_loop3A_849 = tpu.dynamic_gather %parallel_loop3A_614[%parallel_loop3A_848] in [0] : vector<16xf32>, vector<16xi32> -> vector<16xf32>
        %parallel_loop3A_850 = vector.shape_cast %parallel_loop3A_846 : vector<16xi32> to vector<16x1xi32>
        %parallel_loop3A_851 = vector.shape_cast %parallel_loop3A_850 : vector<16x1xi32> to vector<16xi32>
        %parallel_loop3A_852 = tpu.dynamic_gather %parallel_loop3A_621[%parallel_loop3A_851] in [0] : vector<16xi32>, vector<16xi32> -> vector<16xi32>
        %parallel_loop3A_853 = arith.ori %parallel_loop3A_852, %iota3A : vector<16xi32>
        %parallel_loop3A_854 = arith.constant 13 : i32
        %parallel_loop3A_855 = arith.addi %parallel_loop3A_623, %parallel_loop3A_854 : i32
        %parallel_loop3A_856 = arith.constant 0 : i32
        %parallel_loop3A_857 = arith.index_cast %parallel_loop3A_856 : i32 to index
        %parallel_loop3A_858 = arith.index_cast %parallel_loop3A_855 : i32 to index
        %parallel_loop3A_859 = arith.constant 0 : index
        %parallel_loop3A_860 = tpu.vector_load %arg11[%parallel_loop3A_857, %parallel_loop3A_858, %parallel_loop3A_859] {strides = array<i32>} : memref<4x128x16xf32, #tpu.memory_space<vmem>>, vector<16xf32>,
        %parallel_loop3A_861 = arith.mulf %parallel_loop3A_860, %parallel_loop3A_849 : vector<16xf32>
        tpu.vector_store_idx %arg12[%parallel_loop3A_853], %parallel_loop3A_861 {add = true} : memref<65536xf32, #tpu.memory_space<vmem>>[vector<16xi32>], vector<16xf32>,
        %parallel_loop3A_862 = arith.constant 14 : i32
        %parallel_loop3A_863 = vector.broadcast %parallel_loop3A_862 : i32 to vector<16xi32>
        %parallel_loop3A_864 = vector.shape_cast %parallel_loop3A_863 : vector<16xi32> to vector<16x1xi32>
        %parallel_loop3A_865 = vector.shape_cast %parallel_loop3A_864 : vector<16x1xi32> to vector<16xi32>
        %parallel_loop3A_866 = tpu.dynamic_gather %parallel_loop3A_614[%parallel_loop3A_865] in [0] : vector<16xf32>, vector<16xi32> -> vector<16xf32>
        %parallel_loop3A_867 = vector.shape_cast %parallel_loop3A_863 : vector<16xi32> to vector<16x1xi32>
        %parallel_loop3A_868 = vector.shape_cast %parallel_loop3A_867 : vector<16x1xi32> to vector<16xi32>
        %parallel_loop3A_869 = tpu.dynamic_gather %parallel_loop3A_621[%parallel_loop3A_868] in [0] : vector<16xi32>, vector<16xi32> -> vector<16xi32>
        %parallel_loop3A_870 = arith.ori %parallel_loop3A_869, %iota3A : vector<16xi32>
        %parallel_loop3A_871 = arith.constant 14 : i32
        %parallel_loop3A_872 = arith.addi %parallel_loop3A_623, %parallel_loop3A_871 : i32
        %parallel_loop3A_873 = arith.constant 0 : i32
        %parallel_loop3A_874 = arith.index_cast %parallel_loop3A_873 : i32 to index
        %parallel_loop3A_875 = arith.index_cast %parallel_loop3A_872 : i32 to index
        %parallel_loop3A_876 = arith.constant 0 : index
        %parallel_loop3A_877 = tpu.vector_load %arg11[%parallel_loop3A_874, %parallel_loop3A_875, %parallel_loop3A_876] {strides = array<i32>} : memref<4x128x16xf32, #tpu.memory_space<vmem>>, vector<16xf32>,
        %parallel_loop3A_878 = arith.mulf %parallel_loop3A_877, %parallel_loop3A_866 : vector<16xf32>
        tpu.vector_store_idx %arg12[%parallel_loop3A_870], %parallel_loop3A_878 {add = true} : memref<65536xf32, #tpu.memory_space<vmem>>[vector<16xi32>], vector<16xf32>,
        %parallel_loop3A_879 = arith.constant 15 : i32
        %parallel_loop3A_880 = vector.broadcast %parallel_loop3A_879 : i32 to vector<16xi32>
        %parallel_loop3A_881 = vector.shape_cast %parallel_loop3A_880 : vector<16xi32> to vector<16x1xi32>
        %parallel_loop3A_882 = vector.shape_cast %parallel_loop3A_881 : vector<16x1xi32> to vector<16xi32>
        %parallel_loop3A_883 = tpu.dynamic_gather %parallel_loop3A_614[%parallel_loop3A_882] in [0] : vector<16xf32>, vector<16xi32> -> vector<16xf32>
        %parallel_loop3A_884 = vector.shape_cast %parallel_loop3A_880 : vector<16xi32> to vector<16x1xi32>
        %parallel_loop3A_885 = vector.shape_cast %parallel_loop3A_884 : vector<16x1xi32> to vector<16xi32>
        %parallel_loop3A_886 = tpu.dynamic_gather %parallel_loop3A_621[%parallel_loop3A_885] in [0] : vector<16xi32>, vector<16xi32> -> vector<16xi32>
        %parallel_loop3A_887 = arith.ori %parallel_loop3A_886, %iota3A : vector<16xi32>
        %parallel_loop3A_888 = arith.constant 15 : i32
        %parallel_loop3A_889 = arith.addi %parallel_loop3A_623, %parallel_loop3A_888 : i32
        %parallel_loop3A_890 = arith.constant 0 : i32
        %parallel_loop3A_891 = arith.index_cast %parallel_loop3A_890 : i32 to index
        %parallel_loop3A_892 = arith.index_cast %parallel_loop3A_889 : i32 to index
        %parallel_loop3A_893 = arith.constant 0 : index
        %parallel_loop3A_894 = tpu.vector_load %arg11[%parallel_loop3A_891, %parallel_loop3A_892, %parallel_loop3A_893] {strides = array<i32>} : memref<4x128x16xf32, #tpu.memory_space<vmem>>, vector<16xf32>,
        %parallel_loop3A_895 = arith.mulf %parallel_loop3A_894, %parallel_loop3A_883 : vector<16xf32>
        tpu.vector_store_idx %arg12[%parallel_loop3A_887], %parallel_loop3A_895 {add = true} : memref<65536xf32, #tpu.memory_space<vmem>>[vector<16xi32>], vector<16xf32>,
      } {sc.loop_unroll_factor = 4 : i64, sc.parallel_access}
      %add3A_447 = arith.constant 1 : i32
      %add3A_448 = arith.addi %add3A_416, %add3A_447 : i32
      %rem3A_449 = arith.constant 64 : i32
      %rem3A_450 = arith.remsi %add3A_448, %rem3A_449 : i32
      %mul3A_451 = arith.constant 512 : i32
      %mul3A_452 = arith.muli %rem3A_450, %mul3A_451 : i32
      %add3A_453 = arith.addi %mul3A_0, %mul3A_452 : i32
      %dma_wait3A_454 = arith.constant 0 : i32
      %dma_wait3A_455 = arith.constant 0 : i32
      %dma_wait3A_456 = tpu.memref_slice %arg7[%dma_wait3A_454, %dma_wait3A_455] : memref<2x512xi32, #tpu.memory_space<vmem>> -> memref<1x512xi32, #tpu.memory_space<vmem>>
      %dma_wait3A_457 = tpu.memref_squeeze %dma_wait3A_456 : memref<1x512xi32, #tpu.memory_space<vmem>> -> memref<512xi32, #tpu.memory_space<vmem>>
      %dma_wait3A_458 = tpu.memref_slice %arg4[%add3A_453] : memref<65536xi32, #tpu.memory_space<hbm>> -> memref<512xi32, #tpu.memory_space<hbm>>
      %dma_wait3A_459 = arith.constant 0 : i32
      %dma_wait3A_460 = tpu.memref_slice %arg7[%dma_wait3A_454, %dma_wait3A_459] : memref<2x512xi32, #tpu.memory_space<vmem>> -> memref<1x512xi32, #tpu.memory_space<vmem>>
      %dma_wait3A_461 = tpu.memref_squeeze %dma_wait3A_460 : memref<1x512xi32, #tpu.memory_space<vmem>> -> memref<512xi32, #tpu.memory_space<vmem>>
      %dma_wait3A_462 = tpu.memref_slice %arg4[%add3A_453] : memref<65536xi32, #tpu.memory_space<hbm>> -> memref<512xi32, #tpu.memory_space<hbm>>
      tpu.wait_dma2 semaphore(%arg13 : memref<!tpu.dma_semaphore, #tpu.memory_space<semaphore_mem>>) src(%dma_wait3A_462 : memref<512xi32, #tpu.memory_space<hbm>>) dst(%dma_wait3A_461 : memref<512xi32, #tpu.memory_space<vmem>>)
      %dma_wait3A_463 = arith.constant 0 : i32
      %dma_wait3A_464 = arith.constant 0 : i32
      %dma_wait3A_465 = tpu.memref_slice %arg8[%dma_wait3A_463, %dma_wait3A_464] : memref<2x512xi32, #tpu.memory_space<vmem>> -> memref<1x512xi32, #tpu.memory_space<vmem>>
      %dma_wait3A_466 = tpu.memref_squeeze %dma_wait3A_465 : memref<1x512xi32, #tpu.memory_space<vmem>> -> memref<512xi32, #tpu.memory_space<vmem>>
      %dma_wait3A_467 = tpu.memref_slice %arg3[%add3A_453] : memref<65536xi32, #tpu.memory_space<hbm>> -> memref<512xi32, #tpu.memory_space<hbm>>
      %dma_wait3A_468 = arith.constant 0 : i32
      %dma_wait3A_469 = tpu.memref_slice %arg8[%dma_wait3A_463, %dma_wait3A_468] : memref<2x512xi32, #tpu.memory_space<vmem>> -> memref<1x512xi32, #tpu.memory_space<vmem>>
      %dma_wait3A_470 = tpu.memref_squeeze %dma_wait3A_469 : memref<1x512xi32, #tpu.memory_space<vmem>> -> memref<512xi32, #tpu.memory_space<vmem>>
      %dma_wait3A_471 = tpu.memref_slice %arg3[%add3A_453] : memref<65536xi32, #tpu.memory_space<hbm>> -> memref<512xi32, #tpu.memory_space<hbm>>
      tpu.wait_dma2 semaphore(%arg13 : memref<!tpu.dma_semaphore, #tpu.memory_space<semaphore_mem>>) src(%dma_wait3A_471 : memref<512xi32, #tpu.memory_space<hbm>>) dst(%dma_wait3A_470 : memref<512xi32, #tpu.memory_space<vmem>>)
      %dma_wait3A_472 = arith.constant 0 : i32
      %dma_wait3A_473 = arith.constant 0 : i32
      %dma_wait3A_474 = tpu.memref_slice %arg9[%dma_wait3A_472, %dma_wait3A_473] : memref<2x512xf32, #tpu.memory_space<vmem>> -> memref<1x512xf32, #tpu.memory_space<vmem>>
      %dma_wait3A_475 = tpu.memref_squeeze %dma_wait3A_474 : memref<1x512xf32, #tpu.memory_space<vmem>> -> memref<512xf32, #tpu.memory_space<vmem>>
      %dma_wait3A_476 = tpu.memref_slice %arg5[%add3A_453] : memref<65536xf32, #tpu.memory_space<hbm>> -> memref<512xf32, #tpu.memory_space<hbm>>
      %dma_wait3A_477 = arith.constant 0 : i32
      %dma_wait3A_478 = tpu.memref_slice %arg9[%dma_wait3A_472, %dma_wait3A_477] : memref<2x512xf32, #tpu.memory_space<vmem>> -> memref<1x512xf32, #tpu.memory_space<vmem>>
      %dma_wait3A_479 = tpu.memref_squeeze %dma_wait3A_478 : memref<1x512xf32, #tpu.memory_space<vmem>> -> memref<512xf32, #tpu.memory_space<vmem>>
      %dma_wait3A_480 = tpu.memref_slice %arg5[%add3A_453] : memref<65536xf32, #tpu.memory_space<hbm>> -> memref<512xf32, #tpu.memory_space<hbm>>
      tpu.wait_dma2 semaphore(%arg13 : memref<!tpu.dma_semaphore, #tpu.memory_space<semaphore_mem>>) src(%dma_wait3A_480 : memref<512xf32, #tpu.memory_space<hbm>>) dst(%dma_wait3A_479 : memref<512xf32, #tpu.memory_space<vmem>>)
      %parallel_loop3A_481 = arith.constant 0 : i32
      %parallel_loop3A_482 = arith.constant 128 : i32
      %parallel_loop3A_483 = arith.constant 16 : i32
      scf.for %parallel_loop3A_606 = %parallel_loop3A_481 to %parallel_loop3A_482 step %parallel_loop3A_483  : i32 {
        %parallel_loop3A_607 = arith.constant 0 : i32
        %parallel_loop3A_608 = arith.addi %parallel_loop3A_607, %parallel_loop3A_606 : i32
        %parallel_loop3A_609 = arith.constant 0 : i32
        %parallel_loop3A_610 = arith.index_cast %parallel_loop3A_609 : i32 to index
        %parallel_loop3A_611 = arith.index_cast %parallel_loop3A_608 : i32 to index
        %parallel_loop3A_612 = tpu.vector_load %arg7[%parallel_loop3A_610, %parallel_loop3A_611] {strides = array<i32>} : memref<2x512xi32, #tpu.memory_space<vmem>>, vector<16xi32>,
        %parallel_loop3A_613 = arith.constant 4 : i32
        %parallel_loop3A_614 = vector.broadcast %parallel_loop3A_613 : i32 to vector<16xi32>
        %parallel_loop3A_615 = arith.shli %parallel_loop3A_612, %parallel_loop3A_614 : vector<16xi32>
        %parallel_loop3A_616 = vector.broadcast %arg1 : i32 to vector<16xi32>
        %parallel_loop3A_617 = arith.addi %parallel_loop3A_615, %parallel_loop3A_616 : vector<16xi32>
        %parallel_loop3A_618 = arith.constant 0 : i32
        %parallel_loop3A_619 = arith.index_cast %parallel_loop3A_618 : i32 to index
        %parallel_loop3A_620 = arith.index_cast %parallel_loop3A_606 : i32 to index
        %parallel_loop3A_621 = tpu.vector_load %arg10[%parallel_loop3A_619, %parallel_loop3A_620] {strides = array<i32>} : memref<4x128xi32, #tpu.memory_space<vmem>>, vector<16xi32>,
        tpu.vector_store %arg10[%parallel_loop3A_619, %parallel_loop3A_620], %parallel_loop3A_617 {strides = array<i32>} : memref<4x128xi32, #tpu.memory_space<vmem>>, vector<16xi32>,
      } {sc.loop_unroll_factor = 2 : i64, sc.parallel_access}
      %dma_start3A_484 = arith.constant 0 : i32
      %dma_start3A_485 = arith.constant 0 : i32
      %dma_start3A_486 = arith.constant 0 : i32
      %dma_start3A_487 = arith.constant 0 : i32
      %dma_start3A_488 = tpu.memref_slice %arg11[%dma_start3A_485, %dma_start3A_486, %dma_start3A_487] : memref<4x128x16xf32, #tpu.memory_space<vmem>> -> memref<1x128x16xf32, #tpu.memory_space<vmem>>
      %dma_start3A_489 = tpu.memref_squeeze %dma_start3A_488 : memref<1x128x16xf32, #tpu.memory_space<vmem>> -> memref<128x16xf32, #tpu.memory_space<vmem>>
      %dma_start3A_490 = arith.constant 0 : i32
      %dma_start3A_491 = tpu.memref_slice %arg10[%dma_start3A_484, %dma_start3A_490] : memref<4x128xi32, #tpu.memory_space<vmem>> -> memref<1x128xi32, #tpu.memory_space<vmem>>
      %dma_start3A_492 = tpu.memref_squeeze %dma_start3A_491 : memref<1x128xi32, #tpu.memory_space<vmem>> -> memref<128xi32, #tpu.memory_space<vmem>>
      %dma_start3A_493 = arith.constant 0 : i32
      %dma_start3A_494 = arith.constant 0 : i32
      %dma_start3A_495 = tpu.memref_slice %arg2[%dma_start3A_493, %dma_start3A_494] : memref<65536x16xf32, #tpu.memory_space<hbm>> -> memref<65536x16xf32, #tpu.memory_space<hbm>>
      tpu.enqueue_indirect_dma source(%dma_start3A_495 : memref<65536x16xf32, #tpu.memory_space<hbm>>) target(%dma_start3A_489 : memref<128x16xf32, #tpu.memory_space<vmem>>) offsets(%dma_start3A_492 : memref<128xi32, #tpu.memory_space<vmem>>) semaphore(%arg15 : memref<!tpu.dma_semaphore, #tpu.memory_space<semaphore_mem>>)
      %dma_wait3A_496 = arith.constant 1 : i32
      %dma_wait3A_497 = arith.constant 1 : i32
      %dma_wait3A_498 = arith.constant 0 : i32
      %dma_wait3A_499 = arith.constant 0 : i32
      %dma_wait3A_500 = tpu.memref_slice %arg11[%dma_wait3A_497, %dma_wait3A_498, %dma_wait3A_499] : memref<4x128x16xf32, #tpu.memory_space<vmem>> -> memref<1x128x16xf32, #tpu.memory_space<vmem>>
      %dma_wait3A_501 = tpu.memref_squeeze %dma_wait3A_500 : memref<1x128x16xf32, #tpu.memory_space<vmem>> -> memref<128x16xf32, #tpu.memory_space<vmem>>
      %dma_wait3A_502 = arith.constant 0 : i32
      %dma_wait3A_503 = tpu.memref_slice %arg10[%dma_wait3A_496, %dma_wait3A_502] : memref<4x128xi32, #tpu.memory_space<vmem>> -> memref<1x128xi32, #tpu.memory_space<vmem>>
      %dma_wait3A_504 = tpu.memref_squeeze %dma_wait3A_503 : memref<1x128xi32, #tpu.memory_space<vmem>> -> memref<128xi32, #tpu.memory_space<vmem>>
      %dma_wait3A_505 = arith.constant 0 : i32
      %dma_wait3A_506 = arith.constant 0 : i32
      %dma_wait3A_507 = tpu.memref_slice %arg2[%dma_wait3A_505, %dma_wait3A_506] : memref<65536x16xf32, #tpu.memory_space<hbm>> -> memref<65536x16xf32, #tpu.memory_space<hbm>>
      tpu.wait_indirect_dma semaphore(%arg16 : memref<!tpu.dma_semaphore, #tpu.memory_space<semaphore_mem>>) src(%dma_wait3A_507 : memref<65536x16xf32, #tpu.memory_space<hbm>>) dst(%dma_wait3A_501 : memref<128x16xf32, #tpu.memory_space<vmem>>)
      %parallel_loop3A_508 = arith.constant 0 : i32
      %parallel_loop3A_509 = arith.constant 8 : i32
      %parallel_loop3A_510 = arith.constant 1 : i32
      scf.for %parallel_loop3A_606 = %parallel_loop3A_508 to %parallel_loop3A_509 step %parallel_loop3A_510  : i32 {
        %parallel_loop3A_607 = arith.constant 16 : i32
        %parallel_loop3A_608 = arith.muli %parallel_loop3A_606, %parallel_loop3A_607 : i32
        %parallel_loop3A_609 = arith.constant 128 : i32
        %parallel_loop3A_610 = arith.addi %parallel_loop3A_609, %parallel_loop3A_608 : i32
        %parallel_loop3A_611 = arith.constant 1 : i32
        %parallel_loop3A_612 = arith.index_cast %parallel_loop3A_611 : i32 to index
        %parallel_loop3A_613 = arith.index_cast %parallel_loop3A_610 : i32 to index
        %parallel_loop3A_614 = tpu.vector_load %arg9[%parallel_loop3A_612, %parallel_loop3A_613] {strides = array<i32>} : memref<2x512xf32, #tpu.memory_space<vmem>>, vector<16xf32>,
        %parallel_loop3A_615 = arith.constant 1 : i32
        %parallel_loop3A_616 = arith.index_cast %parallel_loop3A_615 : i32 to index
        %parallel_loop3A_617 = arith.index_cast %parallel_loop3A_610 : i32 to index
        %parallel_loop3A_618 = tpu.vector_load %arg8[%parallel_loop3A_616, %parallel_loop3A_617] {strides = array<i32>} : memref<2x512xi32, #tpu.memory_space<vmem>>, vector<16xi32>,
        %parallel_loop3A_619 = arith.constant 4 : i32
        %parallel_loop3A_620 = vector.broadcast %parallel_loop3A_619 : i32 to vector<16xi32>
        %parallel_loop3A_621 = arith.shli %parallel_loop3A_618, %parallel_loop3A_620 : vector<16xi32>
        %parallel_loop3A_622 = arith.constant 16 : i32
        %parallel_loop3A_623 = arith.muli %parallel_loop3A_606, %parallel_loop3A_622 : i32
        %parallel_loop3A_624 = arith.constant 0 : i32
        %parallel_loop3A_625 = vector.broadcast %parallel_loop3A_624 : i32 to vector<16xi32>
        %parallel_loop3A_626 = vector.shape_cast %parallel_loop3A_625 : vector<16xi32> to vector<16x1xi32>
        %parallel_loop3A_627 = vector.shape_cast %parallel_loop3A_626 : vector<16x1xi32> to vector<16xi32>
        %parallel_loop3A_628 = tpu.dynamic_gather %parallel_loop3A_614[%parallel_loop3A_627] in [0] : vector<16xf32>, vector<16xi32> -> vector<16xf32>
        %parallel_loop3A_629 = vector.shape_cast %parallel_loop3A_625 : vector<16xi32> to vector<16x1xi32>
        %parallel_loop3A_630 = vector.shape_cast %parallel_loop3A_629 : vector<16x1xi32> to vector<16xi32>
        %parallel_loop3A_631 = tpu.dynamic_gather %parallel_loop3A_621[%parallel_loop3A_630] in [0] : vector<16xi32>, vector<16xi32> -> vector<16xi32>
        %parallel_loop3A_632 = arith.ori %parallel_loop3A_631, %iota3A : vector<16xi32>
        %parallel_loop3A_633 = arith.constant 0 : i32
        %parallel_loop3A_634 = arith.addi %parallel_loop3A_623, %parallel_loop3A_633 : i32
        %parallel_loop3A_635 = arith.constant 1 : i32
        %parallel_loop3A_636 = arith.index_cast %parallel_loop3A_635 : i32 to index
        %parallel_loop3A_637 = arith.index_cast %parallel_loop3A_634 : i32 to index
        %parallel_loop3A_638 = arith.constant 0 : index
        %parallel_loop3A_639 = tpu.vector_load %arg11[%parallel_loop3A_636, %parallel_loop3A_637, %parallel_loop3A_638] {strides = array<i32>} : memref<4x128x16xf32, #tpu.memory_space<vmem>>, vector<16xf32>,
        %parallel_loop3A_640 = arith.mulf %parallel_loop3A_639, %parallel_loop3A_628 : vector<16xf32>
        tpu.vector_store_idx %arg12[%parallel_loop3A_632], %parallel_loop3A_640 {add = true} : memref<65536xf32, #tpu.memory_space<vmem>>[vector<16xi32>], vector<16xf32>,
        %parallel_loop3A_641 = arith.constant 1 : i32
        %parallel_loop3A_642 = vector.broadcast %parallel_loop3A_641 : i32 to vector<16xi32>
        %parallel_loop3A_643 = vector.shape_cast %parallel_loop3A_642 : vector<16xi32> to vector<16x1xi32>
        %parallel_loop3A_644 = vector.shape_cast %parallel_loop3A_643 : vector<16x1xi32> to vector<16xi32>
        %parallel_loop3A_645 = tpu.dynamic_gather %parallel_loop3A_614[%parallel_loop3A_644] in [0] : vector<16xf32>, vector<16xi32> -> vector<16xf32>
        %parallel_loop3A_646 = vector.shape_cast %parallel_loop3A_642 : vector<16xi32> to vector<16x1xi32>
        %parallel_loop3A_647 = vector.shape_cast %parallel_loop3A_646 : vector<16x1xi32> to vector<16xi32>
        %parallel_loop3A_648 = tpu.dynamic_gather %parallel_loop3A_621[%parallel_loop3A_647] in [0] : vector<16xi32>, vector<16xi32> -> vector<16xi32>
        %parallel_loop3A_649 = arith.ori %parallel_loop3A_648, %iota3A : vector<16xi32>
        %parallel_loop3A_650 = arith.constant 1 : i32
        %parallel_loop3A_651 = arith.addi %parallel_loop3A_623, %parallel_loop3A_650 : i32
        %parallel_loop3A_652 = arith.constant 1 : i32
        %parallel_loop3A_653 = arith.index_cast %parallel_loop3A_652 : i32 to index
        %parallel_loop3A_654 = arith.index_cast %parallel_loop3A_651 : i32 to index
        %parallel_loop3A_655 = arith.constant 0 : index
        %parallel_loop3A_656 = tpu.vector_load %arg11[%parallel_loop3A_653, %parallel_loop3A_654, %parallel_loop3A_655] {strides = array<i32>} : memref<4x128x16xf32, #tpu.memory_space<vmem>>, vector<16xf32>,
        %parallel_loop3A_657 = arith.mulf %parallel_loop3A_656, %parallel_loop3A_645 : vector<16xf32>
        tpu.vector_store_idx %arg12[%parallel_loop3A_649], %parallel_loop3A_657 {add = true} : memref<65536xf32, #tpu.memory_space<vmem>>[vector<16xi32>], vector<16xf32>,
        %parallel_loop3A_658 = arith.constant 2 : i32
        %parallel_loop3A_659 = vector.broadcast %parallel_loop3A_658 : i32 to vector<16xi32>
        %parallel_loop3A_660 = vector.shape_cast %parallel_loop3A_659 : vector<16xi32> to vector<16x1xi32>
        %parallel_loop3A_661 = vector.shape_cast %parallel_loop3A_660 : vector<16x1xi32> to vector<16xi32>
        %parallel_loop3A_662 = tpu.dynamic_gather %parallel_loop3A_614[%parallel_loop3A_661] in [0] : vector<16xf32>, vector<16xi32> -> vector<16xf32>
        %parallel_loop3A_663 = vector.shape_cast %parallel_loop3A_659 : vector<16xi32> to vector<16x1xi32>
        %parallel_loop3A_664 = vector.shape_cast %parallel_loop3A_663 : vector<16x1xi32> to vector<16xi32>
        %parallel_loop3A_665 = tpu.dynamic_gather %parallel_loop3A_621[%parallel_loop3A_664] in [0] : vector<16xi32>, vector<16xi32> -> vector<16xi32>
        %parallel_loop3A_666 = arith.ori %parallel_loop3A_665, %iota3A : vector<16xi32>
        %parallel_loop3A_667 = arith.constant 2 : i32
        %parallel_loop3A_668 = arith.addi %parallel_loop3A_623, %parallel_loop3A_667 : i32
        %parallel_loop3A_669 = arith.constant 1 : i32
        %parallel_loop3A_670 = arith.index_cast %parallel_loop3A_669 : i32 to index
        %parallel_loop3A_671 = arith.index_cast %parallel_loop3A_668 : i32 to index
        %parallel_loop3A_672 = arith.constant 0 : index
        %parallel_loop3A_673 = tpu.vector_load %arg11[%parallel_loop3A_670, %parallel_loop3A_671, %parallel_loop3A_672] {strides = array<i32>} : memref<4x128x16xf32, #tpu.memory_space<vmem>>, vector<16xf32>,
        %parallel_loop3A_674 = arith.mulf %parallel_loop3A_673, %parallel_loop3A_662 : vector<16xf32>
        tpu.vector_store_idx %arg12[%parallel_loop3A_666], %parallel_loop3A_674 {add = true} : memref<65536xf32, #tpu.memory_space<vmem>>[vector<16xi32>], vector<16xf32>,
        %parallel_loop3A_675 = arith.constant 3 : i32
        %parallel_loop3A_676 = vector.broadcast %parallel_loop3A_675 : i32 to vector<16xi32>
        %parallel_loop3A_677 = vector.shape_cast %parallel_loop3A_676 : vector<16xi32> to vector<16x1xi32>
        %parallel_loop3A_678 = vector.shape_cast %parallel_loop3A_677 : vector<16x1xi32> to vector<16xi32>
        %parallel_loop3A_679 = tpu.dynamic_gather %parallel_loop3A_614[%parallel_loop3A_678] in [0] : vector<16xf32>, vector<16xi32> -> vector<16xf32>
        %parallel_loop3A_680 = vector.shape_cast %parallel_loop3A_676 : vector<16xi32> to vector<16x1xi32>
        %parallel_loop3A_681 = vector.shape_cast %parallel_loop3A_680 : vector<16x1xi32> to vector<16xi32>
        %parallel_loop3A_682 = tpu.dynamic_gather %parallel_loop3A_621[%parallel_loop3A_681] in [0] : vector<16xi32>, vector<16xi32> -> vector<16xi32>
        %parallel_loop3A_683 = arith.ori %parallel_loop3A_682, %iota3A : vector<16xi32>
        %parallel_loop3A_684 = arith.constant 3 : i32
        %parallel_loop3A_685 = arith.addi %parallel_loop3A_623, %parallel_loop3A_684 : i32
        %parallel_loop3A_686 = arith.constant 1 : i32
        %parallel_loop3A_687 = arith.index_cast %parallel_loop3A_686 : i32 to index
        %parallel_loop3A_688 = arith.index_cast %parallel_loop3A_685 : i32 to index
        %parallel_loop3A_689 = arith.constant 0 : index
        %parallel_loop3A_690 = tpu.vector_load %arg11[%parallel_loop3A_687, %parallel_loop3A_688, %parallel_loop3A_689] {strides = array<i32>} : memref<4x128x16xf32, #tpu.memory_space<vmem>>, vector<16xf32>,
        %parallel_loop3A_691 = arith.mulf %parallel_loop3A_690, %parallel_loop3A_679 : vector<16xf32>
        tpu.vector_store_idx %arg12[%parallel_loop3A_683], %parallel_loop3A_691 {add = true} : memref<65536xf32, #tpu.memory_space<vmem>>[vector<16xi32>], vector<16xf32>,
        %parallel_loop3A_692 = arith.constant 4 : i32
        %parallel_loop3A_693 = vector.broadcast %parallel_loop3A_692 : i32 to vector<16xi32>
        %parallel_loop3A_694 = vector.shape_cast %parallel_loop3A_693 : vector<16xi32> to vector<16x1xi32>
        %parallel_loop3A_695 = vector.shape_cast %parallel_loop3A_694 : vector<16x1xi32> to vector<16xi32>
        %parallel_loop3A_696 = tpu.dynamic_gather %parallel_loop3A_614[%parallel_loop3A_695] in [0] : vector<16xf32>, vector<16xi32> -> vector<16xf32>
        %parallel_loop3A_697 = vector.shape_cast %parallel_loop3A_693 : vector<16xi32> to vector<16x1xi32>
        %parallel_loop3A_698 = vector.shape_cast %parallel_loop3A_697 : vector<16x1xi32> to vector<16xi32>
        %parallel_loop3A_699 = tpu.dynamic_gather %parallel_loop3A_621[%parallel_loop3A_698] in [0] : vector<16xi32>, vector<16xi32> -> vector<16xi32>
        %parallel_loop3A_700 = arith.ori %parallel_loop3A_699, %iota3A : vector<16xi32>
        %parallel_loop3A_701 = arith.constant 4 : i32
        %parallel_loop3A_702 = arith.addi %parallel_loop3A_623, %parallel_loop3A_701 : i32
        %parallel_loop3A_703 = arith.constant 1 : i32
        %parallel_loop3A_704 = arith.index_cast %parallel_loop3A_703 : i32 to index
        %parallel_loop3A_705 = arith.index_cast %parallel_loop3A_702 : i32 to index
        %parallel_loop3A_706 = arith.constant 0 : index
        %parallel_loop3A_707 = tpu.vector_load %arg11[%parallel_loop3A_704, %parallel_loop3A_705, %parallel_loop3A_706] {strides = array<i32>} : memref<4x128x16xf32, #tpu.memory_space<vmem>>, vector<16xf32>,
        %parallel_loop3A_708 = arith.mulf %parallel_loop3A_707, %parallel_loop3A_696 : vector<16xf32>
        tpu.vector_store_idx %arg12[%parallel_loop3A_700], %parallel_loop3A_708 {add = true} : memref<65536xf32, #tpu.memory_space<vmem>>[vector<16xi32>], vector<16xf32>,
        %parallel_loop3A_709 = arith.constant 5 : i32
        %parallel_loop3A_710 = vector.broadcast %parallel_loop3A_709 : i32 to vector<16xi32>
        %parallel_loop3A_711 = vector.shape_cast %parallel_loop3A_710 : vector<16xi32> to vector<16x1xi32>
        %parallel_loop3A_712 = vector.shape_cast %parallel_loop3A_711 : vector<16x1xi32> to vector<16xi32>
        %parallel_loop3A_713 = tpu.dynamic_gather %parallel_loop3A_614[%parallel_loop3A_712] in [0] : vector<16xf32>, vector<16xi32> -> vector<16xf32>
        %parallel_loop3A_714 = vector.shape_cast %parallel_loop3A_710 : vector<16xi32> to vector<16x1xi32>
        %parallel_loop3A_715 = vector.shape_cast %parallel_loop3A_714 : vector<16x1xi32> to vector<16xi32>
        %parallel_loop3A_716 = tpu.dynamic_gather %parallel_loop3A_621[%parallel_loop3A_715] in [0] : vector<16xi32>, vector<16xi32> -> vector<16xi32>
        %parallel_loop3A_717 = arith.ori %parallel_loop3A_716, %iota3A : vector<16xi32>
        %parallel_loop3A_718 = arith.constant 5 : i32
        %parallel_loop3A_719 = arith.addi %parallel_loop3A_623, %parallel_loop3A_718 : i32
        %parallel_loop3A_720 = arith.constant 1 : i32
        %parallel_loop3A_721 = arith.index_cast %parallel_loop3A_720 : i32 to index
        %parallel_loop3A_722 = arith.index_cast %parallel_loop3A_719 : i32 to index
        %parallel_loop3A_723 = arith.constant 0 : index
        %parallel_loop3A_724 = tpu.vector_load %arg11[%parallel_loop3A_721, %parallel_loop3A_722, %parallel_loop3A_723] {strides = array<i32>} : memref<4x128x16xf32, #tpu.memory_space<vmem>>, vector<16xf32>,
        %parallel_loop3A_725 = arith.mulf %parallel_loop3A_724, %parallel_loop3A_713 : vector<16xf32>
        tpu.vector_store_idx %arg12[%parallel_loop3A_717], %parallel_loop3A_725 {add = true} : memref<65536xf32, #tpu.memory_space<vmem>>[vector<16xi32>], vector<16xf32>,
        %parallel_loop3A_726 = arith.constant 6 : i32
        %parallel_loop3A_727 = vector.broadcast %parallel_loop3A_726 : i32 to vector<16xi32>
        %parallel_loop3A_728 = vector.shape_cast %parallel_loop3A_727 : vector<16xi32> to vector<16x1xi32>
        %parallel_loop3A_729 = vector.shape_cast %parallel_loop3A_728 : vector<16x1xi32> to vector<16xi32>
        %parallel_loop3A_730 = tpu.dynamic_gather %parallel_loop3A_614[%parallel_loop3A_729] in [0] : vector<16xf32>, vector<16xi32> -> vector<16xf32>
        %parallel_loop3A_731 = vector.shape_cast %parallel_loop3A_727 : vector<16xi32> to vector<16x1xi32>
        %parallel_loop3A_732 = vector.shape_cast %parallel_loop3A_731 : vector<16x1xi32> to vector<16xi32>
        %parallel_loop3A_733 = tpu.dynamic_gather %parallel_loop3A_621[%parallel_loop3A_732] in [0] : vector<16xi32>, vector<16xi32> -> vector<16xi32>
        %parallel_loop3A_734 = arith.ori %parallel_loop3A_733, %iota3A : vector<16xi32>
        %parallel_loop3A_735 = arith.constant 6 : i32
        %parallel_loop3A_736 = arith.addi %parallel_loop3A_623, %parallel_loop3A_735 : i32
        %parallel_loop3A_737 = arith.constant 1 : i32
        %parallel_loop3A_738 = arith.index_cast %parallel_loop3A_737 : i32 to index
        %parallel_loop3A_739 = arith.index_cast %parallel_loop3A_736 : i32 to index
        %parallel_loop3A_740 = arith.constant 0 : index
        %parallel_loop3A_741 = tpu.vector_load %arg11[%parallel_loop3A_738, %parallel_loop3A_739, %parallel_loop3A_740] {strides = array<i32>} : memref<4x128x16xf32, #tpu.memory_space<vmem>>, vector<16xf32>,
        %parallel_loop3A_742 = arith.mulf %parallel_loop3A_741, %parallel_loop3A_730 : vector<16xf32>
        tpu.vector_store_idx %arg12[%parallel_loop3A_734], %parallel_loop3A_742 {add = true} : memref<65536xf32, #tpu.memory_space<vmem>>[vector<16xi32>], vector<16xf32>,
        %parallel_loop3A_743 = arith.constant 7 : i32
        %parallel_loop3A_744 = vector.broadcast %parallel_loop3A_743 : i32 to vector<16xi32>
        %parallel_loop3A_745 = vector.shape_cast %parallel_loop3A_744 : vector<16xi32> to vector<16x1xi32>
        %parallel_loop3A_746 = vector.shape_cast %parallel_loop3A_745 : vector<16x1xi32> to vector<16xi32>
        %parallel_loop3A_747 = tpu.dynamic_gather %parallel_loop3A_614[%parallel_loop3A_746] in [0] : vector<16xf32>, vector<16xi32> -> vector<16xf32>
        %parallel_loop3A_748 = vector.shape_cast %parallel_loop3A_744 : vector<16xi32> to vector<16x1xi32>
        %parallel_loop3A_749 = vector.shape_cast %parallel_loop3A_748 : vector<16x1xi32> to vector<16xi32>
        %parallel_loop3A_750 = tpu.dynamic_gather %parallel_loop3A_621[%parallel_loop3A_749] in [0] : vector<16xi32>, vector<16xi32> -> vector<16xi32>
        %parallel_loop3A_751 = arith.ori %parallel_loop3A_750, %iota3A : vector<16xi32>
        %parallel_loop3A_752 = arith.constant 7 : i32
        %parallel_loop3A_753 = arith.addi %parallel_loop3A_623, %parallel_loop3A_752 : i32
        %parallel_loop3A_754 = arith.constant 1 : i32
        %parallel_loop3A_755 = arith.index_cast %parallel_loop3A_754 : i32 to index
        %parallel_loop3A_756 = arith.index_cast %parallel_loop3A_753 : i32 to index
        %parallel_loop3A_757 = arith.constant 0 : index
        %parallel_loop3A_758 = tpu.vector_load %arg11[%parallel_loop3A_755, %parallel_loop3A_756, %parallel_loop3A_757] {strides = array<i32>} : memref<4x128x16xf32, #tpu.memory_space<vmem>>, vector<16xf32>,
        %parallel_loop3A_759 = arith.mulf %parallel_loop3A_758, %parallel_loop3A_747 : vector<16xf32>
        tpu.vector_store_idx %arg12[%parallel_loop3A_751], %parallel_loop3A_759 {add = true} : memref<65536xf32, #tpu.memory_space<vmem>>[vector<16xi32>], vector<16xf32>,
        %parallel_loop3A_760 = arith.constant 8 : i32
        %parallel_loop3A_761 = vector.broadcast %parallel_loop3A_760 : i32 to vector<16xi32>
        %parallel_loop3A_762 = vector.shape_cast %parallel_loop3A_761 : vector<16xi32> to vector<16x1xi32>
        %parallel_loop3A_763 = vector.shape_cast %parallel_loop3A_762 : vector<16x1xi32> to vector<16xi32>
        %parallel_loop3A_764 = tpu.dynamic_gather %parallel_loop3A_614[%parallel_loop3A_763] in [0] : vector<16xf32>, vector<16xi32> -> vector<16xf32>
        %parallel_loop3A_765 = vector.shape_cast %parallel_loop3A_761 : vector<16xi32> to vector<16x1xi32>
        %parallel_loop3A_766 = vector.shape_cast %parallel_loop3A_765 : vector<16x1xi32> to vector<16xi32>
        %parallel_loop3A_767 = tpu.dynamic_gather %parallel_loop3A_621[%parallel_loop3A_766] in [0] : vector<16xi32>, vector<16xi32> -> vector<16xi32>
        %parallel_loop3A_768 = arith.ori %parallel_loop3A_767, %iota3A : vector<16xi32>
        %parallel_loop3A_769 = arith.constant 8 : i32
        %parallel_loop3A_770 = arith.addi %parallel_loop3A_623, %parallel_loop3A_769 : i32
        %parallel_loop3A_771 = arith.constant 1 : i32
        %parallel_loop3A_772 = arith.index_cast %parallel_loop3A_771 : i32 to index
        %parallel_loop3A_773 = arith.index_cast %parallel_loop3A_770 : i32 to index
        %parallel_loop3A_774 = arith.constant 0 : index
        %parallel_loop3A_775 = tpu.vector_load %arg11[%parallel_loop3A_772, %parallel_loop3A_773, %parallel_loop3A_774] {strides = array<i32>} : memref<4x128x16xf32, #tpu.memory_space<vmem>>, vector<16xf32>,
        %parallel_loop3A_776 = arith.mulf %parallel_loop3A_775, %parallel_loop3A_764 : vector<16xf32>
        tpu.vector_store_idx %arg12[%parallel_loop3A_768], %parallel_loop3A_776 {add = true} : memref<65536xf32, #tpu.memory_space<vmem>>[vector<16xi32>], vector<16xf32>,
        %parallel_loop3A_777 = arith.constant 9 : i32
        %parallel_loop3A_778 = vector.broadcast %parallel_loop3A_777 : i32 to vector<16xi32>
        %parallel_loop3A_779 = vector.shape_cast %parallel_loop3A_778 : vector<16xi32> to vector<16x1xi32>
        %parallel_loop3A_780 = vector.shape_cast %parallel_loop3A_779 : vector<16x1xi32> to vector<16xi32>
        %parallel_loop3A_781 = tpu.dynamic_gather %parallel_loop3A_614[%parallel_loop3A_780] in [0] : vector<16xf32>, vector<16xi32> -> vector<16xf32>
        %parallel_loop3A_782 = vector.shape_cast %parallel_loop3A_778 : vector<16xi32> to vector<16x1xi32>
        %parallel_loop3A_783 = vector.shape_cast %parallel_loop3A_782 : vector<16x1xi32> to vector<16xi32>
        %parallel_loop3A_784 = tpu.dynamic_gather %parallel_loop3A_621[%parallel_loop3A_783] in [0] : vector<16xi32>, vector<16xi32> -> vector<16xi32>
        %parallel_loop3A_785 = arith.ori %parallel_loop3A_784, %iota3A : vector<16xi32>
        %parallel_loop3A_786 = arith.constant 9 : i32
        %parallel_loop3A_787 = arith.addi %parallel_loop3A_623, %parallel_loop3A_786 : i32
        %parallel_loop3A_788 = arith.constant 1 : i32
        %parallel_loop3A_789 = arith.index_cast %parallel_loop3A_788 : i32 to index
        %parallel_loop3A_790 = arith.index_cast %parallel_loop3A_787 : i32 to index
        %parallel_loop3A_791 = arith.constant 0 : index
        %parallel_loop3A_792 = tpu.vector_load %arg11[%parallel_loop3A_789, %parallel_loop3A_790, %parallel_loop3A_791] {strides = array<i32>} : memref<4x128x16xf32, #tpu.memory_space<vmem>>, vector<16xf32>,
        %parallel_loop3A_793 = arith.mulf %parallel_loop3A_792, %parallel_loop3A_781 : vector<16xf32>
        tpu.vector_store_idx %arg12[%parallel_loop3A_785], %parallel_loop3A_793 {add = true} : memref<65536xf32, #tpu.memory_space<vmem>>[vector<16xi32>], vector<16xf32>,
        %parallel_loop3A_794 = arith.constant 10 : i32
        %parallel_loop3A_795 = vector.broadcast %parallel_loop3A_794 : i32 to vector<16xi32>
        %parallel_loop3A_796 = vector.shape_cast %parallel_loop3A_795 : vector<16xi32> to vector<16x1xi32>
        %parallel_loop3A_797 = vector.shape_cast %parallel_loop3A_796 : vector<16x1xi32> to vector<16xi32>
        %parallel_loop3A_798 = tpu.dynamic_gather %parallel_loop3A_614[%parallel_loop3A_797] in [0] : vector<16xf32>, vector<16xi32> -> vector<16xf32>
        %parallel_loop3A_799 = vector.shape_cast %parallel_loop3A_795 : vector<16xi32> to vector<16x1xi32>
        %parallel_loop3A_800 = vector.shape_cast %parallel_loop3A_799 : vector<16x1xi32> to vector<16xi32>
        %parallel_loop3A_801 = tpu.dynamic_gather %parallel_loop3A_621[%parallel_loop3A_800] in [0] : vector<16xi32>, vector<16xi32> -> vector<16xi32>
        %parallel_loop3A_802 = arith.ori %parallel_loop3A_801, %iota3A : vector<16xi32>
        %parallel_loop3A_803 = arith.constant 10 : i32
        %parallel_loop3A_804 = arith.addi %parallel_loop3A_623, %parallel_loop3A_803 : i32
        %parallel_loop3A_805 = arith.constant 1 : i32
        %parallel_loop3A_806 = arith.index_cast %parallel_loop3A_805 : i32 to index
        %parallel_loop3A_807 = arith.index_cast %parallel_loop3A_804 : i32 to index
        %parallel_loop3A_808 = arith.constant 0 : index
        %parallel_loop3A_809 = tpu.vector_load %arg11[%parallel_loop3A_806, %parallel_loop3A_807, %parallel_loop3A_808] {strides = array<i32>} : memref<4x128x16xf32, #tpu.memory_space<vmem>>, vector<16xf32>,
        %parallel_loop3A_810 = arith.mulf %parallel_loop3A_809, %parallel_loop3A_798 : vector<16xf32>
        tpu.vector_store_idx %arg12[%parallel_loop3A_802], %parallel_loop3A_810 {add = true} : memref<65536xf32, #tpu.memory_space<vmem>>[vector<16xi32>], vector<16xf32>,
        %parallel_loop3A_811 = arith.constant 11 : i32
        %parallel_loop3A_812 = vector.broadcast %parallel_loop3A_811 : i32 to vector<16xi32>
        %parallel_loop3A_813 = vector.shape_cast %parallel_loop3A_812 : vector<16xi32> to vector<16x1xi32>
        %parallel_loop3A_814 = vector.shape_cast %parallel_loop3A_813 : vector<16x1xi32> to vector<16xi32>
        %parallel_loop3A_815 = tpu.dynamic_gather %parallel_loop3A_614[%parallel_loop3A_814] in [0] : vector<16xf32>, vector<16xi32> -> vector<16xf32>
        %parallel_loop3A_816 = vector.shape_cast %parallel_loop3A_812 : vector<16xi32> to vector<16x1xi32>
        %parallel_loop3A_817 = vector.shape_cast %parallel_loop3A_816 : vector<16x1xi32> to vector<16xi32>
        %parallel_loop3A_818 = tpu.dynamic_gather %parallel_loop3A_621[%parallel_loop3A_817] in [0] : vector<16xi32>, vector<16xi32> -> vector<16xi32>
        %parallel_loop3A_819 = arith.ori %parallel_loop3A_818, %iota3A : vector<16xi32>
        %parallel_loop3A_820 = arith.constant 11 : i32
        %parallel_loop3A_821 = arith.addi %parallel_loop3A_623, %parallel_loop3A_820 : i32
        %parallel_loop3A_822 = arith.constant 1 : i32
        %parallel_loop3A_823 = arith.index_cast %parallel_loop3A_822 : i32 to index
        %parallel_loop3A_824 = arith.index_cast %parallel_loop3A_821 : i32 to index
        %parallel_loop3A_825 = arith.constant 0 : index
        %parallel_loop3A_826 = tpu.vector_load %arg11[%parallel_loop3A_823, %parallel_loop3A_824, %parallel_loop3A_825] {strides = array<i32>} : memref<4x128x16xf32, #tpu.memory_space<vmem>>, vector<16xf32>,
        %parallel_loop3A_827 = arith.mulf %parallel_loop3A_826, %parallel_loop3A_815 : vector<16xf32>
        tpu.vector_store_idx %arg12[%parallel_loop3A_819], %parallel_loop3A_827 {add = true} : memref<65536xf32, #tpu.memory_space<vmem>>[vector<16xi32>], vector<16xf32>,
        %parallel_loop3A_828 = arith.constant 12 : i32
        %parallel_loop3A_829 = vector.broadcast %parallel_loop3A_828 : i32 to vector<16xi32>
        %parallel_loop3A_830 = vector.shape_cast %parallel_loop3A_829 : vector<16xi32> to vector<16x1xi32>
        %parallel_loop3A_831 = vector.shape_cast %parallel_loop3A_830 : vector<16x1xi32> to vector<16xi32>
        %parallel_loop3A_832 = tpu.dynamic_gather %parallel_loop3A_614[%parallel_loop3A_831] in [0] : vector<16xf32>, vector<16xi32> -> vector<16xf32>
        %parallel_loop3A_833 = vector.shape_cast %parallel_loop3A_829 : vector<16xi32> to vector<16x1xi32>
        %parallel_loop3A_834 = vector.shape_cast %parallel_loop3A_833 : vector<16x1xi32> to vector<16xi32>
        %parallel_loop3A_835 = tpu.dynamic_gather %parallel_loop3A_621[%parallel_loop3A_834] in [0] : vector<16xi32>, vector<16xi32> -> vector<16xi32>
        %parallel_loop3A_836 = arith.ori %parallel_loop3A_835, %iota3A : vector<16xi32>
        %parallel_loop3A_837 = arith.constant 12 : i32
        %parallel_loop3A_838 = arith.addi %parallel_loop3A_623, %parallel_loop3A_837 : i32
        %parallel_loop3A_839 = arith.constant 1 : i32
        %parallel_loop3A_840 = arith.index_cast %parallel_loop3A_839 : i32 to index
        %parallel_loop3A_841 = arith.index_cast %parallel_loop3A_838 : i32 to index
        %parallel_loop3A_842 = arith.constant 0 : index
        %parallel_loop3A_843 = tpu.vector_load %arg11[%parallel_loop3A_840, %parallel_loop3A_841, %parallel_loop3A_842] {strides = array<i32>} : memref<4x128x16xf32, #tpu.memory_space<vmem>>, vector<16xf32>,
        %parallel_loop3A_844 = arith.mulf %parallel_loop3A_843, %parallel_loop3A_832 : vector<16xf32>
        tpu.vector_store_idx %arg12[%parallel_loop3A_836], %parallel_loop3A_844 {add = true} : memref<65536xf32, #tpu.memory_space<vmem>>[vector<16xi32>], vector<16xf32>,
        %parallel_loop3A_845 = arith.constant 13 : i32
        %parallel_loop3A_846 = vector.broadcast %parallel_loop3A_845 : i32 to vector<16xi32>
        %parallel_loop3A_847 = vector.shape_cast %parallel_loop3A_846 : vector<16xi32> to vector<16x1xi32>
        %parallel_loop3A_848 = vector.shape_cast %parallel_loop3A_847 : vector<16x1xi32> to vector<16xi32>
        %parallel_loop3A_849 = tpu.dynamic_gather %parallel_loop3A_614[%parallel_loop3A_848] in [0] : vector<16xf32>, vector<16xi32> -> vector<16xf32>
        %parallel_loop3A_850 = vector.shape_cast %parallel_loop3A_846 : vector<16xi32> to vector<16x1xi32>
        %parallel_loop3A_851 = vector.shape_cast %parallel_loop3A_850 : vector<16x1xi32> to vector<16xi32>
        %parallel_loop3A_852 = tpu.dynamic_gather %parallel_loop3A_621[%parallel_loop3A_851] in [0] : vector<16xi32>, vector<16xi32> -> vector<16xi32>
        %parallel_loop3A_853 = arith.ori %parallel_loop3A_852, %iota3A : vector<16xi32>
        %parallel_loop3A_854 = arith.constant 13 : i32
        %parallel_loop3A_855 = arith.addi %parallel_loop3A_623, %parallel_loop3A_854 : i32
        %parallel_loop3A_856 = arith.constant 1 : i32
        %parallel_loop3A_857 = arith.index_cast %parallel_loop3A_856 : i32 to index
        %parallel_loop3A_858 = arith.index_cast %parallel_loop3A_855 : i32 to index
        %parallel_loop3A_859 = arith.constant 0 : index
        %parallel_loop3A_860 = tpu.vector_load %arg11[%parallel_loop3A_857, %parallel_loop3A_858, %parallel_loop3A_859] {strides = array<i32>} : memref<4x128x16xf32, #tpu.memory_space<vmem>>, vector<16xf32>,
        %parallel_loop3A_861 = arith.mulf %parallel_loop3A_860, %parallel_loop3A_849 : vector<16xf32>
        tpu.vector_store_idx %arg12[%parallel_loop3A_853], %parallel_loop3A_861 {add = true} : memref<65536xf32, #tpu.memory_space<vmem>>[vector<16xi32>], vector<16xf32>,
        %parallel_loop3A_862 = arith.constant 14 : i32
        %parallel_loop3A_863 = vector.broadcast %parallel_loop3A_862 : i32 to vector<16xi32>
        %parallel_loop3A_864 = vector.shape_cast %parallel_loop3A_863 : vector<16xi32> to vector<16x1xi32>
        %parallel_loop3A_865 = vector.shape_cast %parallel_loop3A_864 : vector<16x1xi32> to vector<16xi32>
        %parallel_loop3A_866 = tpu.dynamic_gather %parallel_loop3A_614[%parallel_loop3A_865] in [0] : vector<16xf32>, vector<16xi32> -> vector<16xf32>
        %parallel_loop3A_867 = vector.shape_cast %parallel_loop3A_863 : vector<16xi32> to vector<16x1xi32>
        %parallel_loop3A_868 = vector.shape_cast %parallel_loop3A_867 : vector<16x1xi32> to vector<16xi32>
        %parallel_loop3A_869 = tpu.dynamic_gather %parallel_loop3A_621[%parallel_loop3A_868] in [0] : vector<16xi32>, vector<16xi32> -> vector<16xi32>
        %parallel_loop3A_870 = arith.ori %parallel_loop3A_869, %iota3A : vector<16xi32>
        %parallel_loop3A_871 = arith.constant 14 : i32
        %parallel_loop3A_872 = arith.addi %parallel_loop3A_623, %parallel_loop3A_871 : i32
        %parallel_loop3A_873 = arith.constant 1 : i32
        %parallel_loop3A_874 = arith.index_cast %parallel_loop3A_873 : i32 to index
        %parallel_loop3A_875 = arith.index_cast %parallel_loop3A_872 : i32 to index
        %parallel_loop3A_876 = arith.constant 0 : index
        %parallel_loop3A_877 = tpu.vector_load %arg11[%parallel_loop3A_874, %parallel_loop3A_875, %parallel_loop3A_876] {strides = array<i32>} : memref<4x128x16xf32, #tpu.memory_space<vmem>>, vector<16xf32>,
        %parallel_loop3A_878 = arith.mulf %parallel_loop3A_877, %parallel_loop3A_866 : vector<16xf32>
        tpu.vector_store_idx %arg12[%parallel_loop3A_870], %parallel_loop3A_878 {add = true} : memref<65536xf32, #tpu.memory_space<vmem>>[vector<16xi32>], vector<16xf32>,
        %parallel_loop3A_879 = arith.constant 15 : i32
        %parallel_loop3A_880 = vector.broadcast %parallel_loop3A_879 : i32 to vector<16xi32>
        %parallel_loop3A_881 = vector.shape_cast %parallel_loop3A_880 : vector<16xi32> to vector<16x1xi32>
        %parallel_loop3A_882 = vector.shape_cast %parallel_loop3A_881 : vector<16x1xi32> to vector<16xi32>
        %parallel_loop3A_883 = tpu.dynamic_gather %parallel_loop3A_614[%parallel_loop3A_882] in [0] : vector<16xf32>, vector<16xi32> -> vector<16xf32>
        %parallel_loop3A_884 = vector.shape_cast %parallel_loop3A_880 : vector<16xi32> to vector<16x1xi32>
        %parallel_loop3A_885 = vector.shape_cast %parallel_loop3A_884 : vector<16x1xi32> to vector<16xi32>
        %parallel_loop3A_886 = tpu.dynamic_gather %parallel_loop3A_621[%parallel_loop3A_885] in [0] : vector<16xi32>, vector<16xi32> -> vector<16xi32>
        %parallel_loop3A_887 = arith.ori %parallel_loop3A_886, %iota3A : vector<16xi32>
        %parallel_loop3A_888 = arith.constant 15 : i32
        %parallel_loop3A_889 = arith.addi %parallel_loop3A_623, %parallel_loop3A_888 : i32
        %parallel_loop3A_890 = arith.constant 1 : i32
        %parallel_loop3A_891 = arith.index_cast %parallel_loop3A_890 : i32 to index
        %parallel_loop3A_892 = arith.index_cast %parallel_loop3A_889 : i32 to index
        %parallel_loop3A_893 = arith.constant 0 : index
        %parallel_loop3A_894 = tpu.vector_load %arg11[%parallel_loop3A_891, %parallel_loop3A_892, %parallel_loop3A_893] {strides = array<i32>} : memref<4x128x16xf32, #tpu.memory_space<vmem>>, vector<16xf32>,
        %parallel_loop3A_895 = arith.mulf %parallel_loop3A_894, %parallel_loop3A_883 : vector<16xf32>
        tpu.vector_store_idx %arg12[%parallel_loop3A_887], %parallel_loop3A_895 {add = true} : memref<65536xf32, #tpu.memory_space<vmem>>[vector<16xi32>], vector<16xf32>,
      } {sc.loop_unroll_factor = 4 : i64, sc.parallel_access}
      %parallel_loop3A_511 = arith.constant 0 : i32
      %parallel_loop3A_512 = arith.constant 128 : i32
      %parallel_loop3A_513 = arith.constant 16 : i32
      scf.for %parallel_loop3A_606 = %parallel_loop3A_511 to %parallel_loop3A_512 step %parallel_loop3A_513  : i32 {
        %parallel_loop3A_607 = arith.constant 128 : i32
        %parallel_loop3A_608 = arith.addi %parallel_loop3A_607, %parallel_loop3A_606 : i32
        %parallel_loop3A_609 = arith.constant 0 : i32
        %parallel_loop3A_610 = arith.index_cast %parallel_loop3A_609 : i32 to index
        %parallel_loop3A_611 = arith.index_cast %parallel_loop3A_608 : i32 to index
        %parallel_loop3A_612 = tpu.vector_load %arg7[%parallel_loop3A_610, %parallel_loop3A_611] {strides = array<i32>} : memref<2x512xi32, #tpu.memory_space<vmem>>, vector<16xi32>,
        %parallel_loop3A_613 = arith.constant 4 : i32
        %parallel_loop3A_614 = vector.broadcast %parallel_loop3A_613 : i32 to vector<16xi32>
        %parallel_loop3A_615 = arith.shli %parallel_loop3A_612, %parallel_loop3A_614 : vector<16xi32>
        %parallel_loop3A_616 = vector.broadcast %arg1 : i32 to vector<16xi32>
        %parallel_loop3A_617 = arith.addi %parallel_loop3A_615, %parallel_loop3A_616 : vector<16xi32>
        %parallel_loop3A_618 = arith.constant 1 : i32
        %parallel_loop3A_619 = arith.index_cast %parallel_loop3A_618 : i32 to index
        %parallel_loop3A_620 = arith.index_cast %parallel_loop3A_606 : i32 to index
        %parallel_loop3A_621 = tpu.vector_load %arg10[%parallel_loop3A_619, %parallel_loop3A_620] {strides = array<i32>} : memref<4x128xi32, #tpu.memory_space<vmem>>, vector<16xi32>,
        tpu.vector_store %arg10[%parallel_loop3A_619, %parallel_loop3A_620], %parallel_loop3A_617 {strides = array<i32>} : memref<4x128xi32, #tpu.memory_space<vmem>>, vector<16xi32>,
      } {sc.loop_unroll_factor = 2 : i64, sc.parallel_access}
      %dma_start3A_514 = arith.constant 1 : i32
      %dma_start3A_515 = arith.constant 1 : i32
      %dma_start3A_516 = arith.constant 0 : i32
      %dma_start3A_517 = arith.constant 0 : i32
      %dma_start3A_518 = tpu.memref_slice %arg11[%dma_start3A_515, %dma_start3A_516, %dma_start3A_517] : memref<4x128x16xf32, #tpu.memory_space<vmem>> -> memref<1x128x16xf32, #tpu.memory_space<vmem>>
      %dma_start3A_519 = tpu.memref_squeeze %dma_start3A_518 : memref<1x128x16xf32, #tpu.memory_space<vmem>> -> memref<128x16xf32, #tpu.memory_space<vmem>>
      %dma_start3A_520 = arith.constant 0 : i32
      %dma_start3A_521 = tpu.memref_slice %arg10[%dma_start3A_514, %dma_start3A_520] : memref<4x128xi32, #tpu.memory_space<vmem>> -> memref<1x128xi32, #tpu.memory_space<vmem>>
      %dma_start3A_522 = tpu.memref_squeeze %dma_start3A_521 : memref<1x128xi32, #tpu.memory_space<vmem>> -> memref<128xi32, #tpu.memory_space<vmem>>
      %dma_start3A_523 = arith.constant 0 : i32
      %dma_start3A_524 = arith.constant 0 : i32
      %dma_start3A_525 = tpu.memref_slice %arg2[%dma_start3A_523, %dma_start3A_524] : memref<65536x16xf32, #tpu.memory_space<hbm>> -> memref<65536x16xf32, #tpu.memory_space<hbm>>
      tpu.enqueue_indirect_dma source(%dma_start3A_525 : memref<65536x16xf32, #tpu.memory_space<hbm>>) target(%dma_start3A_519 : memref<128x16xf32, #tpu.memory_space<vmem>>) offsets(%dma_start3A_522 : memref<128xi32, #tpu.memory_space<vmem>>) semaphore(%arg16 : memref<!tpu.dma_semaphore, #tpu.memory_space<semaphore_mem>>)
      %dma_wait3A_526 = arith.constant 2 : i32
      %dma_wait3A_527 = arith.constant 2 : i32
      %dma_wait3A_528 = arith.constant 0 : i32
      %dma_wait3A_529 = arith.constant 0 : i32
      %dma_wait3A_530 = tpu.memref_slice %arg11[%dma_wait3A_527, %dma_wait3A_528, %dma_wait3A_529] : memref<4x128x16xf32, #tpu.memory_space<vmem>> -> memref<1x128x16xf32, #tpu.memory_space<vmem>>
      %dma_wait3A_531 = tpu.memref_squeeze %dma_wait3A_530 : memref<1x128x16xf32, #tpu.memory_space<vmem>> -> memref<128x16xf32, #tpu.memory_space<vmem>>
      %dma_wait3A_532 = arith.constant 0 : i32
      %dma_wait3A_533 = tpu.memref_slice %arg10[%dma_wait3A_526, %dma_wait3A_532] : memref<4x128xi32, #tpu.memory_space<vmem>> -> memref<1x128xi32, #tpu.memory_space<vmem>>
      %dma_wait3A_534 = tpu.memref_squeeze %dma_wait3A_533 : memref<1x128xi32, #tpu.memory_space<vmem>> -> memref<128xi32, #tpu.memory_space<vmem>>
      %dma_wait3A_535 = arith.constant 0 : i32
      %dma_wait3A_536 = arith.constant 0 : i32
      %dma_wait3A_537 = tpu.memref_slice %arg2[%dma_wait3A_535, %dma_wait3A_536] : memref<65536x16xf32, #tpu.memory_space<hbm>> -> memref<65536x16xf32, #tpu.memory_space<hbm>>
      tpu.wait_indirect_dma semaphore(%arg17 : memref<!tpu.dma_semaphore, #tpu.memory_space<semaphore_mem>>) src(%dma_wait3A_537 : memref<65536x16xf32, #tpu.memory_space<hbm>>) dst(%dma_wait3A_531 : memref<128x16xf32, #tpu.memory_space<vmem>>)
      %parallel_loop3A_538 = arith.constant 0 : i32
      %parallel_loop3A_539 = arith.constant 8 : i32
      %parallel_loop3A_540 = arith.constant 1 : i32
      scf.for %parallel_loop3A_606 = %parallel_loop3A_538 to %parallel_loop3A_539 step %parallel_loop3A_540  : i32 {
        %parallel_loop3A_607 = arith.constant 16 : i32
        %parallel_loop3A_608 = arith.muli %parallel_loop3A_606, %parallel_loop3A_607 : i32
        %parallel_loop3A_609 = arith.constant 256 : i32
        %parallel_loop3A_610 = arith.addi %parallel_loop3A_609, %parallel_loop3A_608 : i32
        %parallel_loop3A_611 = arith.constant 1 : i32
        %parallel_loop3A_612 = arith.index_cast %parallel_loop3A_611 : i32 to index
        %parallel_loop3A_613 = arith.index_cast %parallel_loop3A_610 : i32 to index
        %parallel_loop3A_614 = tpu.vector_load %arg9[%parallel_loop3A_612, %parallel_loop3A_613] {strides = array<i32>} : memref<2x512xf32, #tpu.memory_space<vmem>>, vector<16xf32>,
        %parallel_loop3A_615 = arith.constant 1 : i32
        %parallel_loop3A_616 = arith.index_cast %parallel_loop3A_615 : i32 to index
        %parallel_loop3A_617 = arith.index_cast %parallel_loop3A_610 : i32 to index
        %parallel_loop3A_618 = tpu.vector_load %arg8[%parallel_loop3A_616, %parallel_loop3A_617] {strides = array<i32>} : memref<2x512xi32, #tpu.memory_space<vmem>>, vector<16xi32>,
        %parallel_loop3A_619 = arith.constant 4 : i32
        %parallel_loop3A_620 = vector.broadcast %parallel_loop3A_619 : i32 to vector<16xi32>
        %parallel_loop3A_621 = arith.shli %parallel_loop3A_618, %parallel_loop3A_620 : vector<16xi32>
        %parallel_loop3A_622 = arith.constant 16 : i32
        %parallel_loop3A_623 = arith.muli %parallel_loop3A_606, %parallel_loop3A_622 : i32
        %parallel_loop3A_624 = arith.constant 0 : i32
        %parallel_loop3A_625 = vector.broadcast %parallel_loop3A_624 : i32 to vector<16xi32>
        %parallel_loop3A_626 = vector.shape_cast %parallel_loop3A_625 : vector<16xi32> to vector<16x1xi32>
        %parallel_loop3A_627 = vector.shape_cast %parallel_loop3A_626 : vector<16x1xi32> to vector<16xi32>
        %parallel_loop3A_628 = tpu.dynamic_gather %parallel_loop3A_614[%parallel_loop3A_627] in [0] : vector<16xf32>, vector<16xi32> -> vector<16xf32>
        %parallel_loop3A_629 = vector.shape_cast %parallel_loop3A_625 : vector<16xi32> to vector<16x1xi32>
        %parallel_loop3A_630 = vector.shape_cast %parallel_loop3A_629 : vector<16x1xi32> to vector<16xi32>
        %parallel_loop3A_631 = tpu.dynamic_gather %parallel_loop3A_621[%parallel_loop3A_630] in [0] : vector<16xi32>, vector<16xi32> -> vector<16xi32>
        %parallel_loop3A_632 = arith.ori %parallel_loop3A_631, %iota3A : vector<16xi32>
        %parallel_loop3A_633 = arith.constant 0 : i32
        %parallel_loop3A_634 = arith.addi %parallel_loop3A_623, %parallel_loop3A_633 : i32
        %parallel_loop3A_635 = arith.constant 2 : i32
        %parallel_loop3A_636 = arith.index_cast %parallel_loop3A_635 : i32 to index
        %parallel_loop3A_637 = arith.index_cast %parallel_loop3A_634 : i32 to index
        %parallel_loop3A_638 = arith.constant 0 : index
        %parallel_loop3A_639 = tpu.vector_load %arg11[%parallel_loop3A_636, %parallel_loop3A_637, %parallel_loop3A_638] {strides = array<i32>} : memref<4x128x16xf32, #tpu.memory_space<vmem>>, vector<16xf32>,
        %parallel_loop3A_640 = arith.mulf %parallel_loop3A_639, %parallel_loop3A_628 : vector<16xf32>
        tpu.vector_store_idx %arg12[%parallel_loop3A_632], %parallel_loop3A_640 {add = true} : memref<65536xf32, #tpu.memory_space<vmem>>[vector<16xi32>], vector<16xf32>,
        %parallel_loop3A_641 = arith.constant 1 : i32
        %parallel_loop3A_642 = vector.broadcast %parallel_loop3A_641 : i32 to vector<16xi32>
        %parallel_loop3A_643 = vector.shape_cast %parallel_loop3A_642 : vector<16xi32> to vector<16x1xi32>
        %parallel_loop3A_644 = vector.shape_cast %parallel_loop3A_643 : vector<16x1xi32> to vector<16xi32>
        %parallel_loop3A_645 = tpu.dynamic_gather %parallel_loop3A_614[%parallel_loop3A_644] in [0] : vector<16xf32>, vector<16xi32> -> vector<16xf32>
        %parallel_loop3A_646 = vector.shape_cast %parallel_loop3A_642 : vector<16xi32> to vector<16x1xi32>
        %parallel_loop3A_647 = vector.shape_cast %parallel_loop3A_646 : vector<16x1xi32> to vector<16xi32>
        %parallel_loop3A_648 = tpu.dynamic_gather %parallel_loop3A_621[%parallel_loop3A_647] in [0] : vector<16xi32>, vector<16xi32> -> vector<16xi32>
        %parallel_loop3A_649 = arith.ori %parallel_loop3A_648, %iota3A : vector<16xi32>
        %parallel_loop3A_650 = arith.constant 1 : i32
        %parallel_loop3A_651 = arith.addi %parallel_loop3A_623, %parallel_loop3A_650 : i32
        %parallel_loop3A_652 = arith.constant 2 : i32
        %parallel_loop3A_653 = arith.index_cast %parallel_loop3A_652 : i32 to index
        %parallel_loop3A_654 = arith.index_cast %parallel_loop3A_651 : i32 to index
        %parallel_loop3A_655 = arith.constant 0 : index
        %parallel_loop3A_656 = tpu.vector_load %arg11[%parallel_loop3A_653, %parallel_loop3A_654, %parallel_loop3A_655] {strides = array<i32>} : memref<4x128x16xf32, #tpu.memory_space<vmem>>, vector<16xf32>,
        %parallel_loop3A_657 = arith.mulf %parallel_loop3A_656, %parallel_loop3A_645 : vector<16xf32>
        tpu.vector_store_idx %arg12[%parallel_loop3A_649], %parallel_loop3A_657 {add = true} : memref<65536xf32, #tpu.memory_space<vmem>>[vector<16xi32>], vector<16xf32>,
        %parallel_loop3A_658 = arith.constant 2 : i32
        %parallel_loop3A_659 = vector.broadcast %parallel_loop3A_658 : i32 to vector<16xi32>
        %parallel_loop3A_660 = vector.shape_cast %parallel_loop3A_659 : vector<16xi32> to vector<16x1xi32>
        %parallel_loop3A_661 = vector.shape_cast %parallel_loop3A_660 : vector<16x1xi32> to vector<16xi32>
        %parallel_loop3A_662 = tpu.dynamic_gather %parallel_loop3A_614[%parallel_loop3A_661] in [0] : vector<16xf32>, vector<16xi32> -> vector<16xf32>
        %parallel_loop3A_663 = vector.shape_cast %parallel_loop3A_659 : vector<16xi32> to vector<16x1xi32>
        %parallel_loop3A_664 = vector.shape_cast %parallel_loop3A_663 : vector<16x1xi32> to vector<16xi32>
        %parallel_loop3A_665 = tpu.dynamic_gather %parallel_loop3A_621[%parallel_loop3A_664] in [0] : vector<16xi32>, vector<16xi32> -> vector<16xi32>
        %parallel_loop3A_666 = arith.ori %parallel_loop3A_665, %iota3A : vector<16xi32>
        %parallel_loop3A_667 = arith.constant 2 : i32
        %parallel_loop3A_668 = arith.addi %parallel_loop3A_623, %parallel_loop3A_667 : i32
        %parallel_loop3A_669 = arith.constant 2 : i32
        %parallel_loop3A_670 = arith.index_cast %parallel_loop3A_669 : i32 to index
        %parallel_loop3A_671 = arith.index_cast %parallel_loop3A_668 : i32 to index
        %parallel_loop3A_672 = arith.constant 0 : index
        %parallel_loop3A_673 = tpu.vector_load %arg11[%parallel_loop3A_670, %parallel_loop3A_671, %parallel_loop3A_672] {strides = array<i32>} : memref<4x128x16xf32, #tpu.memory_space<vmem>>, vector<16xf32>,
        %parallel_loop3A_674 = arith.mulf %parallel_loop3A_673, %parallel_loop3A_662 : vector<16xf32>
        tpu.vector_store_idx %arg12[%parallel_loop3A_666], %parallel_loop3A_674 {add = true} : memref<65536xf32, #tpu.memory_space<vmem>>[vector<16xi32>], vector<16xf32>,
        %parallel_loop3A_675 = arith.constant 3 : i32
        %parallel_loop3A_676 = vector.broadcast %parallel_loop3A_675 : i32 to vector<16xi32>
        %parallel_loop3A_677 = vector.shape_cast %parallel_loop3A_676 : vector<16xi32> to vector<16x1xi32>
        %parallel_loop3A_678 = vector.shape_cast %parallel_loop3A_677 : vector<16x1xi32> to vector<16xi32>
        %parallel_loop3A_679 = tpu.dynamic_gather %parallel_loop3A_614[%parallel_loop3A_678] in [0] : vector<16xf32>, vector<16xi32> -> vector<16xf32>
        %parallel_loop3A_680 = vector.shape_cast %parallel_loop3A_676 : vector<16xi32> to vector<16x1xi32>
        %parallel_loop3A_681 = vector.shape_cast %parallel_loop3A_680 : vector<16x1xi32> to vector<16xi32>
        %parallel_loop3A_682 = tpu.dynamic_gather %parallel_loop3A_621[%parallel_loop3A_681] in [0] : vector<16xi32>, vector<16xi32> -> vector<16xi32>
        %parallel_loop3A_683 = arith.ori %parallel_loop3A_682, %iota3A : vector<16xi32>
        %parallel_loop3A_684 = arith.constant 3 : i32
        %parallel_loop3A_685 = arith.addi %parallel_loop3A_623, %parallel_loop3A_684 : i32
        %parallel_loop3A_686 = arith.constant 2 : i32
        %parallel_loop3A_687 = arith.index_cast %parallel_loop3A_686 : i32 to index
        %parallel_loop3A_688 = arith.index_cast %parallel_loop3A_685 : i32 to index
        %parallel_loop3A_689 = arith.constant 0 : index
        %parallel_loop3A_690 = tpu.vector_load %arg11[%parallel_loop3A_687, %parallel_loop3A_688, %parallel_loop3A_689] {strides = array<i32>} : memref<4x128x16xf32, #tpu.memory_space<vmem>>, vector<16xf32>,
        %parallel_loop3A_691 = arith.mulf %parallel_loop3A_690, %parallel_loop3A_679 : vector<16xf32>
        tpu.vector_store_idx %arg12[%parallel_loop3A_683], %parallel_loop3A_691 {add = true} : memref<65536xf32, #tpu.memory_space<vmem>>[vector<16xi32>], vector<16xf32>,
        %parallel_loop3A_692 = arith.constant 4 : i32
        %parallel_loop3A_693 = vector.broadcast %parallel_loop3A_692 : i32 to vector<16xi32>
        %parallel_loop3A_694 = vector.shape_cast %parallel_loop3A_693 : vector<16xi32> to vector<16x1xi32>
        %parallel_loop3A_695 = vector.shape_cast %parallel_loop3A_694 : vector<16x1xi32> to vector<16xi32>
        %parallel_loop3A_696 = tpu.dynamic_gather %parallel_loop3A_614[%parallel_loop3A_695] in [0] : vector<16xf32>, vector<16xi32> -> vector<16xf32>
        %parallel_loop3A_697 = vector.shape_cast %parallel_loop3A_693 : vector<16xi32> to vector<16x1xi32>
        %parallel_loop3A_698 = vector.shape_cast %parallel_loop3A_697 : vector<16x1xi32> to vector<16xi32>
        %parallel_loop3A_699 = tpu.dynamic_gather %parallel_loop3A_621[%parallel_loop3A_698] in [0] : vector<16xi32>, vector<16xi32> -> vector<16xi32>
        %parallel_loop3A_700 = arith.ori %parallel_loop3A_699, %iota3A : vector<16xi32>
        %parallel_loop3A_701 = arith.constant 4 : i32
        %parallel_loop3A_702 = arith.addi %parallel_loop3A_623, %parallel_loop3A_701 : i32
        %parallel_loop3A_703 = arith.constant 2 : i32
        %parallel_loop3A_704 = arith.index_cast %parallel_loop3A_703 : i32 to index
        %parallel_loop3A_705 = arith.index_cast %parallel_loop3A_702 : i32 to index
        %parallel_loop3A_706 = arith.constant 0 : index
        %parallel_loop3A_707 = tpu.vector_load %arg11[%parallel_loop3A_704, %parallel_loop3A_705, %parallel_loop3A_706] {strides = array<i32>} : memref<4x128x16xf32, #tpu.memory_space<vmem>>, vector<16xf32>,
        %parallel_loop3A_708 = arith.mulf %parallel_loop3A_707, %parallel_loop3A_696 : vector<16xf32>
        tpu.vector_store_idx %arg12[%parallel_loop3A_700], %parallel_loop3A_708 {add = true} : memref<65536xf32, #tpu.memory_space<vmem>>[vector<16xi32>], vector<16xf32>,
        %parallel_loop3A_709 = arith.constant 5 : i32
        %parallel_loop3A_710 = vector.broadcast %parallel_loop3A_709 : i32 to vector<16xi32>
        %parallel_loop3A_711 = vector.shape_cast %parallel_loop3A_710 : vector<16xi32> to vector<16x1xi32>
        %parallel_loop3A_712 = vector.shape_cast %parallel_loop3A_711 : vector<16x1xi32> to vector<16xi32>
        %parallel_loop3A_713 = tpu.dynamic_gather %parallel_loop3A_614[%parallel_loop3A_712] in [0] : vector<16xf32>, vector<16xi32> -> vector<16xf32>
        %parallel_loop3A_714 = vector.shape_cast %parallel_loop3A_710 : vector<16xi32> to vector<16x1xi32>
        %parallel_loop3A_715 = vector.shape_cast %parallel_loop3A_714 : vector<16x1xi32> to vector<16xi32>
        %parallel_loop3A_716 = tpu.dynamic_gather %parallel_loop3A_621[%parallel_loop3A_715] in [0] : vector<16xi32>, vector<16xi32> -> vector<16xi32>
        %parallel_loop3A_717 = arith.ori %parallel_loop3A_716, %iota3A : vector<16xi32>
        %parallel_loop3A_718 = arith.constant 5 : i32
        %parallel_loop3A_719 = arith.addi %parallel_loop3A_623, %parallel_loop3A_718 : i32
        %parallel_loop3A_720 = arith.constant 2 : i32
        %parallel_loop3A_721 = arith.index_cast %parallel_loop3A_720 : i32 to index
        %parallel_loop3A_722 = arith.index_cast %parallel_loop3A_719 : i32 to index
        %parallel_loop3A_723 = arith.constant 0 : index
        %parallel_loop3A_724 = tpu.vector_load %arg11[%parallel_loop3A_721, %parallel_loop3A_722, %parallel_loop3A_723] {strides = array<i32>} : memref<4x128x16xf32, #tpu.memory_space<vmem>>, vector<16xf32>,
        %parallel_loop3A_725 = arith.mulf %parallel_loop3A_724, %parallel_loop3A_713 : vector<16xf32>
        tpu.vector_store_idx %arg12[%parallel_loop3A_717], %parallel_loop3A_725 {add = true} : memref<65536xf32, #tpu.memory_space<vmem>>[vector<16xi32>], vector<16xf32>,
        %parallel_loop3A_726 = arith.constant 6 : i32
        %parallel_loop3A_727 = vector.broadcast %parallel_loop3A_726 : i32 to vector<16xi32>
        %parallel_loop3A_728 = vector.shape_cast %parallel_loop3A_727 : vector<16xi32> to vector<16x1xi32>
        %parallel_loop3A_729 = vector.shape_cast %parallel_loop3A_728 : vector<16x1xi32> to vector<16xi32>
        %parallel_loop3A_730 = tpu.dynamic_gather %parallel_loop3A_614[%parallel_loop3A_729] in [0] : vector<16xf32>, vector<16xi32> -> vector<16xf32>
        %parallel_loop3A_731 = vector.shape_cast %parallel_loop3A_727 : vector<16xi32> to vector<16x1xi32>
        %parallel_loop3A_732 = vector.shape_cast %parallel_loop3A_731 : vector<16x1xi32> to vector<16xi32>
        %parallel_loop3A_733 = tpu.dynamic_gather %parallel_loop3A_621[%parallel_loop3A_732] in [0] : vector<16xi32>, vector<16xi32> -> vector<16xi32>
        %parallel_loop3A_734 = arith.ori %parallel_loop3A_733, %iota3A : vector<16xi32>
        %parallel_loop3A_735 = arith.constant 6 : i32
        %parallel_loop3A_736 = arith.addi %parallel_loop3A_623, %parallel_loop3A_735 : i32
        %parallel_loop3A_737 = arith.constant 2 : i32
        %parallel_loop3A_738 = arith.index_cast %parallel_loop3A_737 : i32 to index
        %parallel_loop3A_739 = arith.index_cast %parallel_loop3A_736 : i32 to index
        %parallel_loop3A_740 = arith.constant 0 : index
        %parallel_loop3A_741 = tpu.vector_load %arg11[%parallel_loop3A_738, %parallel_loop3A_739, %parallel_loop3A_740] {strides = array<i32>} : memref<4x128x16xf32, #tpu.memory_space<vmem>>, vector<16xf32>,
        %parallel_loop3A_742 = arith.mulf %parallel_loop3A_741, %parallel_loop3A_730 : vector<16xf32>
        tpu.vector_store_idx %arg12[%parallel_loop3A_734], %parallel_loop3A_742 {add = true} : memref<65536xf32, #tpu.memory_space<vmem>>[vector<16xi32>], vector<16xf32>,
        %parallel_loop3A_743 = arith.constant 7 : i32
        %parallel_loop3A_744 = vector.broadcast %parallel_loop3A_743 : i32 to vector<16xi32>
        %parallel_loop3A_745 = vector.shape_cast %parallel_loop3A_744 : vector<16xi32> to vector<16x1xi32>
        %parallel_loop3A_746 = vector.shape_cast %parallel_loop3A_745 : vector<16x1xi32> to vector<16xi32>
        %parallel_loop3A_747 = tpu.dynamic_gather %parallel_loop3A_614[%parallel_loop3A_746] in [0] : vector<16xf32>, vector<16xi32> -> vector<16xf32>
        %parallel_loop3A_748 = vector.shape_cast %parallel_loop3A_744 : vector<16xi32> to vector<16x1xi32>
        %parallel_loop3A_749 = vector.shape_cast %parallel_loop3A_748 : vector<16x1xi32> to vector<16xi32>
        %parallel_loop3A_750 = tpu.dynamic_gather %parallel_loop3A_621[%parallel_loop3A_749] in [0] : vector<16xi32>, vector<16xi32> -> vector<16xi32>
        %parallel_loop3A_751 = arith.ori %parallel_loop3A_750, %iota3A : vector<16xi32>
        %parallel_loop3A_752 = arith.constant 7 : i32
        %parallel_loop3A_753 = arith.addi %parallel_loop3A_623, %parallel_loop3A_752 : i32
        %parallel_loop3A_754 = arith.constant 2 : i32
        %parallel_loop3A_755 = arith.index_cast %parallel_loop3A_754 : i32 to index
        %parallel_loop3A_756 = arith.index_cast %parallel_loop3A_753 : i32 to index
        %parallel_loop3A_757 = arith.constant 0 : index
        %parallel_loop3A_758 = tpu.vector_load %arg11[%parallel_loop3A_755, %parallel_loop3A_756, %parallel_loop3A_757] {strides = array<i32>} : memref<4x128x16xf32, #tpu.memory_space<vmem>>, vector<16xf32>,
        %parallel_loop3A_759 = arith.mulf %parallel_loop3A_758, %parallel_loop3A_747 : vector<16xf32>
        tpu.vector_store_idx %arg12[%parallel_loop3A_751], %parallel_loop3A_759 {add = true} : memref<65536xf32, #tpu.memory_space<vmem>>[vector<16xi32>], vector<16xf32>,
        %parallel_loop3A_760 = arith.constant 8 : i32
        %parallel_loop3A_761 = vector.broadcast %parallel_loop3A_760 : i32 to vector<16xi32>
        %parallel_loop3A_762 = vector.shape_cast %parallel_loop3A_761 : vector<16xi32> to vector<16x1xi32>
        %parallel_loop3A_763 = vector.shape_cast %parallel_loop3A_762 : vector<16x1xi32> to vector<16xi32>
        %parallel_loop3A_764 = tpu.dynamic_gather %parallel_loop3A_614[%parallel_loop3A_763] in [0] : vector<16xf32>, vector<16xi32> -> vector<16xf32>
        %parallel_loop3A_765 = vector.shape_cast %parallel_loop3A_761 : vector<16xi32> to vector<16x1xi32>
        %parallel_loop3A_766 = vector.shape_cast %parallel_loop3A_765 : vector<16x1xi32> to vector<16xi32>
        %parallel_loop3A_767 = tpu.dynamic_gather %parallel_loop3A_621[%parallel_loop3A_766] in [0] : vector<16xi32>, vector<16xi32> -> vector<16xi32>
        %parallel_loop3A_768 = arith.ori %parallel_loop3A_767, %iota3A : vector<16xi32>
        %parallel_loop3A_769 = arith.constant 8 : i32
        %parallel_loop3A_770 = arith.addi %parallel_loop3A_623, %parallel_loop3A_769 : i32
        %parallel_loop3A_771 = arith.constant 2 : i32
        %parallel_loop3A_772 = arith.index_cast %parallel_loop3A_771 : i32 to index
        %parallel_loop3A_773 = arith.index_cast %parallel_loop3A_770 : i32 to index
        %parallel_loop3A_774 = arith.constant 0 : index
        %parallel_loop3A_775 = tpu.vector_load %arg11[%parallel_loop3A_772, %parallel_loop3A_773, %parallel_loop3A_774] {strides = array<i32>} : memref<4x128x16xf32, #tpu.memory_space<vmem>>, vector<16xf32>,
        %parallel_loop3A_776 = arith.mulf %parallel_loop3A_775, %parallel_loop3A_764 : vector<16xf32>
        tpu.vector_store_idx %arg12[%parallel_loop3A_768], %parallel_loop3A_776 {add = true} : memref<65536xf32, #tpu.memory_space<vmem>>[vector<16xi32>], vector<16xf32>,
        %parallel_loop3A_777 = arith.constant 9 : i32
        %parallel_loop3A_778 = vector.broadcast %parallel_loop3A_777 : i32 to vector<16xi32>
        %parallel_loop3A_779 = vector.shape_cast %parallel_loop3A_778 : vector<16xi32> to vector<16x1xi32>
        %parallel_loop3A_780 = vector.shape_cast %parallel_loop3A_779 : vector<16x1xi32> to vector<16xi32>
        %parallel_loop3A_781 = tpu.dynamic_gather %parallel_loop3A_614[%parallel_loop3A_780] in [0] : vector<16xf32>, vector<16xi32> -> vector<16xf32>
        %parallel_loop3A_782 = vector.shape_cast %parallel_loop3A_778 : vector<16xi32> to vector<16x1xi32>
        %parallel_loop3A_783 = vector.shape_cast %parallel_loop3A_782 : vector<16x1xi32> to vector<16xi32>
        %parallel_loop3A_784 = tpu.dynamic_gather %parallel_loop3A_621[%parallel_loop3A_783] in [0] : vector<16xi32>, vector<16xi32> -> vector<16xi32>
        %parallel_loop3A_785 = arith.ori %parallel_loop3A_784, %iota3A : vector<16xi32>
        %parallel_loop3A_786 = arith.constant 9 : i32
        %parallel_loop3A_787 = arith.addi %parallel_loop3A_623, %parallel_loop3A_786 : i32
        %parallel_loop3A_788 = arith.constant 2 : i32
        %parallel_loop3A_789 = arith.index_cast %parallel_loop3A_788 : i32 to index
        %parallel_loop3A_790 = arith.index_cast %parallel_loop3A_787 : i32 to index
        %parallel_loop3A_791 = arith.constant 0 : index
        %parallel_loop3A_792 = tpu.vector_load %arg11[%parallel_loop3A_789, %parallel_loop3A_790, %parallel_loop3A_791] {strides = array<i32>} : memref<4x128x16xf32, #tpu.memory_space<vmem>>, vector<16xf32>,
        %parallel_loop3A_793 = arith.mulf %parallel_loop3A_792, %parallel_loop3A_781 : vector<16xf32>
        tpu.vector_store_idx %arg12[%parallel_loop3A_785], %parallel_loop3A_793 {add = true} : memref<65536xf32, #tpu.memory_space<vmem>>[vector<16xi32>], vector<16xf32>,
        %parallel_loop3A_794 = arith.constant 10 : i32
        %parallel_loop3A_795 = vector.broadcast %parallel_loop3A_794 : i32 to vector<16xi32>
        %parallel_loop3A_796 = vector.shape_cast %parallel_loop3A_795 : vector<16xi32> to vector<16x1xi32>
        %parallel_loop3A_797 = vector.shape_cast %parallel_loop3A_796 : vector<16x1xi32> to vector<16xi32>
        %parallel_loop3A_798 = tpu.dynamic_gather %parallel_loop3A_614[%parallel_loop3A_797] in [0] : vector<16xf32>, vector<16xi32> -> vector<16xf32>
        %parallel_loop3A_799 = vector.shape_cast %parallel_loop3A_795 : vector<16xi32> to vector<16x1xi32>
        %parallel_loop3A_800 = vector.shape_cast %parallel_loop3A_799 : vector<16x1xi32> to vector<16xi32>
        %parallel_loop3A_801 = tpu.dynamic_gather %parallel_loop3A_621[%parallel_loop3A_800] in [0] : vector<16xi32>, vector<16xi32> -> vector<16xi32>
        %parallel_loop3A_802 = arith.ori %parallel_loop3A_801, %iota3A : vector<16xi32>
        %parallel_loop3A_803 = arith.constant 10 : i32
        %parallel_loop3A_804 = arith.addi %parallel_loop3A_623, %parallel_loop3A_803 : i32
        %parallel_loop3A_805 = arith.constant 2 : i32
        %parallel_loop3A_806 = arith.index_cast %parallel_loop3A_805 : i32 to index
        %parallel_loop3A_807 = arith.index_cast %parallel_loop3A_804 : i32 to index
        %parallel_loop3A_808 = arith.constant 0 : index
        %parallel_loop3A_809 = tpu.vector_load %arg11[%parallel_loop3A_806, %parallel_loop3A_807, %parallel_loop3A_808] {strides = array<i32>} : memref<4x128x16xf32, #tpu.memory_space<vmem>>, vector<16xf32>,
        %parallel_loop3A_810 = arith.mulf %parallel_loop3A_809, %parallel_loop3A_798 : vector<16xf32>
        tpu.vector_store_idx %arg12[%parallel_loop3A_802], %parallel_loop3A_810 {add = true} : memref<65536xf32, #tpu.memory_space<vmem>>[vector<16xi32>], vector<16xf32>,
        %parallel_loop3A_811 = arith.constant 11 : i32
        %parallel_loop3A_812 = vector.broadcast %parallel_loop3A_811 : i32 to vector<16xi32>
        %parallel_loop3A_813 = vector.shape_cast %parallel_loop3A_812 : vector<16xi32> to vector<16x1xi32>
        %parallel_loop3A_814 = vector.shape_cast %parallel_loop3A_813 : vector<16x1xi32> to vector<16xi32>
        %parallel_loop3A_815 = tpu.dynamic_gather %parallel_loop3A_614[%parallel_loop3A_814] in [0] : vector<16xf32>, vector<16xi32> -> vector<16xf32>
        %parallel_loop3A_816 = vector.shape_cast %parallel_loop3A_812 : vector<16xi32> to vector<16x1xi32>
        %parallel_loop3A_817 = vector.shape_cast %parallel_loop3A_816 : vector<16x1xi32> to vector<16xi32>
        %parallel_loop3A_818 = tpu.dynamic_gather %parallel_loop3A_621[%parallel_loop3A_817] in [0] : vector<16xi32>, vector<16xi32> -> vector<16xi32>
        %parallel_loop3A_819 = arith.ori %parallel_loop3A_818, %iota3A : vector<16xi32>
        %parallel_loop3A_820 = arith.constant 11 : i32
        %parallel_loop3A_821 = arith.addi %parallel_loop3A_623, %parallel_loop3A_820 : i32
        %parallel_loop3A_822 = arith.constant 2 : i32
        %parallel_loop3A_823 = arith.index_cast %parallel_loop3A_822 : i32 to index
        %parallel_loop3A_824 = arith.index_cast %parallel_loop3A_821 : i32 to index
        %parallel_loop3A_825 = arith.constant 0 : index
        %parallel_loop3A_826 = tpu.vector_load %arg11[%parallel_loop3A_823, %parallel_loop3A_824, %parallel_loop3A_825] {strides = array<i32>} : memref<4x128x16xf32, #tpu.memory_space<vmem>>, vector<16xf32>,
        %parallel_loop3A_827 = arith.mulf %parallel_loop3A_826, %parallel_loop3A_815 : vector<16xf32>
        tpu.vector_store_idx %arg12[%parallel_loop3A_819], %parallel_loop3A_827 {add = true} : memref<65536xf32, #tpu.memory_space<vmem>>[vector<16xi32>], vector<16xf32>,
        %parallel_loop3A_828 = arith.constant 12 : i32
        %parallel_loop3A_829 = vector.broadcast %parallel_loop3A_828 : i32 to vector<16xi32>
        %parallel_loop3A_830 = vector.shape_cast %parallel_loop3A_829 : vector<16xi32> to vector<16x1xi32>
        %parallel_loop3A_831 = vector.shape_cast %parallel_loop3A_830 : vector<16x1xi32> to vector<16xi32>
        %parallel_loop3A_832 = tpu.dynamic_gather %parallel_loop3A_614[%parallel_loop3A_831] in [0] : vector<16xf32>, vector<16xi32> -> vector<16xf32>
        %parallel_loop3A_833 = vector.shape_cast %parallel_loop3A_829 : vector<16xi32> to vector<16x1xi32>
        %parallel_loop3A_834 = vector.shape_cast %parallel_loop3A_833 : vector<16x1xi32> to vector<16xi32>
        %parallel_loop3A_835 = tpu.dynamic_gather %parallel_loop3A_621[%parallel_loop3A_834] in [0] : vector<16xi32>, vector<16xi32> -> vector<16xi32>
        %parallel_loop3A_836 = arith.ori %parallel_loop3A_835, %iota3A : vector<16xi32>
        %parallel_loop3A_837 = arith.constant 12 : i32
        %parallel_loop3A_838 = arith.addi %parallel_loop3A_623, %parallel_loop3A_837 : i32
        %parallel_loop3A_839 = arith.constant 2 : i32
        %parallel_loop3A_840 = arith.index_cast %parallel_loop3A_839 : i32 to index
        %parallel_loop3A_841 = arith.index_cast %parallel_loop3A_838 : i32 to index
        %parallel_loop3A_842 = arith.constant 0 : index
        %parallel_loop3A_843 = tpu.vector_load %arg11[%parallel_loop3A_840, %parallel_loop3A_841, %parallel_loop3A_842] {strides = array<i32>} : memref<4x128x16xf32, #tpu.memory_space<vmem>>, vector<16xf32>,
        %parallel_loop3A_844 = arith.mulf %parallel_loop3A_843, %parallel_loop3A_832 : vector<16xf32>
        tpu.vector_store_idx %arg12[%parallel_loop3A_836], %parallel_loop3A_844 {add = true} : memref<65536xf32, #tpu.memory_space<vmem>>[vector<16xi32>], vector<16xf32>,
        %parallel_loop3A_845 = arith.constant 13 : i32
        %parallel_loop3A_846 = vector.broadcast %parallel_loop3A_845 : i32 to vector<16xi32>
        %parallel_loop3A_847 = vector.shape_cast %parallel_loop3A_846 : vector<16xi32> to vector<16x1xi32>
        %parallel_loop3A_848 = vector.shape_cast %parallel_loop3A_847 : vector<16x1xi32> to vector<16xi32>
        %parallel_loop3A_849 = tpu.dynamic_gather %parallel_loop3A_614[%parallel_loop3A_848] in [0] : vector<16xf32>, vector<16xi32> -> vector<16xf32>
        %parallel_loop3A_850 = vector.shape_cast %parallel_loop3A_846 : vector<16xi32> to vector<16x1xi32>
        %parallel_loop3A_851 = vector.shape_cast %parallel_loop3A_850 : vector<16x1xi32> to vector<16xi32>
        %parallel_loop3A_852 = tpu.dynamic_gather %parallel_loop3A_621[%parallel_loop3A_851] in [0] : vector<16xi32>, vector<16xi32> -> vector<16xi32>
        %parallel_loop3A_853 = arith.ori %parallel_loop3A_852, %iota3A : vector<16xi32>
        %parallel_loop3A_854 = arith.constant 13 : i32
        %parallel_loop3A_855 = arith.addi %parallel_loop3A_623, %parallel_loop3A_854 : i32
        %parallel_loop3A_856 = arith.constant 2 : i32
        %parallel_loop3A_857 = arith.index_cast %parallel_loop3A_856 : i32 to index
        %parallel_loop3A_858 = arith.index_cast %parallel_loop3A_855 : i32 to index
        %parallel_loop3A_859 = arith.constant 0 : index
        %parallel_loop3A_860 = tpu.vector_load %arg11[%parallel_loop3A_857, %parallel_loop3A_858, %parallel_loop3A_859] {strides = array<i32>} : memref<4x128x16xf32, #tpu.memory_space<vmem>>, vector<16xf32>,
        %parallel_loop3A_861 = arith.mulf %parallel_loop3A_860, %parallel_loop3A_849 : vector<16xf32>
        tpu.vector_store_idx %arg12[%parallel_loop3A_853], %parallel_loop3A_861 {add = true} : memref<65536xf32, #tpu.memory_space<vmem>>[vector<16xi32>], vector<16xf32>,
        %parallel_loop3A_862 = arith.constant 14 : i32
        %parallel_loop3A_863 = vector.broadcast %parallel_loop3A_862 : i32 to vector<16xi32>
        %parallel_loop3A_864 = vector.shape_cast %parallel_loop3A_863 : vector<16xi32> to vector<16x1xi32>
        %parallel_loop3A_865 = vector.shape_cast %parallel_loop3A_864 : vector<16x1xi32> to vector<16xi32>
        %parallel_loop3A_866 = tpu.dynamic_gather %parallel_loop3A_614[%parallel_loop3A_865] in [0] : vector<16xf32>, vector<16xi32> -> vector<16xf32>
        %parallel_loop3A_867 = vector.shape_cast %parallel_loop3A_863 : vector<16xi32> to vector<16x1xi32>
        %parallel_loop3A_868 = vector.shape_cast %parallel_loop3A_867 : vector<16x1xi32> to vector<16xi32>
        %parallel_loop3A_869 = tpu.dynamic_gather %parallel_loop3A_621[%parallel_loop3A_868] in [0] : vector<16xi32>, vector<16xi32> -> vector<16xi32>
        %parallel_loop3A_870 = arith.ori %parallel_loop3A_869, %iota3A : vector<16xi32>
        %parallel_loop3A_871 = arith.constant 14 : i32
        %parallel_loop3A_872 = arith.addi %parallel_loop3A_623, %parallel_loop3A_871 : i32
        %parallel_loop3A_873 = arith.constant 2 : i32
        %parallel_loop3A_874 = arith.index_cast %parallel_loop3A_873 : i32 to index
        %parallel_loop3A_875 = arith.index_cast %parallel_loop3A_872 : i32 to index
        %parallel_loop3A_876 = arith.constant 0 : index
        %parallel_loop3A_877 = tpu.vector_load %arg11[%parallel_loop3A_874, %parallel_loop3A_875, %parallel_loop3A_876] {strides = array<i32>} : memref<4x128x16xf32, #tpu.memory_space<vmem>>, vector<16xf32>,
        %parallel_loop3A_878 = arith.mulf %parallel_loop3A_877, %parallel_loop3A_866 : vector<16xf32>
        tpu.vector_store_idx %arg12[%parallel_loop3A_870], %parallel_loop3A_878 {add = true} : memref<65536xf32, #tpu.memory_space<vmem>>[vector<16xi32>], vector<16xf32>,
        %parallel_loop3A_879 = arith.constant 15 : i32
        %parallel_loop3A_880 = vector.broadcast %parallel_loop3A_879 : i32 to vector<16xi32>
        %parallel_loop3A_881 = vector.shape_cast %parallel_loop3A_880 : vector<16xi32> to vector<16x1xi32>
        %parallel_loop3A_882 = vector.shape_cast %parallel_loop3A_881 : vector<16x1xi32> to vector<16xi32>
        %parallel_loop3A_883 = tpu.dynamic_gather %parallel_loop3A_614[%parallel_loop3A_882] in [0] : vector<16xf32>, vector<16xi32> -> vector<16xf32>
        %parallel_loop3A_884 = vector.shape_cast %parallel_loop3A_880 : vector<16xi32> to vector<16x1xi32>
        %parallel_loop3A_885 = vector.shape_cast %parallel_loop3A_884 : vector<16x1xi32> to vector<16xi32>
        %parallel_loop3A_886 = tpu.dynamic_gather %parallel_loop3A_621[%parallel_loop3A_885] in [0] : vector<16xi32>, vector<16xi32> -> vector<16xi32>
        %parallel_loop3A_887 = arith.ori %parallel_loop3A_886, %iota3A : vector<16xi32>
        %parallel_loop3A_888 = arith.constant 15 : i32
        %parallel_loop3A_889 = arith.addi %parallel_loop3A_623, %parallel_loop3A_888 : i32
        %parallel_loop3A_890 = arith.constant 2 : i32
        %parallel_loop3A_891 = arith.index_cast %parallel_loop3A_890 : i32 to index
        %parallel_loop3A_892 = arith.index_cast %parallel_loop3A_889 : i32 to index
        %parallel_loop3A_893 = arith.constant 0 : index
        %parallel_loop3A_894 = tpu.vector_load %arg11[%parallel_loop3A_891, %parallel_loop3A_892, %parallel_loop3A_893] {strides = array<i32>} : memref<4x128x16xf32, #tpu.memory_space<vmem>>, vector<16xf32>,
        %parallel_loop3A_895 = arith.mulf %parallel_loop3A_894, %parallel_loop3A_883 : vector<16xf32>
        tpu.vector_store_idx %arg12[%parallel_loop3A_887], %parallel_loop3A_895 {add = true} : memref<65536xf32, #tpu.memory_space<vmem>>[vector<16xi32>], vector<16xf32>,
      } {sc.loop_unroll_factor = 4 : i64, sc.parallel_access}
      %parallel_loop3A_541 = arith.constant 0 : i32
      %parallel_loop3A_542 = arith.constant 128 : i32
      %parallel_loop3A_543 = arith.constant 16 : i32
      scf.for %parallel_loop3A_606 = %parallel_loop3A_541 to %parallel_loop3A_542 step %parallel_loop3A_543  : i32 {
        %parallel_loop3A_607 = arith.constant 256 : i32
        %parallel_loop3A_608 = arith.addi %parallel_loop3A_607, %parallel_loop3A_606 : i32
        %parallel_loop3A_609 = arith.constant 0 : i32
        %parallel_loop3A_610 = arith.index_cast %parallel_loop3A_609 : i32 to index
        %parallel_loop3A_611 = arith.index_cast %parallel_loop3A_608 : i32 to index
        %parallel_loop3A_612 = tpu.vector_load %arg7[%parallel_loop3A_610, %parallel_loop3A_611] {strides = array<i32>} : memref<2x512xi32, #tpu.memory_space<vmem>>, vector<16xi32>,
        %parallel_loop3A_613 = arith.constant 4 : i32
        %parallel_loop3A_614 = vector.broadcast %parallel_loop3A_613 : i32 to vector<16xi32>
        %parallel_loop3A_615 = arith.shli %parallel_loop3A_612, %parallel_loop3A_614 : vector<16xi32>
        %parallel_loop3A_616 = vector.broadcast %arg1 : i32 to vector<16xi32>
        %parallel_loop3A_617 = arith.addi %parallel_loop3A_615, %parallel_loop3A_616 : vector<16xi32>
        %parallel_loop3A_618 = arith.constant 2 : i32
        %parallel_loop3A_619 = arith.index_cast %parallel_loop3A_618 : i32 to index
        %parallel_loop3A_620 = arith.index_cast %parallel_loop3A_606 : i32 to index
        %parallel_loop3A_621 = tpu.vector_load %arg10[%parallel_loop3A_619, %parallel_loop3A_620] {strides = array<i32>} : memref<4x128xi32, #tpu.memory_space<vmem>>, vector<16xi32>,
        tpu.vector_store %arg10[%parallel_loop3A_619, %parallel_loop3A_620], %parallel_loop3A_617 {strides = array<i32>} : memref<4x128xi32, #tpu.memory_space<vmem>>, vector<16xi32>,
      } {sc.loop_unroll_factor = 2 : i64, sc.parallel_access}
      %dma_start3A_544 = arith.constant 2 : i32
      %dma_start3A_545 = arith.constant 2 : i32
      %dma_start3A_546 = arith.constant 0 : i32
      %dma_start3A_547 = arith.constant 0 : i32
      %dma_start3A_548 = tpu.memref_slice %arg11[%dma_start3A_545, %dma_start3A_546, %dma_start3A_547] : memref<4x128x16xf32, #tpu.memory_space<vmem>> -> memref<1x128x16xf32, #tpu.memory_space<vmem>>
      %dma_start3A_549 = tpu.memref_squeeze %dma_start3A_548 : memref<1x128x16xf32, #tpu.memory_space<vmem>> -> memref<128x16xf32, #tpu.memory_space<vmem>>
      %dma_start3A_550 = arith.constant 0 : i32
      %dma_start3A_551 = tpu.memref_slice %arg10[%dma_start3A_544, %dma_start3A_550] : memref<4x128xi32, #tpu.memory_space<vmem>> -> memref<1x128xi32, #tpu.memory_space<vmem>>
      %dma_start3A_552 = tpu.memref_squeeze %dma_start3A_551 : memref<1x128xi32, #tpu.memory_space<vmem>> -> memref<128xi32, #tpu.memory_space<vmem>>
      %dma_start3A_553 = arith.constant 0 : i32
      %dma_start3A_554 = arith.constant 0 : i32
      %dma_start3A_555 = tpu.memref_slice %arg2[%dma_start3A_553, %dma_start3A_554] : memref<65536x16xf32, #tpu.memory_space<hbm>> -> memref<65536x16xf32, #tpu.memory_space<hbm>>
      tpu.enqueue_indirect_dma source(%dma_start3A_555 : memref<65536x16xf32, #tpu.memory_space<hbm>>) target(%dma_start3A_549 : memref<128x16xf32, #tpu.memory_space<vmem>>) offsets(%dma_start3A_552 : memref<128xi32, #tpu.memory_space<vmem>>) semaphore(%arg17 : memref<!tpu.dma_semaphore, #tpu.memory_space<semaphore_mem>>)
      %dma_wait3A_556 = arith.constant 3 : i32
      %dma_wait3A_557 = arith.constant 3 : i32
      %dma_wait3A_558 = arith.constant 0 : i32
      %dma_wait3A_559 = arith.constant 0 : i32
      %dma_wait3A_560 = tpu.memref_slice %arg11[%dma_wait3A_557, %dma_wait3A_558, %dma_wait3A_559] : memref<4x128x16xf32, #tpu.memory_space<vmem>> -> memref<1x128x16xf32, #tpu.memory_space<vmem>>
      %dma_wait3A_561 = tpu.memref_squeeze %dma_wait3A_560 : memref<1x128x16xf32, #tpu.memory_space<vmem>> -> memref<128x16xf32, #tpu.memory_space<vmem>>
      %dma_wait3A_562 = arith.constant 0 : i32
      %dma_wait3A_563 = tpu.memref_slice %arg10[%dma_wait3A_556, %dma_wait3A_562] : memref<4x128xi32, #tpu.memory_space<vmem>> -> memref<1x128xi32, #tpu.memory_space<vmem>>
      %dma_wait3A_564 = tpu.memref_squeeze %dma_wait3A_563 : memref<1x128xi32, #tpu.memory_space<vmem>> -> memref<128xi32, #tpu.memory_space<vmem>>
      %dma_wait3A_565 = arith.constant 0 : i32
      %dma_wait3A_566 = arith.constant 0 : i32
      %dma_wait3A_567 = tpu.memref_slice %arg2[%dma_wait3A_565, %dma_wait3A_566] : memref<65536x16xf32, #tpu.memory_space<hbm>> -> memref<65536x16xf32, #tpu.memory_space<hbm>>
      tpu.wait_indirect_dma semaphore(%arg18 : memref<!tpu.dma_semaphore, #tpu.memory_space<semaphore_mem>>) src(%dma_wait3A_567 : memref<65536x16xf32, #tpu.memory_space<hbm>>) dst(%dma_wait3A_561 : memref<128x16xf32, #tpu.memory_space<vmem>>)
      %parallel_loop3A_568 = arith.constant 0 : i32
      %parallel_loop3A_569 = arith.constant 8 : i32
      %parallel_loop3A_570 = arith.constant 1 : i32
      scf.for %parallel_loop3A_606 = %parallel_loop3A_568 to %parallel_loop3A_569 step %parallel_loop3A_570  : i32 {
        %parallel_loop3A_607 = arith.constant 16 : i32
        %parallel_loop3A_608 = arith.muli %parallel_loop3A_606, %parallel_loop3A_607 : i32
        %parallel_loop3A_609 = arith.constant 384 : i32
        %parallel_loop3A_610 = arith.addi %parallel_loop3A_609, %parallel_loop3A_608 : i32
        %parallel_loop3A_611 = arith.constant 1 : i32
        %parallel_loop3A_612 = arith.index_cast %parallel_loop3A_611 : i32 to index
        %parallel_loop3A_613 = arith.index_cast %parallel_loop3A_610 : i32 to index
        %parallel_loop3A_614 = tpu.vector_load %arg9[%parallel_loop3A_612, %parallel_loop3A_613] {strides = array<i32>} : memref<2x512xf32, #tpu.memory_space<vmem>>, vector<16xf32>,
        %parallel_loop3A_615 = arith.constant 1 : i32
        %parallel_loop3A_616 = arith.index_cast %parallel_loop3A_615 : i32 to index
        %parallel_loop3A_617 = arith.index_cast %parallel_loop3A_610 : i32 to index
        %parallel_loop3A_618 = tpu.vector_load %arg8[%parallel_loop3A_616, %parallel_loop3A_617] {strides = array<i32>} : memref<2x512xi32, #tpu.memory_space<vmem>>, vector<16xi32>,
        %parallel_loop3A_619 = arith.constant 4 : i32
        %parallel_loop3A_620 = vector.broadcast %parallel_loop3A_619 : i32 to vector<16xi32>
        %parallel_loop3A_621 = arith.shli %parallel_loop3A_618, %parallel_loop3A_620 : vector<16xi32>
        %parallel_loop3A_622 = arith.constant 16 : i32
        %parallel_loop3A_623 = arith.muli %parallel_loop3A_606, %parallel_loop3A_622 : i32
        %parallel_loop3A_624 = arith.constant 0 : i32
        %parallel_loop3A_625 = vector.broadcast %parallel_loop3A_624 : i32 to vector<16xi32>
        %parallel_loop3A_626 = vector.shape_cast %parallel_loop3A_625 : vector<16xi32> to vector<16x1xi32>
        %parallel_loop3A_627 = vector.shape_cast %parallel_loop3A_626 : vector<16x1xi32> to vector<16xi32>
        %parallel_loop3A_628 = tpu.dynamic_gather %parallel_loop3A_614[%parallel_loop3A_627] in [0] : vector<16xf32>, vector<16xi32> -> vector<16xf32>
        %parallel_loop3A_629 = vector.shape_cast %parallel_loop3A_625 : vector<16xi32> to vector<16x1xi32>
        %parallel_loop3A_630 = vector.shape_cast %parallel_loop3A_629 : vector<16x1xi32> to vector<16xi32>
        %parallel_loop3A_631 = tpu.dynamic_gather %parallel_loop3A_621[%parallel_loop3A_630] in [0] : vector<16xi32>, vector<16xi32> -> vector<16xi32>
        %parallel_loop3A_632 = arith.ori %parallel_loop3A_631, %iota3A : vector<16xi32>
        %parallel_loop3A_633 = arith.constant 0 : i32
        %parallel_loop3A_634 = arith.addi %parallel_loop3A_623, %parallel_loop3A_633 : i32
        %parallel_loop3A_635 = arith.constant 3 : i32
        %parallel_loop3A_636 = arith.index_cast %parallel_loop3A_635 : i32 to index
        %parallel_loop3A_637 = arith.index_cast %parallel_loop3A_634 : i32 to index
        %parallel_loop3A_638 = arith.constant 0 : index
        %parallel_loop3A_639 = tpu.vector_load %arg11[%parallel_loop3A_636, %parallel_loop3A_637, %parallel_loop3A_638] {strides = array<i32>} : memref<4x128x16xf32, #tpu.memory_space<vmem>>, vector<16xf32>,
        %parallel_loop3A_640 = arith.mulf %parallel_loop3A_639, %parallel_loop3A_628 : vector<16xf32>
        tpu.vector_store_idx %arg12[%parallel_loop3A_632], %parallel_loop3A_640 {add = true} : memref<65536xf32, #tpu.memory_space<vmem>>[vector<16xi32>], vector<16xf32>,
        %parallel_loop3A_641 = arith.constant 1 : i32
        %parallel_loop3A_642 = vector.broadcast %parallel_loop3A_641 : i32 to vector<16xi32>
        %parallel_loop3A_643 = vector.shape_cast %parallel_loop3A_642 : vector<16xi32> to vector<16x1xi32>
        %parallel_loop3A_644 = vector.shape_cast %parallel_loop3A_643 : vector<16x1xi32> to vector<16xi32>
        %parallel_loop3A_645 = tpu.dynamic_gather %parallel_loop3A_614[%parallel_loop3A_644] in [0] : vector<16xf32>, vector<16xi32> -> vector<16xf32>
        %parallel_loop3A_646 = vector.shape_cast %parallel_loop3A_642 : vector<16xi32> to vector<16x1xi32>
        %parallel_loop3A_647 = vector.shape_cast %parallel_loop3A_646 : vector<16x1xi32> to vector<16xi32>
        %parallel_loop3A_648 = tpu.dynamic_gather %parallel_loop3A_621[%parallel_loop3A_647] in [0] : vector<16xi32>, vector<16xi32> -> vector<16xi32>
        %parallel_loop3A_649 = arith.ori %parallel_loop3A_648, %iota3A : vector<16xi32>
        %parallel_loop3A_650 = arith.constant 1 : i32
        %parallel_loop3A_651 = arith.addi %parallel_loop3A_623, %parallel_loop3A_650 : i32
        %parallel_loop3A_652 = arith.constant 3 : i32
        %parallel_loop3A_653 = arith.index_cast %parallel_loop3A_652 : i32 to index
        %parallel_loop3A_654 = arith.index_cast %parallel_loop3A_651 : i32 to index
        %parallel_loop3A_655 = arith.constant 0 : index
        %parallel_loop3A_656 = tpu.vector_load %arg11[%parallel_loop3A_653, %parallel_loop3A_654, %parallel_loop3A_655] {strides = array<i32>} : memref<4x128x16xf32, #tpu.memory_space<vmem>>, vector<16xf32>,
        %parallel_loop3A_657 = arith.mulf %parallel_loop3A_656, %parallel_loop3A_645 : vector<16xf32>
        tpu.vector_store_idx %arg12[%parallel_loop3A_649], %parallel_loop3A_657 {add = true} : memref<65536xf32, #tpu.memory_space<vmem>>[vector<16xi32>], vector<16xf32>,
        %parallel_loop3A_658 = arith.constant 2 : i32
        %parallel_loop3A_659 = vector.broadcast %parallel_loop3A_658 : i32 to vector<16xi32>
        %parallel_loop3A_660 = vector.shape_cast %parallel_loop3A_659 : vector<16xi32> to vector<16x1xi32>
        %parallel_loop3A_661 = vector.shape_cast %parallel_loop3A_660 : vector<16x1xi32> to vector<16xi32>
        %parallel_loop3A_662 = tpu.dynamic_gather %parallel_loop3A_614[%parallel_loop3A_661] in [0] : vector<16xf32>, vector<16xi32> -> vector<16xf32>
        %parallel_loop3A_663 = vector.shape_cast %parallel_loop3A_659 : vector<16xi32> to vector<16x1xi32>
        %parallel_loop3A_664 = vector.shape_cast %parallel_loop3A_663 : vector<16x1xi32> to vector<16xi32>
        %parallel_loop3A_665 = tpu.dynamic_gather %parallel_loop3A_621[%parallel_loop3A_664] in [0] : vector<16xi32>, vector<16xi32> -> vector<16xi32>
        %parallel_loop3A_666 = arith.ori %parallel_loop3A_665, %iota3A : vector<16xi32>
        %parallel_loop3A_667 = arith.constant 2 : i32
        %parallel_loop3A_668 = arith.addi %parallel_loop3A_623, %parallel_loop3A_667 : i32
        %parallel_loop3A_669 = arith.constant 3 : i32
        %parallel_loop3A_670 = arith.index_cast %parallel_loop3A_669 : i32 to index
        %parallel_loop3A_671 = arith.index_cast %parallel_loop3A_668 : i32 to index
        %parallel_loop3A_672 = arith.constant 0 : index
        %parallel_loop3A_673 = tpu.vector_load %arg11[%parallel_loop3A_670, %parallel_loop3A_671, %parallel_loop3A_672] {strides = array<i32>} : memref<4x128x16xf32, #tpu.memory_space<vmem>>, vector<16xf32>,
        %parallel_loop3A_674 = arith.mulf %parallel_loop3A_673, %parallel_loop3A_662 : vector<16xf32>
        tpu.vector_store_idx %arg12[%parallel_loop3A_666], %parallel_loop3A_674 {add = true} : memref<65536xf32, #tpu.memory_space<vmem>>[vector<16xi32>], vector<16xf32>,
        %parallel_loop3A_675 = arith.constant 3 : i32
        %parallel_loop3A_676 = vector.broadcast %parallel_loop3A_675 : i32 to vector<16xi32>
        %parallel_loop3A_677 = vector.shape_cast %parallel_loop3A_676 : vector<16xi32> to vector<16x1xi32>
        %parallel_loop3A_678 = vector.shape_cast %parallel_loop3A_677 : vector<16x1xi32> to vector<16xi32>
        %parallel_loop3A_679 = tpu.dynamic_gather %parallel_loop3A_614[%parallel_loop3A_678] in [0] : vector<16xf32>, vector<16xi32> -> vector<16xf32>
        %parallel_loop3A_680 = vector.shape_cast %parallel_loop3A_676 : vector<16xi32> to vector<16x1xi32>
        %parallel_loop3A_681 = vector.shape_cast %parallel_loop3A_680 : vector<16x1xi32> to vector<16xi32>
        %parallel_loop3A_682 = tpu.dynamic_gather %parallel_loop3A_621[%parallel_loop3A_681] in [0] : vector<16xi32>, vector<16xi32> -> vector<16xi32>
        %parallel_loop3A_683 = arith.ori %parallel_loop3A_682, %iota3A : vector<16xi32>
        %parallel_loop3A_684 = arith.constant 3 : i32
        %parallel_loop3A_685 = arith.addi %parallel_loop3A_623, %parallel_loop3A_684 : i32
        %parallel_loop3A_686 = arith.constant 3 : i32
        %parallel_loop3A_687 = arith.index_cast %parallel_loop3A_686 : i32 to index
        %parallel_loop3A_688 = arith.index_cast %parallel_loop3A_685 : i32 to index
        %parallel_loop3A_689 = arith.constant 0 : index
        %parallel_loop3A_690 = tpu.vector_load %arg11[%parallel_loop3A_687, %parallel_loop3A_688, %parallel_loop3A_689] {strides = array<i32>} : memref<4x128x16xf32, #tpu.memory_space<vmem>>, vector<16xf32>,
        %parallel_loop3A_691 = arith.mulf %parallel_loop3A_690, %parallel_loop3A_679 : vector<16xf32>
        tpu.vector_store_idx %arg12[%parallel_loop3A_683], %parallel_loop3A_691 {add = true} : memref<65536xf32, #tpu.memory_space<vmem>>[vector<16xi32>], vector<16xf32>,
        %parallel_loop3A_692 = arith.constant 4 : i32
        %parallel_loop3A_693 = vector.broadcast %parallel_loop3A_692 : i32 to vector<16xi32>
        %parallel_loop3A_694 = vector.shape_cast %parallel_loop3A_693 : vector<16xi32> to vector<16x1xi32>
        %parallel_loop3A_695 = vector.shape_cast %parallel_loop3A_694 : vector<16x1xi32> to vector<16xi32>
        %parallel_loop3A_696 = tpu.dynamic_gather %parallel_loop3A_614[%parallel_loop3A_695] in [0] : vector<16xf32>, vector<16xi32> -> vector<16xf32>
        %parallel_loop3A_697 = vector.shape_cast %parallel_loop3A_693 : vector<16xi32> to vector<16x1xi32>
        %parallel_loop3A_698 = vector.shape_cast %parallel_loop3A_697 : vector<16x1xi32> to vector<16xi32>
        %parallel_loop3A_699 = tpu.dynamic_gather %parallel_loop3A_621[%parallel_loop3A_698] in [0] : vector<16xi32>, vector<16xi32> -> vector<16xi32>
        %parallel_loop3A_700 = arith.ori %parallel_loop3A_699, %iota3A : vector<16xi32>
        %parallel_loop3A_701 = arith.constant 4 : i32
        %parallel_loop3A_702 = arith.addi %parallel_loop3A_623, %parallel_loop3A_701 : i32
        %parallel_loop3A_703 = arith.constant 3 : i32
        %parallel_loop3A_704 = arith.index_cast %parallel_loop3A_703 : i32 to index
        %parallel_loop3A_705 = arith.index_cast %parallel_loop3A_702 : i32 to index
        %parallel_loop3A_706 = arith.constant 0 : index
        %parallel_loop3A_707 = tpu.vector_load %arg11[%parallel_loop3A_704, %parallel_loop3A_705, %parallel_loop3A_706] {strides = array<i32>} : memref<4x128x16xf32, #tpu.memory_space<vmem>>, vector<16xf32>,
        %parallel_loop3A_708 = arith.mulf %parallel_loop3A_707, %parallel_loop3A_696 : vector<16xf32>
        tpu.vector_store_idx %arg12[%parallel_loop3A_700], %parallel_loop3A_708 {add = true} : memref<65536xf32, #tpu.memory_space<vmem>>[vector<16xi32>], vector<16xf32>,
        %parallel_loop3A_709 = arith.constant 5 : i32
        %parallel_loop3A_710 = vector.broadcast %parallel_loop3A_709 : i32 to vector<16xi32>
        %parallel_loop3A_711 = vector.shape_cast %parallel_loop3A_710 : vector<16xi32> to vector<16x1xi32>
        %parallel_loop3A_712 = vector.shape_cast %parallel_loop3A_711 : vector<16x1xi32> to vector<16xi32>
        %parallel_loop3A_713 = tpu.dynamic_gather %parallel_loop3A_614[%parallel_loop3A_712] in [0] : vector<16xf32>, vector<16xi32> -> vector<16xf32>
        %parallel_loop3A_714 = vector.shape_cast %parallel_loop3A_710 : vector<16xi32> to vector<16x1xi32>
        %parallel_loop3A_715 = vector.shape_cast %parallel_loop3A_714 : vector<16x1xi32> to vector<16xi32>
        %parallel_loop3A_716 = tpu.dynamic_gather %parallel_loop3A_621[%parallel_loop3A_715] in [0] : vector<16xi32>, vector<16xi32> -> vector<16xi32>
        %parallel_loop3A_717 = arith.ori %parallel_loop3A_716, %iota3A : vector<16xi32>
        %parallel_loop3A_718 = arith.constant 5 : i32
        %parallel_loop3A_719 = arith.addi %parallel_loop3A_623, %parallel_loop3A_718 : i32
        %parallel_loop3A_720 = arith.constant 3 : i32
        %parallel_loop3A_721 = arith.index_cast %parallel_loop3A_720 : i32 to index
        %parallel_loop3A_722 = arith.index_cast %parallel_loop3A_719 : i32 to index
        %parallel_loop3A_723 = arith.constant 0 : index
        %parallel_loop3A_724 = tpu.vector_load %arg11[%parallel_loop3A_721, %parallel_loop3A_722, %parallel_loop3A_723] {strides = array<i32>} : memref<4x128x16xf32, #tpu.memory_space<vmem>>, vector<16xf32>,
        %parallel_loop3A_725 = arith.mulf %parallel_loop3A_724, %parallel_loop3A_713 : vector<16xf32>
        tpu.vector_store_idx %arg12[%parallel_loop3A_717], %parallel_loop3A_725 {add = true} : memref<65536xf32, #tpu.memory_space<vmem>>[vector<16xi32>], vector<16xf32>,
        %parallel_loop3A_726 = arith.constant 6 : i32
        %parallel_loop3A_727 = vector.broadcast %parallel_loop3A_726 : i32 to vector<16xi32>
        %parallel_loop3A_728 = vector.shape_cast %parallel_loop3A_727 : vector<16xi32> to vector<16x1xi32>
        %parallel_loop3A_729 = vector.shape_cast %parallel_loop3A_728 : vector<16x1xi32> to vector<16xi32>
        %parallel_loop3A_730 = tpu.dynamic_gather %parallel_loop3A_614[%parallel_loop3A_729] in [0] : vector<16xf32>, vector<16xi32> -> vector<16xf32>
        %parallel_loop3A_731 = vector.shape_cast %parallel_loop3A_727 : vector<16xi32> to vector<16x1xi32>
        %parallel_loop3A_732 = vector.shape_cast %parallel_loop3A_731 : vector<16x1xi32> to vector<16xi32>
        %parallel_loop3A_733 = tpu.dynamic_gather %parallel_loop3A_621[%parallel_loop3A_732] in [0] : vector<16xi32>, vector<16xi32> -> vector<16xi32>
        %parallel_loop3A_734 = arith.ori %parallel_loop3A_733, %iota3A : vector<16xi32>
        %parallel_loop3A_735 = arith.constant 6 : i32
        %parallel_loop3A_736 = arith.addi %parallel_loop3A_623, %parallel_loop3A_735 : i32
        %parallel_loop3A_737 = arith.constant 3 : i32
        %parallel_loop3A_738 = arith.index_cast %parallel_loop3A_737 : i32 to index
        %parallel_loop3A_739 = arith.index_cast %parallel_loop3A_736 : i32 to index
        %parallel_loop3A_740 = arith.constant 0 : index
        %parallel_loop3A_741 = tpu.vector_load %arg11[%parallel_loop3A_738, %parallel_loop3A_739, %parallel_loop3A_740] {strides = array<i32>} : memref<4x128x16xf32, #tpu.memory_space<vmem>>, vector<16xf32>,
        %parallel_loop3A_742 = arith.mulf %parallel_loop3A_741, %parallel_loop3A_730 : vector<16xf32>
        tpu.vector_store_idx %arg12[%parallel_loop3A_734], %parallel_loop3A_742 {add = true} : memref<65536xf32, #tpu.memory_space<vmem>>[vector<16xi32>], vector<16xf32>,
        %parallel_loop3A_743 = arith.constant 7 : i32
        %parallel_loop3A_744 = vector.broadcast %parallel_loop3A_743 : i32 to vector<16xi32>
        %parallel_loop3A_745 = vector.shape_cast %parallel_loop3A_744 : vector<16xi32> to vector<16x1xi32>
        %parallel_loop3A_746 = vector.shape_cast %parallel_loop3A_745 : vector<16x1xi32> to vector<16xi32>
        %parallel_loop3A_747 = tpu.dynamic_gather %parallel_loop3A_614[%parallel_loop3A_746] in [0] : vector<16xf32>, vector<16xi32> -> vector<16xf32>
        %parallel_loop3A_748 = vector.shape_cast %parallel_loop3A_744 : vector<16xi32> to vector<16x1xi32>
        %parallel_loop3A_749 = vector.shape_cast %parallel_loop3A_748 : vector<16x1xi32> to vector<16xi32>
        %parallel_loop3A_750 = tpu.dynamic_gather %parallel_loop3A_621[%parallel_loop3A_749] in [0] : vector<16xi32>, vector<16xi32> -> vector<16xi32>
        %parallel_loop3A_751 = arith.ori %parallel_loop3A_750, %iota3A : vector<16xi32>
        %parallel_loop3A_752 = arith.constant 7 : i32
        %parallel_loop3A_753 = arith.addi %parallel_loop3A_623, %parallel_loop3A_752 : i32
        %parallel_loop3A_754 = arith.constant 3 : i32
        %parallel_loop3A_755 = arith.index_cast %parallel_loop3A_754 : i32 to index
        %parallel_loop3A_756 = arith.index_cast %parallel_loop3A_753 : i32 to index
        %parallel_loop3A_757 = arith.constant 0 : index
        %parallel_loop3A_758 = tpu.vector_load %arg11[%parallel_loop3A_755, %parallel_loop3A_756, %parallel_loop3A_757] {strides = array<i32>} : memref<4x128x16xf32, #tpu.memory_space<vmem>>, vector<16xf32>,
        %parallel_loop3A_759 = arith.mulf %parallel_loop3A_758, %parallel_loop3A_747 : vector<16xf32>
        tpu.vector_store_idx %arg12[%parallel_loop3A_751], %parallel_loop3A_759 {add = true} : memref<65536xf32, #tpu.memory_space<vmem>>[vector<16xi32>], vector<16xf32>,
        %parallel_loop3A_760 = arith.constant 8 : i32
        %parallel_loop3A_761 = vector.broadcast %parallel_loop3A_760 : i32 to vector<16xi32>
        %parallel_loop3A_762 = vector.shape_cast %parallel_loop3A_761 : vector<16xi32> to vector<16x1xi32>
        %parallel_loop3A_763 = vector.shape_cast %parallel_loop3A_762 : vector<16x1xi32> to vector<16xi32>
        %parallel_loop3A_764 = tpu.dynamic_gather %parallel_loop3A_614[%parallel_loop3A_763] in [0] : vector<16xf32>, vector<16xi32> -> vector<16xf32>
        %parallel_loop3A_765 = vector.shape_cast %parallel_loop3A_761 : vector<16xi32> to vector<16x1xi32>
        %parallel_loop3A_766 = vector.shape_cast %parallel_loop3A_765 : vector<16x1xi32> to vector<16xi32>
        %parallel_loop3A_767 = tpu.dynamic_gather %parallel_loop3A_621[%parallel_loop3A_766] in [0] : vector<16xi32>, vector<16xi32> -> vector<16xi32>
        %parallel_loop3A_768 = arith.ori %parallel_loop3A_767, %iota3A : vector<16xi32>
        %parallel_loop3A_769 = arith.constant 8 : i32
        %parallel_loop3A_770 = arith.addi %parallel_loop3A_623, %parallel_loop3A_769 : i32
        %parallel_loop3A_771 = arith.constant 3 : i32
        %parallel_loop3A_772 = arith.index_cast %parallel_loop3A_771 : i32 to index
        %parallel_loop3A_773 = arith.index_cast %parallel_loop3A_770 : i32 to index
        %parallel_loop3A_774 = arith.constant 0 : index
        %parallel_loop3A_775 = tpu.vector_load %arg11[%parallel_loop3A_772, %parallel_loop3A_773, %parallel_loop3A_774] {strides = array<i32>} : memref<4x128x16xf32, #tpu.memory_space<vmem>>, vector<16xf32>,
        %parallel_loop3A_776 = arith.mulf %parallel_loop3A_775, %parallel_loop3A_764 : vector<16xf32>
        tpu.vector_store_idx %arg12[%parallel_loop3A_768], %parallel_loop3A_776 {add = true} : memref<65536xf32, #tpu.memory_space<vmem>>[vector<16xi32>], vector<16xf32>,
        %parallel_loop3A_777 = arith.constant 9 : i32
        %parallel_loop3A_778 = vector.broadcast %parallel_loop3A_777 : i32 to vector<16xi32>
        %parallel_loop3A_779 = vector.shape_cast %parallel_loop3A_778 : vector<16xi32> to vector<16x1xi32>
        %parallel_loop3A_780 = vector.shape_cast %parallel_loop3A_779 : vector<16x1xi32> to vector<16xi32>
        %parallel_loop3A_781 = tpu.dynamic_gather %parallel_loop3A_614[%parallel_loop3A_780] in [0] : vector<16xf32>, vector<16xi32> -> vector<16xf32>
        %parallel_loop3A_782 = vector.shape_cast %parallel_loop3A_778 : vector<16xi32> to vector<16x1xi32>
        %parallel_loop3A_783 = vector.shape_cast %parallel_loop3A_782 : vector<16x1xi32> to vector<16xi32>
        %parallel_loop3A_784 = tpu.dynamic_gather %parallel_loop3A_621[%parallel_loop3A_783] in [0] : vector<16xi32>, vector<16xi32> -> vector<16xi32>
        %parallel_loop3A_785 = arith.ori %parallel_loop3A_784, %iota3A : vector<16xi32>
        %parallel_loop3A_786 = arith.constant 9 : i32
        %parallel_loop3A_787 = arith.addi %parallel_loop3A_623, %parallel_loop3A_786 : i32
        %parallel_loop3A_788 = arith.constant 3 : i32
        %parallel_loop3A_789 = arith.index_cast %parallel_loop3A_788 : i32 to index
        %parallel_loop3A_790 = arith.index_cast %parallel_loop3A_787 : i32 to index
        %parallel_loop3A_791 = arith.constant 0 : index
        %parallel_loop3A_792 = tpu.vector_load %arg11[%parallel_loop3A_789, %parallel_loop3A_790, %parallel_loop3A_791] {strides = array<i32>} : memref<4x128x16xf32, #tpu.memory_space<vmem>>, vector<16xf32>,
        %parallel_loop3A_793 = arith.mulf %parallel_loop3A_792, %parallel_loop3A_781 : vector<16xf32>
        tpu.vector_store_idx %arg12[%parallel_loop3A_785], %parallel_loop3A_793 {add = true} : memref<65536xf32, #tpu.memory_space<vmem>>[vector<16xi32>], vector<16xf32>,
        %parallel_loop3A_794 = arith.constant 10 : i32
        %parallel_loop3A_795 = vector.broadcast %parallel_loop3A_794 : i32 to vector<16xi32>
        %parallel_loop3A_796 = vector.shape_cast %parallel_loop3A_795 : vector<16xi32> to vector<16x1xi32>
        %parallel_loop3A_797 = vector.shape_cast %parallel_loop3A_796 : vector<16x1xi32> to vector<16xi32>
        %parallel_loop3A_798 = tpu.dynamic_gather %parallel_loop3A_614[%parallel_loop3A_797] in [0] : vector<16xf32>, vector<16xi32> -> vector<16xf32>
        %parallel_loop3A_799 = vector.shape_cast %parallel_loop3A_795 : vector<16xi32> to vector<16x1xi32>
        %parallel_loop3A_800 = vector.shape_cast %parallel_loop3A_799 : vector<16x1xi32> to vector<16xi32>
        %parallel_loop3A_801 = tpu.dynamic_gather %parallel_loop3A_621[%parallel_loop3A_800] in [0] : vector<16xi32>, vector<16xi32> -> vector<16xi32>
        %parallel_loop3A_802 = arith.ori %parallel_loop3A_801, %iota3A : vector<16xi32>
        %parallel_loop3A_803 = arith.constant 10 : i32
        %parallel_loop3A_804 = arith.addi %parallel_loop3A_623, %parallel_loop3A_803 : i32
        %parallel_loop3A_805 = arith.constant 3 : i32
        %parallel_loop3A_806 = arith.index_cast %parallel_loop3A_805 : i32 to index
        %parallel_loop3A_807 = arith.index_cast %parallel_loop3A_804 : i32 to index
        %parallel_loop3A_808 = arith.constant 0 : index
        %parallel_loop3A_809 = tpu.vector_load %arg11[%parallel_loop3A_806, %parallel_loop3A_807, %parallel_loop3A_808] {strides = array<i32>} : memref<4x128x16xf32, #tpu.memory_space<vmem>>, vector<16xf32>,
        %parallel_loop3A_810 = arith.mulf %parallel_loop3A_809, %parallel_loop3A_798 : vector<16xf32>
        tpu.vector_store_idx %arg12[%parallel_loop3A_802], %parallel_loop3A_810 {add = true} : memref<65536xf32, #tpu.memory_space<vmem>>[vector<16xi32>], vector<16xf32>,
        %parallel_loop3A_811 = arith.constant 11 : i32
        %parallel_loop3A_812 = vector.broadcast %parallel_loop3A_811 : i32 to vector<16xi32>
        %parallel_loop3A_813 = vector.shape_cast %parallel_loop3A_812 : vector<16xi32> to vector<16x1xi32>
        %parallel_loop3A_814 = vector.shape_cast %parallel_loop3A_813 : vector<16x1xi32> to vector<16xi32>
        %parallel_loop3A_815 = tpu.dynamic_gather %parallel_loop3A_614[%parallel_loop3A_814] in [0] : vector<16xf32>, vector<16xi32> -> vector<16xf32>
        %parallel_loop3A_816 = vector.shape_cast %parallel_loop3A_812 : vector<16xi32> to vector<16x1xi32>
        %parallel_loop3A_817 = vector.shape_cast %parallel_loop3A_816 : vector<16x1xi32> to vector<16xi32>
        %parallel_loop3A_818 = tpu.dynamic_gather %parallel_loop3A_621[%parallel_loop3A_817] in [0] : vector<16xi32>, vector<16xi32> -> vector<16xi32>
        %parallel_loop3A_819 = arith.ori %parallel_loop3A_818, %iota3A : vector<16xi32>
        %parallel_loop3A_820 = arith.constant 11 : i32
        %parallel_loop3A_821 = arith.addi %parallel_loop3A_623, %parallel_loop3A_820 : i32
        %parallel_loop3A_822 = arith.constant 3 : i32
        %parallel_loop3A_823 = arith.index_cast %parallel_loop3A_822 : i32 to index
        %parallel_loop3A_824 = arith.index_cast %parallel_loop3A_821 : i32 to index
        %parallel_loop3A_825 = arith.constant 0 : index
        %parallel_loop3A_826 = tpu.vector_load %arg11[%parallel_loop3A_823, %parallel_loop3A_824, %parallel_loop3A_825] {strides = array<i32>} : memref<4x128x16xf32, #tpu.memory_space<vmem>>, vector<16xf32>,
        %parallel_loop3A_827 = arith.mulf %parallel_loop3A_826, %parallel_loop3A_815 : vector<16xf32>
        tpu.vector_store_idx %arg12[%parallel_loop3A_819], %parallel_loop3A_827 {add = true} : memref<65536xf32, #tpu.memory_space<vmem>>[vector<16xi32>], vector<16xf32>,
        %parallel_loop3A_828 = arith.constant 12 : i32
        %parallel_loop3A_829 = vector.broadcast %parallel_loop3A_828 : i32 to vector<16xi32>
        %parallel_loop3A_830 = vector.shape_cast %parallel_loop3A_829 : vector<16xi32> to vector<16x1xi32>
        %parallel_loop3A_831 = vector.shape_cast %parallel_loop3A_830 : vector<16x1xi32> to vector<16xi32>
        %parallel_loop3A_832 = tpu.dynamic_gather %parallel_loop3A_614[%parallel_loop3A_831] in [0] : vector<16xf32>, vector<16xi32> -> vector<16xf32>
        %parallel_loop3A_833 = vector.shape_cast %parallel_loop3A_829 : vector<16xi32> to vector<16x1xi32>
        %parallel_loop3A_834 = vector.shape_cast %parallel_loop3A_833 : vector<16x1xi32> to vector<16xi32>
        %parallel_loop3A_835 = tpu.dynamic_gather %parallel_loop3A_621[%parallel_loop3A_834] in [0] : vector<16xi32>, vector<16xi32> -> vector<16xi32>
        %parallel_loop3A_836 = arith.ori %parallel_loop3A_835, %iota3A : vector<16xi32>
        %parallel_loop3A_837 = arith.constant 12 : i32
        %parallel_loop3A_838 = arith.addi %parallel_loop3A_623, %parallel_loop3A_837 : i32
        %parallel_loop3A_839 = arith.constant 3 : i32
        %parallel_loop3A_840 = arith.index_cast %parallel_loop3A_839 : i32 to index
        %parallel_loop3A_841 = arith.index_cast %parallel_loop3A_838 : i32 to index
        %parallel_loop3A_842 = arith.constant 0 : index
        %parallel_loop3A_843 = tpu.vector_load %arg11[%parallel_loop3A_840, %parallel_loop3A_841, %parallel_loop3A_842] {strides = array<i32>} : memref<4x128x16xf32, #tpu.memory_space<vmem>>, vector<16xf32>,
        %parallel_loop3A_844 = arith.mulf %parallel_loop3A_843, %parallel_loop3A_832 : vector<16xf32>
        tpu.vector_store_idx %arg12[%parallel_loop3A_836], %parallel_loop3A_844 {add = true} : memref<65536xf32, #tpu.memory_space<vmem>>[vector<16xi32>], vector<16xf32>,
        %parallel_loop3A_845 = arith.constant 13 : i32
        %parallel_loop3A_846 = vector.broadcast %parallel_loop3A_845 : i32 to vector<16xi32>
        %parallel_loop3A_847 = vector.shape_cast %parallel_loop3A_846 : vector<16xi32> to vector<16x1xi32>
        %parallel_loop3A_848 = vector.shape_cast %parallel_loop3A_847 : vector<16x1xi32> to vector<16xi32>
        %parallel_loop3A_849 = tpu.dynamic_gather %parallel_loop3A_614[%parallel_loop3A_848] in [0] : vector<16xf32>, vector<16xi32> -> vector<16xf32>
        %parallel_loop3A_850 = vector.shape_cast %parallel_loop3A_846 : vector<16xi32> to vector<16x1xi32>
        %parallel_loop3A_851 = vector.shape_cast %parallel_loop3A_850 : vector<16x1xi32> to vector<16xi32>
        %parallel_loop3A_852 = tpu.dynamic_gather %parallel_loop3A_621[%parallel_loop3A_851] in [0] : vector<16xi32>, vector<16xi32> -> vector<16xi32>
        %parallel_loop3A_853 = arith.ori %parallel_loop3A_852, %iota3A : vector<16xi32>
        %parallel_loop3A_854 = arith.constant 13 : i32
        %parallel_loop3A_855 = arith.addi %parallel_loop3A_623, %parallel_loop3A_854 : i32
        %parallel_loop3A_856 = arith.constant 3 : i32
        %parallel_loop3A_857 = arith.index_cast %parallel_loop3A_856 : i32 to index
        %parallel_loop3A_858 = arith.index_cast %parallel_loop3A_855 : i32 to index
        %parallel_loop3A_859 = arith.constant 0 : index
        %parallel_loop3A_860 = tpu.vector_load %arg11[%parallel_loop3A_857, %parallel_loop3A_858, %parallel_loop3A_859] {strides = array<i32>} : memref<4x128x16xf32, #tpu.memory_space<vmem>>, vector<16xf32>,
        %parallel_loop3A_861 = arith.mulf %parallel_loop3A_860, %parallel_loop3A_849 : vector<16xf32>
        tpu.vector_store_idx %arg12[%parallel_loop3A_853], %parallel_loop3A_861 {add = true} : memref<65536xf32, #tpu.memory_space<vmem>>[vector<16xi32>], vector<16xf32>,
        %parallel_loop3A_862 = arith.constant 14 : i32
        %parallel_loop3A_863 = vector.broadcast %parallel_loop3A_862 : i32 to vector<16xi32>
        %parallel_loop3A_864 = vector.shape_cast %parallel_loop3A_863 : vector<16xi32> to vector<16x1xi32>
        %parallel_loop3A_865 = vector.shape_cast %parallel_loop3A_864 : vector<16x1xi32> to vector<16xi32>
        %parallel_loop3A_866 = tpu.dynamic_gather %parallel_loop3A_614[%parallel_loop3A_865] in [0] : vector<16xf32>, vector<16xi32> -> vector<16xf32>
        %parallel_loop3A_867 = vector.shape_cast %parallel_loop3A_863 : vector<16xi32> to vector<16x1xi32>
        %parallel_loop3A_868 = vector.shape_cast %parallel_loop3A_867 : vector<16x1xi32> to vector<16xi32>
        %parallel_loop3A_869 = tpu.dynamic_gather %parallel_loop3A_621[%parallel_loop3A_868] in [0] : vector<16xi32>, vector<16xi32> -> vector<16xi32>
        %parallel_loop3A_870 = arith.ori %parallel_loop3A_869, %iota3A : vector<16xi32>
        %parallel_loop3A_871 = arith.constant 14 : i32
        %parallel_loop3A_872 = arith.addi %parallel_loop3A_623, %parallel_loop3A_871 : i32
        %parallel_loop3A_873 = arith.constant 3 : i32
        %parallel_loop3A_874 = arith.index_cast %parallel_loop3A_873 : i32 to index
        %parallel_loop3A_875 = arith.index_cast %parallel_loop3A_872 : i32 to index
        %parallel_loop3A_876 = arith.constant 0 : index
        %parallel_loop3A_877 = tpu.vector_load %arg11[%parallel_loop3A_874, %parallel_loop3A_875, %parallel_loop3A_876] {strides = array<i32>} : memref<4x128x16xf32, #tpu.memory_space<vmem>>, vector<16xf32>,
        %parallel_loop3A_878 = arith.mulf %parallel_loop3A_877, %parallel_loop3A_866 : vector<16xf32>
        tpu.vector_store_idx %arg12[%parallel_loop3A_870], %parallel_loop3A_878 {add = true} : memref<65536xf32, #tpu.memory_space<vmem>>[vector<16xi32>], vector<16xf32>,
        %parallel_loop3A_879 = arith.constant 15 : i32
        %parallel_loop3A_880 = vector.broadcast %parallel_loop3A_879 : i32 to vector<16xi32>
        %parallel_loop3A_881 = vector.shape_cast %parallel_loop3A_880 : vector<16xi32> to vector<16x1xi32>
        %parallel_loop3A_882 = vector.shape_cast %parallel_loop3A_881 : vector<16x1xi32> to vector<16xi32>
        %parallel_loop3A_883 = tpu.dynamic_gather %parallel_loop3A_614[%parallel_loop3A_882] in [0] : vector<16xf32>, vector<16xi32> -> vector<16xf32>
        %parallel_loop3A_884 = vector.shape_cast %parallel_loop3A_880 : vector<16xi32> to vector<16x1xi32>
        %parallel_loop3A_885 = vector.shape_cast %parallel_loop3A_884 : vector<16x1xi32> to vector<16xi32>
        %parallel_loop3A_886 = tpu.dynamic_gather %parallel_loop3A_621[%parallel_loop3A_885] in [0] : vector<16xi32>, vector<16xi32> -> vector<16xi32>
        %parallel_loop3A_887 = arith.ori %parallel_loop3A_886, %iota3A : vector<16xi32>
        %parallel_loop3A_888 = arith.constant 15 : i32
        %parallel_loop3A_889 = arith.addi %parallel_loop3A_623, %parallel_loop3A_888 : i32
        %parallel_loop3A_890 = arith.constant 3 : i32
        %parallel_loop3A_891 = arith.index_cast %parallel_loop3A_890 : i32 to index
        %parallel_loop3A_892 = arith.index_cast %parallel_loop3A_889 : i32 to index
        %parallel_loop3A_893 = arith.constant 0 : index
        %parallel_loop3A_894 = tpu.vector_load %arg11[%parallel_loop3A_891, %parallel_loop3A_892, %parallel_loop3A_893] {strides = array<i32>} : memref<4x128x16xf32, #tpu.memory_space<vmem>>, vector<16xf32>,
        %parallel_loop3A_895 = arith.mulf %parallel_loop3A_894, %parallel_loop3A_883 : vector<16xf32>
        tpu.vector_store_idx %arg12[%parallel_loop3A_887], %parallel_loop3A_895 {add = true} : memref<65536xf32, #tpu.memory_space<vmem>>[vector<16xi32>], vector<16xf32>,
      } {sc.loop_unroll_factor = 4 : i64, sc.parallel_access}
      %add3A_571 = arith.constant 2 : i32
      %add3A_572 = arith.addi %add3A_416, %add3A_571 : i32
      %rem3A_573 = arith.constant 64 : i32
      %rem3A_574 = arith.remsi %add3A_572, %rem3A_573 : i32
      %mul3A_575 = arith.constant 512 : i32
      %mul3A_576 = arith.muli %rem3A_574, %mul3A_575 : i32
      %add3A_577 = arith.addi %mul3A_0, %mul3A_576 : i32
      %dma_start3A_578 = arith.constant 1 : i32
      %dma_start3A_579 = arith.constant 0 : i32
      %dma_start3A_580 = tpu.memref_slice %arg7[%dma_start3A_578, %dma_start3A_579] : memref<2x512xi32, #tpu.memory_space<vmem>> -> memref<1x512xi32, #tpu.memory_space<vmem>>
      %dma_start3A_581 = tpu.memref_squeeze %dma_start3A_580 : memref<1x512xi32, #tpu.memory_space<vmem>> -> memref<512xi32, #tpu.memory_space<vmem>>
      %dma_start3A_582 = tpu.memref_slice %arg4[%add3A_577] : memref<65536xi32, #tpu.memory_space<hbm>> -> memref<512xi32, #tpu.memory_space<hbm>>
      %dma_start3A_583 = arith.constant 0 : i32
      %dma_start3A_584 = tpu.memref_slice %arg7[%dma_start3A_578, %dma_start3A_583] : memref<2x512xi32, #tpu.memory_space<vmem>> -> memref<1x512xi32, #tpu.memory_space<vmem>>
      %dma_start3A_585 = tpu.memref_squeeze %dma_start3A_584 : memref<1x512xi32, #tpu.memory_space<vmem>> -> memref<512xi32, #tpu.memory_space<vmem>>
      %dma_start3A_586 = tpu.memref_slice %arg4[%add3A_577] : memref<65536xi32, #tpu.memory_space<hbm>> -> memref<512xi32, #tpu.memory_space<hbm>>
      tpu.enqueue_dma source(%dma_start3A_586 : memref<512xi32, #tpu.memory_space<hbm>>) target(%dma_start3A_585 : memref<512xi32, #tpu.memory_space<vmem>>) target_semaphore(%arg14 : memref<!tpu.dma_semaphore, #tpu.memory_space<semaphore_mem>>)
      %dma_start3A_587 = arith.constant 1 : i32
      %dma_start3A_588 = arith.constant 0 : i32
      %dma_start3A_589 = tpu.memref_slice %arg8[%dma_start3A_587, %dma_start3A_588] : memref<2x512xi32, #tpu.memory_space<vmem>> -> memref<1x512xi32, #tpu.memory_space<vmem>>
      %dma_start3A_590 = tpu.memref_squeeze %dma_start3A_589 : memref<1x512xi32, #tpu.memory_space<vmem>> -> memref<512xi32, #tpu.memory_space<vmem>>
      %dma_start3A_591 = tpu.memref_slice %arg3[%add3A_577] : memref<65536xi32, #tpu.memory_space<hbm>> -> memref<512xi32, #tpu.memory_space<hbm>>
      %dma_start3A_592 = arith.constant 0 : i32
      %dma_start3A_593 = tpu.memref_slice %arg8[%dma_start3A_587, %dma_start3A_592] : memref<2x512xi32, #tpu.memory_space<vmem>> -> memref<1x512xi32, #tpu.memory_space<vmem>>
      %dma_start3A_594 = tpu.memref_squeeze %dma_start3A_593 : memref<1x512xi32, #tpu.memory_space<vmem>> -> memref<512xi32, #tpu.memory_space<vmem>>
      %dma_start3A_595 = tpu.memref_slice %arg3[%add3A_577] : memref<65536xi32, #tpu.memory_space<hbm>> -> memref<512xi32, #tpu.memory_space<hbm>>
      tpu.enqueue_dma source(%dma_start3A_595 : memref<512xi32, #tpu.memory_space<hbm>>) target(%dma_start3A_594 : memref<512xi32, #tpu.memory_space<vmem>>) target_semaphore(%arg14 : memref<!tpu.dma_semaphore, #tpu.memory_space<semaphore_mem>>)
      %dma_start3A_596 = arith.constant 1 : i32
      %dma_start3A_597 = arith.constant 0 : i32
      %dma_start3A_598 = tpu.memref_slice %arg9[%dma_start3A_596, %dma_start3A_597] : memref<2x512xf32, #tpu.memory_space<vmem>> -> memref<1x512xf32, #tpu.memory_space<vmem>>
      %dma_start3A_599 = tpu.memref_squeeze %dma_start3A_598 : memref<1x512xf32, #tpu.memory_space<vmem>> -> memref<512xf32, #tpu.memory_space<vmem>>
      %dma_start3A_600 = tpu.memref_slice %arg5[%add3A_577] : memref<65536xf32, #tpu.memory_space<hbm>> -> memref<512xf32, #tpu.memory_space<hbm>>
      %dma_start3A_601 = arith.constant 0 : i32
      %dma_start3A_602 = tpu.memref_slice %arg9[%dma_start3A_596, %dma_start3A_601] : memref<2x512xf32, #tpu.memory_space<vmem>> -> memref<1x512xf32, #tpu.memory_space<vmem>>
      %dma_start3A_603 = tpu.memref_squeeze %dma_start3A_602 : memref<1x512xf32, #tpu.memory_space<vmem>> -> memref<512xf32, #tpu.memory_space<vmem>>
      %dma_start3A_604 = tpu.memref_slice %arg5[%add3A_577] : memref<65536xf32, #tpu.memory_space<hbm>> -> memref<512xf32, #tpu.memory_space<hbm>>
      tpu.enqueue_dma source(%dma_start3A_604 : memref<512xf32, #tpu.memory_space<hbm>>) target(%dma_start3A_603 : memref<512xf32, #tpu.memory_space<vmem>>) target_semaphore(%arg14 : memref<!tpu.dma_semaphore, #tpu.memory_space<semaphore_mem>>)
      %scan3A_605 = arith.constant 0 : i32
      scf.yield %scan3A_605 : i32
    }
    %scan3A_149 = arith.constant 32 : i32
    %dma_wait3A_150 = arith.constant 0 : i32
    %dma_wait3A_151 = arith.constant 0 : i32
    %dma_wait3A_152 = arith.constant 0 : i32
    %dma_wait3A_153 = arith.constant 0 : i32
    %dma_wait3A_154 = tpu.memref_slice %arg11[%dma_wait3A_151, %dma_wait3A_152, %dma_wait3A_153] : memref<4x128x16xf32, #tpu.memory_space<vmem>> -> memref<1x128x16xf32, #tpu.memory_space<vmem>>
    %dma_wait3A_155 = tpu.memref_squeeze %dma_wait3A_154 : memref<1x128x16xf32, #tpu.memory_space<vmem>> -> memref<128x16xf32, #tpu.memory_space<vmem>>
    %dma_wait3A_156 = arith.constant 0 : i32
    %dma_wait3A_157 = tpu.memref_slice %arg10[%dma_wait3A_150, %dma_wait3A_156] : memref<4x128xi32, #tpu.memory_space<vmem>> -> memref<1x128xi32, #tpu.memory_space<vmem>>
    %dma_wait3A_158 = tpu.memref_squeeze %dma_wait3A_157 : memref<1x128xi32, #tpu.memory_space<vmem>> -> memref<128xi32, #tpu.memory_space<vmem>>
    %dma_wait3A_159 = arith.constant 0 : i32
    %dma_wait3A_160 = arith.constant 0 : i32
    %dma_wait3A_161 = tpu.memref_slice %arg2[%dma_wait3A_159, %dma_wait3A_160] : memref<65536x16xf32, #tpu.memory_space<hbm>> -> memref<65536x16xf32, #tpu.memory_space<hbm>>
    tpu.wait_indirect_dma semaphore(%arg15 : memref<!tpu.dma_semaphore, #tpu.memory_space<semaphore_mem>>) src(%dma_wait3A_161 : memref<65536x16xf32, #tpu.memory_space<hbm>>) dst(%dma_wait3A_155 : memref<128x16xf32, #tpu.memory_space<vmem>>)
    %dma_wait3A_162 = arith.constant 1 : i32
    %dma_wait3A_163 = arith.constant 1 : i32
    %dma_wait3A_164 = arith.constant 0 : i32
    %dma_wait3A_165 = arith.constant 0 : i32
    %dma_wait3A_166 = tpu.memref_slice %arg11[%dma_wait3A_163, %dma_wait3A_164, %dma_wait3A_165] : memref<4x128x16xf32, #tpu.memory_space<vmem>> -> memref<1x128x16xf32, #tpu.memory_space<vmem>>
    %dma_wait3A_167 = tpu.memref_squeeze %dma_wait3A_166 : memref<1x128x16xf32, #tpu.memory_space<vmem>> -> memref<128x16xf32, #tpu.memory_space<vmem>>
    %dma_wait3A_168 = arith.constant 0 : i32
    %dma_wait3A_169 = tpu.memref_slice %arg10[%dma_wait3A_162, %dma_wait3A_168] : memref<4x128xi32, #tpu.memory_space<vmem>> -> memref<1x128xi32, #tpu.memory_space<vmem>>
    %dma_wait3A_170 = tpu.memref_squeeze %dma_wait3A_169 : memref<1x128xi32, #tpu.memory_space<vmem>> -> memref<128xi32, #tpu.memory_space<vmem>>
    %dma_wait3A_171 = arith.constant 0 : i32
    %dma_wait3A_172 = arith.constant 0 : i32
    %dma_wait3A_173 = tpu.memref_slice %arg2[%dma_wait3A_171, %dma_wait3A_172] : memref<65536x16xf32, #tpu.memory_space<hbm>> -> memref<65536x16xf32, #tpu.memory_space<hbm>>
    tpu.wait_indirect_dma semaphore(%arg16 : memref<!tpu.dma_semaphore, #tpu.memory_space<semaphore_mem>>) src(%dma_wait3A_173 : memref<65536x16xf32, #tpu.memory_space<hbm>>) dst(%dma_wait3A_167 : memref<128x16xf32, #tpu.memory_space<vmem>>)
    %dma_wait3A_174 = arith.constant 2 : i32
    %dma_wait3A_175 = arith.constant 2 : i32
    %dma_wait3A_176 = arith.constant 0 : i32
    %dma_wait3A_177 = arith.constant 0 : i32
    %dma_wait3A_178 = tpu.memref_slice %arg11[%dma_wait3A_175, %dma_wait3A_176, %dma_wait3A_177] : memref<4x128x16xf32, #tpu.memory_space<vmem>> -> memref<1x128x16xf32, #tpu.memory_space<vmem>>
    %dma_wait3A_179 = tpu.memref_squeeze %dma_wait3A_178 : memref<1x128x16xf32, #tpu.memory_space<vmem>> -> memref<128x16xf32, #tpu.memory_space<vmem>>
    %dma_wait3A_180 = arith.constant 0 : i32
    %dma_wait3A_181 = tpu.memref_slice %arg10[%dma_wait3A_174, %dma_wait3A_180] : memref<4x128xi32, #tpu.memory_space<vmem>> -> memref<1x128xi32, #tpu.memory_space<vmem>>
    %dma_wait3A_182 = tpu.memref_squeeze %dma_wait3A_181 : memref<1x128xi32, #tpu.memory_space<vmem>> -> memref<128xi32, #tpu.memory_space<vmem>>
    %dma_wait3A_183 = arith.constant 0 : i32
    %dma_wait3A_184 = arith.constant 0 : i32
    %dma_wait3A_185 = tpu.memref_slice %arg2[%dma_wait3A_183, %dma_wait3A_184] : memref<65536x16xf32, #tpu.memory_space<hbm>> -> memref<65536x16xf32, #tpu.memory_space<hbm>>
    tpu.wait_indirect_dma semaphore(%arg17 : memref<!tpu.dma_semaphore, #tpu.memory_space<semaphore_mem>>) src(%dma_wait3A_185 : memref<65536x16xf32, #tpu.memory_space<hbm>>) dst(%dma_wait3A_179 : memref<128x16xf32, #tpu.memory_space<vmem>>)
    %rem3A_186 = arith.constant 65 : i32
    %rem3A_187 = arith.constant 64 : i32
    %rem3A_188 = arith.remsi %rem3A_186, %rem3A_187 : i32
    %mul3A_189 = arith.constant 512 : i32
    %mul3A_190 = arith.muli %rem3A_188, %mul3A_189 : i32
    %add3A_191 = arith.addi %mul3A_0, %mul3A_190 : i32
    %dma_wait3A_192 = arith.constant 1 : i32
    %dma_wait3A_193 = arith.constant 0 : i32
    %dma_wait3A_194 = tpu.memref_slice %arg7[%dma_wait3A_192, %dma_wait3A_193] : memref<2x512xi32, #tpu.memory_space<vmem>> -> memref<1x512xi32, #tpu.memory_space<vmem>>
    %dma_wait3A_195 = tpu.memref_squeeze %dma_wait3A_194 : memref<1x512xi32, #tpu.memory_space<vmem>> -> memref<512xi32, #tpu.memory_space<vmem>>
    %dma_wait3A_196 = tpu.memref_slice %arg4[%add3A_191] : memref<65536xi32, #tpu.memory_space<hbm>> -> memref<512xi32, #tpu.memory_space<hbm>>
    %dma_wait3A_197 = arith.constant 0 : i32
    %dma_wait3A_198 = tpu.memref_slice %arg7[%dma_wait3A_192, %dma_wait3A_197] : memref<2x512xi32, #tpu.memory_space<vmem>> -> memref<1x512xi32, #tpu.memory_space<vmem>>
    %dma_wait3A_199 = tpu.memref_squeeze %dma_wait3A_198 : memref<1x512xi32, #tpu.memory_space<vmem>> -> memref<512xi32, #tpu.memory_space<vmem>>
    %dma_wait3A_200 = tpu.memref_slice %arg4[%add3A_191] : memref<65536xi32, #tpu.memory_space<hbm>> -> memref<512xi32, #tpu.memory_space<hbm>>
    tpu.wait_dma2 semaphore(%arg14 : memref<!tpu.dma_semaphore, #tpu.memory_space<semaphore_mem>>) src(%dma_wait3A_200 : memref<512xi32, #tpu.memory_space<hbm>>) dst(%dma_wait3A_199 : memref<512xi32, #tpu.memory_space<vmem>>)
    %dma_wait3A_201 = arith.constant 1 : i32
    %dma_wait3A_202 = arith.constant 0 : i32
    %dma_wait3A_203 = tpu.memref_slice %arg8[%dma_wait3A_201, %dma_wait3A_202] : memref<2x512xi32, #tpu.memory_space<vmem>> -> memref<1x512xi32, #tpu.memory_space<vmem>>
    %dma_wait3A_204 = tpu.memref_squeeze %dma_wait3A_203 : memref<1x512xi32, #tpu.memory_space<vmem>> -> memref<512xi32, #tpu.memory_space<vmem>>
    %dma_wait3A_205 = tpu.memref_slice %arg3[%add3A_191] : memref<65536xi32, #tpu.memory_space<hbm>> -> memref<512xi32, #tpu.memory_space<hbm>>
    %dma_wait3A_206 = arith.constant 0 : i32
    %dma_wait3A_207 = tpu.memref_slice %arg8[%dma_wait3A_201, %dma_wait3A_206] : memref<2x512xi32, #tpu.memory_space<vmem>> -> memref<1x512xi32, #tpu.memory_space<vmem>>
    %dma_wait3A_208 = tpu.memref_squeeze %dma_wait3A_207 : memref<1x512xi32, #tpu.memory_space<vmem>> -> memref<512xi32, #tpu.memory_space<vmem>>
    %dma_wait3A_209 = tpu.memref_slice %arg3[%add3A_191] : memref<65536xi32, #tpu.memory_space<hbm>> -> memref<512xi32, #tpu.memory_space<hbm>>
    tpu.wait_dma2 semaphore(%arg14 : memref<!tpu.dma_semaphore, #tpu.memory_space<semaphore_mem>>) src(%dma_wait3A_209 : memref<512xi32, #tpu.memory_space<hbm>>) dst(%dma_wait3A_208 : memref<512xi32, #tpu.memory_space<vmem>>)
    %dma_wait3A_210 = arith.constant 1 : i32
    %dma_wait3A_211 = arith.constant 0 : i32
    %dma_wait3A_212 = tpu.memref_slice %arg9[%dma_wait3A_210, %dma_wait3A_211] : memref<2x512xf32, #tpu.memory_space<vmem>> -> memref<1x512xf32, #tpu.memory_space<vmem>>
    %dma_wait3A_213 = tpu.memref_squeeze %dma_wait3A_212 : memref<1x512xf32, #tpu.memory_space<vmem>> -> memref<512xf32, #tpu.memory_space<vmem>>
    %dma_wait3A_214 = tpu.memref_slice %arg5[%add3A_191] : memref<65536xf32, #tpu.memory_space<hbm>> -> memref<512xf32, #tpu.memory_space<hbm>>
    %dma_wait3A_215 = arith.constant 0 : i32
    %dma_wait3A_216 = tpu.memref_slice %arg9[%dma_wait3A_210, %dma_wait3A_215] : memref<2x512xf32, #tpu.memory_space<vmem>> -> memref<1x512xf32, #tpu.memory_space<vmem>>
    %dma_wait3A_217 = tpu.memref_squeeze %dma_wait3A_216 : memref<1x512xf32, #tpu.memory_space<vmem>> -> memref<512xf32, #tpu.memory_space<vmem>>
    %dma_wait3A_218 = tpu.memref_slice %arg5[%add3A_191] : memref<65536xf32, #tpu.memory_space<hbm>> -> memref<512xf32, #tpu.memory_space<hbm>>
    tpu.wait_dma2 semaphore(%arg14 : memref<!tpu.dma_semaphore, #tpu.memory_space<semaphore_mem>>) src(%dma_wait3A_218 : memref<512xf32, #tpu.memory_space<hbm>>) dst(%dma_wait3A_217 : memref<512xf32, #tpu.memory_space<vmem>>)
    "tpu.region"() ({
      %run_scoped3A = tpu.sem_alloc : memref<!tpu.dma_semaphore, #tpu.memory_space<semaphore_mem>>
      %dma_start3A_219 = arith.constant 0 : i32
      %dma_start3A_220 = tpu.memref_slice %arg6[%arg0, %arg1, %dma_start3A_219] : memref<2x16x65536xf32, #tpu.memory_space<hbm>> -> memref<1x1x65536xf32, #tpu.memory_space<hbm>>
      %dma_start3A_221 = tpu.memref_squeeze %dma_start3A_220 : memref<1x1x65536xf32, #tpu.memory_space<hbm>> -> memref<65536xf32, #tpu.memory_space<hbm>>
      %dma_start3A_222 = arith.constant 0 : i32
      %dma_start3A_223 = tpu.memref_slice %arg6[%arg0, %arg1, %dma_start3A_222] : memref<2x16x65536xf32, #tpu.memory_space<hbm>> -> memref<1x1x65536xf32, #tpu.memory_space<hbm>>
      %dma_start3A_224 = tpu.memref_squeeze %dma_start3A_223 : memref<1x1x65536xf32, #tpu.memory_space<hbm>> -> memref<65536xf32, #tpu.memory_space<hbm>>
      tpu.enqueue_dma source(%arg12 : memref<65536xf32, #tpu.memory_space<vmem>>) target(%dma_start3A_224 : memref<65536xf32, #tpu.memory_space<hbm>>) target_semaphore(%run_scoped3A : memref<!tpu.dma_semaphore, #tpu.memory_space<semaphore_mem>>)
      %dma_wait3A_225 = arith.constant 0 : i32
      %dma_wait3A_226 = tpu.memref_slice %arg6[%arg0, %arg1, %dma_wait3A_225] : memref<2x16x65536xf32, #tpu.memory_space<hbm>> -> memref<1x1x65536xf32, #tpu.memory_space<hbm>>
      %dma_wait3A_227 = tpu.memref_squeeze %dma_wait3A_226 : memref<1x1x65536xf32, #tpu.memory_space<hbm>> -> memref<65536xf32, #tpu.memory_space<hbm>>
      %dma_wait3A_228 = arith.constant 0 : i32
      %dma_wait3A_229 = tpu.memref_slice %arg6[%arg0, %arg1, %dma_wait3A_228] : memref<2x16x65536xf32, #tpu.memory_space<hbm>> -> memref<1x1x65536xf32, #tpu.memory_space<hbm>>
      %dma_wait3A_230 = tpu.memref_squeeze %dma_wait3A_229 : memref<1x1x65536xf32, #tpu.memory_space<hbm>> -> memref<65536xf32, #tpu.memory_space<hbm>>
      tpu.wait_dma2 semaphore(%run_scoped3A : memref<!tpu.dma_semaphore, #tpu.memory_space<semaphore_mem>>) src(%arg12 : memref<65536xf32, #tpu.memory_space<vmem>>) dst(%dma_wait3A_230 : memref<65536xf32, #tpu.memory_space<hbm>>)
      tpu.yield
    }) : () -> ()
    return
  }
}

module attributes {stable_mosaic.version = 14 : i64} {
  func.func @_tc_finish_body(%arg0: i32, %arg1: memref<2x16x512x16xf32, #tpu.memory_space<vmem>>, %arg2: memref<128x256xf32, #tpu.memory_space<vmem>>, %arg3: memref<1x256xf32, #tpu.memory_space<vmem>>, %arg4: memref<1x1xf32, #tpu.memory_space<vmem>>, %arg5: memref<1xf32, #tpu.memory_space<smem>>) attributes {dimension_semantics = [#tpu.dimension_semantics<arbitrary>], iteration_bounds = array<i64: 8>, scalar_prefetch = 0 : i64, scratch_operands = 1 : i64, tpu.core_type = #tpu.core_type<tc>, window_params = [{transform_indices = @transform_0, window_bounds = array<i64: 2, 16, 512, 16>}, {pipeline_mode = #tpu.pipeline_mode<synchronous>, transform_indices = @transform_1, window_bounds = array<i64: 128, 256>}, {pipeline_mode = #tpu.pipeline_mode<synchronous>, transform_indices = @transform_2, window_bounds = array<i64: 1, 256>}, {pipeline_mode = #tpu.pipeline_mode<synchronous>, transform_indices = @transform_3, window_bounds = array<i64: 1, 1>}]} {
    %eq3A = arith.constant 0 : i32
    %eq3A_0 = arith.cmpi eq, %arg0, %eq3A : i32
    %convert_element_type3A = arith.extui %eq3A_0 : i1 to i32
    %cond3A = arith.constant 0 : i32
    %cond3A_1 = arith.cmpi ne, %convert_element_type3A, %cond3A : i32
    scf.if %cond3A_1 {
      %swap3A_81 = arith.constant 0.000000e+00 : f32
      %swap3A_82 = arith.constant 0 : index
      %swap3A_83 = memref.load %arg5[%swap3A_82] : memref<1xf32, #tpu.memory_space<smem>>
      memref.store %swap3A_81, %arg5[%swap3A_82] : memref<1xf32, #tpu.memory_space<smem>>
    } else {
    }
    %get3A = arith.constant 0 : index
    %get3A_2 = arith.constant 0 : index
    %get3A_3 = arith.constant 0 : index
    %get3A_4 = arith.constant 0 : index
    %get3A_5 = vector.load %arg1[%get3A, %get3A_2, %get3A_3, %get3A_4] : memref<2x16x512x16xf32, #tpu.memory_space<vmem>>, vector<1x16x512x16xf32>
    %get3A_6 = vector.shape_cast %get3A_5 : vector<1x16x512x16xf32> to vector<16x512x16xf32>
    %get3A_7 = arith.constant 1 : index
    %get3A_8 = arith.constant 0 : index
    %get3A_9 = arith.constant 0 : index
    %get3A_10 = arith.constant 0 : index
    %get3A_11 = vector.load %arg1[%get3A_7, %get3A_8, %get3A_9, %get3A_10] : memref<2x16x512x16xf32, #tpu.memory_space<vmem>>, vector<1x16x512x16xf32>
    %get3A_12 = vector.shape_cast %get3A_11 : vector<1x16x512x16xf32> to vector<16x512x16xf32>
    %add3A = arith.addf %get3A_6, %get3A_12 : vector<16x512x16xf32>
    %slice3A = vector.extract_strided_slice %add3A {offsets = [0, 0, 0], sizes = [1, 512, 16], strides = [1, 1, 1]} : vector<16x512x16xf32> to vector<1x512x16xf32>
    %squeeze3A = vector.shape_cast %slice3A : vector<1x512x16xf32> to vector<512x16xf32>
    %slice3A_13 = vector.extract_strided_slice %add3A {offsets = [1, 0, 0], sizes = [1, 512, 16], strides = [1, 1, 1]} : vector<16x512x16xf32> to vector<1x512x16xf32>
    %squeeze3A_14 = vector.shape_cast %slice3A_13 : vector<1x512x16xf32> to vector<512x16xf32>
    %slice3A_15 = vector.extract_strided_slice %add3A {offsets = [2, 0, 0], sizes = [1, 512, 16], strides = [1, 1, 1]} : vector<16x512x16xf32> to vector<1x512x16xf32>
    %squeeze3A_16 = vector.shape_cast %slice3A_15 : vector<1x512x16xf32> to vector<512x16xf32>
    %slice3A_17 = vector.extract_strided_slice %add3A {offsets = [3, 0, 0], sizes = [1, 512, 16], strides = [1, 1, 1]} : vector<16x512x16xf32> to vector<1x512x16xf32>
    %squeeze3A_18 = vector.shape_cast %slice3A_17 : vector<1x512x16xf32> to vector<512x16xf32>
    %slice3A_19 = vector.extract_strided_slice %add3A {offsets = [4, 0, 0], sizes = [1, 512, 16], strides = [1, 1, 1]} : vector<16x512x16xf32> to vector<1x512x16xf32>
    %squeeze3A_20 = vector.shape_cast %slice3A_19 : vector<1x512x16xf32> to vector<512x16xf32>
    %slice3A_21 = vector.extract_strided_slice %add3A {offsets = [5, 0, 0], sizes = [1, 512, 16], strides = [1, 1, 1]} : vector<16x512x16xf32> to vector<1x512x16xf32>
    %squeeze3A_22 = vector.shape_cast %slice3A_21 : vector<1x512x16xf32> to vector<512x16xf32>
    %slice3A_23 = vector.extract_strided_slice %add3A {offsets = [6, 0, 0], sizes = [1, 512, 16], strides = [1, 1, 1]} : vector<16x512x16xf32> to vector<1x512x16xf32>
    %squeeze3A_24 = vector.shape_cast %slice3A_23 : vector<1x512x16xf32> to vector<512x16xf32>
    %slice3A_25 = vector.extract_strided_slice %add3A {offsets = [7, 0, 0], sizes = [1, 512, 16], strides = [1, 1, 1]} : vector<16x512x16xf32> to vector<1x512x16xf32>
    %squeeze3A_26 = vector.shape_cast %slice3A_25 : vector<1x512x16xf32> to vector<512x16xf32>
    %concatenate3A = tpu.concatenate %squeeze3A, %squeeze3A_14, %squeeze3A_16, %squeeze3A_18, %squeeze3A_20, %squeeze3A_22, %squeeze3A_24, %squeeze3A_26 in 1 : vector<512x16xf32>, vector<512x16xf32>, vector<512x16xf32>, vector<512x16xf32>, vector<512x16xf32>, vector<512x16xf32>, vector<512x16xf32>, vector<512x16xf32> -> vector<512x128xf32>
    %slice3A_27 = vector.extract_strided_slice %add3A {offsets = [8, 0, 0], sizes = [1, 512, 16], strides = [1, 1, 1]} : vector<16x512x16xf32> to vector<1x512x16xf32>
    %squeeze3A_28 = vector.shape_cast %slice3A_27 : vector<1x512x16xf32> to vector<512x16xf32>
    %slice3A_29 = vector.extract_strided_slice %add3A {offsets = [9, 0, 0], sizes = [1, 512, 16], strides = [1, 1, 1]} : vector<16x512x16xf32> to vector<1x512x16xf32>
    %squeeze3A_30 = vector.shape_cast %slice3A_29 : vector<1x512x16xf32> to vector<512x16xf32>
    %slice3A_31 = vector.extract_strided_slice %add3A {offsets = [10, 0, 0], sizes = [1, 512, 16], strides = [1, 1, 1]} : vector<16x512x16xf32> to vector<1x512x16xf32>
    %squeeze3A_32 = vector.shape_cast %slice3A_31 : vector<1x512x16xf32> to vector<512x16xf32>
    %slice3A_33 = vector.extract_strided_slice %add3A {offsets = [11, 0, 0], sizes = [1, 512, 16], strides = [1, 1, 1]} : vector<16x512x16xf32> to vector<1x512x16xf32>
    %squeeze3A_34 = vector.shape_cast %slice3A_33 : vector<1x512x16xf32> to vector<512x16xf32>
    %slice3A_35 = vector.extract_strided_slice %add3A {offsets = [12, 0, 0], sizes = [1, 512, 16], strides = [1, 1, 1]} : vector<16x512x16xf32> to vector<1x512x16xf32>
    %squeeze3A_36 = vector.shape_cast %slice3A_35 : vector<1x512x16xf32> to vector<512x16xf32>
    %slice3A_37 = vector.extract_strided_slice %add3A {offsets = [13, 0, 0], sizes = [1, 512, 16], strides = [1, 1, 1]} : vector<16x512x16xf32> to vector<1x512x16xf32>
    %squeeze3A_38 = vector.shape_cast %slice3A_37 : vector<1x512x16xf32> to vector<512x16xf32>
    %slice3A_39 = vector.extract_strided_slice %add3A {offsets = [14, 0, 0], sizes = [1, 512, 16], strides = [1, 1, 1]} : vector<16x512x16xf32> to vector<1x512x16xf32>
    %squeeze3A_40 = vector.shape_cast %slice3A_39 : vector<1x512x16xf32> to vector<512x16xf32>
    %slice3A_41 = vector.extract_strided_slice %add3A {offsets = [15, 0, 0], sizes = [1, 512, 16], strides = [1, 1, 1]} : vector<16x512x16xf32> to vector<1x512x16xf32>
    %squeeze3A_42 = vector.shape_cast %slice3A_41 : vector<1x512x16xf32> to vector<512x16xf32>
    %concatenate3A_43 = tpu.concatenate %squeeze3A_28, %squeeze3A_30, %squeeze3A_32, %squeeze3A_34, %squeeze3A_36, %squeeze3A_38, %squeeze3A_40, %squeeze3A_42 in 1 : vector<512x16xf32>, vector<512x16xf32>, vector<512x16xf32>, vector<512x16xf32>, vector<512x16xf32>, vector<512x16xf32>, vector<512x16xf32>, vector<512x16xf32> -> vector<512x128xf32>
    %get3A_44 = arith.constant 0 : index
    %get3A_45 = arith.constant 0 : index
    %get3A_46 = vector.load %arg2[%get3A_44, %get3A_45] : memref<128x256xf32, #tpu.memory_space<vmem>>, vector<128x256xf32>
    %dot_general3A = arith.constant dense<0.000000e+00> : vector<512x256xf32>
    %dot_general3A_47 = tpu.matmul %concatenate3A, %get3A_46, %dot_general3A {dimension_numbers = #tpu.dot_dimension_numbers<[1], [0], [0], [1], [0, 0, 1, 1], [], []>, transpose_lhs_hint = false} : vector<512x128xf32>, vector<128x256xf32>, vector<512x256xf32> -> vector<512x256xf32>
    %get3A_48 = arith.constant 0 : index
    %get3A_49 = arith.constant 0 : index
    %get3A_50 = vector.load %arg3[%get3A_48, %get3A_49] : memref<1x256xf32, #tpu.memory_space<vmem>>, vector<1x256xf32>
    %add3A_51 = vector.broadcast %get3A_50 : vector<1x256xf32> to vector<512x256xf32>
    %add3A_52 = arith.addf %dot_general3A_47, %add3A_51 : vector<512x256xf32>
    %get3A_53 = arith.constant 0 : index
    %get3A_54 = arith.constant 0 : index
    %get3A_55 = vector.load %arg2[%get3A_53, %get3A_54] : memref<128x256xf32, #tpu.memory_space<vmem>>, vector<128x256xf32>
    %dot_general3A_56 = arith.constant dense<0.000000e+00> : vector<512x256xf32>
    %dot_general3A_57 = tpu.matmul %concatenate3A_43, %get3A_55, %dot_general3A_56 {dimension_numbers = #tpu.dot_dimension_numbers<[1], [0], [0], [1], [0, 0, 1, 1], [], []>, transpose_lhs_hint = false} : vector<512x128xf32>, vector<128x256xf32>, vector<512x256xf32> -> vector<512x256xf32>
    %get3A_58 = arith.constant 0 : index
    %get3A_59 = arith.constant 0 : index
    %get3A_60 = vector.load %arg3[%get3A_58, %get3A_59] : memref<1x256xf32, #tpu.memory_space<vmem>>, vector<1x256xf32>
    %add3A_61 = vector.broadcast %get3A_60 : vector<1x256xf32> to vector<512x256xf32>
    %add3A_62 = arith.addf %dot_general3A_57, %add3A_61 : vector<512x256xf32>
    %max3A = arith.constant 0.000000e+00 : f32
    %max3A_63 = vector.broadcast %max3A : f32 to vector<512x256xf32>
    %max3A_64 = arith.maximumf %add3A_52, %max3A_63 : vector<512x256xf32>
    %max3A_65 = arith.constant 0.000000e+00 : f32
    %max3A_66 = vector.broadcast %max3A_65 : f32 to vector<512x256xf32>
    %max3A_67 = arith.maximumf %add3A_62, %max3A_66 : vector<512x256xf32>
    %sub3A = arith.subf %max3A_64, %max3A_67 : vector<512x256xf32>
    %get3A_68 = arith.constant 0 : index
    %get3A_69 = memref.load %arg5[%get3A_68] : memref<1xf32, #tpu.memory_space<smem>>
    %mul3A = arith.mulf %sub3A, %sub3A : vector<512x256xf32>
    %reduce_sum3A = vector.shape_cast %mul3A : vector<512x256xf32> to vector<1x512x256xf32>
    %reduce_sum3A_70 = arith.constant dense<0.000000e+00> : vector<1xf32>
    %reduce_sum3A_71 = vector.multi_reduction <add>, %reduce_sum3A, %reduce_sum3A_70 [1, 2] : vector<1x512x256xf32> to vector<1xf32>
    %reduce_sum3A_72 = vector.shape_cast %reduce_sum3A_71 : vector<1xf32> to vector<1x1x1xf32>
    %reduce_sum3A_73 = vector.extract %reduce_sum3A_72[0, 0, 0] : f32 from vector<1x1x1xf32>
    %add3A_74 = arith.addf %get3A_69, %reduce_sum3A_73 : f32
    %swap3A = arith.constant 0 : index
    %swap3A_75 = memref.load %arg5[%swap3A] : memref<1xf32, #tpu.memory_space<smem>>
    memref.store %add3A_74, %arg5[%swap3A] : memref<1xf32, #tpu.memory_space<smem>>
    %eq3A_76 = arith.constant 7 : i32
    %eq3A_77 = arith.cmpi eq, %arg0, %eq3A_76 : i32
    %convert_element_type3A_78 = arith.extui %eq3A_77 : i1 to i32
    %cond3A_79 = arith.constant 0 : i32
    %cond3A_80 = arith.cmpi ne, %convert_element_type3A_78, %cond3A_79 : i32
    scf.if %cond3A_80 {
      %get3A_81 = arith.constant 0 : index
      %get3A_82 = memref.load %arg5[%get3A_81] : memref<1xf32, #tpu.memory_space<smem>>
      %sqrt3A = math.sqrt %get3A_82 : f32
      %neg3A = arith.constant 0.000000e+00 : f32
      %neg3A_83 = arith.subf %neg3A, %sqrt3A : f32
      %exp3A = math.exp %neg3A_83 : f32
      %reshape3A = vector.broadcast %exp3A : f32 to vector<1x1xf32>
      %swap3A_84 = arith.constant 0 : index
      %swap3A_85 = arith.constant 0 : index
      %swap3A_86 = vector.load %arg4[%swap3A_84, %swap3A_85] : memref<1x1xf32, #tpu.memory_space<vmem>>, vector<1x1xf32>
      tpu.vector_store %arg4[%swap3A_84, %swap3A_85], %reshape3A {strides = array<i32>} : memref<1x1xf32, #tpu.memory_space<vmem>>, vector<1x1xf32>,
    } else {
    }
    return
  }
  func.func @transform_0(%arg0: i32) -> (i32, i32, i32, i32) {
    %c0_i32 = arith.constant 0 : i32
    %c0_i32_0 = arith.constant 0 : i32
    %c0_i32_1 = arith.constant 0 : i32
    %c0_i32_2 = arith.constant 0 : i32
    return %c0_i32, %c0_i32_0, %arg0, %c0_i32_1 : i32, i32, i32, i32
  }
  func.func @transform_1(%arg0: i32) -> (i32, i32) {
    %c0_i32 = arith.constant 0 : i32
    %c0_i32_0 = arith.constant 0 : i32
    %c0_i32_1 = arith.constant 0 : i32
    return %c0_i32, %c0_i32_0 : i32, i32
  }
  func.func @transform_2(%arg0: i32) -> (i32, i32) {
    %c0_i32 = arith.constant 0 : i32
    %c0_i32_0 = arith.constant 0 : i32
    %c0_i32_1 = arith.constant 0 : i32
    return %c0_i32, %c0_i32_0 : i32, i32
  }
  func.func @transform_3(%arg0: i32) -> (i32, i32) {
    %c0_i32 = arith.constant 0 : i32
    %c0_i32_0 = arith.constant 0 : i32
    %c0_i32_1 = arith.constant 0 : i32
    return %c0_i32, %c0_i32_0 : i32, i32
  }
}

</mosaic_0001>

<sc_bundles>
// kernel: kernel.4.cloned.1.call-start
scs
__scs_entry_jumppad:
0x0: {  	(pc) =	sbr.rel $0x88, $3  }
0x1: {  	(tag) =	ssettag $0x0;
	lr =	simm.s32 $0x1  }
0x2: {  	[smem:$0x3F9B] =	sst lr;
	_ =	strace $0xD0000000  }
0x3: {  	_ = 	snop  }
0x4: {  	_ = 	snop  }
0x5: {  	_ = 	snop  }
0x6: {  	_ = 	snop  }
0x7: {  	_ = 	snop  }
__scs_overlays_trampoline_lowered:
0x8: {  	[smem:$0x3FAA] =	sst s0  }
0x9: {  	[smem:$0x3FAB] =	sst s1  }
0xa: {  	[smem:$0x3FAC] =	sst s2  }
0xb: {  	[smem:$0x3FAD] =	sst s3  }
0xc: {  	[smem:$0x3FAE] =	sst s4  }
0xd: {  	[smem:$0x3FAF] =	sst s5  }
0xe: {  	[smem:$0x3FB0] =	sst s6  }
0xf: {  	[smem:$0x3FB1] =	sst s7  }
0x10: {  	[smem:$0x3FB2] =	sst s8  }
0x11: {  	[smem:$0x3FB3] =	sst s9;
	s0 =	simm.s32 @!p0 $0x0  }
0x12: {  	s1 =	sld [smem:$0x3F99];
	s0 =	simm.s32 @p0 $0x1  }
0x13: {  	[smem:$0x3FB4] =	sst s0;
	s0 =	simm.s32 @!p1 $0x0  }
0x14: {  	s2 =	sld [smem:$0x3F98];
	s0 =	simm.s32 @p1 $0x1  }
0x15: {  	[smem:$0x3FB5] =	sst s0;
	s0 =	simm.s32 @!p2 $0x0  }
0x16: {  	s3 =	sld [smem:$0x3FDB];
	s0 =	simm.s32 @p2 $0x1  }
0x17: {  	s4 =	simm.s32 $0x1BF5;
	[smem:$0x3FB7] =	sst s0  }
0x18: {  	s0 =	sld [smem:$0x3F9A];
	_ =	swait.ge [sflag:s4], $0x0  }
0x19: {  	s7 =	sld [smem:$0x3F9B]  }
0x1a: {  	s8 =	sadd.s32 $0xFFFFE003, lr  }
0x1b: {  	s9 =	sadd.s32 $0xFFFFFEF7, lr;
	s5 =	simm.s32 $0xFFFFFFFF;
	p2 =	slt.u32 s8, $0xFFFFF086  }
0x1c: {  	p1 =	slt.u32 s9, $0xF7A;
	s5 =	simm.s32 @!p2 $0x0  }
0x1d: {  	s5 =	simm.s32 @p1 $0x1;
	p0 =	seq.s32 s7, s2  }
0x1e: {  	s7 =	smul.u32 @!p0 $0xF7A, s2;
	p2 =	seq.s32 @!p0 s5, $0x0  }
0x1f: {  	s9 =	smul.u32 $0xF7A, s1;
	s8 =	simm.s32 @!p0 $0x1BF5;
	p2 =	por !p2, p0  }
0x20: {  	[sflag:s8] =	ssyncset.s32 @!p0 $0xFFFFF086;
	s6 =	sadd.s32 @!p0 s3, s7;
	s7 =	simm.s32 @!p0 $0x108  }
0x21: {  	s3 =	sadd.s32 s3, s9;
	s6 =	sadd.s32 @!p0 $0x88, s6;
	s7 =	simm.s32 @p2 $0x1082  }
0x22: {  	[simem:s7], [sflag:s8] =	dma.local @!p0 [hbm:s6], $0xF7A  }
0x23: {  	s9 =	sor.u32 $0xD0000000, s2;
	s6 =	simm.s32 $0x108;
	_ =	swait.ge @!p0 [sflag:s8], $0x0  }
0x24: {  	s3 =	sadd.s32 $0x88, s3;
	s6 =	simm.s32 @!p1 $0x1082;
	[sflag:s4] =	ssyncset.s32 $0xFFFFF086  }
0x25: {  	[simem:s6], [sflag:s4] =	dma.local [hbm:s3], $0xF7A  }
0x26: {  	[smem:$0x3F9B] =	sst s1;
	(tag) =	ssettag s2;
	_ =	strace s9  }
0x27: {  	s1 =	sld [smem:$0x3FAB]  }
0x28: {  	s2 =	sld [smem:$0x3FAC]  }
0x29: {  	s4 =	sld [smem:$0x3FAE]  }
0x2a: {  	p0 =	seq.s32 s5, $0x0;
	s5 =	sld [smem:$0x3FAF]  }
0x2b: {  	s6 =	sld [smem:$0x3FB0]  }
0x2c: {  	s7 =	sld [smem:$0x3FB1]  }
0x2d: {  	s3 =	simm.s32 $0x108;
	s8 =	sld [smem:$0x3FB2]  }
0x2e: {  	s3 =	simm.s32 @!p0 $0x1082;
	s9 =	sld [smem:$0x3FB3]  }
0x2f: {  	lr =	sadd.s32 s0, s3;
	s0 =	sld [smem:$0x3FAA]  }
0x30: {  	s3 =	sld [smem:$0x3FAD]  }
0x31: {  	[smem:$0x3FB6] =	sst s10  }
0x32: {  	s10 =	sld [smem:$0x3FB4];
	_ =	sdelay $0x3  }
0x33: {  	p0 =	seq.s32 s10, $0x1;
	s10 =	sld [smem:$0x3FB6];
	_ =	sdelay $0x3  }
0x34: {  	[smem:$0x3FB6] =	sst s10  }
0x35: {  	s10 =	sld [smem:$0x3FB5];
	_ =	sdelay $0x3  }
0x36: {  	p1 =	seq.s32 s10, $0x1;
	s10 =	sld [smem:$0x3FB6];
	_ =	sdelay $0x3  }
0x37: {  	[smem:$0x3FB6] =	sst s10  }
0x38: {  	s10 =	sld [smem:$0x3FB7]  }
0x39: {  	_ = 	snop;
	(pc) =	sbr.ind lr, $3  }
0x3a: {  	_ = 	snop  }
0x3b: {  	_ = 	snop  }
0x3c: {  	p2 =	seq.s32 s10, $0x1;
	s10 =	sld [smem:$0x3FB6]  }
0x3d: {  	_ =	shalt  }
0x3e: {  	_ =	shalt  }
0x3f: {  	_ =	shalt  }
0x40: {  	_ =	shalt  }
0x41: {  	_ =	shalt  }
0x42: {  	_ =	shalt  }
0x43: {  	_ =	shalt  }
0x44: {  	_ =	shalt  }
0x45: {  	_ =	shalt  }
0x46: {  	_ =	shalt  }
0x47: {  	_ =	shalt  }
0x48: {  	_ =	shalt  }
0x49: {  	_ =	shalt  }
0x4a: {  	_ =	shalt  }
0x4b: {  	_ =	shalt  }
0x4c: {  	_ =	shalt  }
0x4d: {  	_ =	shalt  }
0x4e: {  	_ =	shalt  }
0x4f: {  	_ =	shalt  }
0x50: {  	_ =	shalt  }
0x51: {  	_ =	shalt  }
0x52: {  	_ =	shalt  }
0x53: {  	_ =	shalt  }
0x54: {  	_ =	shalt  }
0x55: {  	_ =	shalt  }
0x56: {  	_ =	shalt  }
0x57: {  	_ =	shalt  }
0x58: {  	_ =	shalt  }
0x59: {  	_ =	shalt  }
0x5a: {  	_ =	shalt  }
0x5b: {  	_ =	shalt  }
0x5c: {  	_ =	shalt  }
0x5d: {  	_ =	shalt  }
0x5e: {  	_ =	shalt  }
0x5f: {  	_ =	shalt  }
0x60: {  	_ =	shalt  }
0x61: {  	_ =	shalt  }
0x62: {  	_ =	shalt  }
0x63: {  	_ =	shalt  }
0x64: {  	_ =	shalt  }
0x65: {  	_ =	shalt  }
0x66: {  	_ =	shalt  }
0x67: {  	_ =	shalt  }
0x68: {  	_ =	shalt  }
0x69: {  	_ =	shalt  }
0x6a: {  	_ =	shalt  }
0x6b: {  	_ =	shalt  }
0x6c: {  	_ =	shalt  }
0x6d: {  	_ =	shalt  }
0x6e: {  	_ =	shalt  }
0x6f: {  	_ =	shalt  }
0x70: {  	_ =	shalt  }
0x71: {  	_ =	shalt  }
0x72: {  	_ =	shalt  }
0x73: {  	_ =	shalt  }
0x74: {  	_ =	shalt  }
0x75: {  	_ =	shalt  }
0x76: {  	_ =	shalt  }
0x77: {  	_ =	shalt  }
0x78: {  	_ =	shalt  }
0x79: {  	_ =	shalt  }
0x7a: {  	_ =	shalt  }
0x7b: {  	_ =	shalt  }
0x7c: {  	_ =	shalt  }
0x7d: {  	_ =	shalt  }
0x7e: {  	_ =	shalt  }
0x7f: {  	_ =	shalt  }
0x80: {  	_ =	shalt  }
0x81: {  	_ =	shalt  }
0x82: {  	_ =	shalt  }
0x83: {  	_ =	shalt  }
0x84: {  	_ =	shalt  }
0x85: {  	_ =	shalt  }
0x86: {  	_ =	shalt  }
0x87: {  	_ =	shalt  }
.Lfunc_end0:
.L_simem_size_0:
called_computation_lowered:
.L_overlay_start_0:
0x88: {  	s2 =	sld [smem:$0x3FD9]  }
0x89: {  	s3 =	sld [smem:$0x3FFE];
	_ =	sdelay $0x1  }
0x8a: {  	s1 =	srdreg.scid  }
0x8b: {  	s0 =	sand.u32 $0x1, s1  }
0x8c: {  	s17 =	sshll.u32 s0, $0xA;
	s2 =	sadd.s32 s3, s2  }
0x8d: {  	s2 =	sadd.s32 s2, s17  }
0x8e: {  	[smem:$0x3FC2] =	sst s2  }
0x8f: {  	_ = 	snop  }
0x90: {  	s2 =	sld [smem:$0x3FC7];
	(tm) =	ssettm $0x1  }
0x91: {  	s18 =	sld [smem:$0x3FFB];
	_ =	sdelay $0x3  }
0x92: {  	_ =	strace s18  }
0x93: {  	s3 =	sld [smem:$0x3FFC];
	_ =	sdelay $0x3  }
0x94: {  	_ =	strace s3  }
0x95: {  	s3 =	sld [smem:$0x3FFD];
	_ =	sdelay $0x3  }
0x96: {  	_ =	strace s3  }
0x97: {  	_ =	strace $0x8FFFFFFF  }
0x98: {  	s19 =	sld [smem:$0x3FDB];
	_ =	sdelay $0x1  }
0x99: {  	s4 =	simm.s32 $_scs_section_size  }
0x9a: {  	s5 =	simm.s32 $_size__tile_overlayer_lowered;
	s6 =	simm.s32 $_tile_overlayer_lowered  }
0x9b: {  	s22 =	simm.s32 $0x1BFF;
	s21 =	sshll.u32 s6, $0x1;
	s3 =	sadd.s32 s4, s19  }
0x9c: {  	s7 =	simm.s32 $0x0;
	s20 =	sshll.u32 s5, $0x1;
	s5 =	sadd.s32 s21, s3  }
0x9d: {  	[timem:s7], [sflag:s22] =	dma.local [hbm:s5], s20  }
0x9e: {  	_ =	swait.ge [sflag:s22], s20  }
0x9f: {  	s4 =	ssub.s32 $0x0, s20;
	[sflag:s22] =	ssyncset.done $0x0  }
0xa0: {  	[sflag:s22] =	ssyncadd.s32 s4;
	_ =	sdelay $0x1  }
0xa1: {  	s23 =	simm.s32 $0x1B8B  }
0xa2: {  	_ =	swait.ge [sflag:s23], $0x1  }
0xa3: {  	[sflag:s23] =	ssyncset.done $0x0  }
0xa4: {  	s25 =	simm.s32 $0x1B8E;
	s24 =	sld [smem:$0x3FFE];
	[sflag:s23] =	ssyncadd.s32 $0xFFFFFFFF  }
0xa5: {  	s26 =	simm.s32 $execute0_lowered;
	[smem:$0x3FD2] =	sst s25  }
0xa6: {  	s5 =	sshll.u32 s26, $0x1;
	_ =	strace $0x80000046;
	[dreg:$0x1] =	wrdreg $0xFFFFFFFF  }
0xa7: {  	s28 =	simm.s32 $_size_execute0_lowered;
	s3 =	sadd.s32 s3, s5;
	[dreg:$0x0] =	wrdreg $0x0  }
0xa8: {  	s5 =	sshll.u32 s28, $0x1;
	[dreg:$0x2] =	wrdreg s3  }
0xa9: {  	[dreg:$0x3] =	wrdreg s5  }
0xaa: {  	[dreg:$0x4] =	wrdreg $0xC0  }
0xab: {  	_ =	task [dreg:s7], $0x5FFFF  }
0xac: {  	[dreg:$0x1] =	wrdreg $0xFFFFFFFF  }
0xad: {  	[dreg:$0x0] =	wrdreg $0x60  }
0xae: {  	[dreg:$0x2] =	wrdreg s24  }
0xaf: {  	[dreg:$0x3] =	wrdreg s2  }
0xb0: {  	[dreg:$0x4] =	wrdreg $0x9  }
0xb1: {  	_ =	task.clear_ibuf [dreg:s7], $0x5FFFF;
	_ =	strace $0x90000046  }
0xb2: {  	s29 =	simm.s32 $0x9;
	_ =	strace $0x80000048  }
0xb3: {  	_ =	swait.ge [sflag:s29], $0x1  }
0xb4: {  	[sflag:s29] =	ssyncadd.s32 $0xFFFFFFFF  }
0xb5: {  	_ =	strace $0x90000048  }
0xb6: {  	_ =	sfence  }
0xb7: {  	s30 =	sld [smem:$0x0];
	_ =	sdelay $0x2  }
0xb8: {  	s31 =	sshll.u32 s1, $0xD;
	s1 =	sshrl.u32 s1, $0x2  }
0xb9: {  	s3 =	sand.u32 $0x4000, s31;
	s1 =	sadd.s32 s1, s30  }
0xba: {  	s0 =	sor.u32 s3, s0;
	s1 =	sshll.u32 s1, $0x11  }
0xbb: {  	s0 =	sor.u32 s1, s0  }
0xbc: {  	s0 =	sadd.s32 $0x8F2B, s0  }
0xbd: {  	[sflag:s0] =	ssyncadd.remote.s32 $0x1  }
0xbe: {  	_ =	sfence.sel $0xFFFF  }
0xbf: {  	[dreg:$0x0] =	wrdreg $0xFFFFFFFF;
	(pc) =	sbr.abs _section_cstart, $3  }
0xc0: {  	[dreg:$0x1] =	wrdreg $0xFFFFFFFF  }
0xc1: {  	_ =	task.clear_ibuf [dreg:s7], $0x2FFFF;
	_ =	strace $0x9FFFFFFF  }
0xc2: {  	(tm) =	ssettm $0x7FFFFFFF  }
0xc3: {  	_ =	shalt  }
tec
execute0_lowered:
.L_overlay_start_1:
0x0: {  	(tag) =	ssettag $0x1  }
0x1: {  	s0 =	rddreg [dreg:$0x0]  }
0x2: {  	s1 =	rddreg [dreg:$0x1];
	s2 =	simm.s32 $0x0  }
0x3: {  	s3 =	srdreg.scid;
	s11 =	stileid.u32;
	s18 =	simm.s32 $0x1  }
0x4: {  	s19 =	simm.s32 $0x80;
	s28 =	simm.s32 $0x600;
	s29 =	simm.s32 $0xA00  }
0x5: {  	s30 =	simm.s32 $0xD80;
	s31 =	simm.s32 $0x2600;
	s14 =	simm.s32 $0x0  }
0x6: {  	[smem:$0x7FF] =	sst s2;
	s4 =	sadd.s32 $0x4A00, s0;
	s5 =	sadd.s32 $0x2A00, s0  }
0x7: {  	s3 =	sand.u32 $0x1, s3;
	s6 =	sadd.s32 $0xA00, s0;
	s7 =	sshll.u32 s11, $0xD  }
0x8: {  	v0 =	vmov s11;
	s11 =	simm.s32 $0x6;
	_ =	strace $0x80000047;
	s8 =	ssub.s32 $0x2, s3  }
0x9: {  	s0 =	sadd.s32 s7, s0;
	s9 =	sshll.u32 s3, $0xC;
	s7 =	sshll.u32 s3, $0xF  }
0xa: {  	s3 =	sshll.u32 s3, $0x11;
	s20 =	sshrl.u32 s8, $0x1;
	s10 =	sadd.s32 s6, s9  }
0xb: {  	s21 =	sadd.s32 s5, s9;
	s22 =	sor.u32 $0x40, s9;
	[dreg:$0x3] =	wrdreg s10  }
0xc: {  	s9 =	sadd.s32 s1, s9;
	s0 =	sadd.s32 s3, s0;
	[dreg:$0x4] =	wrdreg s21  }
0xd: {  	s3 =	simm.s32 $0x2E00;
	s8 =	ssub.s32 s8, s20;
	[dreg:$0x5] =	wrdreg s9  }
0xe: {  	s23 =	sadd.s32 s6, s22;
	s24 =	sadd.s32 s5, s22;
	s25 =	sadd.s32 s1, s22  }
0xf: {  	v1 =	vimm.f32 $0.0e+00;
	v2 =	vimm.s32 $0x4;
	v3 =	vimm.s32 $0x0;
	s0 =	sadd.s32 $0x24A00, s0;
	s20 =	simm.s32 $0xC00;
	[dreg:$0x6] =	wrdreg s23  }
0x10: {  	v4 =	vlaneseq.u32;
	v5 =	vimm.s32 $0x1;
	v6 =	vimm.s32 $0x2;
	s21 =	simm.s32 $0xE00;
	s22 =	simm.s32 $0xC80;
	[dreg:$0x7] =	wrdreg s24  }
0x11: {  	v7 =	vimm.s32 $0x3;
	v8 =	vimm.s32 $0x5;
	v9 =	vimm.s32 $0x6;
	s9 =	simm.s32 $0x4;
	s10 =	simm.s32 $0x5;
	[dreg:$0x8] =	wrdreg s25  }
0x12: {  	v10 =	vimm.s32 $0x7;
	v11 =	vimm.s32 $0x8;
	v12 =	vimm.s32 $0x9;
	[dreg:$0x9] =	wrdreg s0;
	s26 =	smax.u32 s8, $0x1;
	s23 =	simm.s32 $0x1600  }
0x13: {  	v13 =	vimm.s32 $0xA;
	v14 =	vimm.s32 $0xB;
	v15 =	vimm.s32 $0xC;
	s24 =	simm.s32 $0xD00;
	s25 =	simm.s32 $0x1E00;
	s0 =	simm.s32 $0x3  }
0x14: {  	v16 =	vimm.s32 $0xD;
	v17 =	vimm.s32 $0xE;
	v18 =	vimm.s32 $0xF;
	s8 =	simm.s32 $0x2;
	[dreg:$0xa] =	wrdreg s26;
	s26 =	simm.s32 $0x200  }
.LBB2_1:
0x15: {  	[dreg:$0xb] =	wrdreg s14;
	s12 =	simm.s32 $0x2E40  }
0x16: {  	[tilespmem:s12+$0xFFFFFFC0] =	vst v1  }
0x17: {  	[tilespmem:s12+$0x30] =	vst v1  }
0x18: {  	[tilespmem:s12+$0x20] =	vst v1  }
0x19: {  	[tilespmem:s12+$0x10] =	vst v1  }
0x1a: {  	[tilespmem:s12+$0x0] =	vst v1  }
0x1b: {  	[tilespmem:s12+$0xFFFFFFF0] =	vst v1  }
0x1c: {  	s13 =	simm.s32 $0x0;
	[tilespmem:s12+$0xFFFFFFE0] =	vst v1  }
.LBB2_2:
0x1d: {  	s13 =	sadd.s32 $0x80, s13;
	[tilespmem:s12+$0xFFFFFFD0] =	vst v1;
	s12 =	sadd.s32 $0x80, s12  }
0x1e: {  	[tilespmem:s12+$0xFFFFFFC0] =	vst v1;
	p0 =	slt.u32 s13, $0xFF80  }
0x1f: {  	[tilespmem:s12+$0x30] =	vst v1  }
.Ltmp0:
0x20: {  	[tilespmem:s12+$0x20] =	vst v1;
	(pc) =	sbr.rel @p0 .LBB2_2-.Ltmp0, $4  }
0x21: {  	[tilespmem:s12+$0x10] =	vst v1  }
0x22: {  	[tilespmem:s12+$0x0] =	vst v1  }
0x23: {  	[tilespmem:s12+$0xFFFFFFF0] =	vst v1  }
0x24: {  	[tilespmem:s12+$0xFFFFFFE0] =	vst v1  }
0x25: {  	[tilespmem:s12+$0xFFFFFFD0] =	vst v1  }
0x26: {  	s12 =	rddreg [dreg:$0x3]  }
0x27: {  	[tilespmem:s2], [sflag:$0x1] =	stream.linear.gather [hbm4b:s12+s2], $0x200, $0x38;
	[tilespmem:$0x12E00] =	vst v63  }
0x28: {  	s13 =	simm.s32 $0x400;
	s14 =	rddreg [dreg:$0x4]  }
0x29: {  	[tilespmem:s13], [sflag:$0x1] =	stream.linear.gather [hbm4b:s14+s2], $0x200, $0x38;
	[tilespmem:$0x12E00] =	vst v63  }
0x2a: {  	s16 =	simm.s32 $0x800;
	s15 =	rddreg [dreg:$0x5]  }
0x2b: {  	[tilespmem:s16], [sflag:$0x1] =	stream.linear.gather [hbm4b:s15+s2], $0x200, $0x38;
	[tilespmem:$0x12E00] =	vst v63  }
0x2c: {  	_ =	swait.ge [sflag:s18], $0x200  }
0x2d: {  	[sflag:s18] =	ssyncset.done $0x0  }
0x2e: {  	[sflag:s18] =	ssyncadd.s32 $0xFFFFFE00  }
0x2f: {  	_ =	swait.ge [sflag:s18], $0x200  }
0x30: {  	[sflag:s18] =	ssyncset.done $0x0  }
0x31: {  	[sflag:s18] =	ssyncadd.s32 $0xFFFFFE00  }
0x32: {  	_ =	swait.ge [sflag:s18], $0x200  }
0x33: {  	[sflag:s18] =	ssyncset.done $0x0  }
0x34: {  	s17 =	simm.s32 $0x10;
	[sflag:s18] =	ssyncadd.s32 $0xFFFFFE00  }
0x35: {  	v19 =	vld [tilespmem:s17+$0xFFFFFFF0]  }
0x36: {  	v21 =	vld [tilespmem:s17+$0x0];
	_ =	sdelay $0x3  }
0x37: {  	s14 =	simm.s32 $0x30;
	v19 =	vshll.u32 v19, $0x4  }
0x38: {  	s12 =	simm.s32 $0xC10;
	v20 =	vld [tilespmem:s14+$0xFFFFFFF0];
	v21 =	vshll.u32 v21, $0x4;
	v22 =	vor.u32 v0, v19  }
0x39: {  	s13 =	simm.s32 $0x20;
	v19 =	vld [tilespmem:s14+$0x0];
	v21 =	vor.u32 v0, v21;
	[tilespmem:s12+$0xFFFFFFF0] =	vst v22  }
.LBB2_4:
0x3a: {  	s13 =	sadd.s32 $0x20, s13  }
0x3b: {  	[tilespmem:s12+$0x0] =	vst v21;
	s12 =	sadd.s32 $0x20, s12;
	p0 =	slt.u32 s13, $0x60  }
.Ltmp1:
0x3c: {  	(pc) =	sbr.rel @p0 .LBB2_4-.Ltmp1, $4  }
0x3d: {  	_ = 	snop  }
0x3e: {  	s14 =	sadd.s32 $0x20, s14;
	v21 =	vshll.u32 v20, $0x4  }
0x3f: {  	v20 =	vld [tilespmem:s14+$0xFFFFFFF0];
	v21 =	vor.u32 v0, v21;
	v22 =	vshll.u32 v19, $0x4  }
0x40: {  	v19 =	vld [tilespmem:s14+$0x0];
	[tilespmem:s12+$0xFFFFFFF0] =	vst v21;
	v21 =	vor.u32 v0, v22  }
0x41: {  	_ =	sdelay $0x2  }
0x42: {  	v20 =	vshll.u32 v20, $0x4  }
0x43: {  	[tilespmem:s12+$0x0] =	vst v21;
	s16 =	sadd.s32 $0x20, s12;
	v20 =	vor.u32 v0, v20;
	v19 =	vshll.u32 v19, $0x4  }
0x44: {  	[tilespmem:s16+$0xFFFFFFF0] =	vst v20;
	v19 =	vor.u32 v0, v19  }
0x45: {  	s17 =	simm.s32 $0x90;
	[tilespmem:s16+$0x0] =	vst v19  }
0x46: {  	[tilespmem:s21], [sflag:$0x3] =	stream.indirect.gather [hbm4b:s4+s19], $0x10, s20, s19, $0xb8;
	[tilespmem:$0x12E00] =	vst v63  }
0x47: {  	v19 =	vld [tilespmem:s17+$0xFFFFFFF0]  }
0x48: {  	v21 =	vld [tilespmem:s17+$0x0];
	_ =	sdelay $0x3  }
0x49: {  	s14 =	simm.s32 $0xB0;
	v19 =	vshll.u32 v19, $0x4  }
0x4a: {  	s12 =	simm.s32 $0xC90;
	v20 =	vld [tilespmem:s14+$0xFFFFFFF0];
	v21 =	vshll.u32 v21, $0x4;
	v22 =	vor.u32 v0, v19  }
0x4b: {  	s13 =	simm.s32 $0x20;
	v19 =	vld [tilespmem:s14+$0x0];
	v21 =	vor.u32 v0, v21;
	[tilespmem:s12+$0xFFFFFFF0] =	vst v22  }
.LBB2_6:
0x4c: {  	s13 =	sadd.s32 $0x20, s13  }
0x4d: {  	[tilespmem:s12+$0x0] =	vst v21;
	s12 =	sadd.s32 $0x20, s12;
	p0 =	slt.u32 s13, $0x60  }
.Ltmp2:
0x4e: {  	(pc) =	sbr.rel @p0 .LBB2_6-.Ltmp2, $4  }
0x4f: {  	_ = 	snop  }
0x50: {  	s14 =	sadd.s32 $0x20, s14;
	v21 =	vshll.u32 v20, $0x4  }
0x51: {  	v20 =	vld [tilespmem:s14+$0xFFFFFFF0];
	v21 =	vor.u32 v0, v21;
	v22 =	vshll.u32 v19, $0x4  }
0x52: {  	v19 =	vld [tilespmem:s14+$0x0];
	[tilespmem:s12+$0xFFFFFFF0] =	vst v21;
	v21 =	vor.u32 v0, v22  }
0x53: {  	_ =	sdelay $0x2  }
0x54: {  	v20 =	vshll.u32 v20, $0x4  }
0x55: {  	[tilespmem:s12+$0x0] =	vst v21;
	s16 =	sadd.s32 $0x20, s12;
	v20 =	vor.u32 v0, v20;
	v19 =	vshll.u32 v19, $0x4  }
0x56: {  	[tilespmem:s16+$0xFFFFFFF0] =	vst v20;
	v19 =	vor.u32 v0, v19  }
0x57: {  	s17 =	simm.s32 $0x110;
	[tilespmem:s16+$0x0] =	vst v19  }
0x58: {  	[tilespmem:s23], [sflag:$0x4] =	stream.indirect.gather [hbm4b:s4+s19], $0x10, s22, s19, $0xb8;
	[tilespmem:$0x12E00] =	vst v63  }
0x59: {  	v19 =	vld [tilespmem:s17+$0xFFFFFFF0]  }
0x5a: {  	v21 =	vld [tilespmem:s17+$0x0];
	_ =	sdelay $0x3  }
0x5b: {  	s14 =	simm.s32 $0x130;
	v19 =	vshll.u32 v19, $0x4  }
0x5c: {  	s12 =	simm.s32 $0xD10;
	v20 =	vld [tilespmem:s14+$0xFFFFFFF0];
	v21 =	vshll.u32 v21, $0x4;
	v22 =	vor.u32 v0, v19  }
0x5d: {  	s13 =	simm.s32 $0x20;
	v19 =	vld [tilespmem:s14+$0x0];
	v21 =	vor.u32 v0, v21;
	[tilespmem:s12+$0xFFFFFFF0] =	vst v22  }
.LBB2_8:
0x5e: {  	s13 =	sadd.s32 $0x20, s13  }
0x5f: {  	[tilespmem:s12+$0x0] =	vst v21;
	s12 =	sadd.s32 $0x20, s12;
	p0 =	slt.u32 s13, $0x60  }
.Ltmp3:
0x60: {  	(pc) =	sbr.rel @p0 .LBB2_8-.Ltmp3, $4  }
0x61: {  	_ = 	snop  }
0x62: {  	s14 =	sadd.s32 $0x20, s14;
	v21 =	vshll.u32 v20, $0x4  }
0x63: {  	v20 =	vld [tilespmem:s14+$0xFFFFFFF0];
	v21 =	vor.u32 v0, v21;
	v22 =	vshll.u32 v19, $0x4  }
0x64: {  	v19 =	vld [tilespmem:s14+$0x0];
	[tilespmem:s12+$0xFFFFFFF0] =	vst v21;
	v21 =	vor.u32 v0, v22  }
0x65: {  	_ =	sdelay $0x2  }
0x66: {  	v20 =	vshll.u32 v20, $0x4  }
0x67: {  	[tilespmem:s12+$0x0] =	vst v21;
	s15 =	sadd.s32 $0x20, s12;
	v20 =	vor.u32 v0, v20;
	v19 =	vshll.u32 v19, $0x4  }
0x68: {  	[tilespmem:s15+$0xFFFFFFF0] =	vst v20;
	v19 =	vor.u32 v0, v19  }
0x69: {  	[tilespmem:s15+$0x0] =	vst v19  }
0x6a: {  	[tilespmem:s25], [sflag:$0x5] =	stream.indirect.gather [hbm4b:s4+s19], $0x10, s24, s19, $0xb8;
	[tilespmem:$0x12E00] =	vst v63  }
0x6b: {  	s14 =	simm.s32 $0x0;
	s12 =	rddreg [dreg:$0x6]  }
0x6c: {  	[tilespmem:s26], [sflag:$0x2] =	stream.linear.gather [hbm4b:s12+s14], $0x200, $0x38;
	[tilespmem:$0x12E00] =	vst v63  }
0x6d: {  	s16 =	rddreg [dreg:$0x7]  }
0x6e: {  	[tilespmem:s28], [sflag:$0x2] =	stream.linear.gather [hbm4b:s16+s14], $0x200, $0x38;
	[tilespmem:$0x12E00] =	vst v63  }
0x6f: {  	s17 =	rddreg [dreg:$0x8]  }
0x70: {  	[tilespmem:s29], [sflag:$0x2] =	stream.linear.gather [hbm4b:s17+s14], $0x200, $0x38;
	[tilespmem:$0x12E00] =	vst v63  }
.LBB2_10:
0x71: {  	s12 =	simm.s32 $0x190  }
0x72: {  	v19 =	vld [tilespmem:s12+$0xFFFFFFF0]  }
0x73: {  	v21 =	vld [tilespmem:s12+$0x0];
	_ =	sdelay $0x3  }
0x74: {  	s15 =	simm.s32 $0x1B0;
	v19 =	vshll.u32 v19, $0x4  }
0x75: {  	s12 =	simm.s32 $0xD90;
	v20 =	vld [tilespmem:s15+$0xFFFFFFF0];
	v21 =	vshll.u32 v21, $0x4;
	v22 =	vor.u32 v0, v19  }
0x76: {  	s13 =	simm.s32 $0x20;
	v19 =	vld [tilespmem:s15+$0x0];
	v21 =	vor.u32 v0, v21;
	[tilespmem:s12+$0xFFFFFFF0] =	vst v22  }
.LBB2_11:
0x77: {  	s13 =	sadd.s32 $0x20, s13  }
0x78: {  	[tilespmem:s12+$0x0] =	vst v21;
	s12 =	sadd.s32 $0x20, s12;
	p0 =	slt.u32 s13, $0x60  }
.Ltmp4:
0x79: {  	(pc) =	sbr.rel @p0 .LBB2_11-.Ltmp4, $4  }
0x7a: {  	_ = 	snop  }
0x7b: {  	s15 =	sadd.s32 $0x20, s15;
	v21 =	vshll.u32 v20, $0x4  }
0x7c: {  	v20 =	vld [tilespmem:s15+$0xFFFFFFF0];
	v21 =	vor.u32 v0, v21;
	v22 =	vshll.u32 v19, $0x4  }
0x7d: {  	v19 =	vld [tilespmem:s15+$0x0];
	[tilespmem:s12+$0xFFFFFFF0] =	vst v21;
	v21 =	vor.u32 v0, v22  }
0x7e: {  	_ =	sdelay $0x2  }
0x7f: {  	v20 =	vshll.u32 v20, $0x4  }
0x80: {  	[tilespmem:s12+$0x0] =	vst v21;
	s17 =	sadd.s32 $0x20, s12;
	v20 =	vor.u32 v0, v20;
	v19 =	vshll.u32 v19, $0x4  }
0x81: {  	[tilespmem:s17+$0xFFFFFFF0] =	vst v20;
	v19 =	vor.u32 v0, v19  }
0x82: {  	[tilespmem:s17+$0x0] =	vst v19  }
0x83: {  	[tilespmem:s31], [sflag:$0x6] =	stream.indirect.gather [hbm4b:s4+s19], $0x10, s30, s19, $0xb8;
	[tilespmem:$0x12E00] =	vst v63  }
0x84: {  	_ =	swait.ge [sflag:s0], $0x800  }
0x85: {  	[sflag:s0] =	ssyncset.done $0x0  }
0x86: {  	s12 =	simm.s32 $0x0;
	p0 =	por $0x1, $0x1;
	[sflag:s0] =	ssyncadd.s32 $0xFFFFF800  }
.LBB2_13:
0x87: {  	s13 =	sshll.u32 s12, $0x4  }
0x88: {  	v20 =	vld [tilespmem:s13+$0x400];
	_ =	sdelay $0x3  }
0x89: {  	s12 =	sshll.u32 s12, $0x8;
	v19 =	vld [tilespmem:s13+$0x800]  }
0x8a: {  	s15 =	sand.u32 $0x3FFFFF00, s12;
	v20 =	vshll.u32 v20, $0x4  }
0x8b: {  	v22 =	vld [tilespmem:s15+$0xE00];
	v21 =	vperm.xlane v20, v3;
	_ =	sdelay $0x1  }
0x8c: {  	v21 =	vor.u32 v4, v21  }
0x8d: {  	v23 =	vperm.xlane v19, v3;
	_ =	sdelay $0x1  }
0x8e: {  	v22 =	vmul.f32 v22, v23;
	_ =	sdelay $0x1  }
0x8f: {  	[tilespmem:v21+s3+$0x0] =	vst.idx.add.f32.msk $0xffff, v22  }
0x90: {  	v51 =	vperm.xlane v20, v5;
	v22 =	vld [tilespmem:s15+$0xE10];
	_ =	sdelay $0x1  }
0x91: {  	v21 =	vor.u32 v4, v51  }
0x92: {  	v52 =	vperm.xlane v19, v5;
	_ =	sdelay $0x1  }
0x93: {  	v22 =	vmul.f32 v22, v52;
	_ =	sdelay $0x1  }
0x94: {  	[tilespmem:v21+s3+$0x0] =	vst.idx.add.f32.msk $0xffff, v22  }
0x95: {  	v53 =	vperm.xlane v20, v6;
	v22 =	vld [tilespmem:s15+$0xE20];
	_ =	sdelay $0x1  }
0x96: {  	v21 =	vor.u32 v4, v53  }
0x97: {  	v54 =	vperm.xlane v19, v6;
	_ =	sdelay $0x1  }
0x98: {  	v22 =	vmul.f32 v22, v54;
	_ =	sdelay $0x1  }
0x99: {  	[tilespmem:v21+s3+$0x0] =	vst.idx.add.f32.msk $0xffff, v22  }
0x9a: {  	v55 =	vperm.xlane v20, v7;
	v22 =	vld [tilespmem:s15+$0xE30];
	_ =	sdelay $0x1  }
0x9b: {  	v21 =	vor.u32 v4, v55  }
0x9c: {  	v56 =	vperm.xlane v19, v7;
	_ =	sdelay $0x1  }
0x9d: {  	v22 =	vmul.f32 v22, v56;
	_ =	sdelay $0x1  }
0x9e: {  	[tilespmem:v21+s3+$0x0] =	vst.idx.add.f32.msk $0xffff, v22  }
0x9f: {  	v57 =	vperm.xlane v20, v2;
	v22 =	vld [tilespmem:s15+$0xE40];
	_ =	sdelay $0x1  }
0xa0: {  	v21 =	vor.u32 v4, v57  }
0xa1: {  	v58 =	vperm.xlane v19, v2  }
0xa2: {  	v59 =	vld [tilespmem:s13+$0x410]  }
0xa3: {  	v25 =	vld [tilespmem:s13+$0x420];
	v22 =	vmul.f32 v22, v58  }
0xa4: {  	v27 =	vld [tilespmem:s13+$0x430]  }
0xa5: {  	[tilespmem:v21+s3+$0x0] =	vst.idx.add.f32.msk $0xffff, v22  }
0xa6: {  	s16 =	sor.u32 $0x100, s12;
	v21 =	vld [tilespmem:s13+$0x810]  }
0xa7: {  	s17 =	sor.u32 $0x200, s12;
	s16 =	sand.u32 $0x3FFFFF00, s16;
	v24 =	vshll.u32 v59, $0x4;
	v22 =	vld [tilespmem:s13+$0x820]  }
0xa8: {  	v26 =	vld [tilespmem:s16+$0xE00];
	s16 =	sand.u32 $0x3FFFFF00, s17;
	v25 =	vshll.u32 v25, $0x4;
	v23 =	vperm.xlane v24, v3  }
0xa9: {  	v32 =	vld [tilespmem:s16+$0xE00];
	v31 =	vperm.xlane v25, v3  }
0xaa: {  	v29 =	vor.u32 v4, v23  }
0xab: {  	v31 =	vor.u32 v4, v31;
	v30 =	vperm.xlane v21, v3  }
0xac: {  	s12 =	sor.u32 $0x300, s12;
	v60 =	vperm.xlane v22, v3  }
0xad: {  	s12 =	sand.u32 $0x3FFFFF00, s12;
	v23 =	vld [tilespmem:s13+$0x830];
	v30 =	vmul.f32 v26, v30  }
0xae: {  	v35 =	vld [tilespmem:s12+$0xE00];
	v26 =	vshll.u32 v27, $0x4;
	v27 =	vmul.f32 v32, v60  }
0xaf: {  	v34 =	vperm.xlane v26, v3;
	[tilespmem:v29+s3+$0x0] =	vst.idx.add.f32.msk $0xffff, v30  }
0xb0: {  	[tilespmem:v31+s3+$0x0] =	vst.idx.add.f32.msk $0xffff, v27  }
0xb1: {  	v61 =	vperm.xlane v24, v5;
	v30 =	vld [tilespmem:s15+$0xF10];
	v62 =	vor.u32 v4, v34  }
0xb2: {  	v41 =	vperm.xlane v25, v5;
	v63 =	vperm.xlane v23, v3;
	v31 =	vld [tilespmem:s15+$0x1010]  }
0xb3: {  	v29 =	vor.u32 v4, v61  }
0xb4: {  	v40 =	vperm.xlane v21, v5;
	v27 =	vor.u32 v4, v41;
	v34 =	vmul.f32 v35, v63  }
0xb5: {  	v33 =	vperm.xlane v20, v8;
	v28 =	vld [tilespmem:s15+$0xE50];
	v43 =	vperm.xlane v22, v5  }
0xb6: {  	v42 =	vmul.f32 v30, v40;
	[tilespmem:v62+s3+$0x0] =	vst.idx.add.f32.msk $0xffff, v34  }
0xb7: {  	v33 =	vor.u32 v4, v33;
	v30 =	vmul.f32 v31, v43;
	v45 =	vld [tilespmem:s15+$0x1110]  }
0xb8: {  	v36 =	vperm.xlane v19, v8;
	v44 =	vperm.xlane v26, v5;
	[tilespmem:v29+s3+$0x0] =	vst.idx.add.f32.msk $0xffff, v42  }
0xb9: {  	[tilespmem:v27+s3+$0x0] =	vst.idx.add.f32.msk $0xffff, v30  }
0xba: {  	v46 =	vperm.xlane v24, v6;
	v28 =	vmul.f32 v28, v36;
	v47 =	vor.u32 v4, v44;
	v29 =	vld [tilespmem:s15+$0xF20]  }
0xbb: {  	v50 =	vperm.xlane v23, v5;
	v52 =	vperm.xlane v25, v6;
	v30 =	vld [tilespmem:s15+$0x1020]  }
0xbc: {  	[tilespmem:v33+s3+$0x0] =	vst.idx.add.f32.msk $0xffff, v28;
	v28 =	vor.u32 v4, v46  }
0xbd: {  	v51 =	vperm.xlane v21, v6;
	v27 =	vor.u32 v4, v52;
	v33 =	vmul.f32 v45, v50  }
0xbe: {  	v54 =	vperm.xlane v22, v6;
	v49 =	vld [tilespmem:s15+$0xE60]  }
0xbf: {  	v48 =	vperm.xlane v20, v9;
	v29 =	vmul.f32 v29, v51;
	[tilespmem:v47+s3+$0x0] =	vst.idx.add.f32.msk $0xffff, v33  }
0xc0: {  	v30 =	vmul.f32 v30, v54;
	v56 =	vld [tilespmem:s15+$0x1120]  }
0xc1: {  	v32 =	vor.u32 v4, v48;
	v55 =	vperm.xlane v26, v6;
	[tilespmem:v28+s3+$0x0] =	vst.idx.add.f32.msk $0xffff, v29  }
0xc2: {  	v53 =	vperm.xlane v19, v9;
	[tilespmem:v27+s3+$0x0] =	vst.idx.add.f32.msk $0xffff, v30  }
0xc3: {  	v59 =	vperm.xlane v23, v6;
	v57 =	vperm.xlane v24, v7;
	v58 =	vor.u32 v4, v55;
	v29 =	vld [tilespmem:s15+$0xF30]  }
0xc4: {  	v61 =	vperm.xlane v25, v7;
	v34 =	vmul.f32 v49, v53;
	v30 =	vld [tilespmem:s15+$0x1030]  }
0xc5: {  	v60 =	vperm.xlane v21, v7;
	v28 =	vor.u32 v4, v57  }
0xc6: {  	[tilespmem:v32+s3+$0x0] =	vst.idx.add.f32.msk $0xffff, v34;
	v27 =	vor.u32 v4, v61;
	v32 =	vmul.f32 v56, v59  }
0xc7: {  	v40 =	vperm.xlane v22, v7  }
0xc8: {  	v29 =	vmul.f32 v29, v60;
	[tilespmem:v58+s3+$0x0] =	vst.idx.add.f32.msk $0xffff, v32  }
0xc9: {  	v30 =	vmul.f32 v30, v40;
	v42 =	vld [tilespmem:s15+$0x1130]  }
0xca: {  	v41 =	vperm.xlane v26, v7;
	[tilespmem:v28+s3+$0x0] =	vst.idx.add.f32.msk $0xffff, v29  }
0xcb: {  	[tilespmem:v27+s3+$0x0] =	vst.idx.add.f32.msk $0xffff, v30  }
0xcc: {  	v44 =	vperm.xlane v24, v2;
	v45 =	vor.u32 v4, v41;
	v29 =	vld [tilespmem:s15+$0xF40]  }
0xcd: {  	v49 =	vperm.xlane v25, v2;
	v47 =	vperm.xlane v23, v7;
	v30 =	vld [tilespmem:s15+$0x1040]  }
0xce: {  	v28 =	vor.u32 v4, v44  }
0xcf: {  	v48 =	vperm.xlane v21, v2;
	v27 =	vor.u32 v4, v49;
	v33 =	vmul.f32 v42, v47  }
0xd0: {  	v62 =	vperm.xlane v20, v10;
	v63 =	vld [tilespmem:s15+$0xE70];
	v50 =	vperm.xlane v22, v2  }
0xd1: {  	v29 =	vmul.f32 v29, v48;
	[tilespmem:v45+s3+$0x0] =	vst.idx.add.f32.msk $0xffff, v33  }
0xd2: {  	v34 =	vor.u32 v4, v62;
	v30 =	vmul.f32 v30, v50;
	v33 =	vld [tilespmem:s15+$0x1140]  }
0xd3: {  	v43 =	vperm.xlane v19, v10;
	v51 =	vperm.xlane v26, v2;
	[tilespmem:v28+s3+$0x0] =	vst.idx.add.f32.msk $0xffff, v29  }
0xd4: {  	[tilespmem:v27+s3+$0x0] =	vst.idx.add.f32.msk $0xffff, v30  }
0xd5: {  	v52 =	vperm.xlane v24, v8;
	v46 =	vmul.f32 v63, v43;
	v53 =	vor.u32 v4, v51;
	v29 =	vld [tilespmem:s15+$0xF50]  }
0xd6: {  	v55 =	vperm.xlane v23, v2;
	v57 =	vperm.xlane v25, v8;
	v30 =	vld [tilespmem:s15+$0x1050]  }
0xd7: {  	[tilespmem:v34+s3+$0x0] =	vst.idx.add.f32.msk $0xffff, v46;
	v28 =	vor.u32 v4, v52  }
0xd8: {  	v56 =	vperm.xlane v21, v8;
	v27 =	vor.u32 v4, v57;
	v33 =	vmul.f32 v33, v55  }
0xd9: {  	v34 =	vld [tilespmem:s15+$0xE80];
	v59 =	vperm.xlane v22, v8  }
0xda: {  	v54 =	vperm.xlane v20, v11;
	v29 =	vmul.f32 v29, v56;
	[tilespmem:v53+s3+$0x0] =	vst.idx.add.f32.msk $0xffff, v33  }
0xdb: {  	v30 =	vmul.f32 v30, v59;
	v61 =	vld [tilespmem:s15+$0x1150]  }
0xdc: {  	v32 =	vor.u32 v4, v54;
	v60 =	vperm.xlane v26, v8;
	[tilespmem:v28+s3+$0x0] =	vst.idx.add.f32.msk $0xffff, v29  }
0xdd: {  	v58 =	vperm.xlane v19, v11;
	[tilespmem:v27+s3+$0x0] =	vst.idx.add.f32.msk $0xffff, v30  }
0xde: {  	v39 =	vperm.xlane v25, v9;
	v62 =	vperm.xlane v24, v9;
	v63 =	vor.u32 v4, v60;
	v29 =	vld [tilespmem:s15+$0xF60]  }
0xdf: {  	v37 =	vperm.xlane v23, v8;
	v34 =	vmul.f32 v34, v58;
	v30 =	vld [tilespmem:s15+$0x1060]  }
0xe0: {  	v38 =	vperm.xlane v21, v9;
	v28 =	vor.u32 v4, v62  }
0xe1: {  	[tilespmem:v32+s3+$0x0] =	vst.idx.add.f32.msk $0xffff, v34;
	v27 =	vor.u32 v4, v39;
	v32 =	vmul.f32 v61, v37  }
0xe2: {  	v42 =	vperm.xlane v22, v9  }
0xe3: {  	v29 =	vmul.f32 v29, v38;
	[tilespmem:v63+s3+$0x0] =	vst.idx.add.f32.msk $0xffff, v32  }
0xe4: {  	v30 =	vmul.f32 v30, v42;
	v44 =	vld [tilespmem:s15+$0x1160]  }
0xe5: {  	v43 =	vperm.xlane v26, v9;
	[tilespmem:v28+s3+$0x0] =	vst.idx.add.f32.msk $0xffff, v29  }
0xe6: {  	[tilespmem:v27+s3+$0x0] =	vst.idx.add.f32.msk $0xffff, v30  }
0xe7: {  	v46 =	vperm.xlane v24, v10;
	v47 =	vor.u32 v4, v43;
	v29 =	vld [tilespmem:s15+$0xF70]  }
0xe8: {  	v51 =	vperm.xlane v25, v10;
	v49 =	vperm.xlane v23, v9;
	v30 =	vld [tilespmem:s15+$0x1070]  }
0xe9: {  	v28 =	vor.u32 v4, v46  }
0xea: {  	v50 =	vperm.xlane v21, v10;
	v27 =	vor.u32 v4, v51;
	v33 =	vmul.f32 v44, v49  }
0xeb: {  	v41 =	vld [tilespmem:s15+$0xE90];
	v52 =	vperm.xlane v22, v10  }
0xec: {  	v40 =	vperm.xlane v20, v12;
	v29 =	vmul.f32 v29, v50;
	[tilespmem:v47+s3+$0x0] =	vst.idx.add.f32.msk $0xffff, v33  }
0xed: {  	v30 =	vmul.f32 v30, v52;
	v33 =	vld [tilespmem:s15+$0x1170]  }
0xee: {  	v34 =	vor.u32 v4, v40;
	v53 =	vperm.xlane v26, v10;
	[tilespmem:v28+s3+$0x0] =	vst.idx.add.f32.msk $0xffff, v29  }
0xef: {  	v45 =	vperm.xlane v19, v12;
	[tilespmem:v27+s3+$0x0] =	vst.idx.add.f32.msk $0xffff, v30  }
0xf0: {  	v54 =	vperm.xlane v24, v11;
	v57 =	vperm.xlane v23, v10;
	v55 =	vor.u32 v4, v53;
	v29 =	vld [tilespmem:s15+$0xF80]  }
0xf1: {  	v48 =	vmul.f32 v41, v45;
	v59 =	vperm.xlane v25, v11;
	v30 =	vld [tilespmem:s15+$0x1080]  }
0xf2: {  	v58 =	vperm.xlane v21, v11;
	v28 =	vor.u32 v4, v54  }
0xf3: {  	[tilespmem:v34+s3+$0x0] =	vst.idx.add.f32.msk $0xffff, v48;
	v27 =	vor.u32 v4, v59;
	v33 =	vmul.f32 v33, v57  }
0xf4: {  	v34 =	vld [tilespmem:s15+$0xEA0];
	v61 =	vperm.xlane v22, v11  }
0xf5: {  	v56 =	vperm.xlane v20, v13;
	v29 =	vmul.f32 v29, v58;
	[tilespmem:v55+s3+$0x0] =	vst.idx.add.f32.msk $0xffff, v33  }
0xf6: {  	v60 =	vperm.xlane v19, v13;
	v30 =	vmul.f32 v30, v61;
	v63 =	vld [tilespmem:s15+$0x1180]  }
0xf7: {  	v62 =	vperm.xlane v26, v11;
	v32 =	vor.u32 v4, v56;
	[tilespmem:v28+s3+$0x0] =	vst.idx.add.f32.msk $0xffff, v29  }
0xf8: {  	[tilespmem:v27+s3+$0x0] =	vst.idx.add.f32.msk $0xffff, v30  }
0xf9: {  	v40 =	vperm.xlane v24, v12;
	v34 =	vmul.f32 v34, v60;
	v41 =	vor.u32 v4, v62;
	v29 =	vld [tilespmem:s15+$0xF90]  }
0xfa: {  	v42 =	vperm.xlane v23, v11;
	v44 =	vperm.xlane v25, v12;
	v30 =	vld [tilespmem:s15+$0x1090]  }
0xfb: {  	v43 =	vperm.xlane v21, v12;
	v28 =	vor.u32 v4, v40  }
0xfc: {  	[tilespmem:v32+s3+$0x0] =	vst.idx.add.f32.msk $0xffff, v34;
	v27 =	vor.u32 v4, v44;
	v32 =	vmul.f32 v63, v42  }
0xfd: {  	v47 =	vperm.xlane v22, v12  }
0xfe: {  	v29 =	vmul.f32 v29, v43;
	[tilespmem:v41+s3+$0x0] =	vst.idx.add.f32.msk $0xffff, v32  }
0xff: {  	v30 =	vmul.f32 v30, v47;
	v49 =	vld [tilespmem:s15+$0x1190]  }
0x100: {  	v48 =	vperm.xlane v26, v12;
	[tilespmem:v28+s3+$0x0] =	vst.idx.add.f32.msk $0xffff, v29  }
0x101: {  	[tilespmem:v27+s3+$0x0] =	vst.idx.add.f32.msk $0xffff, v30  }
0x102: {  	v51 =	vperm.xlane v24, v13;
	v52 =	vor.u32 v4, v48;
	v29 =	vld [tilespmem:s15+$0xFA0]  }
0x103: {  	v56 =	vperm.xlane v25, v13;
	v54 =	vperm.xlane v23, v12;
	v30 =	vld [tilespmem:s15+$0x10A0]  }
0x104: {  	v28 =	vor.u32 v4, v51  }
0x105: {  	v55 =	vperm.xlane v21, v13;
	v27 =	vor.u32 v4, v56;
	v33 =	vmul.f32 v49, v54  }
0x106: {  	v45 =	vperm.xlane v20, v14;
	v46 =	vld [tilespmem:s15+$0xEB0];
	v57 =	vperm.xlane v22, v13  }
0x107: {  	v29 =	vmul.f32 v29, v55;
	[tilespmem:v52+s3+$0x0] =	vst.idx.add.f32.msk $0xffff, v33  }
0x108: {  	v34 =	vor.u32 v4, v45;
	v30 =	vmul.f32 v30, v57;
	v33 =	vld [tilespmem:s15+$0x11A0]  }
0x109: {  	v50 =	vperm.xlane v19, v14;
	v58 =	vperm.xlane v26, v13;
	[tilespmem:v28+s3+$0x0] =	vst.idx.add.f32.msk $0xffff, v29  }
0x10a: {  	[tilespmem:v27+s3+$0x0] =	vst.idx.add.f32.msk $0xffff, v30  }
0x10b: {  	v59 =	vperm.xlane v24, v14;
	v53 =	vmul.f32 v46, v50;
	v60 =	vor.u32 v4, v58;
	v29 =	vld [tilespmem:s15+$0xFB0]  }
0x10c: {  	v39 =	vperm.xlane v25, v14;
	v62 =	vperm.xlane v23, v13;
	v30 =	vld [tilespmem:s15+$0x10B0]  }
0x10d: {  	[tilespmem:v34+s3+$0x0] =	vst.idx.add.f32.msk $0xffff, v53;
	v28 =	vor.u32 v4, v59  }
0x10e: {  	v63 =	vperm.xlane v21, v14;
	v27 =	vor.u32 v4, v39;
	v33 =	vmul.f32 v33, v62  }
0x10f: {  	v34 =	vld [tilespmem:s15+$0xEC0];
	v41 =	vperm.xlane v22, v14  }
0x110: {  	v61 =	vperm.xlane v20, v15;
	v29 =	vmul.f32 v29, v63;
	[tilespmem:v60+s3+$0x0] =	vst.idx.add.f32.msk $0xffff, v33  }
0x111: {  	v30 =	vmul.f32 v30, v41;
	v43 =	vld [tilespmem:s15+$0x11B0]  }
0x112: {  	v42 =	vperm.xlane v26, v14;
	v32 =	vor.u32 v4, v61;
	[tilespmem:v28+s3+$0x0] =	vst.idx.add.f32.msk $0xffff, v29  }
0x113: {  	v40 =	vperm.xlane v19, v15;
	[tilespmem:v27+s3+$0x0] =	vst.idx.add.f32.msk $0xffff, v30  }
0x114: {  	v48 =	vperm.xlane v25, v15;
	v44 =	vperm.xlane v24, v15;
	v45 =	vor.u32 v4, v42;
	v29 =	vld [tilespmem:s15+$0xFC0]  }
0x115: {  	v46 =	vperm.xlane v23, v14;
	v34 =	vmul.f32 v34, v40;
	v30 =	vld [tilespmem:s15+$0x10C0]  }
0x116: {  	v47 =	vperm.xlane v21, v15;
	v28 =	vor.u32 v4, v44  }
0x117: {  	[tilespmem:v32+s3+$0x0] =	vst.idx.add.f32.msk $0xffff, v34;
	v27 =	vor.u32 v4, v48;
	v32 =	vmul.f32 v43, v46  }
0x118: {  	v51 =	vperm.xlane v22, v15;
	v50 =	vld [tilespmem:s15+$0xED0]  }
0x119: {  	v49 =	vperm.xlane v20, v16;
	v29 =	vmul.f32 v29, v47;
	[tilespmem:v45+s3+$0x0] =	vst.idx.add.f32.msk $0xffff, v32  }
0x11a: {  	v52 =	vperm.xlane v26, v15;
	v30 =	vmul.f32 v30, v51;
	v53 =	vld [tilespmem:s15+$0x11C0]  }
0x11b: {  	v34 =	vor.u32 v4, v49;
	[tilespmem:v28+s3+$0x0] =	vst.idx.add.f32.msk $0xffff, v29  }
0x11c: {  	v54 =	vperm.xlane v19, v16;
	v55 =	vor.u32 v4, v52;
	[tilespmem:v27+s3+$0x0] =	vst.idx.add.f32.msk $0xffff, v30  }
0x11d: {  	v56 =	vperm.xlane v24, v16;
	v57 =	vperm.xlane v23, v15;
	v29 =	vld [tilespmem:s15+$0xFD0]  }
0x11e: {  	v60 =	vperm.xlane v25, v16;
	v28 =	vmul.f32 v50, v54;
	v61 =	vld [tilespmem:s15+$0x10D0]  }
0x11f: {  	v59 =	vor.u32 v4, v56;
	v33 =	vmul.f32 v53, v57  }
0x120: {  	v58 =	vperm.xlane v21, v16;
	v63 =	vor.u32 v4, v60;
	[tilespmem:v34+s3+$0x0] =	vst.idx.add.f32.msk $0xffff, v28  }
0x121: {  	v39 =	vperm.xlane v22, v16;
	[tilespmem:v55+s3+$0x0] =	vst.idx.add.f32.msk $0xffff, v33  }
0x122: {  	v40 =	vperm.xlane v26, v16;
	v62 =	vmul.f32 v29, v58;
	v33 =	vld [tilespmem:s15+$0x11D0]  }
0x123: {  	v34 =	vld [tilespmem:s15+$0xEE0];
	v41 =	vmul.f32 v61, v39  }
0x124: {  	v42 =	vor.u32 v4, v40;
	v43 =	vperm.xlane v20, v17;
	[tilespmem:v59+s3+$0x0] =	vst.idx.add.f32.msk $0xffff, v62  }
0x125: {  	v45 =	vperm.xlane v23, v16;
	[tilespmem:v63+s3+$0x0] =	vst.idx.add.f32.msk $0xffff, v41  }
0x126: {  	v49 =	vperm.xlane v25, v17;
	v47 =	vperm.xlane v24, v17;
	v48 =	vor.u32 v4, v43;
	v44 =	vld [tilespmem:s15+$0xFE0]  }
0x127: {  	v46 =	vperm.xlane v19, v17;
	v50 =	vld [tilespmem:s15+$0x10E0];
	v32 =	vmul.f32 v33, v45  }
0x128: {  	v52 =	vor.u32 v4, v47;
	v53 =	vperm.xlane v21, v17  }
0x129: {  	v29 =	vor.u32 v4, v49;
	v51 =	vmul.f32 v34, v46;
	[tilespmem:v42+s3+$0x0] =	vst.idx.add.f32.msk $0xffff, v32  }
0x12a: {  	v54 =	vperm.xlane v22, v17;
	v55 =	vperm.xlane v26, v17;
	v56 =	vld [tilespmem:s15+$0x11E0]  }
0x12b: {  	[tilespmem:v48+s3+$0x0] =	vst.idx.add.f32.msk $0xffff, v51;
	v31 =	vmul.f32 v44, v53  }
0x12c: {  	v58 =	vor.u32 v4, v55;
	v60 =	vld [tilespmem:s15+$0xEF0];
	v57 =	vmul.f32 v50, v54  }
0x12d: {  	v59 =	vperm.xlane v23, v17;
	[tilespmem:v52+s3+$0x0] =	vst.idx.add.f32.msk $0xffff, v31  }
0x12e: {  	[tilespmem:v29+s3+$0x0] =	vst.idx.add.f32.msk $0xffff, v57  }
0x12f: {  	v20 =	vperm.xlane v20, v18;
	v62 =	vld [tilespmem:s15+$0xFF0];
	v61 =	vmul.f32 v56, v59  }
0x130: {  	v24 =	vperm.xlane v24, v18;
	v63 =	vld [tilespmem:s15+$0x10F0]  }
0x131: {  	v25 =	vperm.xlane v25, v18;
	v20 =	vor.u32 v4, v20;
	[tilespmem:v58+s3+$0x0] =	vst.idx.add.f32.msk $0xffff, v61  }
0x132: {  	v19 =	vperm.xlane v19, v18;
	v24 =	vor.u32 v4, v24;
	v26 =	vperm.xlane v26, v18;
	v29 =	vld [tilespmem:s15+$0x11F0]  }
0x133: {  	v25 =	vor.u32 v4, v25;
	v21 =	vperm.xlane v21, v18  }
0x134: {  	p1 =	por p0, p0;
	v22 =	vperm.xlane v22, v18;
	v26 =	vor.u32 v4, v26;
	v19 =	vmul.f32 v60, v19  }
.Ltmp5:
0x135: {  	v23 =	vperm.xlane v23, v18;
	v21 =	vmul.f32 v62, v21;
	(pc) =	sbr.rel @p1 .LBB2_13-.Ltmp5, $4  }
0x136: {  	[tilespmem:v20+s3+$0x0] =	vst.idx.add.f32.msk $0xffff, v19;
	v19 =	vmul.f32 v63, v22  }
0x137: {  	[tilespmem:v24+s3+$0x0] =	vst.idx.add.f32.msk $0xffff, v21;
	v20 =	vmul.f32 v29, v23  }
0x138: {  	[tilespmem:v25+s3+$0x0] =	vst.idx.add.f32.msk $0xffff, v19  }
0x139: {  	p0 =	por $0x0, $0x0;
	s12 =	simm.s32 $0x4;
	[tilespmem:v26+s3+$0x0] =	vst.idx.add.f32.msk $0xffff, v20  }
0x13a: {  	_ =	swait.ge [sflag:s8], $0x200  }
0x13b: {  	[sflag:s8] =	ssyncset.done $0x0  }
0x13c: {  	[sflag:s8] =	ssyncadd.s32 $0xFFFFFE00  }
0x13d: {  	_ =	swait.ge [sflag:s8], $0x200  }
0x13e: {  	[sflag:s8] =	ssyncset.done $0x0  }
0x13f: {  	[sflag:s8] =	ssyncadd.s32 $0xFFFFFE00  }
0x140: {  	_ =	swait.ge [sflag:s8], $0x200  }
0x141: {  	[sflag:s8] =	ssyncset.done $0x0  }
0x142: {  	s12 =	simm.s32 $0x210;
	[sflag:s8] =	ssyncadd.s32 $0xFFFFFE00  }
0x143: {  	v19 =	vld [tilespmem:s12+$0xFFFFFFF0]  }
0x144: {  	v21 =	vld [tilespmem:s12+$0x0];
	_ =	sdelay $0x3  }
0x145: {  	s15 =	simm.s32 $0x230;
	v19 =	vshll.u32 v19, $0x4  }
0x146: {  	s12 =	simm.s32 $0xC10;
	v20 =	vld [tilespmem:s15+$0xFFFFFFF0];
	v21 =	vshll.u32 v21, $0x4;
	v22 =	vor.u32 v0, v19  }
0x147: {  	s13 =	simm.s32 $0x20;
	v19 =	vld [tilespmem:s15+$0x0];
	v21 =	vor.u32 v0, v21;
	[tilespmem:s12+$0xFFFFFFF0] =	vst v22  }
.LBB2_15:
0x148: {  	s13 =	sadd.s32 $0x20, s13  }
0x149: {  	[tilespmem:s12+$0x0] =	vst v21;
	s12 =	sadd.s32 $0x20, s12;
	p0 =	slt.u32 s13, $0x60  }
.Ltmp6:
0x14a: {  	(pc) =	sbr.rel @p0 .LBB2_15-.Ltmp6, $4  }
0x14b: {  	_ = 	snop  }
0x14c: {  	s15 =	sadd.s32 $0x20, s15;
	v21 =	vshll.u32 v20, $0x4  }
0x14d: {  	v20 =	vld [tilespmem:s15+$0xFFFFFFF0];
	v21 =	vor.u32 v0, v21;
	v22 =	vshll.u32 v19, $0x4  }
0x14e: {  	v19 =	vld [tilespmem:s15+$0x0];
	[tilespmem:s12+$0xFFFFFFF0] =	vst v21;
	v21 =	vor.u32 v0, v22  }
0x14f: {  	_ =	sdelay $0x2  }
0x150: {  	v20 =	vshll.u32 v20, $0x4  }
0x151: {  	[tilespmem:s12+$0x0] =	vst v21;
	s17 =	sadd.s32 $0x20, s12;
	v20 =	vor.u32 v0, v20;
	v19 =	vshll.u32 v19, $0x4  }
0x152: {  	[tilespmem:s17+$0xFFFFFFF0] =	vst v20;
	v19 =	vor.u32 v0, v19  }
0x153: {  	[tilespmem:s17+$0x0] =	vst v19  }
0x154: {  	[tilespmem:s21], [sflag:$0x3] =	stream.indirect.gather [hbm4b:s4+s19], $0x10, s20, s19, $0xb8;
	[tilespmem:$0x12E00] =	vst v63  }
0x155: {  	_ =	swait.ge [sflag:s9], $0x800  }
0x156: {  	[sflag:s9] =	ssyncset.done $0x0  }
0x157: {  	s15 =	simm.s32 $0x0;
	p0 =	por $0x1, $0x1;
	[sflag:s9] =	ssyncadd.s32 $0xFFFFF800  }
.LBB2_17:
0x158: {  	s12 =	sshll.u32 s15, $0x4  }
0x159: {  	v20 =	vld [tilespmem:s12+$0x480];
	_ =	sdelay $0x3  }
0x15a: {  	s13 =	sshll.u32 s15, $0x8;
	v19 =	vld [tilespmem:s12+$0x880]  }
0x15b: {  	s15 =	sand.u32 $0x3FFFFF00, s13;
	v20 =	vshll.u32 v20, $0x4  }
0x15c: {  	v22 =	vld [tilespmem:s15+$0x1600];
	v21 =	vperm.xlane v20, v3;
	_ =	sdelay $0x1  }
0x15d: {  	v21 =	vor.u32 v4, v21  }
0x15e: {  	v23 =	vperm.xlane v19, v3;
	_ =	sdelay $0x1  }
0x15f: {  	v22 =	vmul.f32 v22, v23;
	_ =	sdelay $0x1  }
0x160: {  	[tilespmem:v21+s3+$0x0] =	vst.idx.add.f32.msk $0xffff, v22  }
0x161: {  	v51 =	vperm.xlane v20, v5;
	v22 =	vld [tilespmem:s15+$0x1610];
	_ =	sdelay $0x1  }
0x162: {  	v21 =	vor.u32 v4, v51  }
0x163: {  	v52 =	vperm.xlane v19, v5;
	_ =	sdelay $0x1  }
0x164: {  	v22 =	vmul.f32 v22, v52;
	_ =	sdelay $0x1  }
0x165: {  	[tilespmem:v21+s3+$0x0] =	vst.idx.add.f32.msk $0xffff, v22  }
0x166: {  	v53 =	vperm.xlane v20, v6;
	v22 =	vld [tilespmem:s15+$0x1620];
	_ =	sdelay $0x1  }
0x167: {  	v21 =	vor.u32 v4, v53  }
0x168: {  	v54 =	vperm.xlane v19, v6;
	_ =	sdelay $0x1  }
0x169: {  	v22 =	vmul.f32 v22, v54;
	_ =	sdelay $0x1  }
0x16a: {  	[tilespmem:v21+s3+$0x0] =	vst.idx.add.f32.msk $0xffff, v22  }
0x16b: {  	v55 =	vperm.xlane v20, v7;
	v22 =	vld [tilespmem:s15+$0x1630];
	_ =	sdelay $0x1  }
0x16c: {  	v21 =	vor.u32 v4, v55  }
0x16d: {  	v56 =	vperm.xlane v19, v7;
	_ =	sdelay $0x1  }
0x16e: {  	v22 =	vmul.f32 v22, v56;
	_ =	sdelay $0x1  }
0x16f: {  	[tilespmem:v21+s3+$0x0] =	vst.idx.add.f32.msk $0xffff, v22  }
0x170: {  	v57 =	vperm.xlane v20, v2;
	v22 =	vld [tilespmem:s15+$0x1640];
	_ =	sdelay $0x1  }
0x171: {  	v21 =	vor.u32 v4, v57  }
0x172: {  	v58 =	vperm.xlane v19, v2  }
0x173: {  	v59 =	vld [tilespmem:s12+$0x490]  }
0x174: {  	v25 =	vld [tilespmem:s12+$0x4A0];
	v22 =	vmul.f32 v22, v58  }
0x175: {  	v27 =	vld [tilespmem:s12+$0x4B0]  }
0x176: {  	[tilespmem:v21+s3+$0x0] =	vst.idx.add.f32.msk $0xffff, v22  }
0x177: {  	v21 =	vld [tilespmem:s12+$0x890]  }
0x178: {  	v24 =	vshll.u32 v59, $0x4;
	v22 =	vld [tilespmem:s12+$0x8A0]  }
0x179: {  	v26 =	vld [tilespmem:s15+$0x1700];
	v25 =	vshll.u32 v25, $0x4;
	v23 =	vperm.xlane v24, v3  }
0x17a: {  	v32 =	vld [tilespmem:s15+$0x1800];
	v31 =	vperm.xlane v25, v3  }
0x17b: {  	v29 =	vor.u32 v4, v23  }
0x17c: {  	v31 =	vor.u32 v4, v31;
	v30 =	vperm.xlane v21, v3  }
0x17d: {  	v60 =	vperm.xlane v22, v3  }
0x17e: {  	v23 =	vld [tilespmem:s12+$0x8B0];
	v30 =	vmul.f32 v26, v30  }
0x17f: {  	v35 =	vld [tilespmem:s15+$0x1900];
	v26 =	vshll.u32 v27, $0x4;
	v27 =	vmul.f32 v32, v60  }
0x180: {  	v34 =	vperm.xlane v26, v3;
	[tilespmem:v29+s3+$0x0] =	vst.idx.add.f32.msk $0xffff, v30  }
0x181: {  	[tilespmem:v31+s3+$0x0] =	vst.idx.add.f32.msk $0xffff, v27  }
0x182: {  	v61 =	vperm.xlane v24, v5;
	v30 =	vld [tilespmem:s15+$0x1710];
	v62 =	vor.u32 v4, v34  }
0x183: {  	v41 =	vperm.xlane v25, v5;
	v63 =	vperm.xlane v23, v3;
	v31 =	vld [tilespmem:s15+$0x1810]  }
0x184: {  	v29 =	vor.u32 v4, v61  }
0x185: {  	v40 =	vperm.xlane v21, v5;
	v27 =	vor.u32 v4, v41;
	v34 =	vmul.f32 v35, v63  }
0x186: {  	v33 =	vperm.xlane v20, v8;
	v28 =	vld [tilespmem:s15+$0x1650];
	v43 =	vperm.xlane v22, v5  }
0x187: {  	v42 =	vmul.f32 v30, v40;
	[tilespmem:v62+s3+$0x0] =	vst.idx.add.f32.msk $0xffff, v34  }
0x188: {  	v33 =	vor.u32 v4, v33;
	v30 =	vmul.f32 v31, v43;
	v45 =	vld [tilespmem:s15+$0x1910]  }
0x189: {  	v36 =	vperm.xlane v19, v8;
	v44 =	vperm.xlane v26, v5;
	[tilespmem:v29+s3+$0x0] =	vst.idx.add.f32.msk $0xffff, v42  }
0x18a: {  	[tilespmem:v27+s3+$0x0] =	vst.idx.add.f32.msk $0xffff, v30  }
0x18b: {  	v46 =	vperm.xlane v24, v6;
	v28 =	vmul.f32 v28, v36;
	v47 =	vor.u32 v4, v44;
	v29 =	vld [tilespmem:s15+$0x1720]  }
0x18c: {  	v50 =	vperm.xlane v23, v5;
	v52 =	vperm.xlane v25, v6;
	v30 =	vld [tilespmem:s15+$0x1820]  }
0x18d: {  	[tilespmem:v33+s3+$0x0] =	vst.idx.add.f32.msk $0xffff, v28;
	v28 =	vor.u32 v4, v46  }
0x18e: {  	v51 =	vperm.xlane v21, v6;
	v27 =	vor.u32 v4, v52;
	v33 =	vmul.f32 v45, v50  }
0x18f: {  	v54 =	vperm.xlane v22, v6;
	v49 =	vld [tilespmem:s15+$0x1660]  }
0x190: {  	v48 =	vperm.xlane v20, v9;
	v29 =	vmul.f32 v29, v51;
	[tilespmem:v47+s3+$0x0] =	vst.idx.add.f32.msk $0xffff, v33  }
0x191: {  	v30 =	vmul.f32 v30, v54;
	v56 =	vld [tilespmem:s15+$0x1920]  }
0x192: {  	v32 =	vor.u32 v4, v48;
	v55 =	vperm.xlane v26, v6;
	[tilespmem:v28+s3+$0x0] =	vst.idx.add.f32.msk $0xffff, v29  }
0x193: {  	v53 =	vperm.xlane v19, v9;
	[tilespmem:v27+s3+$0x0] =	vst.idx.add.f32.msk $0xffff, v30  }
0x194: {  	v59 =	vperm.xlane v23, v6;
	v57 =	vperm.xlane v24, v7;
	v58 =	vor.u32 v4, v55;
	v29 =	vld [tilespmem:s15+$0x1730]  }
0x195: {  	v61 =	vperm.xlane v25, v7;
	v34 =	vmul.f32 v49, v53;
	v30 =	vld [tilespmem:s15+$0x1830]  }
0x196: {  	v60 =	vperm.xlane v21, v7;
	v28 =	vor.u32 v4, v57  }
0x197: {  	[tilespmem:v32+s3+$0x0] =	vst.idx.add.f32.msk $0xffff, v34;
	v27 =	vor.u32 v4, v61;
	v32 =	vmul.f32 v56, v59  }
0x198: {  	v40 =	vperm.xlane v22, v7  }
0x199: {  	v29 =	vmul.f32 v29, v60;
	[tilespmem:v58+s3+$0x0] =	vst.idx.add.f32.msk $0xffff, v32  }
0x19a: {  	v30 =	vmul.f32 v30, v40;
	v42 =	vld [tilespmem:s15+$0x1930]  }
0x19b: {  	v41 =	vperm.xlane v26, v7;
	[tilespmem:v28+s3+$0x0] =	vst.idx.add.f32.msk $0xffff, v29  }
0x19c: {  	[tilespmem:v27+s3+$0x0] =	vst.idx.add.f32.msk $0xffff, v30  }
0x19d: {  	v44 =	vperm.xlane v24, v2;
	v45 =	vor.u32 v4, v41;
	v29 =	vld [tilespmem:s15+$0x1740]  }
0x19e: {  	v49 =	vperm.xlane v25, v2;
	v47 =	vperm.xlane v23, v7;
	v30 =	vld [tilespmem:s15+$0x1840]  }
0x19f: {  	v28 =	vor.u32 v4, v44  }
0x1a0: {  	v48 =	vperm.xlane v21, v2;
	v27 =	vor.u32 v4, v49;
	v33 =	vmul.f32 v42, v47  }
0x1a1: {  	v62 =	vperm.xlane v20, v10;
	v63 =	vld [tilespmem:s15+$0x1670];
	v50 =	vperm.xlane v22, v2  }
0x1a2: {  	v29 =	vmul.f32 v29, v48;
	[tilespmem:v45+s3+$0x0] =	vst.idx.add.f32.msk $0xffff, v33  }
0x1a3: {  	v34 =	vor.u32 v4, v62;
	v30 =	vmul.f32 v30, v50;
	v33 =	vld [tilespmem:s15+$0x1940]  }
0x1a4: {  	v43 =	vperm.xlane v19, v10;
	v51 =	vperm.xlane v26, v2;
	[tilespmem:v28+s3+$0x0] =	vst.idx.add.f32.msk $0xffff, v29  }
0x1a5: {  	[tilespmem:v27+s3+$0x0] =	vst.idx.add.f32.msk $0xffff, v30  }
0x1a6: {  	v52 =	vperm.xlane v24, v8;
	v46 =	vmul.f32 v63, v43;
	v53 =	vor.u32 v4, v51;
	v29 =	vld [tilespmem:s15+$0x1750]  }
0x1a7: {  	v55 =	vperm.xlane v23, v2;
	v57 =	vperm.xlane v25, v8;
	v30 =	vld [tilespmem:s15+$0x1850]  }
0x1a8: {  	[tilespmem:v34+s3+$0x0] =	vst.idx.add.f32.msk $0xffff, v46;
	v28 =	vor.u32 v4, v52  }
0x1a9: {  	v56 =	vperm.xlane v21, v8;
	v27 =	vor.u32 v4, v57;
	v33 =	vmul.f32 v33, v55  }
0x1aa: {  	v34 =	vld [tilespmem:s15+$0x1680];
	v59 =	vperm.xlane v22, v8  }
0x1ab: {  	v54 =	vperm.xlane v20, v11;
	v29 =	vmul.f32 v29, v56;
	[tilespmem:v53+s3+$0x0] =	vst.idx.add.f32.msk $0xffff, v33  }
0x1ac: {  	v30 =	vmul.f32 v30, v59;
	v61 =	vld [tilespmem:s15+$0x1950]  }
0x1ad: {  	v32 =	vor.u32 v4, v54;
	v60 =	vperm.xlane v26, v8;
	[tilespmem:v28+s3+$0x0] =	vst.idx.add.f32.msk $0xffff, v29  }
0x1ae: {  	v58 =	vperm.xlane v19, v11;
	[tilespmem:v27+s3+$0x0] =	vst.idx.add.f32.msk $0xffff, v30  }
0x1af: {  	v39 =	vperm.xlane v25, v9;
	v62 =	vperm.xlane v24, v9;
	v63 =	vor.u32 v4, v60;
	v29 =	vld [tilespmem:s15+$0x1760]  }
0x1b0: {  	v37 =	vperm.xlane v23, v8;
	v34 =	vmul.f32 v34, v58;
	v30 =	vld [tilespmem:s15+$0x1860]  }
0x1b1: {  	v38 =	vperm.xlane v21, v9;
	v28 =	vor.u32 v4, v62  }
0x1b2: {  	[tilespmem:v32+s3+$0x0] =	vst.idx.add.f32.msk $0xffff, v34;
	v27 =	vor.u32 v4, v39;
	v32 =	vmul.f32 v61, v37  }
0x1b3: {  	v42 =	vperm.xlane v22, v9  }
0x1b4: {  	v29 =	vmul.f32 v29, v38;
	[tilespmem:v63+s3+$0x0] =	vst.idx.add.f32.msk $0xffff, v32  }
0x1b5: {  	v30 =	vmul.f32 v30, v42;
	v44 =	vld [tilespmem:s15+$0x1960]  }
0x1b6: {  	v43 =	vperm.xlane v26, v9;
	[tilespmem:v28+s3+$0x0] =	vst.idx.add.f32.msk $0xffff, v29  }
0x1b7: {  	[tilespmem:v27+s3+$0x0] =	vst.idx.add.f32.msk $0xffff, v30  }
0x1b8: {  	v46 =	vperm.xlane v24, v10;
	v47 =	vor.u32 v4, v43;
	v29 =	vld [tilespmem:s15+$0x1770]  }
0x1b9: {  	v51 =	vperm.xlane v25, v10;
	v49 =	vperm.xlane v23, v9;
	v30 =	vld [tilespmem:s15+$0x1870]  }
0x1ba: {  	v28 =	vor.u32 v4, v46  }
0x1bb: {  	v50 =	vperm.xlane v21, v10;
	v27 =	vor.u32 v4, v51;
	v33 =	vmul.f32 v44, v49  }
0x1bc: {  	v41 =	vld [tilespmem:s15+$0x1690];
	v52 =	vperm.xlane v22, v10  }
0x1bd: {  	v40 =	vperm.xlane v20, v12;
	v29 =	vmul.f32 v29, v50;
	[tilespmem:v47+s3+$0x0] =	vst.idx.add.f32.msk $0xffff, v33  }
0x1be: {  	v30 =	vmul.f32 v30, v52;
	v33 =	vld [tilespmem:s15+$0x1970]  }
0x1bf: {  	v34 =	vor.u32 v4, v40;
	v53 =	vperm.xlane v26, v10;
	[tilespmem:v28+s3+$0x0] =	vst.idx.add.f32.msk $0xffff, v29  }
0x1c0: {  	v45 =	vperm.xlane v19, v12;
	[tilespmem:v27+s3+$0x0] =	vst.idx.add.f32.msk $0xffff, v30  }
0x1c1: {  	v54 =	vperm.xlane v24, v11;
	v57 =	vperm.xlane v23, v10;
	v55 =	vor.u32 v4, v53;
	v29 =	vld [tilespmem:s15+$0x1780]  }
0x1c2: {  	v48 =	vmul.f32 v41, v45;
	v59 =	vperm.xlane v25, v11;
	v30 =	vld [tilespmem:s15+$0x1880]  }
0x1c3: {  	v58 =	vperm.xlane v21, v11;
	v28 =	vor.u32 v4, v54  }
0x1c4: {  	[tilespmem:v34+s3+$0x0] =	vst.idx.add.f32.msk $0xffff, v48;
	v27 =	vor.u32 v4, v59;
	v33 =	vmul.f32 v33, v57  }
0x1c5: {  	v34 =	vld [tilespmem:s15+$0x16A0];
	v61 =	vperm.xlane v22, v11  }
0x1c6: {  	v56 =	vperm.xlane v20, v13;
	v29 =	vmul.f32 v29, v58;
	[tilespmem:v55+s3+$0x0] =	vst.idx.add.f32.msk $0xffff, v33  }
0x1c7: {  	v60 =	vperm.xlane v19, v13;
	v30 =	vmul.f32 v30, v61;
	v63 =	vld [tilespmem:s15+$0x1980]  }
0x1c8: {  	v62 =	vperm.xlane v26, v11;
	v32 =	vor.u32 v4, v56;
	[tilespmem:v28+s3+$0x0] =	vst.idx.add.f32.msk $0xffff, v29  }
0x1c9: {  	[tilespmem:v27+s3+$0x0] =	vst.idx.add.f32.msk $0xffff, v30  }
0x1ca: {  	v40 =	vperm.xlane v24, v12;
	v34 =	vmul.f32 v34, v60;
	v41 =	vor.u32 v4, v62;
	v29 =	vld [tilespmem:s15+$0x1790]  }
0x1cb: {  	v42 =	vperm.xlane v23, v11;
	v44 =	vperm.xlane v25, v12;
	v30 =	vld [tilespmem:s15+$0x1890]  }
0x1cc: {  	v43 =	vperm.xlane v21, v12;
	v28 =	vor.u32 v4, v40  }
0x1cd: {  	[tilespmem:v32+s3+$0x0] =	vst.idx.add.f32.msk $0xffff, v34;
	v27 =	vor.u32 v4, v44;
	v32 =	vmul.f32 v63, v42  }
0x1ce: {  	v47 =	vperm.xlane v22, v12  }
0x1cf: {  	v29 =	vmul.f32 v29, v43;
	[tilespmem:v41+s3+$0x0] =	vst.idx.add.f32.msk $0xffff, v32  }
0x1d0: {  	v30 =	vmul.f32 v30, v47;
	v49 =	vld [tilespmem:s15+$0x1990]  }
0x1d1: {  	v48 =	vperm.xlane v26, v12;
	[tilespmem:v28+s3+$0x0] =	vst.idx.add.f32.msk $0xffff, v29  }
0x1d2: {  	[tilespmem:v27+s3+$0x0] =	vst.idx.add.f32.msk $0xffff, v30  }
0x1d3: {  	v51 =	vperm.xlane v24, v13;
	v52 =	vor.u32 v4, v48;
	v29 =	vld [tilespmem:s15+$0x17A0]  }
0x1d4: {  	v56 =	vperm.xlane v25, v13;
	v54 =	vperm.xlane v23, v12;
	v30 =	vld [tilespmem:s15+$0x18A0]  }
0x1d5: {  	v28 =	vor.u32 v4, v51  }
0x1d6: {  	v55 =	vperm.xlane v21, v13;
	v27 =	vor.u32 v4, v56;
	v33 =	vmul.f32 v49, v54  }
0x1d7: {  	v45 =	vperm.xlane v20, v14;
	v46 =	vld [tilespmem:s15+$0x16B0];
	v57 =	vperm.xlane v22, v13  }
0x1d8: {  	v29 =	vmul.f32 v29, v55;
	[tilespmem:v52+s3+$0x0] =	vst.idx.add.f32.msk $0xffff, v33  }
0x1d9: {  	v34 =	vor.u32 v4, v45;
	v30 =	vmul.f32 v30, v57;
	v33 =	vld [tilespmem:s15+$0x19A0]  }
0x1da: {  	v50 =	vperm.xlane v19, v14;
	v58 =	vperm.xlane v26, v13;
	[tilespmem:v28+s3+$0x0] =	vst.idx.add.f32.msk $0xffff, v29  }
0x1db: {  	[tilespmem:v27+s3+$0x0] =	vst.idx.add.f32.msk $0xffff, v30  }
0x1dc: {  	v59 =	vperm.xlane v24, v14;
	v53 =	vmul.f32 v46, v50;
	v60 =	vor.u32 v4, v58;
	v29 =	vld [tilespmem:s15+$0x17B0]  }
0x1dd: {  	v39 =	vperm.xlane v25, v14;
	v62 =	vperm.xlane v23, v13;
	v30 =	vld [tilespmem:s15+$0x18B0]  }
0x1de: {  	[tilespmem:v34+s3+$0x0] =	vst.idx.add.f32.msk $0xffff, v53;
	v28 =	vor.u32 v4, v59  }
0x1df: {  	v63 =	vperm.xlane v21, v14;
	v27 =	vor.u32 v4, v39;
	v33 =	vmul.f32 v33, v62  }
0x1e0: {  	v34 =	vld [tilespmem:s15+$0x16C0];
	v41 =	vperm.xlane v22, v14  }
0x1e1: {  	v61 =	vperm.xlane v20, v15;
	v29 =	vmul.f32 v29, v63;
	[tilespmem:v60+s3+$0x0] =	vst.idx.add.f32.msk $0xffff, v33  }
0x1e2: {  	v30 =	vmul.f32 v30, v41;
	v43 =	vld [tilespmem:s15+$0x19B0]  }
0x1e3: {  	v42 =	vperm.xlane v26, v14;
	v32 =	vor.u32 v4, v61;
	[tilespmem:v28+s3+$0x0] =	vst.idx.add.f32.msk $0xffff, v29  }
0x1e4: {  	v40 =	vperm.xlane v19, v15;
	[tilespmem:v27+s3+$0x0] =	vst.idx.add.f32.msk $0xffff, v30  }
0x1e5: {  	v48 =	vperm.xlane v25, v15;
	v44 =	vperm.xlane v24, v15;
	v45 =	vor.u32 v4, v42;
	v29 =	vld [tilespmem:s15+$0x17C0]  }
0x1e6: {  	v46 =	vperm.xlane v23, v14;
	v34 =	vmul.f32 v34, v40;
	v30 =	vld [tilespmem:s15+$0x18C0]  }
0x1e7: {  	v47 =	vperm.xlane v21, v15;
	v28 =	vor.u32 v4, v44  }
0x1e8: {  	[tilespmem:v32+s3+$0x0] =	vst.idx.add.f32.msk $0xffff, v34;
	v27 =	vor.u32 v4, v48;
	v32 =	vmul.f32 v43, v46  }
0x1e9: {  	v51 =	vperm.xlane v22, v15;
	v50 =	vld [tilespmem:s15+$0x16D0]  }
0x1ea: {  	v49 =	vperm.xlane v20, v16;
	v29 =	vmul.f32 v29, v47;
	[tilespmem:v45+s3+$0x0] =	vst.idx.add.f32.msk $0xffff, v32  }
0x1eb: {  	v52 =	vperm.xlane v26, v15;
	v30 =	vmul.f32 v30, v51;
	v53 =	vld [tilespmem:s15+$0x19C0]  }
0x1ec: {  	v34 =	vor.u32 v4, v49;
	[tilespmem:v28+s3+$0x0] =	vst.idx.add.f32.msk $0xffff, v29  }
0x1ed: {  	v54 =	vperm.xlane v19, v16;
	v55 =	vor.u32 v4, v52;
	[tilespmem:v27+s3+$0x0] =	vst.idx.add.f32.msk $0xffff, v30  }
0x1ee: {  	v56 =	vperm.xlane v24, v16;
	v57 =	vperm.xlane v23, v15;
	v29 =	vld [tilespmem:s15+$0x17D0]  }
0x1ef: {  	v60 =	vperm.xlane v25, v16;
	v28 =	vmul.f32 v50, v54;
	v61 =	vld [tilespmem:s15+$0x18D0]  }
0x1f0: {  	v59 =	vor.u32 v4, v56;
	v33 =	vmul.f32 v53, v57  }
0x1f1: {  	v58 =	vperm.xlane v21, v16;
	v63 =	vor.u32 v4, v60;
	[tilespmem:v34+s3+$0x0] =	vst.idx.add.f32.msk $0xffff, v28  }
0x1f2: {  	v39 =	vperm.xlane v22, v16;
	[tilespmem:v55+s3+$0x0] =	vst.idx.add.f32.msk $0xffff, v33  }
0x1f3: {  	v40 =	vperm.xlane v26, v16;
	v62 =	vmul.f32 v29, v58;
	v33 =	vld [tilespmem:s15+$0x19D0]  }
0x1f4: {  	v34 =	vld [tilespmem:s15+$0x16E0];
	v41 =	vmul.f32 v61, v39  }
0x1f5: {  	v42 =	vor.u32 v4, v40;
	v43 =	vperm.xlane v20, v17;
	[tilespmem:v59+s3+$0x0] =	vst.idx.add.f32.msk $0xffff, v62  }
0x1f6: {  	v45 =	vperm.xlane v23, v16;
	[tilespmem:v63+s3+$0x0] =	vst.idx.add.f32.msk $0xffff, v41  }
0x1f7: {  	v49 =	vperm.xlane v25, v17;
	v47 =	vperm.xlane v24, v17;
	v48 =	vor.u32 v4, v43;
	v44 =	vld [tilespmem:s15+$0x17E0]  }
0x1f8: {  	v46 =	vperm.xlane v19, v17;
	v50 =	vld [tilespmem:s15+$0x18E0];
	v32 =	vmul.f32 v33, v45  }
0x1f9: {  	v52 =	vor.u32 v4, v47;
	v53 =	vperm.xlane v21, v17  }
0x1fa: {  	v29 =	vor.u32 v4, v49;
	v51 =	vmul.f32 v34, v46;
	[tilespmem:v42+s3+$0x0] =	vst.idx.add.f32.msk $0xffff, v32  }
0x1fb: {  	v54 =	vperm.xlane v22, v17;
	v55 =	vperm.xlane v26, v17;
	v56 =	vld [tilespmem:s15+$0x19E0]  }
0x1fc: {  	[tilespmem:v48+s3+$0x0] =	vst.idx.add.f32.msk $0xffff, v51;
	v31 =	vmul.f32 v44, v53  }
0x1fd: {  	v58 =	vor.u32 v4, v55;
	v60 =	vld [tilespmem:s15+$0x16F0];
	v57 =	vmul.f32 v50, v54  }
0x1fe: {  	v59 =	vperm.xlane v23, v17;
	[tilespmem:v52+s3+$0x0] =	vst.idx.add.f32.msk $0xffff, v31  }
0x1ff: {  	[tilespmem:v29+s3+$0x0] =	vst.idx.add.f32.msk $0xffff, v57  }
0x200: {  	v20 =	vperm.xlane v20, v18;
	v62 =	vld [tilespmem:s15+$0x17F0];
	v61 =	vmul.f32 v56, v59  }
0x201: {  	v24 =	vperm.xlane v24, v18;
	v63 =	vld [tilespmem:s15+$0x18F0]  }
0x202: {  	v25 =	vperm.xlane v25, v18;
	v20 =	vor.u32 v4, v20;
	[tilespmem:v58+s3+$0x0] =	vst.idx.add.f32.msk $0xffff, v61  }
0x203: {  	v19 =	vperm.xlane v19, v18;
	v24 =	vor.u32 v4, v24;
	v26 =	vperm.xlane v26, v18;
	v29 =	vld [tilespmem:s15+$0x19F0]  }
0x204: {  	v25 =	vor.u32 v4, v25;
	v21 =	vperm.xlane v21, v18  }
0x205: {  	p1 =	por p0, p0;
	v22 =	vperm.xlane v22, v18;
	v26 =	vor.u32 v4, v26;
	v19 =	vmul.f32 v60, v19  }
.Ltmp7:
0x206: {  	v23 =	vperm.xlane v23, v18;
	v21 =	vmul.f32 v62, v21;
	(pc) =	sbr.rel @p1 .LBB2_17-.Ltmp7, $4  }
0x207: {  	[tilespmem:v20+s3+$0x0] =	vst.idx.add.f32.msk $0xffff, v19;
	v19 =	vmul.f32 v63, v22  }
0x208: {  	[tilespmem:v24+s3+$0x0] =	vst.idx.add.f32.msk $0xffff, v21;
	v20 =	vmul.f32 v29, v23  }
0x209: {  	s16 =	simm.s32 $0x290;
	p0 =	por $0x0, $0x0;
	[tilespmem:v25+s3+$0x0] =	vst.idx.add.f32.msk $0xffff, v19  }
0x20a: {  	s13 =	simm.s32 $0xFFFFFFE0;
	s12 =	simm.s32 $0xC90;
	s15 =	simm.s32 $0x4;
	[tilespmem:v26+s3+$0x0] =	vst.idx.add.f32.msk $0xffff, v20  }
0x20b: {  	v19 =	vld [tilespmem:s16+$0xFFFFFFF0]  }
0x20c: {  	v21 =	vld [tilespmem:s16+$0x0];
	_ =	sdelay $0x3  }
0x20d: {  	s15 =	sadd.s32 $0x20, s16;
	v19 =	vshll.u32 v19, $0x4  }
0x20e: {  	s13 =	sadd.s32 $0x20, s13;
	v20 =	vld [tilespmem:s15+$0xFFFFFFF0];
	v21 =	vshll.u32 v21, $0x4;
	v22 =	vor.u32 v0, v19  }
0x20f: {  	s13 =	sadd.s32 $0x20, s13;
	v19 =	vld [tilespmem:s15+$0x0];
	v21 =	vor.u32 v0, v21;
	[tilespmem:s12+$0xFFFFFFF0] =	vst v22  }
.LBB2_19:
0x210: {  	s13 =	sadd.s32 $0x20, s13  }
0x211: {  	[tilespmem:s12+$0x0] =	vst v21;
	s12 =	sadd.s32 $0x20, s12;
	p0 =	slt.u32 s13, $0x60  }
.Ltmp8:
0x212: {  	(pc) =	sbr.rel @p0 .LBB2_19-.Ltmp8, $4  }
0x213: {  	_ = 	snop  }
0x214: {  	s15 =	sadd.s32 $0x20, s15;
	v21 =	vshll.u32 v20, $0x4  }
0x215: {  	v20 =	vld [tilespmem:s15+$0xFFFFFFF0];
	v21 =	vor.u32 v0, v21;
	v22 =	vshll.u32 v19, $0x4  }
0x216: {  	v19 =	vld [tilespmem:s15+$0x0];
	[tilespmem:s12+$0xFFFFFFF0] =	vst v21;
	v21 =	vor.u32 v0, v22  }
0x217: {  	_ =	sdelay $0x2  }
0x218: {  	v20 =	vshll.u32 v20, $0x4  }
0x219: {  	[tilespmem:s12+$0x0] =	vst v21;
	s17 =	sadd.s32 $0x20, s12;
	v20 =	vor.u32 v0, v20;
	v19 =	vshll.u32 v19, $0x4  }
0x21a: {  	[tilespmem:s17+$0xFFFFFFF0] =	vst v20;
	v19 =	vor.u32 v0, v19  }
0x21b: {  	[tilespmem:s17+$0x0] =	vst v19  }
0x21c: {  	[tilespmem:s23], [sflag:$0x4] =	stream.indirect.gather [hbm4b:s4+s19], $0x10, s22, s19, $0xb8;
	[tilespmem:$0x12E00] =	vst v63  }
0x21d: {  	_ =	swait.ge [sflag:s10], $0x800  }
0x21e: {  	[sflag:s10] =	ssyncset.done $0x0  }
0x21f: {  	s15 =	simm.s32 $0x0;
	p0 =	por $0x1, $0x1;
	[sflag:s10] =	ssyncadd.s32 $0xFFFFF800  }
.LBB2_21:
0x220: {  	s12 =	sshll.u32 s15, $0x4  }
0x221: {  	v20 =	vld [tilespmem:s12+$0x500];
	_ =	sdelay $0x3  }
0x222: {  	s13 =	sshll.u32 s15, $0x8;
	v19 =	vld [tilespmem:s12+$0x900]  }
0x223: {  	s15 =	sand.u32 $0x3FFFFF00, s13;
	v20 =	vshll.u32 v20, $0x4  }
0x224: {  	v22 =	vld [tilespmem:s15+$0x1E00];
	v21 =	vperm.xlane v20, v3;
	_ =	sdelay $0x1  }
0x225: {  	v21 =	vor.u32 v4, v21  }
0x226: {  	v23 =	vperm.xlane v19, v3;
	_ =	sdelay $0x1  }
0x227: {  	v22 =	vmul.f32 v22, v23;
	_ =	sdelay $0x1  }
0x228: {  	[tilespmem:v21+s3+$0x0] =	vst.idx.add.f32.msk $0xffff, v22  }
0x229: {  	v51 =	vperm.xlane v20, v5;
	v22 =	vld [tilespmem:s15+$0x1E10];
	_ =	sdelay $0x1  }
0x22a: {  	v21 =	vor.u32 v4, v51  }
0x22b: {  	v52 =	vperm.xlane v19, v5;
	_ =	sdelay $0x1  }
0x22c: {  	v22 =	vmul.f32 v22, v52;
	_ =	sdelay $0x1  }
0x22d: {  	[tilespmem:v21+s3+$0x0] =	vst.idx.add.f32.msk $0xffff, v22  }
0x22e: {  	v53 =	vperm.xlane v20, v6;
	v22 =	vld [tilespmem:s15+$0x1E20];
	_ =	sdelay $0x1  }
0x22f: {  	v21 =	vor.u32 v4, v53  }
0x230: {  	v54 =	vperm.xlane v19, v6;
	_ =	sdelay $0x1  }
0x231: {  	v22 =	vmul.f32 v22, v54;
	_ =	sdelay $0x1  }
0x232: {  	[tilespmem:v21+s3+$0x0] =	vst.idx.add.f32.msk $0xffff, v22  }
0x233: {  	v55 =	vperm.xlane v20, v7;
	v22 =	vld [tilespmem:s15+$0x1E30];
	_ =	sdelay $0x1  }
0x234: {  	v21 =	vor.u32 v4, v55  }
0x235: {  	v56 =	vperm.xlane v19, v7;
	_ =	sdelay $0x1  }
0x236: {  	v22 =	vmul.f32 v22, v56;
	_ =	sdelay $0x1  }
0x237: {  	[tilespmem:v21+s3+$0x0] =	vst.idx.add.f32.msk $0xffff, v22  }
0x238: {  	v57 =	vperm.xlane v20, v2;
	v22 =	vld [tilespmem:s15+$0x1E40];
	_ =	sdelay $0x1  }
0x239: {  	v21 =	vor.u32 v4, v57  }
0x23a: {  	v58 =	vperm.xlane v19, v2  }
0x23b: {  	v59 =	vld [tilespmem:s12+$0x510]  }
0x23c: {  	v25 =	vld [tilespmem:s12+$0x520];
	v22 =	vmul.f32 v22, v58  }
0x23d: {  	v27 =	vld [tilespmem:s12+$0x530]  }
0x23e: {  	[tilespmem:v21+s3+$0x0] =	vst.idx.add.f32.msk $0xffff, v22  }
0x23f: {  	v21 =	vld [tilespmem:s12+$0x910]  }
0x240: {  	v24 =	vshll.u32 v59, $0x4;
	v22 =	vld [tilespmem:s12+$0x920]  }
0x241: {  	v26 =	vld [tilespmem:s15+$0x1F00];
	v25 =	vshll.u32 v25, $0x4;
	v23 =	vperm.xlane v24, v3  }
0x242: {  	v32 =	vld [tilespmem:s15+$0x2000];
	v31 =	vperm.xlane v25, v3  }
0x243: {  	v29 =	vor.u32 v4, v23  }
0x244: {  	v31 =	vor.u32 v4, v31;
	v30 =	vperm.xlane v21, v3  }
0x245: {  	v60 =	vperm.xlane v22, v3  }
0x246: {  	v23 =	vld [tilespmem:s12+$0x930];
	v30 =	vmul.f32 v26, v30  }
0x247: {  	v35 =	vld [tilespmem:s15+$0x2100];
	v26 =	vshll.u32 v27, $0x4;
	v27 =	vmul.f32 v32, v60  }
0x248: {  	v34 =	vperm.xlane v26, v3;
	[tilespmem:v29+s3+$0x0] =	vst.idx.add.f32.msk $0xffff, v30  }
0x249: {  	[tilespmem:v31+s3+$0x0] =	vst.idx.add.f32.msk $0xffff, v27  }
0x24a: {  	v61 =	vperm.xlane v24, v5;
	v30 =	vld [tilespmem:s15+$0x1F10];
	v62 =	vor.u32 v4, v34  }
0x24b: {  	v41 =	vperm.xlane v25, v5;
	v63 =	vperm.xlane v23, v3;
	v31 =	vld [tilespmem:s15+$0x2010]  }
0x24c: {  	v29 =	vor.u32 v4, v61  }
0x24d: {  	v40 =	vperm.xlane v21, v5;
	v27 =	vor.u32 v4, v41;
	v34 =	vmul.f32 v35, v63  }
0x24e: {  	v33 =	vperm.xlane v20, v8;
	v28 =	vld [tilespmem:s15+$0x1E50];
	v43 =	vperm.xlane v22, v5  }
0x24f: {  	v42 =	vmul.f32 v30, v40;
	[tilespmem:v62+s3+$0x0] =	vst.idx.add.f32.msk $0xffff, v34  }
0x250: {  	v33 =	vor.u32 v4, v33;
	v30 =	vmul.f32 v31, v43;
	v45 =	vld [tilespmem:s15+$0x2110]  }
0x251: {  	v36 =	vperm.xlane v19, v8;
	v44 =	vperm.xlane v26, v5;
	[tilespmem:v29+s3+$0x0] =	vst.idx.add.f32.msk $0xffff, v42  }
0x252: {  	[tilespmem:v27+s3+$0x0] =	vst.idx.add.f32.msk $0xffff, v30  }
0x253: {  	v46 =	vperm.xlane v24, v6;
	v28 =	vmul.f32 v28, v36;
	v47 =	vor.u32 v4, v44;
	v29 =	vld [tilespmem:s15+$0x1F20]  }
0x254: {  	v50 =	vperm.xlane v23, v5;
	v52 =	vperm.xlane v25, v6;
	v30 =	vld [tilespmem:s15+$0x2020]  }
0x255: {  	[tilespmem:v33+s3+$0x0] =	vst.idx.add.f32.msk $0xffff, v28;
	v28 =	vor.u32 v4, v46  }
0x256: {  	v51 =	vperm.xlane v21, v6;
	v27 =	vor.u32 v4, v52;
	v33 =	vmul.f32 v45, v50  }
0x257: {  	v54 =	vperm.xlane v22, v6;
	v49 =	vld [tilespmem:s15+$0x1E60]  }
0x258: {  	v48 =	vperm.xlane v20, v9;
	v29 =	vmul.f32 v29, v51;
	[tilespmem:v47+s3+$0x0] =	vst.idx.add.f32.msk $0xffff, v33  }
0x259: {  	v30 =	vmul.f32 v30, v54;
	v56 =	vld [tilespmem:s15+$0x2120]  }
0x25a: {  	v32 =	vor.u32 v4, v48;
	v55 =	vperm.xlane v26, v6;
	[tilespmem:v28+s3+$0x0] =	vst.idx.add.f32.msk $0xffff, v29  }
0x25b: {  	v53 =	vperm.xlane v19, v9;
	[tilespmem:v27+s3+$0x0] =	vst.idx.add.f32.msk $0xffff, v30  }
0x25c: {  	v59 =	vperm.xlane v23, v6;
	v57 =	vperm.xlane v24, v7;
	v58 =	vor.u32 v4, v55;
	v29 =	vld [tilespmem:s15+$0x1F30]  }
0x25d: {  	v61 =	vperm.xlane v25, v7;
	v34 =	vmul.f32 v49, v53;
	v30 =	vld [tilespmem:s15+$0x2030]  }
0x25e: {  	v60 =	vperm.xlane v21, v7;
	v28 =	vor.u32 v4, v57  }
0x25f: {  	[tilespmem:v32+s3+$0x0] =	vst.idx.add.f32.msk $0xffff, v34;
	v27 =	vor.u32 v4, v61;
	v32 =	vmul.f32 v56, v59  }
0x260: {  	v40 =	vperm.xlane v22, v7  }
0x261: {  	v29 =	vmul.f32 v29, v60;
	[tilespmem:v58+s3+$0x0] =	vst.idx.add.f32.msk $0xffff, v32  }
0x262: {  	v30 =	vmul.f32 v30, v40;
	v42 =	vld [tilespmem:s15+$0x2130]  }
0x263: {  	v41 =	vperm.xlane v26, v7;
	[tilespmem:v28+s3+$0x0] =	vst.idx.add.f32.msk $0xffff, v29  }
0x264: {  	[tilespmem:v27+s3+$0x0] =	vst.idx.add.f32.msk $0xffff, v30  }
0x265: {  	v44 =	vperm.xlane v24, v2;
	v45 =	vor.u32 v4, v41;
	v29 =	vld [tilespmem:s15+$0x1F40]  }
0x266: {  	v49 =	vperm.xlane v25, v2;
	v47 =	vperm.xlane v23, v7;
	v30 =	vld [tilespmem:s15+$0x2040]  }
0x267: {  	v28 =	vor.u32 v4, v44  }
0x268: {  	v48 =	vperm.xlane v21, v2;
	v27 =	vor.u32 v4, v49;
	v33 =	vmul.f32 v42, v47  }
0x269: {  	v62 =	vperm.xlane v20, v10;
	v63 =	vld [tilespmem:s15+$0x1E70];
	v50 =	vperm.xlane v22, v2  }
0x26a: {  	v29 =	vmul.f32 v29, v48;
	[tilespmem:v45+s3+$0x0] =	vst.idx.add.f32.msk $0xffff, v33  }
0x26b: {  	v34 =	vor.u32 v4, v62;
	v30 =	vmul.f32 v30, v50;
	v33 =	vld [tilespmem:s15+$0x2140]  }
0x26c: {  	v43 =	vperm.xlane v19, v10;
	v51 =	vperm.xlane v26, v2;
	[tilespmem:v28+s3+$0x0] =	vst.idx.add.f32.msk $0xffff, v29  }
0x26d: {  	[tilespmem:v27+s3+$0x0] =	vst.idx.add.f32.msk $0xffff, v30  }
0x26e: {  	v52 =	vperm.xlane v24, v8;
	v46 =	vmul.f32 v63, v43;
	v53 =	vor.u32 v4, v51;
	v29 =	vld [tilespmem:s15+$0x1F50]  }
0x26f: {  	v55 =	vperm.xlane v23, v2;
	v57 =	vperm.xlane v25, v8;
	v30 =	vld [tilespmem:s15+$0x2050]  }
0x270: {  	[tilespmem:v34+s3+$0x0] =	vst.idx.add.f32.msk $0xffff, v46;
	v28 =	vor.u32 v4, v52  }
0x271: {  	v56 =	vperm.xlane v21, v8;
	v27 =	vor.u32 v4, v57;
	v33 =	vmul.f32 v33, v55  }
0x272: {  	v34 =	vld [tilespmem:s15+$0x1E80];
	v59 =	vperm.xlane v22, v8  }
0x273: {  	v54 =	vperm.xlane v20, v11;
	v29 =	vmul.f32 v29, v56;
	[tilespmem:v53+s3+$0x0] =	vst.idx.add.f32.msk $0xffff, v33  }
0x274: {  	v30 =	vmul.f32 v30, v59;
	v61 =	vld [tilespmem:s15+$0x2150]  }
0x275: {  	v32 =	vor.u32 v4, v54;
	v60 =	vperm.xlane v26, v8;
	[tilespmem:v28+s3+$0x0] =	vst.idx.add.f32.msk $0xffff, v29  }
0x276: {  	v58 =	vperm.xlane v19, v11;
	[tilespmem:v27+s3+$0x0] =	vst.idx.add.f32.msk $0xffff, v30  }
0x277: {  	v39 =	vperm.xlane v25, v9;
	v62 =	vperm.xlane v24, v9;
	v63 =	vor.u32 v4, v60;
	v29 =	vld [tilespmem:s15+$0x1F60]  }
0x278: {  	v37 =	vperm.xlane v23, v8;
	v34 =	vmul.f32 v34, v58;
	v30 =	vld [tilespmem:s15+$0x2060]  }
0x279: {  	v38 =	vperm.xlane v21, v9;
	v28 =	vor.u32 v4, v62  }
0x27a: {  	[tilespmem:v32+s3+$0x0] =	vst.idx.add.f32.msk $0xffff, v34;
	v27 =	vor.u32 v4, v39;
	v32 =	vmul.f32 v61, v37  }
0x27b: {  	v42 =	vperm.xlane v22, v9  }
0x27c: {  	v29 =	vmul.f32 v29, v38;
	[tilespmem:v63+s3+$0x0] =	vst.idx.add.f32.msk $0xffff, v32  }
0x27d: {  	v30 =	vmul.f32 v30, v42;
	v44 =	vld [tilespmem:s15+$0x2160]  }
0x27e: {  	v43 =	vperm.xlane v26, v9;
	[tilespmem:v28+s3+$0x0] =	vst.idx.add.f32.msk $0xffff, v29  }
0x27f: {  	[tilespmem:v27+s3+$0x0] =	vst.idx.add.f32.msk $0xffff, v30  }
0x280: {  	v46 =	vperm.xlane v24, v10;
	v47 =	vor.u32 v4, v43;
	v29 =	vld [tilespmem:s15+$0x1F70]  }
0x281: {  	v51 =	vperm.xlane v25, v10;
	v49 =	vperm.xlane v23, v9;
	v30 =	vld [tilespmem:s15+$0x2070]  }
0x282: {  	v28 =	vor.u32 v4, v46  }
0x283: {  	v50 =	vperm.xlane v21, v10;
	v27 =	vor.u32 v4, v51;
	v33 =	vmul.f32 v44, v49  }
0x284: {  	v41 =	vld [tilespmem:s15+$0x1E90];
	v52 =	vperm.xlane v22, v10  }
0x285: {  	v40 =	vperm.xlane v20, v12;
	v29 =	vmul.f32 v29, v50;
	[tilespmem:v47+s3+$0x0] =	vst.idx.add.f32.msk $0xffff, v33  }
0x286: {  	v30 =	vmul.f32 v30, v52;
	v33 =	vld [tilespmem:s15+$0x2170]  }
0x287: {  	v34 =	vor.u32 v4, v40;
	v53 =	vperm.xlane v26, v10;
	[tilespmem:v28+s3+$0x0] =	vst.idx.add.f32.msk $0xffff, v29  }
0x288: {  	v45 =	vperm.xlane v19, v12;
	[tilespmem:v27+s3+$0x0] =	vst.idx.add.f32.msk $0xffff, v30  }
0x289: {  	v54 =	vperm.xlane v24, v11;
	v57 =	vperm.xlane v23, v10;
	v55 =	vor.u32 v4, v53;
	v29 =	vld [tilespmem:s15+$0x1F80]  }
0x28a: {  	v48 =	vmul.f32 v41, v45;
	v59 =	vperm.xlane v25, v11;
	v30 =	vld [tilespmem:s15+$0x2080]  }
0x28b: {  	v58 =	vperm.xlane v21, v11;
	v28 =	vor.u32 v4, v54  }
0x28c: {  	[tilespmem:v34+s3+$0x0] =	vst.idx.add.f32.msk $0xffff, v48;
	v27 =	vor.u32 v4, v59;
	v33 =	vmul.f32 v33, v57  }
0x28d: {  	v34 =	vld [tilespmem:s15+$0x1EA0];
	v61 =	vperm.xlane v22, v11  }
0x28e: {  	v56 =	vperm.xlane v20, v13;
	v29 =	vmul.f32 v29, v58;
	[tilespmem:v55+s3+$0x0] =	vst.idx.add.f32.msk $0xffff, v33  }
0x28f: {  	v60 =	vperm.xlane v19, v13;
	v30 =	vmul.f32 v30, v61;
	v63 =	vld [tilespmem:s15+$0x2180]  }
0x290: {  	v62 =	vperm.xlane v26, v11;
	v32 =	vor.u32 v4, v56;
	[tilespmem:v28+s3+$0x0] =	vst.idx.add.f32.msk $0xffff, v29  }
0x291: {  	[tilespmem:v27+s3+$0x0] =	vst.idx.add.f32.msk $0xffff, v30  }
0x292: {  	v40 =	vperm.xlane v24, v12;
	v34 =	vmul.f32 v34, v60;
	v41 =	vor.u32 v4, v62;
	v29 =	vld [tilespmem:s15+$0x1F90]  }
0x293: {  	v42 =	vperm.xlane v23, v11;
	v44 =	vperm.xlane v25, v12;
	v30 =	vld [tilespmem:s15+$0x2090]  }
0x294: {  	v43 =	vperm.xlane v21, v12;
	v28 =	vor.u32 v4, v40  }
0x295: {  	[tilespmem:v32+s3+$0x0] =	vst.idx.add.f32.msk $0xffff, v34;
	v27 =	vor.u32 v4, v44;
	v32 =	vmul.f32 v63, v42  }
0x296: {  	v47 =	vperm.xlane v22, v12  }
0x297: {  	v29 =	vmul.f32 v29, v43;
	[tilespmem:v41+s3+$0x0] =	vst.idx.add.f32.msk $0xffff, v32  }
0x298: {  	v30 =	vmul.f32 v30, v47;
	v49 =	vld [tilespmem:s15+$0x2190]  }
0x299: {  	v48 =	vperm.xlane v26, v12;
	[tilespmem:v28+s3+$0x0] =	vst.idx.add.f32.msk $0xffff, v29  }
0x29a: {  	[tilespmem:v27+s3+$0x0] =	vst.idx.add.f32.msk $0xffff, v30  }
0x29b: {  	v51 =	vperm.xlane v24, v13;
	v52 =	vor.u32 v4, v48;
	v29 =	vld [tilespmem:s15+$0x1FA0]  }
0x29c: {  	v56 =	vperm.xlane v25, v13;
	v54 =	vperm.xlane v23, v12;
	v30 =	vld [tilespmem:s15+$0x20A0]  }
0x29d: {  	v28 =	vor.u32 v4, v51  }
0x29e: {  	v55 =	vperm.xlane v21, v13;
	v27 =	vor.u32 v4, v56;
	v33 =	vmul.f32 v49, v54  }
0x29f: {  	v45 =	vperm.xlane v20, v14;
	v46 =	vld [tilespmem:s15+$0x1EB0];
	v57 =	vperm.xlane v22, v13  }
0x2a0: {  	v29 =	vmul.f32 v29, v55;
	[tilespmem:v52+s3+$0x0] =	vst.idx.add.f32.msk $0xffff, v33  }
0x2a1: {  	v34 =	vor.u32 v4, v45;
	v30 =	vmul.f32 v30, v57;
	v33 =	vld [tilespmem:s15+$0x21A0]  }
0x2a2: {  	v50 =	vperm.xlane v19, v14;
	v58 =	vperm.xlane v26, v13;
	[tilespmem:v28+s3+$0x0] =	vst.idx.add.f32.msk $0xffff, v29  }
0x2a3: {  	[tilespmem:v27+s3+$0x0] =	vst.idx.add.f32.msk $0xffff, v30  }
0x2a4: {  	v59 =	vperm.xlane v24, v14;
	v53 =	vmul.f32 v46, v50;
	v60 =	vor.u32 v4, v58;
	v29 =	vld [tilespmem:s15+$0x1FB0]  }
0x2a5: {  	v39 =	vperm.xlane v25, v14;
	v62 =	vperm.xlane v23, v13;
	v30 =	vld [tilespmem:s15+$0x20B0]  }
0x2a6: {  	[tilespmem:v34+s3+$0x0] =	vst.idx.add.f32.msk $0xffff, v53;
	v28 =	vor.u32 v4, v59  }
0x2a7: {  	v63 =	vperm.xlane v21, v14;
	v27 =	vor.u32 v4, v39;
	v33 =	vmul.f32 v33, v62  }
0x2a8: {  	v34 =	vld [tilespmem:s15+$0x1EC0];
	v41 =	vperm.xlane v22, v14  }
0x2a9: {  	v61 =	vperm.xlane v20, v15;
	v29 =	vmul.f32 v29, v63;
	[tilespmem:v60+s3+$0x0] =	vst.idx.add.f32.msk $0xffff, v33  }
0x2aa: {  	v30 =	vmul.f32 v30, v41;
	v43 =	vld [tilespmem:s15+$0x21B0]  }
0x2ab: {  	v42 =	vperm.xlane v26, v14;
	v32 =	vor.u32 v4, v61;
	[tilespmem:v28+s3+$0x0] =	vst.idx.add.f32.msk $0xffff, v29  }
0x2ac: {  	v40 =	vperm.xlane v19, v15;
	[tilespmem:v27+s3+$0x0] =	vst.idx.add.f32.msk $0xffff, v30  }
0x2ad: {  	v48 =	vperm.xlane v25, v15;
	v44 =	vperm.xlane v24, v15;
	v45 =	vor.u32 v4, v42;
	v29 =	vld [tilespmem:s15+$0x1FC0]  }
0x2ae: {  	v46 =	vperm.xlane v23, v14;
	v34 =	vmul.f32 v34, v40;
	v30 =	vld [tilespmem:s15+$0x20C0]  }
0x2af: {  	v47 =	vperm.xlane v21, v15;
	v28 =	vor.u32 v4, v44  }
0x2b0: {  	[tilespmem:v32+s3+$0x0] =	vst.idx.add.f32.msk $0xffff, v34;
	v27 =	vor.u32 v4, v48;
	v32 =	vmul.f32 v43, v46  }
0x2b1: {  	v51 =	vperm.xlane v22, v15;
	v50 =	vld [tilespmem:s15+$0x1ED0]  }
0x2b2: {  	v49 =	vperm.xlane v20, v16;
	v29 =	vmul.f32 v29, v47;
	[tilespmem:v45+s3+$0x0] =	vst.idx.add.f32.msk $0xffff, v32  }
0x2b3: {  	v52 =	vperm.xlane v26, v15;
	v30 =	vmul.f32 v30, v51;
	v53 =	vld [tilespmem:s15+$0x21C0]  }
0x2b4: {  	v34 =	vor.u32 v4, v49;
	[tilespmem:v28+s3+$0x0] =	vst.idx.add.f32.msk $0xffff, v29  }
0x2b5: {  	v54 =	vperm.xlane v19, v16;
	v55 =	vor.u32 v4, v52;
	[tilespmem:v27+s3+$0x0] =	vst.idx.add.f32.msk $0xffff, v30  }
0x2b6: {  	v56 =	vperm.xlane v24, v16;
	v57 =	vperm.xlane v23, v15;
	v29 =	vld [tilespmem:s15+$0x1FD0]  }
0x2b7: {  	v60 =	vperm.xlane v25, v16;
	v28 =	vmul.f32 v50, v54;
	v61 =	vld [tilespmem:s15+$0x20D0]  }
0x2b8: {  	v59 =	vor.u32 v4, v56;
	v33 =	vmul.f32 v53, v57  }
0x2b9: {  	v58 =	vperm.xlane v21, v16;
	v63 =	vor.u32 v4, v60;
	[tilespmem:v34+s3+$0x0] =	vst.idx.add.f32.msk $0xffff, v28  }
0x2ba: {  	v39 =	vperm.xlane v22, v16;
	[tilespmem:v55+s3+$0x0] =	vst.idx.add.f32.msk $0xffff, v33  }
0x2bb: {  	v40 =	vperm.xlane v26, v16;
	v62 =	vmul.f32 v29, v58;
	v33 =	vld [tilespmem:s15+$0x21D0]  }
0x2bc: {  	v34 =	vld [tilespmem:s15+$0x1EE0];
	v41 =	vmul.f32 v61, v39  }
0x2bd: {  	v42 =	vor.u32 v4, v40;
	v43 =	vperm.xlane v20, v17;
	[tilespmem:v59+s3+$0x0] =	vst.idx.add.f32.msk $0xffff, v62  }
0x2be: {  	v45 =	vperm.xlane v23, v16;
	[tilespmem:v63+s3+$0x0] =	vst.idx.add.f32.msk $0xffff, v41  }
0x2bf: {  	v49 =	vperm.xlane v25, v17;
	v47 =	vperm.xlane v24, v17;
	v48 =	vor.u32 v4, v43;
	v44 =	vld [tilespmem:s15+$0x1FE0]  }
0x2c0: {  	v46 =	vperm.xlane v19, v17;
	v50 =	vld [tilespmem:s15+$0x20E0];
	v32 =	vmul.f32 v33, v45  }
0x2c1: {  	v52 =	vor.u32 v4, v47;
	v53 =	vperm.xlane v21, v17  }
0x2c2: {  	v29 =	vor.u32 v4, v49;
	v51 =	vmul.f32 v34, v46;
	[tilespmem:v42+s3+$0x0] =	vst.idx.add.f32.msk $0xffff, v32  }
0x2c3: {  	v54 =	vperm.xlane v22, v17;
	v55 =	vperm.xlane v26, v17;
	v56 =	vld [tilespmem:s15+$0x21E0]  }
0x2c4: {  	[tilespmem:v48+s3+$0x0] =	vst.idx.add.f32.msk $0xffff, v51;
	v31 =	vmul.f32 v44, v53  }
0x2c5: {  	v58 =	vor.u32 v4, v55;
	v60 =	vld [tilespmem:s15+$0x1EF0];
	v57 =	vmul.f32 v50, v54  }
0x2c6: {  	v59 =	vperm.xlane v23, v17;
	[tilespmem:v52+s3+$0x0] =	vst.idx.add.f32.msk $0xffff, v31  }
0x2c7: {  	[tilespmem:v29+s3+$0x0] =	vst.idx.add.f32.msk $0xffff, v57  }
0x2c8: {  	v20 =	vperm.xlane v20, v18;
	v62 =	vld [tilespmem:s15+$0x1FF0];
	v61 =	vmul.f32 v56, v59  }
0x2c9: {  	v24 =	vperm.xlane v24, v18;
	v63 =	vld [tilespmem:s15+$0x20F0]  }
0x2ca: {  	v25 =	vperm.xlane v25, v18;
	v20 =	vor.u32 v4, v20;
	[tilespmem:v58+s3+$0x0] =	vst.idx.add.f32.msk $0xffff, v61  }
0x2cb: {  	v19 =	vperm.xlane v19, v18;
	v24 =	vor.u32 v4, v24;
	v26 =	vperm.xlane v26, v18;
	v29 =	vld [tilespmem:s15+$0x21F0]  }
0x2cc: {  	v25 =	vor.u32 v4, v25;
	v21 =	vperm.xlane v21, v18  }
0x2cd: {  	p1 =	por p0, p0;
	v22 =	vperm.xlane v22, v18;
	v26 =	vor.u32 v4, v26;
	v19 =	vmul.f32 v60, v19  }
.Ltmp9:
0x2ce: {  	v23 =	vperm.xlane v23, v18;
	v21 =	vmul.f32 v62, v21;
	(pc) =	sbr.rel @p1 .LBB2_21-.Ltmp9, $4  }
0x2cf: {  	[tilespmem:v20+s3+$0x0] =	vst.idx.add.f32.msk $0xffff, v19;
	v19 =	vmul.f32 v63, v22  }
0x2d0: {  	[tilespmem:v24+s3+$0x0] =	vst.idx.add.f32.msk $0xffff, v21;
	v20 =	vmul.f32 v29, v23  }
0x2d1: {  	s16 =	simm.s32 $0x310;
	p0 =	por $0x0, $0x0;
	[tilespmem:v25+s3+$0x0] =	vst.idx.add.f32.msk $0xffff, v19  }
0x2d2: {  	s13 =	simm.s32 $0xFFFFFFE0;
	s12 =	simm.s32 $0xD10;
	s15 =	simm.s32 $0x4;
	[tilespmem:v26+s3+$0x0] =	vst.idx.add.f32.msk $0xffff, v20  }
0x2d3: {  	v19 =	vld [tilespmem:s16+$0xFFFFFFF0]  }
0x2d4: {  	v21 =	vld [tilespmem:s16+$0x0];
	_ =	sdelay $0x3  }
0x2d5: {  	s15 =	sadd.s32 $0x20, s16;
	v19 =	vshll.u32 v19, $0x4  }
0x2d6: {  	s13 =	sadd.s32 $0x20, s13;
	v20 =	vld [tilespmem:s15+$0xFFFFFFF0];
	v21 =	vshll.u32 v21, $0x4;
	v22 =	vor.u32 v0, v19  }
0x2d7: {  	s13 =	sadd.s32 $0x20, s13;
	v19 =	vld [tilespmem:s15+$0x0];
	v21 =	vor.u32 v0, v21;
	[tilespmem:s12+$0xFFFFFFF0] =	vst v22  }
.LBB2_23:
0x2d8: {  	s13 =	sadd.s32 $0x20, s13  }
0x2d9: {  	[tilespmem:s12+$0x0] =	vst v21;
	s12 =	sadd.s32 $0x20, s12;
	p0 =	slt.u32 s13, $0x60  }
.Ltmp10:
0x2da: {  	(pc) =	sbr.rel @p0 .LBB2_23-.Ltmp10, $4  }
0x2db: {  	_ = 	snop  }
0x2dc: {  	s15 =	sadd.s32 $0x20, s15;
	v21 =	vshll.u32 v20, $0x4  }
0x2dd: {  	v20 =	vld [tilespmem:s15+$0xFFFFFFF0];
	v21 =	vor.u32 v0, v21;
	v22 =	vshll.u32 v19, $0x4  }
0x2de: {  	v19 =	vld [tilespmem:s15+$0x0];
	[tilespmem:s12+$0xFFFFFFF0] =	vst v21;
	v21 =	vor.u32 v0, v22  }
0x2df: {  	_ =	sdelay $0x2  }
0x2e0: {  	v20 =	vshll.u32 v20, $0x4  }
0x2e1: {  	[tilespmem:s12+$0x0] =	vst v21;
	s17 =	sadd.s32 $0x20, s12;
	v20 =	vor.u32 v0, v20;
	v19 =	vshll.u32 v19, $0x4  }
0x2e2: {  	[tilespmem:s17+$0xFFFFFFF0] =	vst v20;
	v19 =	vor.u32 v0, v19  }
0x2e3: {  	[tilespmem:s17+$0x0] =	vst v19  }
0x2e4: {  	[tilespmem:s25], [sflag:$0x5] =	stream.indirect.gather [hbm4b:s4+s19], $0x10, s24, s19, $0xb8;
	[tilespmem:$0x12E00] =	vst v63  }
0x2e5: {  	_ =	swait.ge [sflag:s11], $0x800  }
0x2e6: {  	[sflag:s11] =	ssyncset.done $0x0  }
0x2e7: {  	s12 =	simm.s32 $0x0;
	p0 =	por $0x1, $0x1;
	[sflag:s11] =	ssyncadd.s32 $0xFFFFF800  }
.LBB2_25:
0x2e8: {  	s13 =	sshll.u32 s12, $0x4  }
0x2e9: {  	v20 =	vld [tilespmem:s13+$0x580];
	_ =	sdelay $0x3  }
0x2ea: {  	s17 =	sshll.u32 s12, $0x8;
	v19 =	vld [tilespmem:s13+$0x980]  }
0x2eb: {  	s15 =	sand.u32 $0x3FFFFF00, s17;
	v20 =	vshll.u32 v20, $0x4  }
0x2ec: {  	v22 =	vld [tilespmem:s15+$0x2600];
	v21 =	vperm.xlane v20, v3;
	_ =	sdelay $0x1  }
0x2ed: {  	v21 =	vor.u32 v4, v21  }
0x2ee: {  	v23 =	vperm.xlane v19, v3;
	_ =	sdelay $0x1  }
0x2ef: {  	v22 =	vmul.f32 v22, v23;
	_ =	sdelay $0x1  }
0x2f0: {  	[tilespmem:v21+s3+$0x0] =	vst.idx.add.f32.msk $0xffff, v22  }
0x2f1: {  	v51 =	vperm.xlane v20, v5;
	v22 =	vld [tilespmem:s15+$0x2610];
	_ =	sdelay $0x1  }
0x2f2: {  	v21 =	vor.u32 v4, v51  }
0x2f3: {  	v52 =	vperm.xlane v19, v5;
	_ =	sdelay $0x1  }
0x2f4: {  	v22 =	vmul.f32 v22, v52;
	_ =	sdelay $0x1  }
0x2f5: {  	[tilespmem:v21+s3+$0x0] =	vst.idx.add.f32.msk $0xffff, v22  }
0x2f6: {  	v53 =	vperm.xlane v20, v6;
	v22 =	vld [tilespmem:s15+$0x2620];
	_ =	sdelay $0x1  }
0x2f7: {  	v21 =	vor.u32 v4, v53  }
0x2f8: {  	v54 =	vperm.xlane v19, v6;
	_ =	sdelay $0x1  }
0x2f9: {  	v22 =	vmul.f32 v22, v54;
	_ =	sdelay $0x1  }
0x2fa: {  	[tilespmem:v21+s3+$0x0] =	vst.idx.add.f32.msk $0xffff, v22  }
0x2fb: {  	v55 =	vperm.xlane v20, v7;
	v22 =	vld [tilespmem:s15+$0x2630];
	_ =	sdelay $0x1  }
0x2fc: {  	v21 =	vor.u32 v4, v55  }
0x2fd: {  	v56 =	vperm.xlane v19, v7;
	_ =	sdelay $0x1  }
0x2fe: {  	v22 =	vmul.f32 v22, v56;
	_ =	sdelay $0x1  }
0x2ff: {  	[tilespmem:v21+s3+$0x0] =	vst.idx.add.f32.msk $0xffff, v22  }
0x300: {  	v57 =	vperm.xlane v20, v2;
	v22 =	vld [tilespmem:s15+$0x2640];
	_ =	sdelay $0x1  }
0x301: {  	v21 =	vor.u32 v4, v57  }
0x302: {  	v58 =	vperm.xlane v19, v2  }
0x303: {  	v59 =	vld [tilespmem:s13+$0x590]  }
0x304: {  	v25 =	vld [tilespmem:s13+$0x5A0];
	v22 =	vmul.f32 v22, v58  }
0x305: {  	v27 =	vld [tilespmem:s13+$0x5B0]  }
0x306: {  	[tilespmem:v21+s3+$0x0] =	vst.idx.add.f32.msk $0xffff, v22  }
0x307: {  	v21 =	vld [tilespmem:s13+$0x990]  }
0x308: {  	v24 =	vshll.u32 v59, $0x4;
	v22 =	vld [tilespmem:s13+$0x9A0]  }
0x309: {  	v26 =	vld [tilespmem:s15+$0x2700];
	v25 =	vshll.u32 v25, $0x4;
	v23 =	vperm.xlane v24, v3  }
0x30a: {  	v32 =	vld [tilespmem:s15+$0x2800];
	v31 =	vperm.xlane v25, v3  }
0x30b: {  	v29 =	vor.u32 v4, v23  }
0x30c: {  	v31 =	vor.u32 v4, v31;
	v30 =	vperm.xlane v21, v3  }
0x30d: {  	v60 =	vperm.xlane v22, v3  }
0x30e: {  	v23 =	vld [tilespmem:s13+$0x9B0];
	v30 =	vmul.f32 v26, v30  }
0x30f: {  	v35 =	vld [tilespmem:s15+$0x2900];
	v26 =	vshll.u32 v27, $0x4;
	v27 =	vmul.f32 v32, v60  }
0x310: {  	v34 =	vperm.xlane v26, v3;
	[tilespmem:v29+s3+$0x0] =	vst.idx.add.f32.msk $0xffff, v30  }
0x311: {  	[tilespmem:v31+s3+$0x0] =	vst.idx.add.f32.msk $0xffff, v27  }
0x312: {  	v61 =	vperm.xlane v24, v5;
	v30 =	vld [tilespmem:s15+$0x2710];
	v62 =	vor.u32 v4, v34  }
0x313: {  	v41 =	vperm.xlane v25, v5;
	v63 =	vperm.xlane v23, v3;
	v31 =	vld [tilespmem:s15+$0x2810]  }
0x314: {  	v29 =	vor.u32 v4, v61  }
0x315: {  	v40 =	vperm.xlane v21, v5;
	v27 =	vor.u32 v4, v41;
	v34 =	vmul.f32 v35, v63  }
0x316: {  	v33 =	vperm.xlane v20, v8;
	v28 =	vld [tilespmem:s15+$0x2650];
	v43 =	vperm.xlane v22, v5  }
0x317: {  	v42 =	vmul.f32 v30, v40;
	[tilespmem:v62+s3+$0x0] =	vst.idx.add.f32.msk $0xffff, v34  }
0x318: {  	v33 =	vor.u32 v4, v33;
	v30 =	vmul.f32 v31, v43;
	v45 =	vld [tilespmem:s15+$0x2910]  }
0x319: {  	v36 =	vperm.xlane v19, v8;
	v44 =	vperm.xlane v26, v5;
	[tilespmem:v29+s3+$0x0] =	vst.idx.add.f32.msk $0xffff, v42  }
0x31a: {  	[tilespmem:v27+s3+$0x0] =	vst.idx.add.f32.msk $0xffff, v30  }
0x31b: {  	v46 =	vperm.xlane v24, v6;
	v28 =	vmul.f32 v28, v36;
	v47 =	vor.u32 v4, v44;
	v29 =	vld [tilespmem:s15+$0x2720]  }
0x31c: {  	v50 =	vperm.xlane v23, v5;
	v52 =	vperm.xlane v25, v6;
	v30 =	vld [tilespmem:s15+$0x2820]  }
0x31d: {  	[tilespmem:v33+s3+$0x0] =	vst.idx.add.f32.msk $0xffff, v28;
	v28 =	vor.u32 v4, v46  }
0x31e: {  	v51 =	vperm.xlane v21, v6;
	v27 =	vor.u32 v4, v52;
	v33 =	vmul.f32 v45, v50  }
0x31f: {  	v54 =	vperm.xlane v22, v6;
	v49 =	vld [tilespmem:s15+$0x2660]  }
0x320: {  	v48 =	vperm.xlane v20, v9;
	v29 =	vmul.f32 v29, v51;
	[tilespmem:v47+s3+$0x0] =	vst.idx.add.f32.msk $0xffff, v33  }
0x321: {  	v30 =	vmul.f32 v30, v54;
	v56 =	vld [tilespmem:s15+$0x2920]  }
0x322: {  	v32 =	vor.u32 v4, v48;
	v55 =	vperm.xlane v26, v6;
	[tilespmem:v28+s3+$0x0] =	vst.idx.add.f32.msk $0xffff, v29  }
0x323: {  	v53 =	vperm.xlane v19, v9;
	[tilespmem:v27+s3+$0x0] =	vst.idx.add.f32.msk $0xffff, v30  }
0x324: {  	v59 =	vperm.xlane v23, v6;
	v57 =	vperm.xlane v24, v7;
	v58 =	vor.u32 v4, v55;
	v29 =	vld [tilespmem:s15+$0x2730]  }
0x325: {  	v61 =	vperm.xlane v25, v7;
	v34 =	vmul.f32 v49, v53;
	v30 =	vld [tilespmem:s15+$0x2830]  }
0x326: {  	v60 =	vperm.xlane v21, v7;
	v28 =	vor.u32 v4, v57  }
0x327: {  	[tilespmem:v32+s3+$0x0] =	vst.idx.add.f32.msk $0xffff, v34;
	v27 =	vor.u32 v4, v61;
	v32 =	vmul.f32 v56, v59  }
0x328: {  	v40 =	vperm.xlane v22, v7  }
0x329: {  	v29 =	vmul.f32 v29, v60;
	[tilespmem:v58+s3+$0x0] =	vst.idx.add.f32.msk $0xffff, v32  }
0x32a: {  	v30 =	vmul.f32 v30, v40;
	v42 =	vld [tilespmem:s15+$0x2930]  }
0x32b: {  	v41 =	vperm.xlane v26, v7;
	[tilespmem:v28+s3+$0x0] =	vst.idx.add.f32.msk $0xffff, v29  }
0x32c: {  	[tilespmem:v27+s3+$0x0] =	vst.idx.add.f32.msk $0xffff, v30  }
0x32d: {  	v44 =	vperm.xlane v24, v2;
	v45 =	vor.u32 v4, v41;
	v29 =	vld [tilespmem:s15+$0x2740]  }
0x32e: {  	v49 =	vperm.xlane v25, v2;
	v47 =	vperm.xlane v23, v7;
	v30 =	vld [tilespmem:s15+$0x2840]  }
0x32f: {  	v28 =	vor.u32 v4, v44  }
0x330: {  	v48 =	vperm.xlane v21, v2;
	v27 =	vor.u32 v4, v49;
	v33 =	vmul.f32 v42, v47  }
0x331: {  	v62 =	vperm.xlane v20, v10;
	v63 =	vld [tilespmem:s15+$0x2670];
	v50 =	vperm.xlane v22, v2  }
0x332: {  	v29 =	vmul.f32 v29, v48;
	[tilespmem:v45+s3+$0x0] =	vst.idx.add.f32.msk $0xffff, v33  }
0x333: {  	v34 =	vor.u32 v4, v62;
	v30 =	vmul.f32 v30, v50;
	v33 =	vld [tilespmem:s15+$0x2940]  }
0x334: {  	v43 =	vperm.xlane v19, v10;
	v51 =	vperm.xlane v26, v2;
	[tilespmem:v28+s3+$0x0] =	vst.idx.add.f32.msk $0xffff, v29  }
0x335: {  	[tilespmem:v27+s3+$0x0] =	vst.idx.add.f32.msk $0xffff, v30  }
0x336: {  	v52 =	vperm.xlane v24, v8;
	v46 =	vmul.f32 v63, v43;
	v53 =	vor.u32 v4, v51;
	v29 =	vld [tilespmem:s15+$0x2750]  }
0x337: {  	v55 =	vperm.xlane v23, v2;
	v57 =	vperm.xlane v25, v8;
	v30 =	vld [tilespmem:s15+$0x2850]  }
0x338: {  	[tilespmem:v34+s3+$0x0] =	vst.idx.add.f32.msk $0xffff, v46;
	v28 =	vor.u32 v4, v52  }
0x339: {  	v56 =	vperm.xlane v21, v8;
	v27 =	vor.u32 v4, v57;
	v33 =	vmul.f32 v33, v55  }
0x33a: {  	v34 =	vld [tilespmem:s15+$0x2680];
	v59 =	vperm.xlane v22, v8  }
0x33b: {  	v54 =	vperm.xlane v20, v11;
	v29 =	vmul.f32 v29, v56;
	[tilespmem:v53+s3+$0x0] =	vst.idx.add.f32.msk $0xffff, v33  }
0x33c: {  	v30 =	vmul.f32 v30, v59;
	v61 =	vld [tilespmem:s15+$0x2950]  }
0x33d: {  	v32 =	vor.u32 v4, v54;
	v60 =	vperm.xlane v26, v8;
	[tilespmem:v28+s3+$0x0] =	vst.idx.add.f32.msk $0xffff, v29  }
0x33e: {  	v58 =	vperm.xlane v19, v11;
	[tilespmem:v27+s3+$0x0] =	vst.idx.add.f32.msk $0xffff, v30  }
0x33f: {  	v39 =	vperm.xlane v25, v9;
	v62 =	vperm.xlane v24, v9;
	v63 =	vor.u32 v4, v60;
	v29 =	vld [tilespmem:s15+$0x2760]  }
0x340: {  	v37 =	vperm.xlane v23, v8;
	v34 =	vmul.f32 v34, v58;
	v30 =	vld [tilespmem:s15+$0x2860]  }
0x341: {  	v38 =	vperm.xlane v21, v9;
	v28 =	vor.u32 v4, v62  }
0x342: {  	[tilespmem:v32+s3+$0x0] =	vst.idx.add.f32.msk $0xffff, v34;
	v27 =	vor.u32 v4, v39;
	v32 =	vmul.f32 v61, v37  }
0x343: {  	v42 =	vperm.xlane v22, v9  }
0x344: {  	v29 =	vmul.f32 v29, v38;
	[tilespmem:v63+s3+$0x0] =	vst.idx.add.f32.msk $0xffff, v32  }
0x345: {  	v30 =	vmul.f32 v30, v42;
	v44 =	vld [tilespmem:s15+$0x2960]  }
0x346: {  	v43 =	vperm.xlane v26, v9;
	[tilespmem:v28+s3+$0x0] =	vst.idx.add.f32.msk $0xffff, v29  }
0x347: {  	[tilespmem:v27+s3+$0x0] =	vst.idx.add.f32.msk $0xffff, v30  }
0x348: {  	v46 =	vperm.xlane v24, v10;
	v47 =	vor.u32 v4, v43;
	v29 =	vld [tilespmem:s15+$0x2770]  }
0x349: {  	v51 =	vperm.xlane v25, v10;
	v49 =	vperm.xlane v23, v9;
	v30 =	vld [tilespmem:s15+$0x2870]  }
0x34a: {  	v28 =	vor.u32 v4, v46  }
0x34b: {  	v50 =	vperm.xlane v21, v10;
	v27 =	vor.u32 v4, v51;
	v33 =	vmul.f32 v44, v49  }
0x34c: {  	v41 =	vld [tilespmem:s15+$0x2690];
	v52 =	vperm.xlane v22, v10  }
0x34d: {  	v40 =	vperm.xlane v20, v12;
	v29 =	vmul.f32 v29, v50;
	[tilespmem:v47+s3+$0x0] =	vst.idx.add.f32.msk $0xffff, v33  }
0x34e: {  	v30 =	vmul.f32 v30, v52;
	v33 =	vld [tilespmem:s15+$0x2970]  }
0x34f: {  	v34 =	vor.u32 v4, v40;
	v53 =	vperm.xlane v26, v10;
	[tilespmem:v28+s3+$0x0] =	vst.idx.add.f32.msk $0xffff, v29  }
0x350: {  	v45 =	vperm.xlane v19, v12;
	[tilespmem:v27+s3+$0x0] =	vst.idx.add.f32.msk $0xffff, v30  }
0x351: {  	v54 =	vperm.xlane v24, v11;
	v57 =	vperm.xlane v23, v10;
	v55 =	vor.u32 v4, v53;
	v29 =	vld [tilespmem:s15+$0x2780]  }
0x352: {  	v48 =	vmul.f32 v41, v45;
	v59 =	vperm.xlane v25, v11;
	v30 =	vld [tilespmem:s15+$0x2880]  }
0x353: {  	v58 =	vperm.xlane v21, v11;
	v28 =	vor.u32 v4, v54  }
0x354: {  	[tilespmem:v34+s3+$0x0] =	vst.idx.add.f32.msk $0xffff, v48;
	v27 =	vor.u32 v4, v59;
	v33 =	vmul.f32 v33, v57  }
0x355: {  	v34 =	vld [tilespmem:s15+$0x26A0];
	v61 =	vperm.xlane v22, v11  }
0x356: {  	v56 =	vperm.xlane v20, v13;
	v29 =	vmul.f32 v29, v58;
	[tilespmem:v55+s3+$0x0] =	vst.idx.add.f32.msk $0xffff, v33  }
0x357: {  	v60 =	vperm.xlane v19, v13;
	v30 =	vmul.f32 v30, v61;
	v63 =	vld [tilespmem:s15+$0x2980]  }
0x358: {  	v62 =	vperm.xlane v26, v11;
	v32 =	vor.u32 v4, v56;
	[tilespmem:v28+s3+$0x0] =	vst.idx.add.f32.msk $0xffff, v29  }
0x359: {  	[tilespmem:v27+s3+$0x0] =	vst.idx.add.f32.msk $0xffff, v30  }
0x35a: {  	v40 =	vperm.xlane v24, v12;
	v34 =	vmul.f32 v34, v60;
	v41 =	vor.u32 v4, v62;
	v29 =	vld [tilespmem:s15+$0x2790]  }
0x35b: {  	v42 =	vperm.xlane v23, v11;
	v44 =	vperm.xlane v25, v12;
	v30 =	vld [tilespmem:s15+$0x2890]  }
0x35c: {  	v43 =	vperm.xlane v21, v12;
	v28 =	vor.u32 v4, v40  }
0x35d: {  	[tilespmem:v32+s3+$0x0] =	vst.idx.add.f32.msk $0xffff, v34;
	v27 =	vor.u32 v4, v44;
	v32 =	vmul.f32 v63, v42  }
0x35e: {  	v47 =	vperm.xlane v22, v12  }
0x35f: {  	v29 =	vmul.f32 v29, v43;
	[tilespmem:v41+s3+$0x0] =	vst.idx.add.f32.msk $0xffff, v32  }
0x360: {  	v30 =	vmul.f32 v30, v47;
	v49 =	vld [tilespmem:s15+$0x2990]  }
0x361: {  	v48 =	vperm.xlane v26, v12;
	[tilespmem:v28+s3+$0x0] =	vst.idx.add.f32.msk $0xffff, v29  }
0x362: {  	[tilespmem:v27+s3+$0x0] =	vst.idx.add.f32.msk $0xffff, v30  }
0x363: {  	v51 =	vperm.xlane v24, v13;
	v52 =	vor.u32 v4, v48;
	v29 =	vld [tilespmem:s15+$0x27A0]  }
0x364: {  	v56 =	vperm.xlane v25, v13;
	v54 =	vperm.xlane v23, v12;
	v30 =	vld [tilespmem:s15+$0x28A0]  }
0x365: {  	v28 =	vor.u32 v4, v51  }
0x366: {  	v55 =	vperm.xlane v21, v13;
	v27 =	vor.u32 v4, v56;
	v33 =	vmul.f32 v49, v54  }
0x367: {  	v45 =	vperm.xlane v20, v14;
	v46 =	vld [tilespmem:s15+$0x26B0];
	v57 =	vperm.xlane v22, v13  }
0x368: {  	v29 =	vmul.f32 v29, v55;
	[tilespmem:v52+s3+$0x0] =	vst.idx.add.f32.msk $0xffff, v33  }
0x369: {  	v34 =	vor.u32 v4, v45;
	v30 =	vmul.f32 v30, v57;
	v33 =	vld [tilespmem:s15+$0x29A0]  }
0x36a: {  	v50 =	vperm.xlane v19, v14;
	v58 =	vperm.xlane v26, v13;
	[tilespmem:v28+s3+$0x0] =	vst.idx.add.f32.msk $0xffff, v29  }
0x36b: {  	[tilespmem:v27+s3+$0x0] =	vst.idx.add.f32.msk $0xffff, v30  }
0x36c: {  	v59 =	vperm.xlane v24, v14;
	v53 =	vmul.f32 v46, v50;
	v60 =	vor.u32 v4, v58;
	v29 =	vld [tilespmem:s15+$0x27B0]  }
0x36d: {  	v39 =	vperm.xlane v25, v14;
	v62 =	vperm.xlane v23, v13;
	v30 =	vld [tilespmem:s15+$0x28B0]  }
0x36e: {  	[tilespmem:v34+s3+$0x0] =	vst.idx.add.f32.msk $0xffff, v53;
	v28 =	vor.u32 v4, v59  }
0x36f: {  	v63 =	vperm.xlane v21, v14;
	v27 =	vor.u32 v4, v39;
	v33 =	vmul.f32 v33, v62  }
0x370: {  	v34 =	vld [tilespmem:s15+$0x26C0];
	v41 =	vperm.xlane v22, v14  }
0x371: {  	v61 =	vperm.xlane v20, v15;
	v29 =	vmul.f32 v29, v63;
	[tilespmem:v60+s3+$0x0] =	vst.idx.add.f32.msk $0xffff, v33  }
0x372: {  	v30 =	vmul.f32 v30, v41;
	v43 =	vld [tilespmem:s15+$0x29B0]  }
0x373: {  	v42 =	vperm.xlane v26, v14;
	v32 =	vor.u32 v4, v61;
	[tilespmem:v28+s3+$0x0] =	vst.idx.add.f32.msk $0xffff, v29  }
0x374: {  	v40 =	vperm.xlane v19, v15;
	[tilespmem:v27+s3+$0x0] =	vst.idx.add.f32.msk $0xffff, v30  }
0x375: {  	v48 =	vperm.xlane v25, v15;
	v44 =	vperm.xlane v24, v15;
	v45 =	vor.u32 v4, v42;
	v29 =	vld [tilespmem:s15+$0x27C0]  }
0x376: {  	v46 =	vperm.xlane v23, v14;
	v34 =	vmul.f32 v34, v40;
	v30 =	vld [tilespmem:s15+$0x28C0]  }
0x377: {  	v47 =	vperm.xlane v21, v15;
	v28 =	vor.u32 v4, v44  }
0x378: {  	[tilespmem:v32+s3+$0x0] =	vst.idx.add.f32.msk $0xffff, v34;
	v27 =	vor.u32 v4, v48;
	v32 =	vmul.f32 v43, v46  }
0x379: {  	v51 =	vperm.xlane v22, v15;
	v50 =	vld [tilespmem:s15+$0x26D0]  }
0x37a: {  	v49 =	vperm.xlane v20, v16;
	v29 =	vmul.f32 v29, v47;
	[tilespmem:v45+s3+$0x0] =	vst.idx.add.f32.msk $0xffff, v32  }
0x37b: {  	v52 =	vperm.xlane v26, v15;
	v30 =	vmul.f32 v30, v51;
	v53 =	vld [tilespmem:s15+$0x29C0]  }
0x37c: {  	v34 =	vor.u32 v4, v49;
	[tilespmem:v28+s3+$0x0] =	vst.idx.add.f32.msk $0xffff, v29  }
0x37d: {  	v54 =	vperm.xlane v19, v16;
	v55 =	vor.u32 v4, v52;
	[tilespmem:v27+s3+$0x0] =	vst.idx.add.f32.msk $0xffff, v30  }
0x37e: {  	v56 =	vperm.xlane v24, v16;
	v57 =	vperm.xlane v23, v15;
	v29 =	vld [tilespmem:s15+$0x27D0]  }
0x37f: {  	v60 =	vperm.xlane v25, v16;
	v28 =	vmul.f32 v50, v54;
	v61 =	vld [tilespmem:s15+$0x28D0]  }
0x380: {  	v59 =	vor.u32 v4, v56;
	v33 =	vmul.f32 v53, v57  }
0x381: {  	v58 =	vperm.xlane v21, v16;
	v63 =	vor.u32 v4, v60;
	[tilespmem:v34+s3+$0x0] =	vst.idx.add.f32.msk $0xffff, v28  }
0x382: {  	v39 =	vperm.xlane v22, v16;
	[tilespmem:v55+s3+$0x0] =	vst.idx.add.f32.msk $0xffff, v33  }
0x383: {  	v40 =	vperm.xlane v26, v16;
	v62 =	vmul.f32 v29, v58;
	v33 =	vld [tilespmem:s15+$0x29D0]  }
0x384: {  	v34 =	vld [tilespmem:s15+$0x26E0];
	v41 =	vmul.f32 v61, v39  }
0x385: {  	v42 =	vor.u32 v4, v40;
	v43 =	vperm.xlane v20, v17;
	[tilespmem:v59+s3+$0x0] =	vst.idx.add.f32.msk $0xffff, v62  }
0x386: {  	v45 =	vperm.xlane v23, v16;
	[tilespmem:v63+s3+$0x0] =	vst.idx.add.f32.msk $0xffff, v41  }
0x387: {  	v49 =	vperm.xlane v25, v17;
	v47 =	vperm.xlane v24, v17;
	v48 =	vor.u32 v4, v43;
	v44 =	vld [tilespmem:s15+$0x27E0]  }
0x388: {  	v46 =	vperm.xlane v19, v17;
	v50 =	vld [tilespmem:s15+$0x28E0];
	v32 =	vmul.f32 v33, v45  }
0x389: {  	v52 =	vor.u32 v4, v47;
	v53 =	vperm.xlane v21, v17  }
0x38a: {  	v29 =	vor.u32 v4, v49;
	v51 =	vmul.f32 v34, v46;
	[tilespmem:v42+s3+$0x0] =	vst.idx.add.f32.msk $0xffff, v32  }
0x38b: {  	v54 =	vperm.xlane v22, v17;
	v55 =	vperm.xlane v26, v17;
	v56 =	vld [tilespmem:s15+$0x29E0]  }
0x38c: {  	[tilespmem:v48+s3+$0x0] =	vst.idx.add.f32.msk $0xffff, v51;
	v31 =	vmul.f32 v44, v53  }
0x38d: {  	v58 =	vor.u32 v4, v55;
	v60 =	vld [tilespmem:s15+$0x26F0];
	v57 =	vmul.f32 v50, v54  }
0x38e: {  	v59 =	vperm.xlane v23, v17;
	[tilespmem:v52+s3+$0x0] =	vst.idx.add.f32.msk $0xffff, v31  }
0x38f: {  	[tilespmem:v29+s3+$0x0] =	vst.idx.add.f32.msk $0xffff, v57  }
0x390: {  	v20 =	vperm.xlane v20, v18;
	v62 =	vld [tilespmem:s15+$0x27F0];
	v61 =	vmul.f32 v56, v59  }
0x391: {  	v24 =	vperm.xlane v24, v18;
	v63 =	vld [tilespmem:s15+$0x28F0]  }
0x392: {  	v25 =	vperm.xlane v25, v18;
	v20 =	vor.u32 v4, v20;
	[tilespmem:v58+s3+$0x0] =	vst.idx.add.f32.msk $0xffff, v61  }
0x393: {  	v19 =	vperm.xlane v19, v18;
	v24 =	vor.u32 v4, v24;
	v26 =	vperm.xlane v26, v18;
	v29 =	vld [tilespmem:s15+$0x29F0]  }
0x394: {  	v25 =	vor.u32 v4, v25;
	v21 =	vperm.xlane v21, v18  }
0x395: {  	p1 =	por p0, p0;
	v22 =	vperm.xlane v22, v18;
	v26 =	vor.u32 v4, v26;
	v19 =	vmul.f32 v60, v19  }
.Ltmp11:
0x396: {  	v23 =	vperm.xlane v23, v18;
	v21 =	vmul.f32 v62, v21;
	(pc) =	sbr.rel @p1 .LBB2_25-.Ltmp11, $4  }
0x397: {  	[tilespmem:v20+s3+$0x0] =	vst.idx.add.f32.msk $0xffff, v19;
	v19 =	vmul.f32 v63, v22  }
0x398: {  	[tilespmem:v24+s3+$0x0] =	vst.idx.add.f32.msk $0xffff, v21;
	v20 =	vmul.f32 v29, v23  }
0x399: {  	[tilespmem:v25+s3+$0x0] =	vst.idx.add.f32.msk $0xffff, v19  }
0x39a: {  	s12 =	simm.s32 $0x4;
	p0 =	por $0x0, $0x0;
	[tilespmem:v26+s3+$0x0] =	vst.idx.add.f32.msk $0xffff, v20  }
0x39b: {  	s15 =	sshll.u32 s14, $0xA  }
0x39c: {  	s12 =	sadd.s32 $0x400, s15  }
0x39d: {  	s12 =	sand.u32 $0x7C00, s12  }
0x39e: {  	s12 =	sor.u32 s7, s12  }
0x39f: {  	s12 =	sshrl.u32 s12, $0x3  }
0x3a0: {  	s13 =	sadd.s32 s6, s12  }
0x3a1: {  	[tilespmem:s2], [sflag:$0x1] =	stream.linear.gather [hbm4b:s13+s2], $0x200, $0x38;
	[tilespmem:$0x12E00] =	vst v63  }
0x3a2: {  	s16 =	simm.s32 $0x400;
	s17 =	sadd.s32 s5, s12  }
0x3a3: {  	[tilespmem:s16], [sflag:$0x1] =	stream.linear.gather [hbm4b:s17+s2], $0x200, $0x38;
	[tilespmem:$0x12E00] =	vst v63  }
0x3a4: {  	s12 =	sadd.s32 s1, s12;
	s16 =	simm.s32 $0x800;
	s17 =	simm.s32 $0x390  }
0x3a5: {  	[tilespmem:s16], [sflag:$0x1] =	stream.linear.gather [hbm4b:s12+s2], $0x200, $0x38;
	[tilespmem:$0x12E00] =	vst v63  }
0x3a6: {  	v19 =	vld [tilespmem:s17+$0xFFFFFFF0]  }
0x3a7: {  	v21 =	vld [tilespmem:s17+$0x0];
	_ =	sdelay $0x3  }
0x3a8: {  	s13 =	simm.s32 $0x3B0;
	v19 =	vshll.u32 v19, $0x4  }
0x3a9: {  	s12 =	simm.s32 $0xD90;
	v20 =	vld [tilespmem:s13+$0xFFFFFFF0];
	v21 =	vshll.u32 v21, $0x4;
	v22 =	vor.u32 v0, v19  }
0x3aa: {  	s16 =	simm.s32 $0x20;
	v19 =	vld [tilespmem:s13+$0x0];
	v21 =	vor.u32 v0, v21;
	[tilespmem:s12+$0xFFFFFFF0] =	vst v22  }
.LBB2_27:
0x3ab: {  	s16 =	sadd.s32 $0x20, s16  }
0x3ac: {  	[tilespmem:s12+$0x0] =	vst v21;
	s12 =	sadd.s32 $0x20, s12;
	p0 =	slt.u32 s16, $0x60  }
.Ltmp12:
0x3ad: {  	(pc) =	sbr.rel @p0 .LBB2_27-.Ltmp12, $4  }
0x3ae: {  	_ = 	snop  }
0x3af: {  	s13 =	sadd.s32 $0x20, s13;
	v21 =	vshll.u32 v20, $0x4  }
0x3b0: {  	v20 =	vld [tilespmem:s13+$0xFFFFFFF0];
	v21 =	vor.u32 v0, v21;
	v22 =	vshll.u32 v19, $0x4  }
0x3b1: {  	v19 =	vld [tilespmem:s13+$0x0];
	[tilespmem:s12+$0xFFFFFFF0] =	vst v21;
	v21 =	vor.u32 v0, v22  }
0x3b2: {  	_ =	sdelay $0x2  }
0x3b3: {  	v20 =	vshll.u32 v20, $0x4  }
0x3b4: {  	[tilespmem:s12+$0x0] =	vst v21;
	s17 =	sadd.s32 $0x20, s12;
	v20 =	vor.u32 v0, v20;
	v19 =	vshll.u32 v19, $0x4  }
0x3b5: {  	[tilespmem:s17+$0xFFFFFFF0] =	vst v20;
	v19 =	vor.u32 v0, v19  }
0x3b6: {  	[tilespmem:s17+$0x0] =	vst v19  }
0x3b7: {  	[tilespmem:s31], [sflag:$0x6] =	stream.indirect.gather [hbm4b:s4+s19], $0x10, s30, s19, $0xb8;
	[tilespmem:$0x12E00] =	vst v63  }
0x3b8: {  	_ =	swait.ge [sflag:s0], $0x800  }
0x3b9: {  	[sflag:s0] =	ssyncset.done $0x0  }
0x3ba: {  	s12 =	simm.s32 $0x0;
	p0 =	por $0x1, $0x1;
	[sflag:s0] =	ssyncadd.s32 $0xFFFFF800  }
.LBB2_29:
0x3bb: {  	s13 =	sshll.u32 s12, $0x4  }
0x3bc: {  	v20 =	vld [tilespmem:s13+$0x600];
	_ =	sdelay $0x3  }
0x3bd: {  	s17 =	sshll.u32 s12, $0x8;
	v19 =	vld [tilespmem:s13+$0xA00]  }
0x3be: {  	s12 =	sand.u32 $0x3FFFFF00, s17;
	v20 =	vshll.u32 v20, $0x4  }
0x3bf: {  	v22 =	vld [tilespmem:s12+$0xE00];
	v21 =	vperm.xlane v20, v3;
	_ =	sdelay $0x1  }
0x3c0: {  	v21 =	vor.u32 v4, v21  }
0x3c1: {  	v23 =	vperm.xlane v19, v3;
	_ =	sdelay $0x1  }
0x3c2: {  	v22 =	vmul.f32 v22, v23;
	_ =	sdelay $0x1  }
0x3c3: {  	[tilespmem:v21+s3+$0x0] =	vst.idx.add.f32.msk $0xffff, v22  }
0x3c4: {  	v51 =	vperm.xlane v20, v5;
	v22 =	vld [tilespmem:s12+$0xE10];
	_ =	sdelay $0x1  }
0x3c5: {  	v21 =	vor.u32 v4, v51  }
0x3c6: {  	v52 =	vperm.xlane v19, v5;
	_ =	sdelay $0x1  }
0x3c7: {  	v22 =	vmul.f32 v22, v52;
	_ =	sdelay $0x1  }
0x3c8: {  	[tilespmem:v21+s3+$0x0] =	vst.idx.add.f32.msk $0xffff, v22  }
0x3c9: {  	v53 =	vperm.xlane v20, v6;
	v22 =	vld [tilespmem:s12+$0xE20];
	_ =	sdelay $0x1  }
0x3ca: {  	v21 =	vor.u32 v4, v53  }
0x3cb: {  	v54 =	vperm.xlane v19, v6;
	_ =	sdelay $0x1  }
0x3cc: {  	v22 =	vmul.f32 v22, v54;
	_ =	sdelay $0x1  }
0x3cd: {  	[tilespmem:v21+s3+$0x0] =	vst.idx.add.f32.msk $0xffff, v22  }
0x3ce: {  	v55 =	vperm.xlane v20, v7;
	v22 =	vld [tilespmem:s12+$0xE30];
	_ =	sdelay $0x1  }
0x3cf: {  	v21 =	vor.u32 v4, v55  }
0x3d0: {  	v56 =	vperm.xlane v19, v7;
	_ =	sdelay $0x1  }
0x3d1: {  	v22 =	vmul.f32 v22, v56;
	_ =	sdelay $0x1  }
0x3d2: {  	[tilespmem:v21+s3+$0x0] =	vst.idx.add.f32.msk $0xffff, v22  }
0x3d3: {  	v57 =	vperm.xlane v20, v2;
	v22 =	vld [tilespmem:s12+$0xE40];
	_ =	sdelay $0x1  }
0x3d4: {  	v21 =	vor.u32 v4, v57  }
0x3d5: {  	v58 =	vperm.xlane v19, v2  }
0x3d6: {  	v59 =	vld [tilespmem:s13+$0x610]  }
0x3d7: {  	v25 =	vld [tilespmem:s13+$0x620];
	v22 =	vmul.f32 v22, v58  }
0x3d8: {  	v27 =	vld [tilespmem:s13+$0x630]  }
0x3d9: {  	[tilespmem:v21+s3+$0x0] =	vst.idx.add.f32.msk $0xffff, v22  }
0x3da: {  	v21 =	vld [tilespmem:s13+$0xA10]  }
0x3db: {  	v24 =	vshll.u32 v59, $0x4;
	v22 =	vld [tilespmem:s13+$0xA20]  }
0x3dc: {  	v26 =	vld [tilespmem:s12+$0xF00];
	v25 =	vshll.u32 v25, $0x4;
	v23 =	vperm.xlane v24, v3  }
0x3dd: {  	v32 =	vld [tilespmem:s12+$0x1000];
	v31 =	vperm.xlane v25, v3  }
0x3de: {  	v29 =	vor.u32 v4, v23  }
0x3df: {  	v31 =	vor.u32 v4, v31;
	v30 =	vperm.xlane v21, v3  }
0x3e0: {  	v60 =	vperm.xlane v22, v3  }
0x3e1: {  	v23 =	vld [tilespmem:s13+$0xA30];
	v30 =	vmul.f32 v26, v30  }
0x3e2: {  	v35 =	vld [tilespmem:s12+$0x1100];
	v26 =	vshll.u32 v27, $0x4;
	v27 =	vmul.f32 v32, v60  }
0x3e3: {  	v34 =	vperm.xlane v26, v3;
	[tilespmem:v29+s3+$0x0] =	vst.idx.add.f32.msk $0xffff, v30  }
0x3e4: {  	[tilespmem:v31+s3+$0x0] =	vst.idx.add.f32.msk $0xffff, v27  }
0x3e5: {  	v61 =	vperm.xlane v24, v5;
	v30 =	vld [tilespmem:s12+$0xF10];
	v62 =	vor.u32 v4, v34  }
0x3e6: {  	v41 =	vperm.xlane v25, v5;
	v63 =	vperm.xlane v23, v3;
	v31 =	vld [tilespmem:s12+$0x1010]  }
0x3e7: {  	v29 =	vor.u32 v4, v61  }
0x3e8: {  	v40 =	vperm.xlane v21, v5;
	v27 =	vor.u32 v4, v41;
	v34 =	vmul.f32 v35, v63  }
0x3e9: {  	v33 =	vperm.xlane v20, v8;
	v28 =	vld [tilespmem:s12+$0xE50];
	v43 =	vperm.xlane v22, v5  }
0x3ea: {  	v42 =	vmul.f32 v30, v40;
	[tilespmem:v62+s3+$0x0] =	vst.idx.add.f32.msk $0xffff, v34  }
0x3eb: {  	v33 =	vor.u32 v4, v33;
	v30 =	vmul.f32 v31, v43;
	v45 =	vld [tilespmem:s12+$0x1110]  }
0x3ec: {  	v36 =	vperm.xlane v19, v8;
	v44 =	vperm.xlane v26, v5;
	[tilespmem:v29+s3+$0x0] =	vst.idx.add.f32.msk $0xffff, v42  }
0x3ed: {  	[tilespmem:v27+s3+$0x0] =	vst.idx.add.f32.msk $0xffff, v30  }
0x3ee: {  	v46 =	vperm.xlane v24, v6;
	v28 =	vmul.f32 v28, v36;
	v47 =	vor.u32 v4, v44;
	v29 =	vld [tilespmem:s12+$0xF20]  }
0x3ef: {  	v50 =	vperm.xlane v23, v5;
	v52 =	vperm.xlane v25, v6;
	v30 =	vld [tilespmem:s12+$0x1020]  }
0x3f0: {  	[tilespmem:v33+s3+$0x0] =	vst.idx.add.f32.msk $0xffff, v28;
	v28 =	vor.u32 v4, v46  }
0x3f1: {  	v51 =	vperm.xlane v21, v6;
	v27 =	vor.u32 v4, v52;
	v33 =	vmul.f32 v45, v50  }
0x3f2: {  	v54 =	vperm.xlane v22, v6;
	v49 =	vld [tilespmem:s12+$0xE60]  }
0x3f3: {  	v48 =	vperm.xlane v20, v9;
	v29 =	vmul.f32 v29, v51;
	[tilespmem:v47+s3+$0x0] =	vst.idx.add.f32.msk $0xffff, v33  }
0x3f4: {  	v30 =	vmul.f32 v30, v54;
	v56 =	vld [tilespmem:s12+$0x1120]  }
0x3f5: {  	v32 =	vor.u32 v4, v48;
	v55 =	vperm.xlane v26, v6;
	[tilespmem:v28+s3+$0x0] =	vst.idx.add.f32.msk $0xffff, v29  }
0x3f6: {  	v53 =	vperm.xlane v19, v9;
	[tilespmem:v27+s3+$0x0] =	vst.idx.add.f32.msk $0xffff, v30  }
0x3f7: {  	v59 =	vperm.xlane v23, v6;
	v57 =	vperm.xlane v24, v7;
	v58 =	vor.u32 v4, v55;
	v29 =	vld [tilespmem:s12+$0xF30]  }
0x3f8: {  	v61 =	vperm.xlane v25, v7;
	v34 =	vmul.f32 v49, v53;
	v30 =	vld [tilespmem:s12+$0x1030]  }
0x3f9: {  	v60 =	vperm.xlane v21, v7;
	v28 =	vor.u32 v4, v57  }
0x3fa: {  	[tilespmem:v32+s3+$0x0] =	vst.idx.add.f32.msk $0xffff, v34;
	v27 =	vor.u32 v4, v61;
	v32 =	vmul.f32 v56, v59  }
0x3fb: {  	v40 =	vperm.xlane v22, v7  }
0x3fc: {  	v29 =	vmul.f32 v29, v60;
	[tilespmem:v58+s3+$0x0] =	vst.idx.add.f32.msk $0xffff, v32  }
0x3fd: {  	v30 =	vmul.f32 v30, v40;
	v42 =	vld [tilespmem:s12+$0x1130]  }
0x3fe: {  	v41 =	vperm.xlane v26, v7;
	[tilespmem:v28+s3+$0x0] =	vst.idx.add.f32.msk $0xffff, v29  }
0x3ff: {  	[tilespmem:v27+s3+$0x0] =	vst.idx.add.f32.msk $0xffff, v30  }
0x400: {  	v44 =	vperm.xlane v24, v2;
	v45 =	vor.u32 v4, v41;
	v29 =	vld [tilespmem:s12+$0xF40]  }
0x401: {  	v49 =	vperm.xlane v25, v2;
	v47 =	vperm.xlane v23, v7;
	v30 =	vld [tilespmem:s12+$0x1040]  }
0x402: {  	v28 =	vor.u32 v4, v44  }
0x403: {  	v48 =	vperm.xlane v21, v2;
	v27 =	vor.u32 v4, v49;
	v33 =	vmul.f32 v42, v47  }
0x404: {  	v62 =	vperm.xlane v20, v10;
	v63 =	vld [tilespmem:s12+$0xE70];
	v50 =	vperm.xlane v22, v2  }
0x405: {  	v29 =	vmul.f32 v29, v48;
	[tilespmem:v45+s3+$0x0] =	vst.idx.add.f32.msk $0xffff, v33  }
0x406: {  	v34 =	vor.u32 v4, v62;
	v30 =	vmul.f32 v30, v50;
	v33 =	vld [tilespmem:s12+$0x1140]  }
0x407: {  	v43 =	vperm.xlane v19, v10;
	v51 =	vperm.xlane v26, v2;
	[tilespmem:v28+s3+$0x0] =	vst.idx.add.f32.msk $0xffff, v29  }
0x408: {  	[tilespmem:v27+s3+$0x0] =	vst.idx.add.f32.msk $0xffff, v30  }
0x409: {  	v52 =	vperm.xlane v24, v8;
	v46 =	vmul.f32 v63, v43;
	v53 =	vor.u32 v4, v51;
	v29 =	vld [tilespmem:s12+$0xF50]  }
0x40a: {  	v55 =	vperm.xlane v23, v2;
	v57 =	vperm.xlane v25, v8;
	v30 =	vld [tilespmem:s12+$0x1050]  }
0x40b: {  	[tilespmem:v34+s3+$0x0] =	vst.idx.add.f32.msk $0xffff, v46;
	v28 =	vor.u32 v4, v52  }
0x40c: {  	v56 =	vperm.xlane v21, v8;
	v27 =	vor.u32 v4, v57;
	v33 =	vmul.f32 v33, v55  }
0x40d: {  	v34 =	vld [tilespmem:s12+$0xE80];
	v59 =	vperm.xlane v22, v8  }
0x40e: {  	v54 =	vperm.xlane v20, v11;
	v29 =	vmul.f32 v29, v56;
	[tilespmem:v53+s3+$0x0] =	vst.idx.add.f32.msk $0xffff, v33  }
0x40f: {  	v30 =	vmul.f32 v30, v59;
	v61 =	vld [tilespmem:s12+$0x1150]  }
0x410: {  	v32 =	vor.u32 v4, v54;
	v60 =	vperm.xlane v26, v8;
	[tilespmem:v28+s3+$0x0] =	vst.idx.add.f32.msk $0xffff, v29  }
0x411: {  	v58 =	vperm.xlane v19, v11;
	[tilespmem:v27+s3+$0x0] =	vst.idx.add.f32.msk $0xffff, v30  }
0x412: {  	v39 =	vperm.xlane v25, v9;
	v62 =	vperm.xlane v24, v9;
	v63 =	vor.u32 v4, v60;
	v29 =	vld [tilespmem:s12+$0xF60]  }
0x413: {  	v37 =	vperm.xlane v23, v8;
	v34 =	vmul.f32 v34, v58;
	v30 =	vld [tilespmem:s12+$0x1060]  }
0x414: {  	v38 =	vperm.xlane v21, v9;
	v28 =	vor.u32 v4, v62  }
0x415: {  	[tilespmem:v32+s3+$0x0] =	vst.idx.add.f32.msk $0xffff, v34;
	v27 =	vor.u32 v4, v39;
	v32 =	vmul.f32 v61, v37  }
0x416: {  	v42 =	vperm.xlane v22, v9  }
0x417: {  	v29 =	vmul.f32 v29, v38;
	[tilespmem:v63+s3+$0x0] =	vst.idx.add.f32.msk $0xffff, v32  }
0x418: {  	v30 =	vmul.f32 v30, v42;
	v44 =	vld [tilespmem:s12+$0x1160]  }
0x419: {  	v43 =	vperm.xlane v26, v9;
	[tilespmem:v28+s3+$0x0] =	vst.idx.add.f32.msk $0xffff, v29  }
0x41a: {  	[tilespmem:v27+s3+$0x0] =	vst.idx.add.f32.msk $0xffff, v30  }
0x41b: {  	v46 =	vperm.xlane v24, v10;
	v47 =	vor.u32 v4, v43;
	v29 =	vld [tilespmem:s12+$0xF70]  }
0x41c: {  	v51 =	vperm.xlane v25, v10;
	v49 =	vperm.xlane v23, v9;
	v30 =	vld [tilespmem:s12+$0x1070]  }
0x41d: {  	v28 =	vor.u32 v4, v46  }
0x41e: {  	v50 =	vperm.xlane v21, v10;
	v27 =	vor.u32 v4, v51;
	v33 =	vmul.f32 v44, v49  }
0x41f: {  	v41 =	vld [tilespmem:s12+$0xE90];
	v52 =	vperm.xlane v22, v10  }
0x420: {  	v40 =	vperm.xlane v20, v12;
	v29 =	vmul.f32 v29, v50;
	[tilespmem:v47+s3+$0x0] =	vst.idx.add.f32.msk $0xffff, v33  }
0x421: {  	v30 =	vmul.f32 v30, v52;
	v33 =	vld [tilespmem:s12+$0x1170]  }
0x422: {  	v34 =	vor.u32 v4, v40;
	v53 =	vperm.xlane v26, v10;
	[tilespmem:v28+s3+$0x0] =	vst.idx.add.f32.msk $0xffff, v29  }
0x423: {  	v45 =	vperm.xlane v19, v12;
	[tilespmem:v27+s3+$0x0] =	vst.idx.add.f32.msk $0xffff, v30  }
0x424: {  	v54 =	vperm.xlane v24, v11;
	v57 =	vperm.xlane v23, v10;
	v55 =	vor.u32 v4, v53;
	v29 =	vld [tilespmem:s12+$0xF80]  }
0x425: {  	v48 =	vmul.f32 v41, v45;
	v59 =	vperm.xlane v25, v11;
	v30 =	vld [tilespmem:s12+$0x1080]  }
0x426: {  	v58 =	vperm.xlane v21, v11;
	v28 =	vor.u32 v4, v54  }
0x427: {  	[tilespmem:v34+s3+$0x0] =	vst.idx.add.f32.msk $0xffff, v48;
	v27 =	vor.u32 v4, v59;
	v33 =	vmul.f32 v33, v57  }
0x428: {  	v34 =	vld [tilespmem:s12+$0xEA0];
	v61 =	vperm.xlane v22, v11  }
0x429: {  	v56 =	vperm.xlane v20, v13;
	v29 =	vmul.f32 v29, v58;
	[tilespmem:v55+s3+$0x0] =	vst.idx.add.f32.msk $0xffff, v33  }
0x42a: {  	v60 =	vperm.xlane v19, v13;
	v30 =	vmul.f32 v30, v61;
	v63 =	vld [tilespmem:s12+$0x1180]  }
0x42b: {  	v62 =	vperm.xlane v26, v11;
	v32 =	vor.u32 v4, v56;
	[tilespmem:v28+s3+$0x0] =	vst.idx.add.f32.msk $0xffff, v29  }
0x42c: {  	[tilespmem:v27+s3+$0x0] =	vst.idx.add.f32.msk $0xffff, v30  }
0x42d: {  	v40 =	vperm.xlane v24, v12;
	v34 =	vmul.f32 v34, v60;
	v41 =	vor.u32 v4, v62;
	v29 =	vld [tilespmem:s12+$0xF90]  }
0x42e: {  	v42 =	vperm.xlane v23, v11;
	v44 =	vperm.xlane v25, v12;
	v30 =	vld [tilespmem:s12+$0x1090]  }
0x42f: {  	v43 =	vperm.xlane v21, v12;
	v28 =	vor.u32 v4, v40  }
0x430: {  	[tilespmem:v32+s3+$0x0] =	vst.idx.add.f32.msk $0xffff, v34;
	v27 =	vor.u32 v4, v44;
	v32 =	vmul.f32 v63, v42  }
0x431: {  	v47 =	vperm.xlane v22, v12  }
0x432: {  	v29 =	vmul.f32 v29, v43;
	[tilespmem:v41+s3+$0x0] =	vst.idx.add.f32.msk $0xffff, v32  }
0x433: {  	v30 =	vmul.f32 v30, v47;
	v49 =	vld [tilespmem:s12+$0x1190]  }
0x434: {  	v48 =	vperm.xlane v26, v12;
	[tilespmem:v28+s3+$0x0] =	vst.idx.add.f32.msk $0xffff, v29  }
0x435: {  	[tilespmem:v27+s3+$0x0] =	vst.idx.add.f32.msk $0xffff, v30  }
0x436: {  	v51 =	vperm.xlane v24, v13;
	v52 =	vor.u32 v4, v48;
	v29 =	vld [tilespmem:s12+$0xFA0]  }
0x437: {  	v56 =	vperm.xlane v25, v13;
	v54 =	vperm.xlane v23, v12;
	v30 =	vld [tilespmem:s12+$0x10A0]  }
0x438: {  	v28 =	vor.u32 v4, v51  }
0x439: {  	v55 =	vperm.xlane v21, v13;
	v27 =	vor.u32 v4, v56;
	v33 =	vmul.f32 v49, v54  }
0x43a: {  	v45 =	vperm.xlane v20, v14;
	v46 =	vld [tilespmem:s12+$0xEB0];
	v57 =	vperm.xlane v22, v13  }
0x43b: {  	v29 =	vmul.f32 v29, v55;
	[tilespmem:v52+s3+$0x0] =	vst.idx.add.f32.msk $0xffff, v33  }
0x43c: {  	v34 =	vor.u32 v4, v45;
	v30 =	vmul.f32 v30, v57;
	v33 =	vld [tilespmem:s12+$0x11A0]  }
0x43d: {  	v50 =	vperm.xlane v19, v14;
	v58 =	vperm.xlane v26, v13;
	[tilespmem:v28+s3+$0x0] =	vst.idx.add.f32.msk $0xffff, v29  }
0x43e: {  	[tilespmem:v27+s3+$0x0] =	vst.idx.add.f32.msk $0xffff, v30  }
0x43f: {  	v59 =	vperm.xlane v24, v14;
	v53 =	vmul.f32 v46, v50;
	v60 =	vor.u32 v4, v58;
	v29 =	vld [tilespmem:s12+$0xFB0]  }
0x440: {  	v39 =	vperm.xlane v25, v14;
	v62 =	vperm.xlane v23, v13;
	v30 =	vld [tilespmem:s12+$0x10B0]  }
0x441: {  	[tilespmem:v34+s3+$0x0] =	vst.idx.add.f32.msk $0xffff, v53;
	v28 =	vor.u32 v4, v59  }
0x442: {  	v63 =	vperm.xlane v21, v14;
	v27 =	vor.u32 v4, v39;
	v33 =	vmul.f32 v33, v62  }
0x443: {  	v34 =	vld [tilespmem:s12+$0xEC0];
	v41 =	vperm.xlane v22, v14  }
0x444: {  	v61 =	vperm.xlane v20, v15;
	v29 =	vmul.f32 v29, v63;
	[tilespmem:v60+s3+$0x0] =	vst.idx.add.f32.msk $0xffff, v33  }
0x445: {  	v30 =	vmul.f32 v30, v41;
	v43 =	vld [tilespmem:s12+$0x11B0]  }
0x446: {  	v42 =	vperm.xlane v26, v14;
	v32 =	vor.u32 v4, v61;
	[tilespmem:v28+s3+$0x0] =	vst.idx.add.f32.msk $0xffff, v29  }
0x447: {  	v40 =	vperm.xlane v19, v15;
	[tilespmem:v27+s3+$0x0] =	vst.idx.add.f32.msk $0xffff, v30  }
0x448: {  	v48 =	vperm.xlane v25, v15;
	v44 =	vperm.xlane v24, v15;
	v45 =	vor.u32 v4, v42;
	v29 =	vld [tilespmem:s12+$0xFC0]  }
0x449: {  	v46 =	vperm.xlane v23, v14;
	v34 =	vmul.f32 v34, v40;
	v30 =	vld [tilespmem:s12+$0x10C0]  }
0x44a: {  	v47 =	vperm.xlane v21, v15;
	v28 =	vor.u32 v4, v44  }
0x44b: {  	[tilespmem:v32+s3+$0x0] =	vst.idx.add.f32.msk $0xffff, v34;
	v27 =	vor.u32 v4, v48;
	v32 =	vmul.f32 v43, v46  }
0x44c: {  	v51 =	vperm.xlane v22, v15;
	v50 =	vld [tilespmem:s12+$0xED0]  }
0x44d: {  	v49 =	vperm.xlane v20, v16;
	v29 =	vmul.f32 v29, v47;
	[tilespmem:v45+s3+$0x0] =	vst.idx.add.f32.msk $0xffff, v32  }
0x44e: {  	v52 =	vperm.xlane v26, v15;
	v30 =	vmul.f32 v30, v51;
	v53 =	vld [tilespmem:s12+$0x11C0]  }
0x44f: {  	v34 =	vor.u32 v4, v49;
	[tilespmem:v28+s3+$0x0] =	vst.idx.add.f32.msk $0xffff, v29  }
0x450: {  	v54 =	vperm.xlane v19, v16;
	v55 =	vor.u32 v4, v52;
	[tilespmem:v27+s3+$0x0] =	vst.idx.add.f32.msk $0xffff, v30  }
0x451: {  	v56 =	vperm.xlane v24, v16;
	v57 =	vperm.xlane v23, v15;
	v29 =	vld [tilespmem:s12+$0xFD0]  }
0x452: {  	v60 =	vperm.xlane v25, v16;
	v28 =	vmul.f32 v50, v54;
	v61 =	vld [tilespmem:s12+$0x10D0]  }
0x453: {  	v59 =	vor.u32 v4, v56;
	v33 =	vmul.f32 v53, v57  }
0x454: {  	v58 =	vperm.xlane v21, v16;
	v63 =	vor.u32 v4, v60;
	[tilespmem:v34+s3+$0x0] =	vst.idx.add.f32.msk $0xffff, v28  }
0x455: {  	v39 =	vperm.xlane v22, v16;
	[tilespmem:v55+s3+$0x0] =	vst.idx.add.f32.msk $0xffff, v33  }
0x456: {  	v40 =	vperm.xlane v26, v16;
	v62 =	vmul.f32 v29, v58;
	v33 =	vld [tilespmem:s12+$0x11D0]  }
0x457: {  	v34 =	vld [tilespmem:s12+$0xEE0];
	v41 =	vmul.f32 v61, v39  }
0x458: {  	v42 =	vor.u32 v4, v40;
	v43 =	vperm.xlane v20, v17;
	[tilespmem:v59+s3+$0x0] =	vst.idx.add.f32.msk $0xffff, v62  }
0x459: {  	v45 =	vperm.xlane v23, v16;
	[tilespmem:v63+s3+$0x0] =	vst.idx.add.f32.msk $0xffff, v41  }
0x45a: {  	v49 =	vperm.xlane v25, v17;
	v47 =	vperm.xlane v24, v17;
	v48 =	vor.u32 v4, v43;
	v44 =	vld [tilespmem:s12+$0xFE0]  }
0x45b: {  	v46 =	vperm.xlane v19, v17;
	v50 =	vld [tilespmem:s12+$0x10E0];
	v32 =	vmul.f32 v33, v45  }
0x45c: {  	v52 =	vor.u32 v4, v47;
	v53 =	vperm.xlane v21, v17  }
0x45d: {  	v29 =	vor.u32 v4, v49;
	v51 =	vmul.f32 v34, v46;
	[tilespmem:v42+s3+$0x0] =	vst.idx.add.f32.msk $0xffff, v32  }
0x45e: {  	v54 =	vperm.xlane v22, v17;
	v55 =	vperm.xlane v26, v17;
	v56 =	vld [tilespmem:s12+$0x11E0]  }
0x45f: {  	[tilespmem:v48+s3+$0x0] =	vst.idx.add.f32.msk $0xffff, v51;
	v31 =	vmul.f32 v44, v53  }
0x460: {  	v58 =	vor.u32 v4, v55;
	v60 =	vld [tilespmem:s12+$0xEF0];
	v57 =	vmul.f32 v50, v54  }
0x461: {  	v59 =	vperm.xlane v23, v17;
	[tilespmem:v52+s3+$0x0] =	vst.idx.add.f32.msk $0xffff, v31  }
0x462: {  	[tilespmem:v29+s3+$0x0] =	vst.idx.add.f32.msk $0xffff, v57  }
0x463: {  	v20 =	vperm.xlane v20, v18;
	v62 =	vld [tilespmem:s12+$0xFF0];
	v61 =	vmul.f32 v56, v59  }
0x464: {  	v24 =	vperm.xlane v24, v18;
	v63 =	vld [tilespmem:s12+$0x10F0]  }
0x465: {  	v25 =	vperm.xlane v25, v18;
	v20 =	vor.u32 v4, v20;
	[tilespmem:v58+s3+$0x0] =	vst.idx.add.f32.msk $0xffff, v61  }
0x466: {  	v19 =	vperm.xlane v19, v18;
	v24 =	vor.u32 v4, v24;
	v26 =	vperm.xlane v26, v18;
	v29 =	vld [tilespmem:s12+$0x11F0]  }
0x467: {  	v25 =	vor.u32 v4, v25;
	v21 =	vperm.xlane v21, v18  }
0x468: {  	p1 =	por p0, p0;
	v22 =	vperm.xlane v22, v18;
	v26 =	vor.u32 v4, v26;
	v19 =	vmul.f32 v60, v19  }
.Ltmp13:
0x469: {  	v23 =	vperm.xlane v23, v18;
	v21 =	vmul.f32 v62, v21;
	(pc) =	sbr.rel @p1 .LBB2_29-.Ltmp13, $4  }
0x46a: {  	[tilespmem:v20+s3+$0x0] =	vst.idx.add.f32.msk $0xffff, v19;
	v19 =	vmul.f32 v63, v22  }
0x46b: {  	[tilespmem:v24+s3+$0x0] =	vst.idx.add.f32.msk $0xffff, v21;
	v20 =	vmul.f32 v29, v23  }
0x46c: {  	[tilespmem:v25+s3+$0x0] =	vst.idx.add.f32.msk $0xffff, v19  }
0x46d: {  	p0 =	por $0x0, $0x0;
	s12 =	simm.s32 $0x4;
	[tilespmem:v26+s3+$0x0] =	vst.idx.add.f32.msk $0xffff, v20  }
0x46e: {  	_ =	swait.ge [sflag:s18], $0x200  }
0x46f: {  	[sflag:s18] =	ssyncset.done $0x0  }
0x470: {  	[sflag:s18] =	ssyncadd.s32 $0xFFFFFE00  }
0x471: {  	_ =	swait.ge [sflag:s18], $0x200  }
0x472: {  	[sflag:s18] =	ssyncset.done $0x0  }
0x473: {  	[sflag:s18] =	ssyncadd.s32 $0xFFFFFE00  }
0x474: {  	_ =	swait.ge [sflag:s18], $0x200  }
0x475: {  	[sflag:s18] =	ssyncset.done $0x0  }
0x476: {  	s12 =	simm.s32 $0x10;
	[sflag:s18] =	ssyncadd.s32 $0xFFFFFE00  }
0x477: {  	v19 =	vld [tilespmem:s12+$0xFFFFFFF0]  }
0x478: {  	v21 =	vld [tilespmem:s12+$0x0];
	_ =	sdelay $0x3  }
0x479: {  	s13 =	simm.s32 $0x30;
	v19 =	vshll.u32 v19, $0x4  }
0x47a: {  	s12 =	simm.s32 $0xC10;
	v20 =	vld [tilespmem:s13+$0xFFFFFFF0];
	v21 =	vshll.u32 v21, $0x4;
	v22 =	vor.u32 v0, v19  }
0x47b: {  	s16 =	simm.s32 $0x20;
	v19 =	vld [tilespmem:s13+$0x0];
	v21 =	vor.u32 v0, v21;
	[tilespmem:s12+$0xFFFFFFF0] =	vst v22  }
.LBB2_31:
0x47c: {  	s16 =	sadd.s32 $0x20, s16  }
0x47d: {  	[tilespmem:s12+$0x0] =	vst v21;
	s12 =	sadd.s32 $0x20, s12;
	p0 =	slt.u32 s16, $0x60  }
.Ltmp14:
0x47e: {  	(pc) =	sbr.rel @p0 .LBB2_31-.Ltmp14, $4  }
0x47f: {  	_ = 	snop  }
0x480: {  	s13 =	sadd.s32 $0x20, s13;
	v21 =	vshll.u32 v20, $0x4  }
0x481: {  	v20 =	vld [tilespmem:s13+$0xFFFFFFF0];
	v21 =	vor.u32 v0, v21;
	v22 =	vshll.u32 v19, $0x4  }
0x482: {  	v19 =	vld [tilespmem:s13+$0x0];
	[tilespmem:s12+$0xFFFFFFF0] =	vst v21;
	v21 =	vor.u32 v0, v22  }
0x483: {  	_ =	sdelay $0x2  }
0x484: {  	v20 =	vshll.u32 v20, $0x4  }
0x485: {  	[tilespmem:s12+$0x0] =	vst v21;
	s17 =	sadd.s32 $0x20, s12;
	v20 =	vor.u32 v0, v20;
	v19 =	vshll.u32 v19, $0x4  }
0x486: {  	[tilespmem:s17+$0xFFFFFFF0] =	vst v20;
	v19 =	vor.u32 v0, v19  }
0x487: {  	[tilespmem:s17+$0x0] =	vst v19  }
0x488: {  	[tilespmem:s21], [sflag:$0x3] =	stream.indirect.gather [hbm4b:s4+s19], $0x10, s20, s19, $0xb8;
	[tilespmem:$0x12E00] =	vst v63  }
0x489: {  	_ =	swait.ge [sflag:s9], $0x800  }
0x48a: {  	[sflag:s9] =	ssyncset.done $0x0  }
0x48b: {  	s13 =	simm.s32 $0x0;
	p0 =	por $0x1, $0x1;
	[sflag:s9] =	ssyncadd.s32 $0xFFFFF800  }
.LBB2_33:
0x48c: {  	s16 =	sshll.u32 s13, $0x4  }
0x48d: {  	v20 =	vld [tilespmem:s16+$0x680];
	_ =	sdelay $0x3  }
0x48e: {  	s12 =	sshll.u32 s13, $0x8;
	v19 =	vld [tilespmem:s16+$0xA80]  }
0x48f: {  	s12 =	sand.u32 $0x3FFFFF00, s12;
	v20 =	vshll.u32 v20, $0x4  }
0x490: {  	v22 =	vld [tilespmem:s12+$0x1600];
	v21 =	vperm.xlane v20, v3;
	_ =	sdelay $0x1  }
0x491: {  	v21 =	vor.u32 v4, v21  }
0x492: {  	v23 =	vperm.xlane v19, v3;
	_ =	sdelay $0x1  }
0x493: {  	v22 =	vmul.f32 v22, v23;
	_ =	sdelay $0x1  }
0x494: {  	[tilespmem:v21+s3+$0x0] =	vst.idx.add.f32.msk $0xffff, v22  }
0x495: {  	v51 =	vperm.xlane v20, v5;
	v22 =	vld [tilespmem:s12+$0x1610];
	_ =	sdelay $0x1  }
0x496: {  	v21 =	vor.u32 v4, v51  }
0x497: {  	v52 =	vperm.xlane v19, v5;
	_ =	sdelay $0x1  }
0x498: {  	v22 =	vmul.f32 v22, v52;
	_ =	sdelay $0x1  }
0x499: {  	[tilespmem:v21+s3+$0x0] =	vst.idx.add.f32.msk $0xffff, v22  }
0x49a: {  	v53 =	vperm.xlane v20, v6;
	v22 =	vld [tilespmem:s12+$0x1620];
	_ =	sdelay $0x1  }
0x49b: {  	v21 =	vor.u32 v4, v53  }
0x49c: {  	v54 =	vperm.xlane v19, v6;
	_ =	sdelay $0x1  }
0x49d: {  	v22 =	vmul.f32 v22, v54;
	_ =	sdelay $0x1  }
0x49e: {  	[tilespmem:v21+s3+$0x0] =	vst.idx.add.f32.msk $0xffff, v22  }
0x49f: {  	v55 =	vperm.xlane v20, v7;
	v22 =	vld [tilespmem:s12+$0x1630];
	_ =	sdelay $0x1  }
0x4a0: {  	v21 =	vor.u32 v4, v55  }
0x4a1: {  	v56 =	vperm.xlane v19, v7;
	_ =	sdelay $0x1  }
0x4a2: {  	v22 =	vmul.f32 v22, v56;
	_ =	sdelay $0x1  }
0x4a3: {  	[tilespmem:v21+s3+$0x0] =	vst.idx.add.f32.msk $0xffff, v22  }
0x4a4: {  	v57 =	vperm.xlane v20, v2;
	v22 =	vld [tilespmem:s12+$0x1640];
	_ =	sdelay $0x1  }
0x4a5: {  	v21 =	vor.u32 v4, v57  }
0x4a6: {  	v58 =	vperm.xlane v19, v2  }
0x4a7: {  	v59 =	vld [tilespmem:s16+$0x690]  }
0x4a8: {  	v25 =	vld [tilespmem:s16+$0x6A0];
	v22 =	vmul.f32 v22, v58  }
0x4a9: {  	v27 =	vld [tilespmem:s16+$0x6B0]  }
0x4aa: {  	[tilespmem:v21+s3+$0x0] =	vst.idx.add.f32.msk $0xffff, v22  }
0x4ab: {  	v21 =	vld [tilespmem:s16+$0xA90]  }
0x4ac: {  	v24 =	vshll.u32 v59, $0x4;
	v22 =	vld [tilespmem:s16+$0xAA0]  }
0x4ad: {  	v26 =	vld [tilespmem:s12+$0x1700];
	v25 =	vshll.u32 v25, $0x4;
	v23 =	vperm.xlane v24, v3  }
0x4ae: {  	v32 =	vld [tilespmem:s12+$0x1800];
	v31 =	vperm.xlane v25, v3  }
0x4af: {  	v29 =	vor.u32 v4, v23  }
0x4b0: {  	v31 =	vor.u32 v4, v31;
	v30 =	vperm.xlane v21, v3  }
0x4b1: {  	v60 =	vperm.xlane v22, v3  }
0x4b2: {  	v23 =	vld [tilespmem:s16+$0xAB0];
	v30 =	vmul.f32 v26, v30  }
0x4b3: {  	v35 =	vld [tilespmem:s12+$0x1900];
	v26 =	vshll.u32 v27, $0x4;
	v27 =	vmul.f32 v32, v60  }
0x4b4: {  	v34 =	vperm.xlane v26, v3;
	[tilespmem:v29+s3+$0x0] =	vst.idx.add.f32.msk $0xffff, v30  }
0x4b5: {  	[tilespmem:v31+s3+$0x0] =	vst.idx.add.f32.msk $0xffff, v27  }
0x4b6: {  	v61 =	vperm.xlane v24, v5;
	v30 =	vld [tilespmem:s12+$0x1710];
	v62 =	vor.u32 v4, v34  }
0x4b7: {  	v41 =	vperm.xlane v25, v5;
	v63 =	vperm.xlane v23, v3;
	v31 =	vld [tilespmem:s12+$0x1810]  }
0x4b8: {  	v29 =	vor.u32 v4, v61  }
0x4b9: {  	v40 =	vperm.xlane v21, v5;
	v27 =	vor.u32 v4, v41;
	v34 =	vmul.f32 v35, v63  }
0x4ba: {  	v33 =	vperm.xlane v20, v8;
	v28 =	vld [tilespmem:s12+$0x1650];
	v43 =	vperm.xlane v22, v5  }
0x4bb: {  	v42 =	vmul.f32 v30, v40;
	[tilespmem:v62+s3+$0x0] =	vst.idx.add.f32.msk $0xffff, v34  }
0x4bc: {  	v33 =	vor.u32 v4, v33;
	v30 =	vmul.f32 v31, v43;
	v45 =	vld [tilespmem:s12+$0x1910]  }
0x4bd: {  	v36 =	vperm.xlane v19, v8;
	v44 =	vperm.xlane v26, v5;
	[tilespmem:v29+s3+$0x0] =	vst.idx.add.f32.msk $0xffff, v42  }
0x4be: {  	[tilespmem:v27+s3+$0x0] =	vst.idx.add.f32.msk $0xffff, v30  }
0x4bf: {  	v46 =	vperm.xlane v24, v6;
	v28 =	vmul.f32 v28, v36;
	v47 =	vor.u32 v4, v44;
	v29 =	vld [tilespmem:s12+$0x1720]  }
0x4c0: {  	v50 =	vperm.xlane v23, v5;
	v52 =	vperm.xlane v25, v6;
	v30 =	vld [tilespmem:s12+$0x1820]  }
0x4c1: {  	[tilespmem:v33+s3+$0x0] =	vst.idx.add.f32.msk $0xffff, v28;
	v28 =	vor.u32 v4, v46  }
0x4c2: {  	v51 =	vperm.xlane v21, v6;
	v27 =	vor.u32 v4, v52;
	v33 =	vmul.f32 v45, v50  }
0x4c3: {  	v54 =	vperm.xlane v22, v6;
	v49 =	vld [tilespmem:s12+$0x1660]  }
0x4c4: {  	v48 =	vperm.xlane v20, v9;
	v29 =	vmul.f32 v29, v51;
	[tilespmem:v47+s3+$0x0] =	vst.idx.add.f32.msk $0xffff, v33  }
0x4c5: {  	v30 =	vmul.f32 v30, v54;
	v56 =	vld [tilespmem:s12+$0x1920]  }
0x4c6: {  	v32 =	vor.u32 v4, v48;
	v55 =	vperm.xlane v26, v6;
	[tilespmem:v28+s3+$0x0] =	vst.idx.add.f32.msk $0xffff, v29  }
0x4c7: {  	v53 =	vperm.xlane v19, v9;
	[tilespmem:v27+s3+$0x0] =	vst.idx.add.f32.msk $0xffff, v30  }
0x4c8: {  	v59 =	vperm.xlane v23, v6;
	v57 =	vperm.xlane v24, v7;
	v58 =	vor.u32 v4, v55;
	v29 =	vld [tilespmem:s12+$0x1730]  }
0x4c9: {  	v61 =	vperm.xlane v25, v7;
	v34 =	vmul.f32 v49, v53;
	v30 =	vld [tilespmem:s12+$0x1830]  }
0x4ca: {  	v60 =	vperm.xlane v21, v7;
	v28 =	vor.u32 v4, v57  }
0x4cb: {  	[tilespmem:v32+s3+$0x0] =	vst.idx.add.f32.msk $0xffff, v34;
	v27 =	vor.u32 v4, v61;
	v32 =	vmul.f32 v56, v59  }
0x4cc: {  	v40 =	vperm.xlane v22, v7  }
0x4cd: {  	v29 =	vmul.f32 v29, v60;
	[tilespmem:v58+s3+$0x0] =	vst.idx.add.f32.msk $0xffff, v32  }
0x4ce: {  	v30 =	vmul.f32 v30, v40;
	v42 =	vld [tilespmem:s12+$0x1930]  }
0x4cf: {  	v41 =	vperm.xlane v26, v7;
	[tilespmem:v28+s3+$0x0] =	vst.idx.add.f32.msk $0xffff, v29  }
0x4d0: {  	[tilespmem:v27+s3+$0x0] =	vst.idx.add.f32.msk $0xffff, v30  }
0x4d1: {  	v44 =	vperm.xlane v24, v2;
	v45 =	vor.u32 v4, v41;
	v29 =	vld [tilespmem:s12+$0x1740]  }
0x4d2: {  	v49 =	vperm.xlane v25, v2;
	v47 =	vperm.xlane v23, v7;
	v30 =	vld [tilespmem:s12+$0x1840]  }
0x4d3: {  	v28 =	vor.u32 v4, v44  }
0x4d4: {  	v48 =	vperm.xlane v21, v2;
	v27 =	vor.u32 v4, v49;
	v33 =	vmul.f32 v42, v47  }
0x4d5: {  	v62 =	vperm.xlane v20, v10;
	v63 =	vld [tilespmem:s12+$0x1670];
	v50 =	vperm.xlane v22, v2  }
0x4d6: {  	v29 =	vmul.f32 v29, v48;
	[tilespmem:v45+s3+$0x0] =	vst.idx.add.f32.msk $0xffff, v33  }
0x4d7: {  	v34 =	vor.u32 v4, v62;
	v30 =	vmul.f32 v30, v50;
	v33 =	vld [tilespmem:s12+$0x1940]  }
0x4d8: {  	v43 =	vperm.xlane v19, v10;
	v51 =	vperm.xlane v26, v2;
	[tilespmem:v28+s3+$0x0] =	vst.idx.add.f32.msk $0xffff, v29  }
0x4d9: {  	[tilespmem:v27+s3+$0x0] =	vst.idx.add.f32.msk $0xffff, v30  }
0x4da: {  	v52 =	vperm.xlane v24, v8;
	v46 =	vmul.f32 v63, v43;
	v53 =	vor.u32 v4, v51;
	v29 =	vld [tilespmem:s12+$0x1750]  }
0x4db: {  	v55 =	vperm.xlane v23, v2;
	v57 =	vperm.xlane v25, v8;
	v30 =	vld [tilespmem:s12+$0x1850]  }
0x4dc: {  	[tilespmem:v34+s3+$0x0] =	vst.idx.add.f32.msk $0xffff, v46;
	v28 =	vor.u32 v4, v52  }
0x4dd: {  	v56 =	vperm.xlane v21, v8;
	v27 =	vor.u32 v4, v57;
	v33 =	vmul.f32 v33, v55  }
0x4de: {  	v34 =	vld [tilespmem:s12+$0x1680];
	v59 =	vperm.xlane v22, v8  }
0x4df: {  	v54 =	vperm.xlane v20, v11;
	v29 =	vmul.f32 v29, v56;
	[tilespmem:v53+s3+$0x0] =	vst.idx.add.f32.msk $0xffff, v33  }
0x4e0: {  	v30 =	vmul.f32 v30, v59;
	v61 =	vld [tilespmem:s12+$0x1950]  }
0x4e1: {  	v32 =	vor.u32 v4, v54;
	v60 =	vperm.xlane v26, v8;
	[tilespmem:v28+s3+$0x0] =	vst.idx.add.f32.msk $0xffff, v29  }
0x4e2: {  	v58 =	vperm.xlane v19, v11;
	[tilespmem:v27+s3+$0x0] =	vst.idx.add.f32.msk $0xffff, v30  }
0x4e3: {  	v39 =	vperm.xlane v25, v9;
	v62 =	vperm.xlane v24, v9;
	v63 =	vor.u32 v4, v60;
	v29 =	vld [tilespmem:s12+$0x1760]  }
0x4e4: {  	v37 =	vperm.xlane v23, v8;
	v34 =	vmul.f32 v34, v58;
	v30 =	vld [tilespmem:s12+$0x1860]  }
0x4e5: {  	v38 =	vperm.xlane v21, v9;
	v28 =	vor.u32 v4, v62  }
0x4e6: {  	[tilespmem:v32+s3+$0x0] =	vst.idx.add.f32.msk $0xffff, v34;
	v27 =	vor.u32 v4, v39;
	v32 =	vmul.f32 v61, v37  }
0x4e7: {  	v42 =	vperm.xlane v22, v9  }
0x4e8: {  	v29 =	vmul.f32 v29, v38;
	[tilespmem:v63+s3+$0x0] =	vst.idx.add.f32.msk $0xffff, v32  }
0x4e9: {  	v30 =	vmul.f32 v30, v42;
	v44 =	vld [tilespmem:s12+$0x1960]  }
0x4ea: {  	v43 =	vperm.xlane v26, v9;
	[tilespmem:v28+s3+$0x0] =	vst.idx.add.f32.msk $0xffff, v29  }
0x4eb: {  	[tilespmem:v27+s3+$0x0] =	vst.idx.add.f32.msk $0xffff, v30  }
0x4ec: {  	v46 =	vperm.xlane v24, v10;
	v47 =	vor.u32 v4, v43;
	v29 =	vld [tilespmem:s12+$0x1770]  }
0x4ed: {  	v51 =	vperm.xlane v25, v10;
	v49 =	vperm.xlane v23, v9;
	v30 =	vld [tilespmem:s12+$0x1870]  }
0x4ee: {  	v28 =	vor.u32 v4, v46  }
0x4ef: {  	v50 =	vperm.xlane v21, v10;
	v27 =	vor.u32 v4, v51;
	v33 =	vmul.f32 v44, v49  }
0x4f0: {  	v41 =	vld [tilespmem:s12+$0x1690];
	v52 =	vperm.xlane v22, v10  }
0x4f1: {  	v40 =	vperm.xlane v20, v12;
	v29 =	vmul.f32 v29, v50;
	[tilespmem:v47+s3+$0x0] =	vst.idx.add.f32.msk $0xffff, v33  }
0x4f2: {  	v30 =	vmul.f32 v30, v52;
	v33 =	vld [tilespmem:s12+$0x1970]  }
0x4f3: {  	v34 =	vor.u32 v4, v40;
	v53 =	vperm.xlane v26, v10;
	[tilespmem:v28+s3+$0x0] =	vst.idx.add.f32.msk $0xffff, v29  }
0x4f4: {  	v45 =	vperm.xlane v19, v12;
	[tilespmem:v27+s3+$0x0] =	vst.idx.add.f32.msk $0xffff, v30  }
0x4f5: {  	v54 =	vperm.xlane v24, v11;
	v57 =	vperm.xlane v23, v10;
	v55 =	vor.u32 v4, v53;
	v29 =	vld [tilespmem:s12+$0x1780]  }
0x4f6: {  	v48 =	vmul.f32 v41, v45;
	v59 =	vperm.xlane v25, v11;
	v30 =	vld [tilespmem:s12+$0x1880]  }
0x4f7: {  	v58 =	vperm.xlane v21, v11;
	v28 =	vor.u32 v4, v54  }
0x4f8: {  	[tilespmem:v34+s3+$0x0] =	vst.idx.add.f32.msk $0xffff, v48;
	v27 =	vor.u32 v4, v59;
	v33 =	vmul.f32 v33, v57  }
0x4f9: {  	v34 =	vld [tilespmem:s12+$0x16A0];
	v61 =	vperm.xlane v22, v11  }
0x4fa: {  	v56 =	vperm.xlane v20, v13;
	v29 =	vmul.f32 v29, v58;
	[tilespmem:v55+s3+$0x0] =	vst.idx.add.f32.msk $0xffff, v33  }
0x4fb: {  	v60 =	vperm.xlane v19, v13;
	v30 =	vmul.f32 v30, v61;
	v63 =	vld [tilespmem:s12+$0x1980]  }
0x4fc: {  	v62 =	vperm.xlane v26, v11;
	v32 =	vor.u32 v4, v56;
	[tilespmem:v28+s3+$0x0] =	vst.idx.add.f32.msk $0xffff, v29  }
0x4fd: {  	[tilespmem:v27+s3+$0x0] =	vst.idx.add.f32.msk $0xffff, v30  }
0x4fe: {  	v40 =	vperm.xlane v24, v12;
	v34 =	vmul.f32 v34, v60;
	v41 =	vor.u32 v4, v62;
	v29 =	vld [tilespmem:s12+$0x1790]  }
0x4ff: {  	v42 =	vperm.xlane v23, v11;
	v44 =	vperm.xlane v25, v12;
	v30 =	vld [tilespmem:s12+$0x1890]  }
0x500: {  	v43 =	vperm.xlane v21, v12;
	v28 =	vor.u32 v4, v40  }
0x501: {  	[tilespmem:v32+s3+$0x0] =	vst.idx.add.f32.msk $0xffff, v34;
	v27 =	vor.u32 v4, v44;
	v32 =	vmul.f32 v63, v42  }
0x502: {  	v47 =	vperm.xlane v22, v12  }
0x503: {  	v29 =	vmul.f32 v29, v43;
	[tilespmem:v41+s3+$0x0] =	vst.idx.add.f32.msk $0xffff, v32  }
0x504: {  	v30 =	vmul.f32 v30, v47;
	v49 =	vld [tilespmem:s12+$0x1990]  }
0x505: {  	v48 =	vperm.xlane v26, v12;
	[tilespmem:v28+s3+$0x0] =	vst.idx.add.f32.msk $0xffff, v29  }
0x506: {  	[tilespmem:v27+s3+$0x0] =	vst.idx.add.f32.msk $0xffff, v30  }
0x507: {  	v51 =	vperm.xlane v24, v13;
	v52 =	vor.u32 v4, v48;
	v29 =	vld [tilespmem:s12+$0x17A0]  }
0x508: {  	v56 =	vperm.xlane v25, v13;
	v54 =	vperm.xlane v23, v12;
	v30 =	vld [tilespmem:s12+$0x18A0]  }
0x509: {  	v28 =	vor.u32 v4, v51  }
0x50a: {  	v55 =	vperm.xlane v21, v13;
	v27 =	vor.u32 v4, v56;
	v33 =	vmul.f32 v49, v54  }
0x50b: {  	v45 =	vperm.xlane v20, v14;
	v46 =	vld [tilespmem:s12+$0x16B0];
	v57 =	vperm.xlane v22, v13  }
0x50c: {  	v29 =	vmul.f32 v29, v55;
	[tilespmem:v52+s3+$0x0] =	vst.idx.add.f32.msk $0xffff, v33  }
0x50d: {  	v34 =	vor.u32 v4, v45;
	v30 =	vmul.f32 v30, v57;
	v33 =	vld [tilespmem:s12+$0x19A0]  }
0x50e: {  	v50 =	vperm.xlane v19, v14;
	v58 =	vperm.xlane v26, v13;
	[tilespmem:v28+s3+$0x0] =	vst.idx.add.f32.msk $0xffff, v29  }
0x50f: {  	[tilespmem:v27+s3+$0x0] =	vst.idx.add.f32.msk $0xffff, v30  }
0x510: {  	v59 =	vperm.xlane v24, v14;
	v53 =	vmul.f32 v46, v50;
	v60 =	vor.u32 v4, v58;
	v29 =	vld [tilespmem:s12+$0x17B0]  }
0x511: {  	v39 =	vperm.xlane v25, v14;
	v62 =	vperm.xlane v23, v13;
	v30 =	vld [tilespmem:s12+$0x18B0]  }
0x512: {  	[tilespmem:v34+s3+$0x0] =	vst.idx.add.f32.msk $0xffff, v53;
	v28 =	vor.u32 v4, v59  }
0x513: {  	v63 =	vperm.xlane v21, v14;
	v27 =	vor.u32 v4, v39;
	v33 =	vmul.f32 v33, v62  }
0x514: {  	v34 =	vld [tilespmem:s12+$0x16C0];
	v41 =	vperm.xlane v22, v14  }
0x515: {  	v61 =	vperm.xlane v20, v15;
	v29 =	vmul.f32 v29, v63;
	[tilespmem:v60+s3+$0x0] =	vst.idx.add.f32.msk $0xffff, v33  }
0x516: {  	v30 =	vmul.f32 v30, v41;
	v43 =	vld [tilespmem:s12+$0x19B0]  }
0x517: {  	v42 =	vperm.xlane v26, v14;
	v32 =	vor.u32 v4, v61;
	[tilespmem:v28+s3+$0x0] =	vst.idx.add.f32.msk $0xffff, v29  }
0x518: {  	v40 =	vperm.xlane v19, v15;
	[tilespmem:v27+s3+$0x0] =	vst.idx.add.f32.msk $0xffff, v30  }
0x519: {  	v48 =	vperm.xlane v25, v15;
	v44 =	vperm.xlane v24, v15;
	v45 =	vor.u32 v4, v42;
	v29 =	vld [tilespmem:s12+$0x17C0]  }
0x51a: {  	v46 =	vperm.xlane v23, v14;
	v34 =	vmul.f32 v34, v40;
	v30 =	vld [tilespmem:s12+$0x18C0]  }
0x51b: {  	v47 =	vperm.xlane v21, v15;
	v28 =	vor.u32 v4, v44  }
0x51c: {  	[tilespmem:v32+s3+$0x0] =	vst.idx.add.f32.msk $0xffff, v34;
	v27 =	vor.u32 v4, v48;
	v32 =	vmul.f32 v43, v46  }
0x51d: {  	v51 =	vperm.xlane v22, v15;
	v50 =	vld [tilespmem:s12+$0x16D0]  }
0x51e: {  	v49 =	vperm.xlane v20, v16;
	v29 =	vmul.f32 v29, v47;
	[tilespmem:v45+s3+$0x0] =	vst.idx.add.f32.msk $0xffff, v32  }
0x51f: {  	v52 =	vperm.xlane v26, v15;
	v30 =	vmul.f32 v30, v51;
	v53 =	vld [tilespmem:s12+$0x19C0]  }
0x520: {  	v34 =	vor.u32 v4, v49;
	[tilespmem:v28+s3+$0x0] =	vst.idx.add.f32.msk $0xffff, v29  }
0x521: {  	v54 =	vperm.xlane v19, v16;
	v55 =	vor.u32 v4, v52;
	[tilespmem:v27+s3+$0x0] =	vst.idx.add.f32.msk $0xffff, v30  }
0x522: {  	v56 =	vperm.xlane v24, v16;
	v57 =	vperm.xlane v23, v15;
	v29 =	vld [tilespmem:s12+$0x17D0]  }
0x523: {  	v60 =	vperm.xlane v25, v16;
	v28 =	vmul.f32 v50, v54;
	v61 =	vld [tilespmem:s12+$0x18D0]  }
0x524: {  	v59 =	vor.u32 v4, v56;
	v33 =	vmul.f32 v53, v57  }
0x525: {  	v58 =	vperm.xlane v21, v16;
	v63 =	vor.u32 v4, v60;
	[tilespmem:v34+s3+$0x0] =	vst.idx.add.f32.msk $0xffff, v28  }
0x526: {  	v39 =	vperm.xlane v22, v16;
	[tilespmem:v55+s3+$0x0] =	vst.idx.add.f32.msk $0xffff, v33  }
0x527: {  	v40 =	vperm.xlane v26, v16;
	v62 =	vmul.f32 v29, v58;
	v33 =	vld [tilespmem:s12+$0x19D0]  }
0x528: {  	v34 =	vld [tilespmem:s12+$0x16E0];
	v41 =	vmul.f32 v61, v39  }
0x529: {  	v42 =	vor.u32 v4, v40;
	v43 =	vperm.xlane v20, v17;
	[tilespmem:v59+s3+$0x0] =	vst.idx.add.f32.msk $0xffff, v62  }
0x52a: {  	v45 =	vperm.xlane v23, v16;
	[tilespmem:v63+s3+$0x0] =	vst.idx.add.f32.msk $0xffff, v41  }
0x52b: {  	v49 =	vperm.xlane v25, v17;
	v47 =	vperm.xlane v24, v17;
	v48 =	vor.u32 v4, v43;
	v44 =	vld [tilespmem:s12+$0x17E0]  }
0x52c: {  	v46 =	vperm.xlane v19, v17;
	v50 =	vld [tilespmem:s12+$0x18E0];
	v32 =	vmul.f32 v33, v45  }
0x52d: {  	v52 =	vor.u32 v4, v47;
	v53 =	vperm.xlane v21, v17  }
0x52e: {  	v29 =	vor.u32 v4, v49;
	v51 =	vmul.f32 v34, v46;
	[tilespmem:v42+s3+$0x0] =	vst.idx.add.f32.msk $0xffff, v32  }
0x52f: {  	v54 =	vperm.xlane v22, v17;
	v55 =	vperm.xlane v26, v17;
	v56 =	vld [tilespmem:s12+$0x19E0]  }
0x530: {  	[tilespmem:v48+s3+$0x0] =	vst.idx.add.f32.msk $0xffff, v51;
	v31 =	vmul.f32 v44, v53  }
0x531: {  	v58 =	vor.u32 v4, v55;
	v60 =	vld [tilespmem:s12+$0x16F0];
	v57 =	vmul.f32 v50, v54  }
0x532: {  	v59 =	vperm.xlane v23, v17;
	[tilespmem:v52+s3+$0x0] =	vst.idx.add.f32.msk $0xffff, v31  }
0x533: {  	[tilespmem:v29+s3+$0x0] =	vst.idx.add.f32.msk $0xffff, v57  }
0x534: {  	v20 =	vperm.xlane v20, v18;
	v62 =	vld [tilespmem:s12+$0x17F0];
	v61 =	vmul.f32 v56, v59  }
0x535: {  	v24 =	vperm.xlane v24, v18;
	v63 =	vld [tilespmem:s12+$0x18F0]  }
0x536: {  	v25 =	vperm.xlane v25, v18;
	v20 =	vor.u32 v4, v20;
	[tilespmem:v58+s3+$0x0] =	vst.idx.add.f32.msk $0xffff, v61  }
0x537: {  	v19 =	vperm.xlane v19, v18;
	v24 =	vor.u32 v4, v24;
	v26 =	vperm.xlane v26, v18;
	v29 =	vld [tilespmem:s12+$0x19F0]  }
0x538: {  	v25 =	vor.u32 v4, v25;
	v21 =	vperm.xlane v21, v18  }
0x539: {  	p1 =	por p0, p0;
	v22 =	vperm.xlane v22, v18;
	v26 =	vor.u32 v4, v26;
	v19 =	vmul.f32 v60, v19  }
.Ltmp15:
0x53a: {  	v23 =	vperm.xlane v23, v18;
	v21 =	vmul.f32 v62, v21;
	(pc) =	sbr.rel @p1 .LBB2_33-.Ltmp15, $4  }
0x53b: {  	[tilespmem:v20+s3+$0x0] =	vst.idx.add.f32.msk $0xffff, v19;
	v19 =	vmul.f32 v63, v22  }
0x53c: {  	[tilespmem:v24+s3+$0x0] =	vst.idx.add.f32.msk $0xffff, v21;
	v20 =	vmul.f32 v29, v23  }
0x53d: {  	s17 =	simm.s32 $0x90;
	s13 =	simm.s32 $0x4;
	[tilespmem:v25+s3+$0x0] =	vst.idx.add.f32.msk $0xffff, v19  }
0x53e: {  	p0 =	por $0x0, $0x0;
	s16 =	simm.s32 $0xFFFFFFE0;
	s12 =	simm.s32 $0xC90;
	[tilespmem:v26+s3+$0x0] =	vst.idx.add.f32.msk $0xffff, v20  }
0x53f: {  	v19 =	vld [tilespmem:s17+$0xFFFFFFF0]  }
0x540: {  	v21 =	vld [tilespmem:s17+$0x0];
	_ =	sdelay $0x3  }
0x541: {  	s13 =	sadd.s32 $0x20, s17;
	v19 =	vshll.u32 v19, $0x4  }
0x542: {  	s16 =	sadd.s32 $0x20, s16;
	v20 =	vld [tilespmem:s13+$0xFFFFFFF0];
	v21 =	vshll.u32 v21, $0x4;
	v22 =	vor.u32 v0, v19  }
0x543: {  	s16 =	sadd.s32 $0x20, s16;
	v19 =	vld [tilespmem:s13+$0x0];
	v21 =	vor.u32 v0, v21;
	[tilespmem:s12+$0xFFFFFFF0] =	vst v22  }
.LBB2_35:
0x544: {  	s16 =	sadd.s32 $0x20, s16  }
0x545: {  	[tilespmem:s12+$0x0] =	vst v21;
	s12 =	sadd.s32 $0x20, s12;
	p0 =	slt.u32 s16, $0x60  }
.Ltmp16:
0x546: {  	(pc) =	sbr.rel @p0 .LBB2_35-.Ltmp16, $4  }
0x547: {  	_ = 	snop  }
0x548: {  	s13 =	sadd.s32 $0x20, s13;
	v21 =	vshll.u32 v20, $0x4  }
0x549: {  	v20 =	vld [tilespmem:s13+$0xFFFFFFF0];
	v21 =	vor.u32 v0, v21;
	v22 =	vshll.u32 v19, $0x4  }
0x54a: {  	v19 =	vld [tilespmem:s13+$0x0];
	[tilespmem:s12+$0xFFFFFFF0] =	vst v21;
	v21 =	vor.u32 v0, v22  }
0x54b: {  	_ =	sdelay $0x2  }
0x54c: {  	v20 =	vshll.u32 v20, $0x4  }
0x54d: {  	[tilespmem:s12+$0x0] =	vst v21;
	s17 =	sadd.s32 $0x20, s12;
	v20 =	vor.u32 v0, v20;
	v19 =	vshll.u32 v19, $0x4  }
0x54e: {  	[tilespmem:s17+$0xFFFFFFF0] =	vst v20;
	v19 =	vor.u32 v0, v19  }
0x54f: {  	[tilespmem:s17+$0x0] =	vst v19  }
0x550: {  	[tilespmem:s23], [sflag:$0x4] =	stream.indirect.gather [hbm4b:s4+s19], $0x10, s22, s19, $0xb8;
	[tilespmem:$0x12E00] =	vst v63  }
0x551: {  	_ =	swait.ge [sflag:s10], $0x800  }
0x552: {  	[sflag:s10] =	ssyncset.done $0x0  }
0x553: {  	s13 =	simm.s32 $0x0;
	p0 =	por $0x1, $0x1;
	[sflag:s10] =	ssyncadd.s32 $0xFFFFF800  }
.LBB2_37:
0x554: {  	s16 =	sshll.u32 s13, $0x4  }
0x555: {  	v20 =	vld [tilespmem:s16+$0x700];
	_ =	sdelay $0x3  }
0x556: {  	s12 =	sshll.u32 s13, $0x8;
	v19 =	vld [tilespmem:s16+$0xB00]  }
0x557: {  	s12 =	sand.u32 $0x3FFFFF00, s12;
	v20 =	vshll.u32 v20, $0x4  }
0x558: {  	v22 =	vld [tilespmem:s12+$0x1E00];
	v21 =	vperm.xlane v20, v3;
	_ =	sdelay $0x1  }
0x559: {  	v21 =	vor.u32 v4, v21  }
0x55a: {  	v23 =	vperm.xlane v19, v3;
	_ =	sdelay $0x1  }
0x55b: {  	v22 =	vmul.f32 v22, v23;
	_ =	sdelay $0x1  }
0x55c: {  	[tilespmem:v21+s3+$0x0] =	vst.idx.add.f32.msk $0xffff, v22  }
0x55d: {  	v51 =	vperm.xlane v20, v5;
	v22 =	vld [tilespmem:s12+$0x1E10];
	_ =	sdelay $0x1  }
0x55e: {  	v21 =	vor.u32 v4, v51  }
0x55f: {  	v52 =	vperm.xlane v19, v5;
	_ =	sdelay $0x1  }
0x560: {  	v22 =	vmul.f32 v22, v52;
	_ =	sdelay $0x1  }
0x561: {  	[tilespmem:v21+s3+$0x0] =	vst.idx.add.f32.msk $0xffff, v22  }
0x562: {  	v53 =	vperm.xlane v20, v6;
	v22 =	vld [tilespmem:s12+$0x1E20];
	_ =	sdelay $0x1  }
0x563: {  	v21 =	vor.u32 v4, v53  }
0x564: {  	v54 =	vperm.xlane v19, v6;
	_ =	sdelay $0x1  }
0x565: {  	v22 =	vmul.f32 v22, v54;
	_ =	sdelay $0x1  }
0x566: {  	[tilespmem:v21+s3+$0x0] =	vst.idx.add.f32.msk $0xffff, v22  }
0x567: {  	v55 =	vperm.xlane v20, v7;
	v22 =	vld [tilespmem:s12+$0x1E30];
	_ =	sdelay $0x1  }
0x568: {  	v21 =	vor.u32 v4, v55  }
0x569: {  	v56 =	vperm.xlane v19, v7;
	_ =	sdelay $0x1  }
0x56a: {  	v22 =	vmul.f32 v22, v56;
	_ =	sdelay $0x1  }
0x56b: {  	[tilespmem:v21+s3+$0x0] =	vst.idx.add.f32.msk $0xffff, v22  }
0x56c: {  	v57 =	vperm.xlane v20, v2;
	v22 =	vld [tilespmem:s12+$0x1E40];
	_ =	sdelay $0x1  }
0x56d: {  	v21 =	vor.u32 v4, v57  }
0x56e: {  	v58 =	vperm.xlane v19, v2  }
0x56f: {  	v59 =	vld [tilespmem:s16+$0x710]  }
0x570: {  	v25 =	vld [tilespmem:s16+$0x720];
	v22 =	vmul.f32 v22, v58  }
0x571: {  	v27 =	vld [tilespmem:s16+$0x730]  }
0x572: {  	[tilespmem:v21+s3+$0x0] =	vst.idx.add.f32.msk $0xffff, v22  }
0x573: {  	v21 =	vld [tilespmem:s16+$0xB10]  }
0x574: {  	v24 =	vshll.u32 v59, $0x4;
	v22 =	vld [tilespmem:s16+$0xB20]  }
0x575: {  	v26 =	vld [tilespmem:s12+$0x1F00];
	v25 =	vshll.u32 v25, $0x4;
	v23 =	vperm.xlane v24, v3  }
0x576: {  	v32 =	vld [tilespmem:s12+$0x2000];
	v31 =	vperm.xlane v25, v3  }
0x577: {  	v29 =	vor.u32 v4, v23  }
0x578: {  	v31 =	vor.u32 v4, v31;
	v30 =	vperm.xlane v21, v3  }
0x579: {  	v60 =	vperm.xlane v22, v3  }
0x57a: {  	v23 =	vld [tilespmem:s16+$0xB30];
	v30 =	vmul.f32 v26, v30  }
0x57b: {  	v35 =	vld [tilespmem:s12+$0x2100];
	v26 =	vshll.u32 v27, $0x4;
	v27 =	vmul.f32 v32, v60  }
0x57c: {  	v34 =	vperm.xlane v26, v3;
	[tilespmem:v29+s3+$0x0] =	vst.idx.add.f32.msk $0xffff, v30  }
0x57d: {  	[tilespmem:v31+s3+$0x0] =	vst.idx.add.f32.msk $0xffff, v27  }
0x57e: {  	v61 =	vperm.xlane v24, v5;
	v30 =	vld [tilespmem:s12+$0x1F10];
	v62 =	vor.u32 v4, v34  }
0x57f: {  	v41 =	vperm.xlane v25, v5;
	v63 =	vperm.xlane v23, v3;
	v31 =	vld [tilespmem:s12+$0x2010]  }
0x580: {  	v29 =	vor.u32 v4, v61  }
0x581: {  	v40 =	vperm.xlane v21, v5;
	v27 =	vor.u32 v4, v41;
	v34 =	vmul.f32 v35, v63  }
0x582: {  	v33 =	vperm.xlane v20, v8;
	v28 =	vld [tilespmem:s12+$0x1E50];
	v43 =	vperm.xlane v22, v5  }
0x583: {  	v42 =	vmul.f32 v30, v40;
	[tilespmem:v62+s3+$0x0] =	vst.idx.add.f32.msk $0xffff, v34  }
0x584: {  	v33 =	vor.u32 v4, v33;
	v30 =	vmul.f32 v31, v43;
	v45 =	vld [tilespmem:s12+$0x2110]  }
0x585: {  	v36 =	vperm.xlane v19, v8;
	v44 =	vperm.xlane v26, v5;
	[tilespmem:v29+s3+$0x0] =	vst.idx.add.f32.msk $0xffff, v42  }
0x586: {  	[tilespmem:v27+s3+$0x0] =	vst.idx.add.f32.msk $0xffff, v30  }
0x587: {  	v46 =	vperm.xlane v24, v6;
	v28 =	vmul.f32 v28, v36;
	v47 =	vor.u32 v4, v44;
	v29 =	vld [tilespmem:s12+$0x1F20]  }
0x588: {  	v50 =	vperm.xlane v23, v5;
	v52 =	vperm.xlane v25, v6;
	v30 =	vld [tilespmem:s12+$0x2020]  }
0x589: {  	[tilespmem:v33+s3+$0x0] =	vst.idx.add.f32.msk $0xffff, v28;
	v28 =	vor.u32 v4, v46  }
0x58a: {  	v51 =	vperm.xlane v21, v6;
	v27 =	vor.u32 v4, v52;
	v33 =	vmul.f32 v45, v50  }
0x58b: {  	v54 =	vperm.xlane v22, v6;
	v49 =	vld [tilespmem:s12+$0x1E60]  }
0x58c: {  	v48 =	vperm.xlane v20, v9;
	v29 =	vmul.f32 v29, v51;
	[tilespmem:v47+s3+$0x0] =	vst.idx.add.f32.msk $0xffff, v33  }
0x58d: {  	v30 =	vmul.f32 v30, v54;
	v56 =	vld [tilespmem:s12+$0x2120]  }
0x58e: {  	v32 =	vor.u32 v4, v48;
	v55 =	vperm.xlane v26, v6;
	[tilespmem:v28+s3+$0x0] =	vst.idx.add.f32.msk $0xffff, v29  }
0x58f: {  	v53 =	vperm.xlane v19, v9;
	[tilespmem:v27+s3+$0x0] =	vst.idx.add.f32.msk $0xffff, v30  }
0x590: {  	v59 =	vperm.xlane v23, v6;
	v57 =	vperm.xlane v24, v7;
	v58 =	vor.u32 v4, v55;
	v29 =	vld [tilespmem:s12+$0x1F30]  }
0x591: {  	v61 =	vperm.xlane v25, v7;
	v34 =	vmul.f32 v49, v53;
	v30 =	vld [tilespmem:s12+$0x2030]  }
0x592: {  	v60 =	vperm.xlane v21, v7;
	v28 =	vor.u32 v4, v57  }
0x593: {  	[tilespmem:v32+s3+$0x0] =	vst.idx.add.f32.msk $0xffff, v34;
	v27 =	vor.u32 v4, v61;
	v32 =	vmul.f32 v56, v59  }
0x594: {  	v40 =	vperm.xlane v22, v7  }
0x595: {  	v29 =	vmul.f32 v29, v60;
	[tilespmem:v58+s3+$0x0] =	vst.idx.add.f32.msk $0xffff, v32  }
0x596: {  	v30 =	vmul.f32 v30, v40;
	v42 =	vld [tilespmem:s12+$0x2130]  }
0x597: {  	v41 =	vperm.xlane v26, v7;
	[tilespmem:v28+s3+$0x0] =	vst.idx.add.f32.msk $0xffff, v29  }
0x598: {  	[tilespmem:v27+s3+$0x0] =	vst.idx.add.f32.msk $0xffff, v30  }
0x599: {  	v44 =	vperm.xlane v24, v2;
	v45 =	vor.u32 v4, v41;
	v29 =	vld [tilespmem:s12+$0x1F40]  }
0x59a: {  	v49 =	vperm.xlane v25, v2;
	v47 =	vperm.xlane v23, v7;
	v30 =	vld [tilespmem:s12+$0x2040]  }
0x59b: {  	v28 =	vor.u32 v4, v44  }
0x59c: {  	v48 =	vperm.xlane v21, v2;
	v27 =	vor.u32 v4, v49;
	v33 =	vmul.f32 v42, v47  }
0x59d: {  	v62 =	vperm.xlane v20, v10;
	v63 =	vld [tilespmem:s12+$0x1E70];
	v50 =	vperm.xlane v22, v2  }
0x59e: {  	v29 =	vmul.f32 v29, v48;
	[tilespmem:v45+s3+$0x0] =	vst.idx.add.f32.msk $0xffff, v33  }
0x59f: {  	v34 =	vor.u32 v4, v62;
	v30 =	vmul.f32 v30, v50;
	v33 =	vld [tilespmem:s12+$0x2140]  }
0x5a0: {  	v43 =	vperm.xlane v19, v10;
	v51 =	vperm.xlane v26, v2;
	[tilespmem:v28+s3+$0x0] =	vst.idx.add.f32.msk $0xffff, v29  }
0x5a1: {  	[tilespmem:v27+s3+$0x0] =	vst.idx.add.f32.msk $0xffff, v30  }
0x5a2: {  	v52 =	vperm.xlane v24, v8;
	v46 =	vmul.f32 v63, v43;
	v53 =	vor.u32 v4, v51;
	v29 =	vld [tilespmem:s12+$0x1F50]  }
0x5a3: {  	v55 =	vperm.xlane v23, v2;
	v57 =	vperm.xlane v25, v8;
	v30 =	vld [tilespmem:s12+$0x2050]  }
0x5a4: {  	[tilespmem:v34+s3+$0x0] =	vst.idx.add.f32.msk $0xffff, v46;
	v28 =	vor.u32 v4, v52  }
0x5a5: {  	v56 =	vperm.xlane v21, v8;
	v27 =	vor.u32 v4, v57;
	v33 =	vmul.f32 v33, v55  }
0x5a6: {  	v34 =	vld [tilespmem:s12+$0x1E80];
	v59 =	vperm.xlane v22, v8  }
0x5a7: {  	v54 =	vperm.xlane v20, v11;
	v29 =	vmul.f32 v29, v56;
	[tilespmem:v53+s3+$0x0] =	vst.idx.add.f32.msk $0xffff, v33  }
0x5a8: {  	v30 =	vmul.f32 v30, v59;
	v61 =	vld [tilespmem:s12+$0x2150]  }
0x5a9: {  	v32 =	vor.u32 v4, v54;
	v60 =	vperm.xlane v26, v8;
	[tilespmem:v28+s3+$0x0] =	vst.idx.add.f32.msk $0xffff, v29  }
0x5aa: {  	v58 =	vperm.xlane v19, v11;
	[tilespmem:v27+s3+$0x0] =	vst.idx.add.f32.msk $0xffff, v30  }
0x5ab: {  	v39 =	vperm.xlane v25, v9;
	v62 =	vperm.xlane v24, v9;
	v63 =	vor.u32 v4, v60;
	v29 =	vld [tilespmem:s12+$0x1F60]  }
0x5ac: {  	v37 =	vperm.xlane v23, v8;
	v34 =	vmul.f32 v34, v58;
	v30 =	vld [tilespmem:s12+$0x2060]  }
0x5ad: {  	v38 =	vperm.xlane v21, v9;
	v28 =	vor.u32 v4, v62  }
0x5ae: {  	[tilespmem:v32+s3+$0x0] =	vst.idx.add.f32.msk $0xffff, v34;
	v27 =	vor.u32 v4, v39;
	v32 =	vmul.f32 v61, v37  }
0x5af: {  	v42 =	vperm.xlane v22, v9  }
0x5b0: {  	v29 =	vmul.f32 v29, v38;
	[tilespmem:v63+s3+$0x0] =	vst.idx.add.f32.msk $0xffff, v32  }
0x5b1: {  	v30 =	vmul.f32 v30, v42;
	v44 =	vld [tilespmem:s12+$0x2160]  }
0x5b2: {  	v43 =	vperm.xlane v26, v9;
	[tilespmem:v28+s3+$0x0] =	vst.idx.add.f32.msk $0xffff, v29  }
0x5b3: {  	[tilespmem:v27+s3+$0x0] =	vst.idx.add.f32.msk $0xffff, v30  }
0x5b4: {  	v46 =	vperm.xlane v24, v10;
	v47 =	vor.u32 v4, v43;
	v29 =	vld [tilespmem:s12+$0x1F70]  }
0x5b5: {  	v51 =	vperm.xlane v25, v10;
	v49 =	vperm.xlane v23, v9;
	v30 =	vld [tilespmem:s12+$0x2070]  }
0x5b6: {  	v28 =	vor.u32 v4, v46  }
0x5b7: {  	v50 =	vperm.xlane v21, v10;
	v27 =	vor.u32 v4, v51;
	v33 =	vmul.f32 v44, v49  }
0x5b8: {  	v41 =	vld [tilespmem:s12+$0x1E90];
	v52 =	vperm.xlane v22, v10  }
0x5b9: {  	v40 =	vperm.xlane v20, v12;
	v29 =	vmul.f32 v29, v50;
	[tilespmem:v47+s3+$0x0] =	vst.idx.add.f32.msk $0xffff, v33  }
0x5ba: {  	v30 =	vmul.f32 v30, v52;
	v33 =	vld [tilespmem:s12+$0x2170]  }
0x5bb: {  	v34 =	vor.u32 v4, v40;
	v53 =	vperm.xlane v26, v10;
	[tilespmem:v28+s3+$0x0] =	vst.idx.add.f32.msk $0xffff, v29  }
0x5bc: {  	v45 =	vperm.xlane v19, v12;
	[tilespmem:v27+s3+$0x0] =	vst.idx.add.f32.msk $0xffff, v30  }
0x5bd: {  	v54 =	vperm.xlane v24, v11;
	v57 =	vperm.xlane v23, v10;
	v55 =	vor.u32 v4, v53;
	v29 =	vld [tilespmem:s12+$0x1F80]  }
0x5be: {  	v48 =	vmul.f32 v41, v45;
	v59 =	vperm.xlane v25, v11;
	v30 =	vld [tilespmem:s12+$0x2080]  }
0x5bf: {  	v58 =	vperm.xlane v21, v11;
	v28 =	vor.u32 v4, v54  }
0x5c0: {  	[tilespmem:v34+s3+$0x0] =	vst.idx.add.f32.msk $0xffff, v48;
	v27 =	vor.u32 v4, v59;
	v33 =	vmul.f32 v33, v57  }
0x5c1: {  	v34 =	vld [tilespmem:s12+$0x1EA0];
	v61 =	vperm.xlane v22, v11  }
0x5c2: {  	v56 =	vperm.xlane v20, v13;
	v29 =	vmul.f32 v29, v58;
	[tilespmem:v55+s3+$0x0] =	vst.idx.add.f32.msk $0xffff, v33  }
0x5c3: {  	v60 =	vperm.xlane v19, v13;
	v30 =	vmul.f32 v30, v61;
	v63 =	vld [tilespmem:s12+$0x2180]  }
0x5c4: {  	v62 =	vperm.xlane v26, v11;
	v32 =	vor.u32 v4, v56;
	[tilespmem:v28+s3+$0x0] =	vst.idx.add.f32.msk $0xffff, v29  }
0x5c5: {  	[tilespmem:v27+s3+$0x0] =	vst.idx.add.f32.msk $0xffff, v30  }
0x5c6: {  	v40 =	vperm.xlane v24, v12;
	v34 =	vmul.f32 v34, v60;
	v41 =	vor.u32 v4, v62;
	v29 =	vld [tilespmem:s12+$0x1F90]  }
0x5c7: {  	v42 =	vperm.xlane v23, v11;
	v44 =	vperm.xlane v25, v12;
	v30 =	vld [tilespmem:s12+$0x2090]  }
0x5c8: {  	v43 =	vperm.xlane v21, v12;
	v28 =	vor.u32 v4, v40  }
0x5c9: {  	[tilespmem:v32+s3+$0x0] =	vst.idx.add.f32.msk $0xffff, v34;
	v27 =	vor.u32 v4, v44;
	v32 =	vmul.f32 v63, v42  }
0x5ca: {  	v47 =	vperm.xlane v22, v12  }
0x5cb: {  	v29 =	vmul.f32 v29, v43;
	[tilespmem:v41+s3+$0x0] =	vst.idx.add.f32.msk $0xffff, v32  }
0x5cc: {  	v30 =	vmul.f32 v30, v47;
	v49 =	vld [tilespmem:s12+$0x2190]  }
0x5cd: {  	v48 =	vperm.xlane v26, v12;
	[tilespmem:v28+s3+$0x0] =	vst.idx.add.f32.msk $0xffff, v29  }
0x5ce: {  	[tilespmem:v27+s3+$0x0] =	vst.idx.add.f32.msk $0xffff, v30  }
0x5cf: {  	v51 =	vperm.xlane v24, v13;
	v52 =	vor.u32 v4, v48;
	v29 =	vld [tilespmem:s12+$0x1FA0]  }
0x5d0: {  	v56 =	vperm.xlane v25, v13;
	v54 =	vperm.xlane v23, v12;
	v30 =	vld [tilespmem:s12+$0x20A0]  }
0x5d1: {  	v28 =	vor.u32 v4, v51  }
0x5d2: {  	v55 =	vperm.xlane v21, v13;
	v27 =	vor.u32 v4, v56;
	v33 =	vmul.f32 v49, v54  }
0x5d3: {  	v45 =	vperm.xlane v20, v14;
	v46 =	vld [tilespmem:s12+$0x1EB0];
	v57 =	vperm.xlane v22, v13  }
0x5d4: {  	v29 =	vmul.f32 v29, v55;
	[tilespmem:v52+s3+$0x0] =	vst.idx.add.f32.msk $0xffff, v33  }
0x5d5: {  	v34 =	vor.u32 v4, v45;
	v30 =	vmul.f32 v30, v57;
	v33 =	vld [tilespmem:s12+$0x21A0]  }
0x5d6: {  	v50 =	vperm.xlane v19, v14;
	v58 =	vperm.xlane v26, v13;
	[tilespmem:v28+s3+$0x0] =	vst.idx.add.f32.msk $0xffff, v29  }
0x5d7: {  	[tilespmem:v27+s3+$0x0] =	vst.idx.add.f32.msk $0xffff, v30  }
0x5d8: {  	v59 =	vperm.xlane v24, v14;
	v53 =	vmul.f32 v46, v50;
	v60 =	vor.u32 v4, v58;
	v29 =	vld [tilespmem:s12+$0x1FB0]  }
0x5d9: {  	v39 =	vperm.xlane v25, v14;
	v62 =	vperm.xlane v23, v13;
	v30 =	vld [tilespmem:s12+$0x20B0]  }
0x5da: {  	[tilespmem:v34+s3+$0x0] =	vst.idx.add.f32.msk $0xffff, v53;
	v28 =	vor.u32 v4, v59  }
0x5db: {  	v63 =	vperm.xlane v21, v14;
	v27 =	vor.u32 v4, v39;
	v33 =	vmul.f32 v33, v62  }
0x5dc: {  	v34 =	vld [tilespmem:s12+$0x1EC0];
	v41 =	vperm.xlane v22, v14  }
0x5dd: {  	v61 =	vperm.xlane v20, v15;
	v29 =	vmul.f32 v29, v63;
	[tilespmem:v60+s3+$0x0] =	vst.idx.add.f32.msk $0xffff, v33  }
0x5de: {  	v30 =	vmul.f32 v30, v41;
	v43 =	vld [tilespmem:s12+$0x21B0]  }
0x5df: {  	v42 =	vperm.xlane v26, v14;
	v32 =	vor.u32 v4, v61;
	[tilespmem:v28+s3+$0x0] =	vst.idx.add.f32.msk $0xffff, v29  }
0x5e0: {  	v40 =	vperm.xlane v19, v15;
	[tilespmem:v27+s3+$0x0] =	vst.idx.add.f32.msk $0xffff, v30  }
0x5e1: {  	v48 =	vperm.xlane v25, v15;
	v44 =	vperm.xlane v24, v15;
	v45 =	vor.u32 v4, v42;
	v29 =	vld [tilespmem:s12+$0x1FC0]  }
0x5e2: {  	v46 =	vperm.xlane v23, v14;
	v34 =	vmul.f32 v34, v40;
	v30 =	vld [tilespmem:s12+$0x20C0]  }
0x5e3: {  	v47 =	vperm.xlane v21, v15;
	v28 =	vor.u32 v4, v44  }
0x5e4: {  	[tilespmem:v32+s3+$0x0] =	vst.idx.add.f32.msk $0xffff, v34;
	v27 =	vor.u32 v4, v48;
	v32 =	vmul.f32 v43, v46  }
0x5e5: {  	v51 =	vperm.xlane v22, v15;
	v50 =	vld [tilespmem:s12+$0x1ED0]  }
0x5e6: {  	v49 =	vperm.xlane v20, v16;
	v29 =	vmul.f32 v29, v47;
	[tilespmem:v45+s3+$0x0] =	vst.idx.add.f32.msk $0xffff, v32  }
0x5e7: {  	v52 =	vperm.xlane v26, v15;
	v30 =	vmul.f32 v30, v51;
	v53 =	vld [tilespmem:s12+$0x21C0]  }
0x5e8: {  	v34 =	vor.u32 v4, v49;
	[tilespmem:v28+s3+$0x0] =	vst.idx.add.f32.msk $0xffff, v29  }
0x5e9: {  	v54 =	vperm.xlane v19, v16;
	v55 =	vor.u32 v4, v52;
	[tilespmem:v27+s3+$0x0] =	vst.idx.add.f32.msk $0xffff, v30  }
0x5ea: {  	v56 =	vperm.xlane v24, v16;
	v57 =	vperm.xlane v23, v15;
	v29 =	vld [tilespmem:s12+$0x1FD0]  }
0x5eb: {  	v60 =	vperm.xlane v25, v16;
	v28 =	vmul.f32 v50, v54;
	v61 =	vld [tilespmem:s12+$0x20D0]  }
0x5ec: {  	v59 =	vor.u32 v4, v56;
	v33 =	vmul.f32 v53, v57  }
0x5ed: {  	v58 =	vperm.xlane v21, v16;
	v63 =	vor.u32 v4, v60;
	[tilespmem:v34+s3+$0x0] =	vst.idx.add.f32.msk $0xffff, v28  }
0x5ee: {  	v39 =	vperm.xlane v22, v16;
	[tilespmem:v55+s3+$0x0] =	vst.idx.add.f32.msk $0xffff, v33  }
0x5ef: {  	v40 =	vperm.xlane v26, v16;
	v62 =	vmul.f32 v29, v58;
	v33 =	vld [tilespmem:s12+$0x21D0]  }
0x5f0: {  	v34 =	vld [tilespmem:s12+$0x1EE0];
	v41 =	vmul.f32 v61, v39  }
0x5f1: {  	v42 =	vor.u32 v4, v40;
	v43 =	vperm.xlane v20, v17;
	[tilespmem:v59+s3+$0x0] =	vst.idx.add.f32.msk $0xffff, v62  }
0x5f2: {  	v45 =	vperm.xlane v23, v16;
	[tilespmem:v63+s3+$0x0] =	vst.idx.add.f32.msk $0xffff, v41  }
0x5f3: {  	v49 =	vperm.xlane v25, v17;
	v47 =	vperm.xlane v24, v17;
	v48 =	vor.u32 v4, v43;
	v44 =	vld [tilespmem:s12+$0x1FE0]  }
0x5f4: {  	v46 =	vperm.xlane v19, v17;
	v50 =	vld [tilespmem:s12+$0x20E0];
	v32 =	vmul.f32 v33, v45  }
0x5f5: {  	v52 =	vor.u32 v4, v47;
	v53 =	vperm.xlane v21, v17  }
0x5f6: {  	v29 =	vor.u32 v4, v49;
	v51 =	vmul.f32 v34, v46;
	[tilespmem:v42+s3+$0x0] =	vst.idx.add.f32.msk $0xffff, v32  }
0x5f7: {  	v54 =	vperm.xlane v22, v17;
	v55 =	vperm.xlane v26, v17;
	v56 =	vld [tilespmem:s12+$0x21E0]  }
0x5f8: {  	[tilespmem:v48+s3+$0x0] =	vst.idx.add.f32.msk $0xffff, v51;
	v31 =	vmul.f32 v44, v53  }
0x5f9: {  	v58 =	vor.u32 v4, v55;
	v60 =	vld [tilespmem:s12+$0x1EF0];
	v57 =	vmul.f32 v50, v54  }
0x5fa: {  	v59 =	vperm.xlane v23, v17;
	[tilespmem:v52+s3+$0x0] =	vst.idx.add.f32.msk $0xffff, v31  }
0x5fb: {  	[tilespmem:v29+s3+$0x0] =	vst.idx.add.f32.msk $0xffff, v57  }
0x5fc: {  	v20 =	vperm.xlane v20, v18;
	v62 =	vld [tilespmem:s12+$0x1FF0];
	v61 =	vmul.f32 v56, v59  }
0x5fd: {  	v24 =	vperm.xlane v24, v18;
	v63 =	vld [tilespmem:s12+$0x20F0]  }
0x5fe: {  	v25 =	vperm.xlane v25, v18;
	v20 =	vor.u32 v4, v20;
	[tilespmem:v58+s3+$0x0] =	vst.idx.add.f32.msk $0xffff, v61  }
0x5ff: {  	v19 =	vperm.xlane v19, v18;
	v24 =	vor.u32 v4, v24;
	v26 =	vperm.xlane v26, v18;
	v29 =	vld [tilespmem:s12+$0x21F0]  }
0x600: {  	v25 =	vor.u32 v4, v25;
	v21 =	vperm.xlane v21, v18  }
0x601: {  	p1 =	por p0, p0;
	v22 =	vperm.xlane v22, v18;
	v26 =	vor.u32 v4, v26;
	v19 =	vmul.f32 v60, v19  }
.Ltmp17:
0x602: {  	v23 =	vperm.xlane v23, v18;
	v21 =	vmul.f32 v62, v21;
	(pc) =	sbr.rel @p1 .LBB2_37-.Ltmp17, $4  }
0x603: {  	[tilespmem:v20+s3+$0x0] =	vst.idx.add.f32.msk $0xffff, v19;
	v19 =	vmul.f32 v63, v22  }
0x604: {  	[tilespmem:v24+s3+$0x0] =	vst.idx.add.f32.msk $0xffff, v21;
	v20 =	vmul.f32 v29, v23  }
0x605: {  	s17 =	simm.s32 $0x110;
	s13 =	simm.s32 $0x4;
	[tilespmem:v25+s3+$0x0] =	vst.idx.add.f32.msk $0xffff, v19  }
0x606: {  	p0 =	por $0x0, $0x0;
	s16 =	simm.s32 $0xFFFFFFE0;
	s12 =	simm.s32 $0xD10;
	[tilespmem:v26+s3+$0x0] =	vst.idx.add.f32.msk $0xffff, v20  }
0x607: {  	v19 =	vld [tilespmem:s17+$0xFFFFFFF0]  }
0x608: {  	v21 =	vld [tilespmem:s17+$0x0];
	_ =	sdelay $0x3  }
0x609: {  	s13 =	sadd.s32 $0x20, s17;
	v19 =	vshll.u32 v19, $0x4  }
0x60a: {  	s16 =	sadd.s32 $0x20, s16;
	v20 =	vld [tilespmem:s13+$0xFFFFFFF0];
	v21 =	vshll.u32 v21, $0x4;
	v22 =	vor.u32 v0, v19  }
0x60b: {  	s16 =	sadd.s32 $0x20, s16;
	v19 =	vld [tilespmem:s13+$0x0];
	v21 =	vor.u32 v0, v21;
	[tilespmem:s12+$0xFFFFFFF0] =	vst v22  }
.LBB2_39:
0x60c: {  	s16 =	sadd.s32 $0x20, s16  }
0x60d: {  	[tilespmem:s12+$0x0] =	vst v21;
	s12 =	sadd.s32 $0x20, s12;
	p0 =	slt.u32 s16, $0x60  }
.Ltmp18:
0x60e: {  	(pc) =	sbr.rel @p0 .LBB2_39-.Ltmp18, $4  }
0x60f: {  	_ = 	snop  }
0x610: {  	s13 =	sadd.s32 $0x20, s13;
	v21 =	vshll.u32 v20, $0x4  }
0x611: {  	v20 =	vld [tilespmem:s13+$0xFFFFFFF0];
	v21 =	vor.u32 v0, v21;
	v22 =	vshll.u32 v19, $0x4  }
0x612: {  	v19 =	vld [tilespmem:s13+$0x0];
	[tilespmem:s12+$0xFFFFFFF0] =	vst v21;
	v21 =	vor.u32 v0, v22  }
0x613: {  	_ =	sdelay $0x2  }
0x614: {  	v20 =	vshll.u32 v20, $0x4  }
0x615: {  	[tilespmem:s12+$0x0] =	vst v21;
	s17 =	sadd.s32 $0x20, s12;
	v20 =	vor.u32 v0, v20;
	v19 =	vshll.u32 v19, $0x4  }
0x616: {  	[tilespmem:s17+$0xFFFFFFF0] =	vst v20;
	v19 =	vor.u32 v0, v19  }
0x617: {  	[tilespmem:s17+$0x0] =	vst v19  }
0x618: {  	[tilespmem:s25], [sflag:$0x5] =	stream.indirect.gather [hbm4b:s4+s19], $0x10, s24, s19, $0xb8;
	[tilespmem:$0x12E00] =	vst v63  }
0x619: {  	_ =	swait.ge [sflag:s11], $0x800  }
0x61a: {  	[sflag:s11] =	ssyncset.done $0x0  }
0x61b: {  	s12 =	simm.s32 $0x0;
	p0 =	por $0x1, $0x1;
	[sflag:s11] =	ssyncadd.s32 $0xFFFFF800  }
.LBB2_41:
0x61c: {  	s13 =	sshll.u32 s12, $0x4  }
0x61d: {  	v20 =	vld [tilespmem:s13+$0x780];
	_ =	sdelay $0x3  }
0x61e: {  	s17 =	sshll.u32 s12, $0x8;
	v19 =	vld [tilespmem:s13+$0xB80]  }
0x61f: {  	s12 =	sand.u32 $0x3FFFFF00, s17;
	v20 =	vshll.u32 v20, $0x4  }
0x620: {  	v22 =	vld [tilespmem:s12+$0x2600];
	v21 =	vperm.xlane v20, v3;
	_ =	sdelay $0x1  }
0x621: {  	v21 =	vor.u32 v4, v21  }
0x622: {  	v23 =	vperm.xlane v19, v3;
	_ =	sdelay $0x1  }
0x623: {  	v22 =	vmul.f32 v22, v23;
	_ =	sdelay $0x1  }
0x624: {  	[tilespmem:v21+s3+$0x0] =	vst.idx.add.f32.msk $0xffff, v22  }
0x625: {  	v51 =	vperm.xlane v20, v5;
	v22 =	vld [tilespmem:s12+$0x2610];
	_ =	sdelay $0x1  }
0x626: {  	v21 =	vor.u32 v4, v51  }
0x627: {  	v52 =	vperm.xlane v19, v5;
	_ =	sdelay $0x1  }
0x628: {  	v22 =	vmul.f32 v22, v52;
	_ =	sdelay $0x1  }
0x629: {  	[tilespmem:v21+s3+$0x0] =	vst.idx.add.f32.msk $0xffff, v22  }
0x62a: {  	v53 =	vperm.xlane v20, v6;
	v22 =	vld [tilespmem:s12+$0x2620];
	_ =	sdelay $0x1  }
0x62b: {  	v21 =	vor.u32 v4, v53  }
0x62c: {  	v54 =	vperm.xlane v19, v6;
	_ =	sdelay $0x1  }
0x62d: {  	v22 =	vmul.f32 v22, v54;
	_ =	sdelay $0x1  }
0x62e: {  	[tilespmem:v21+s3+$0x0] =	vst.idx.add.f32.msk $0xffff, v22  }
0x62f: {  	v55 =	vperm.xlane v20, v7;
	v22 =	vld [tilespmem:s12+$0x2630];
	_ =	sdelay $0x1  }
0x630: {  	v21 =	vor.u32 v4, v55  }
0x631: {  	v56 =	vperm.xlane v19, v7;
	_ =	sdelay $0x1  }
0x632: {  	v22 =	vmul.f32 v22, v56;
	_ =	sdelay $0x1  }
0x633: {  	[tilespmem:v21+s3+$0x0] =	vst.idx.add.f32.msk $0xffff, v22  }
0x634: {  	v57 =	vperm.xlane v20, v2;
	v22 =	vld [tilespmem:s12+$0x2640];
	_ =	sdelay $0x1  }
0x635: {  	v21 =	vor.u32 v4, v57  }
0x636: {  	v58 =	vperm.xlane v19, v2  }
0x637: {  	v59 =	vld [tilespmem:s13+$0x790]  }
0x638: {  	v25 =	vld [tilespmem:s13+$0x7A0];
	v22 =	vmul.f32 v22, v58  }
0x639: {  	v27 =	vld [tilespmem:s13+$0x7B0]  }
0x63a: {  	[tilespmem:v21+s3+$0x0] =	vst.idx.add.f32.msk $0xffff, v22  }
0x63b: {  	v21 =	vld [tilespmem:s13+$0xB90]  }
0x63c: {  	v24 =	vshll.u32 v59, $0x4;
	v22 =	vld [tilespmem:s13+$0xBA0]  }
0x63d: {  	v26 =	vld [tilespmem:s12+$0x2700];
	v25 =	vshll.u32 v25, $0x4;
	v23 =	vperm.xlane v24, v3  }
0x63e: {  	v32 =	vld [tilespmem:s12+$0x2800];
	v31 =	vperm.xlane v25, v3  }
0x63f: {  	v29 =	vor.u32 v4, v23  }
0x640: {  	v31 =	vor.u32 v4, v31;
	v30 =	vperm.xlane v21, v3  }
0x641: {  	v60 =	vperm.xlane v22, v3  }
0x642: {  	v23 =	vld [tilespmem:s13+$0xBB0];
	v30 =	vmul.f32 v26, v30  }
0x643: {  	v35 =	vld [tilespmem:s12+$0x2900];
	v26 =	vshll.u32 v27, $0x4;
	v27 =	vmul.f32 v32, v60  }
0x644: {  	v34 =	vperm.xlane v26, v3;
	[tilespmem:v29+s3+$0x0] =	vst.idx.add.f32.msk $0xffff, v30  }
0x645: {  	[tilespmem:v31+s3+$0x0] =	vst.idx.add.f32.msk $0xffff, v27  }
0x646: {  	v61 =	vperm.xlane v24, v5;
	v30 =	vld [tilespmem:s12+$0x2710];
	v62 =	vor.u32 v4, v34  }
0x647: {  	v41 =	vperm.xlane v25, v5;
	v63 =	vperm.xlane v23, v3;
	v31 =	vld [tilespmem:s12+$0x2810]  }
0x648: {  	v29 =	vor.u32 v4, v61  }
0x649: {  	v40 =	vperm.xlane v21, v5;
	v27 =	vor.u32 v4, v41;
	v34 =	vmul.f32 v35, v63  }
0x64a: {  	v33 =	vperm.xlane v20, v8;
	v28 =	vld [tilespmem:s12+$0x2650];
	v43 =	vperm.xlane v22, v5  }
0x64b: {  	v42 =	vmul.f32 v30, v40;
	[tilespmem:v62+s3+$0x0] =	vst.idx.add.f32.msk $0xffff, v34  }
0x64c: {  	v33 =	vor.u32 v4, v33;
	v30 =	vmul.f32 v31, v43;
	v45 =	vld [tilespmem:s12+$0x2910]  }
0x64d: {  	v36 =	vperm.xlane v19, v8;
	v44 =	vperm.xlane v26, v5;
	[tilespmem:v29+s3+$0x0] =	vst.idx.add.f32.msk $0xffff, v42  }
0x64e: {  	[tilespmem:v27+s3+$0x0] =	vst.idx.add.f32.msk $0xffff, v30  }
0x64f: {  	v46 =	vperm.xlane v24, v6;
	v28 =	vmul.f32 v28, v36;
	v47 =	vor.u32 v4, v44;
	v29 =	vld [tilespmem:s12+$0x2720]  }
0x650: {  	v50 =	vperm.xlane v23, v5;
	v52 =	vperm.xlane v25, v6;
	v30 =	vld [tilespmem:s12+$0x2820]  }
0x651: {  	[tilespmem:v33+s3+$0x0] =	vst.idx.add.f32.msk $0xffff, v28;
	v28 =	vor.u32 v4, v46  }
0x652: {  	v51 =	vperm.xlane v21, v6;
	v27 =	vor.u32 v4, v52;
	v33 =	vmul.f32 v45, v50  }
0x653: {  	v54 =	vperm.xlane v22, v6;
	v49 =	vld [tilespmem:s12+$0x2660]  }
0x654: {  	v48 =	vperm.xlane v20, v9;
	v29 =	vmul.f32 v29, v51;
	[tilespmem:v47+s3+$0x0] =	vst.idx.add.f32.msk $0xffff, v33  }
0x655: {  	v30 =	vmul.f32 v30, v54;
	v56 =	vld [tilespmem:s12+$0x2920]  }
0x656: {  	v32 =	vor.u32 v4, v48;
	v55 =	vperm.xlane v26, v6;
	[tilespmem:v28+s3+$0x0] =	vst.idx.add.f32.msk $0xffff, v29  }
0x657: {  	v53 =	vperm.xlane v19, v9;
	[tilespmem:v27+s3+$0x0] =	vst.idx.add.f32.msk $0xffff, v30  }
0x658: {  	v59 =	vperm.xlane v23, v6;
	v57 =	vperm.xlane v24, v7;
	v58 =	vor.u32 v4, v55;
	v29 =	vld [tilespmem:s12+$0x2730]  }
0x659: {  	v61 =	vperm.xlane v25, v7;
	v34 =	vmul.f32 v49, v53;
	v30 =	vld [tilespmem:s12+$0x2830]  }
0x65a: {  	v60 =	vperm.xlane v21, v7;
	v28 =	vor.u32 v4, v57  }
0x65b: {  	[tilespmem:v32+s3+$0x0] =	vst.idx.add.f32.msk $0xffff, v34;
	v27 =	vor.u32 v4, v61;
	v32 =	vmul.f32 v56, v59  }
0x65c: {  	v40 =	vperm.xlane v22, v7  }
0x65d: {  	v29 =	vmul.f32 v29, v60;
	[tilespmem:v58+s3+$0x0] =	vst.idx.add.f32.msk $0xffff, v32  }
0x65e: {  	v30 =	vmul.f32 v30, v40;
	v42 =	vld [tilespmem:s12+$0x2930]  }
0x65f: {  	v41 =	vperm.xlane v26, v7;
	[tilespmem:v28+s3+$0x0] =	vst.idx.add.f32.msk $0xffff, v29  }
0x660: {  	[tilespmem:v27+s3+$0x0] =	vst.idx.add.f32.msk $0xffff, v30  }
0x661: {  	v44 =	vperm.xlane v24, v2;
	v45 =	vor.u32 v4, v41;
	v29 =	vld [tilespmem:s12+$0x2740]  }
0x662: {  	v49 =	vperm.xlane v25, v2;
	v47 =	vperm.xlane v23, v7;
	v30 =	vld [tilespmem:s12+$0x2840]  }
0x663: {  	v28 =	vor.u32 v4, v44  }
0x664: {  	v48 =	vperm.xlane v21, v2;
	v27 =	vor.u32 v4, v49;
	v33 =	vmul.f32 v42, v47  }
0x665: {  	v62 =	vperm.xlane v20, v10;
	v63 =	vld [tilespmem:s12+$0x2670];
	v50 =	vperm.xlane v22, v2  }
0x666: {  	v29 =	vmul.f32 v29, v48;
	[tilespmem:v45+s3+$0x0] =	vst.idx.add.f32.msk $0xffff, v33  }
0x667: {  	v34 =	vor.u32 v4, v62;
	v30 =	vmul.f32 v30, v50;
	v33 =	vld [tilespmem:s12+$0x2940]  }
0x668: {  	v43 =	vperm.xlane v19, v10;
	v51 =	vperm.xlane v26, v2;
	[tilespmem:v28+s3+$0x0] =	vst.idx.add.f32.msk $0xffff, v29  }
0x669: {  	[tilespmem:v27+s3+$0x0] =	vst.idx.add.f32.msk $0xffff, v30  }
0x66a: {  	v52 =	vperm.xlane v24, v8;
	v46 =	vmul.f32 v63, v43;
	v53 =	vor.u32 v4, v51;
	v29 =	vld [tilespmem:s12+$0x2750]  }
0x66b: {  	v55 =	vperm.xlane v23, v2;
	v57 =	vperm.xlane v25, v8;
	v30 =	vld [tilespmem:s12+$0x2850]  }
0x66c: {  	[tilespmem:v34+s3+$0x0] =	vst.idx.add.f32.msk $0xffff, v46;
	v28 =	vor.u32 v4, v52  }
0x66d: {  	v56 =	vperm.xlane v21, v8;
	v27 =	vor.u32 v4, v57;
	v33 =	vmul.f32 v33, v55  }
0x66e: {  	v34 =	vld [tilespmem:s12+$0x2680];
	v59 =	vperm.xlane v22, v8  }
0x66f: {  	v54 =	vperm.xlane v20, v11;
	v29 =	vmul.f32 v29, v56;
	[tilespmem:v53+s3+$0x0] =	vst.idx.add.f32.msk $0xffff, v33  }
0x670: {  	v30 =	vmul.f32 v30, v59;
	v61 =	vld [tilespmem:s12+$0x2950]  }
0x671: {  	v32 =	vor.u32 v4, v54;
	v60 =	vperm.xlane v26, v8;
	[tilespmem:v28+s3+$0x0] =	vst.idx.add.f32.msk $0xffff, v29  }
0x672: {  	v58 =	vperm.xlane v19, v11;
	[tilespmem:v27+s3+$0x0] =	vst.idx.add.f32.msk $0xffff, v30  }
0x673: {  	v39 =	vperm.xlane v25, v9;
	v62 =	vperm.xlane v24, v9;
	v63 =	vor.u32 v4, v60;
	v29 =	vld [tilespmem:s12+$0x2760]  }
0x674: {  	v37 =	vperm.xlane v23, v8;
	v34 =	vmul.f32 v34, v58;
	v30 =	vld [tilespmem:s12+$0x2860]  }
0x675: {  	v38 =	vperm.xlane v21, v9;
	v28 =	vor.u32 v4, v62  }
0x676: {  	[tilespmem:v32+s3+$0x0] =	vst.idx.add.f32.msk $0xffff, v34;
	v27 =	vor.u32 v4, v39;
	v32 =	vmul.f32 v61, v37  }
0x677: {  	v42 =	vperm.xlane v22, v9  }
0x678: {  	v29 =	vmul.f32 v29, v38;
	[tilespmem:v63+s3+$0x0] =	vst.idx.add.f32.msk $0xffff, v32  }
0x679: {  	v30 =	vmul.f32 v30, v42;
	v44 =	vld [tilespmem:s12+$0x2960]  }
0x67a: {  	v43 =	vperm.xlane v26, v9;
	[tilespmem:v28+s3+$0x0] =	vst.idx.add.f32.msk $0xffff, v29  }
0x67b: {  	[tilespmem:v27+s3+$0x0] =	vst.idx.add.f32.msk $0xffff, v30  }
0x67c: {  	v46 =	vperm.xlane v24, v10;
	v47 =	vor.u32 v4, v43;
	v29 =	vld [tilespmem:s12+$0x2770]  }
0x67d: {  	v51 =	vperm.xlane v25, v10;
	v49 =	vperm.xlane v23, v9;
	v30 =	vld [tilespmem:s12+$0x2870]  }
0x67e: {  	v28 =	vor.u32 v4, v46  }
0x67f: {  	v50 =	vperm.xlane v21, v10;
	v27 =	vor.u32 v4, v51;
	v33 =	vmul.f32 v44, v49  }
0x680: {  	v41 =	vld [tilespmem:s12+$0x2690];
	v52 =	vperm.xlane v22, v10  }
0x681: {  	v40 =	vperm.xlane v20, v12;
	v29 =	vmul.f32 v29, v50;
	[tilespmem:v47+s3+$0x0] =	vst.idx.add.f32.msk $0xffff, v33  }
0x682: {  	v30 =	vmul.f32 v30, v52;
	v33 =	vld [tilespmem:s12+$0x2970]  }
0x683: {  	v34 =	vor.u32 v4, v40;
	v53 =	vperm.xlane v26, v10;
	[tilespmem:v28+s3+$0x0] =	vst.idx.add.f32.msk $0xffff, v29  }
0x684: {  	v45 =	vperm.xlane v19, v12;
	[tilespmem:v27+s3+$0x0] =	vst.idx.add.f32.msk $0xffff, v30  }
0x685: {  	v54 =	vperm.xlane v24, v11;
	v57 =	vperm.xlane v23, v10;
	v55 =	vor.u32 v4, v53;
	v29 =	vld [tilespmem:s12+$0x2780]  }
0x686: {  	v48 =	vmul.f32 v41, v45;
	v59 =	vperm.xlane v25, v11;
	v30 =	vld [tilespmem:s12+$0x2880]  }
0x687: {  	v58 =	vperm.xlane v21, v11;
	v28 =	vor.u32 v4, v54  }
0x688: {  	[tilespmem:v34+s3+$0x0] =	vst.idx.add.f32.msk $0xffff, v48;
	v27 =	vor.u32 v4, v59;
	v33 =	vmul.f32 v33, v57  }
0x689: {  	v34 =	vld [tilespmem:s12+$0x26A0];
	v61 =	vperm.xlane v22, v11  }
0x68a: {  	v56 =	vperm.xlane v20, v13;
	v29 =	vmul.f32 v29, v58;
	[tilespmem:v55+s3+$0x0] =	vst.idx.add.f32.msk $0xffff, v33  }
0x68b: {  	v60 =	vperm.xlane v19, v13;
	v30 =	vmul.f32 v30, v61;
	v63 =	vld [tilespmem:s12+$0x2980]  }
0x68c: {  	v62 =	vperm.xlane v26, v11;
	v32 =	vor.u32 v4, v56;
	[tilespmem:v28+s3+$0x0] =	vst.idx.add.f32.msk $0xffff, v29  }
0x68d: {  	[tilespmem:v27+s3+$0x0] =	vst.idx.add.f32.msk $0xffff, v30  }
0x68e: {  	v40 =	vperm.xlane v24, v12;
	v34 =	vmul.f32 v34, v60;
	v41 =	vor.u32 v4, v62;
	v29 =	vld [tilespmem:s12+$0x2790]  }
0x68f: {  	v42 =	vperm.xlane v23, v11;
	v44 =	vperm.xlane v25, v12;
	v30 =	vld [tilespmem:s12+$0x2890]  }
0x690: {  	v43 =	vperm.xlane v21, v12;
	v28 =	vor.u32 v4, v40  }
0x691: {  	[tilespmem:v32+s3+$0x0] =	vst.idx.add.f32.msk $0xffff, v34;
	v27 =	vor.u32 v4, v44;
	v32 =	vmul.f32 v63, v42  }
0x692: {  	v47 =	vperm.xlane v22, v12  }
0x693: {  	v29 =	vmul.f32 v29, v43;
	[tilespmem:v41+s3+$0x0] =	vst.idx.add.f32.msk $0xffff, v32  }
0x694: {  	v30 =	vmul.f32 v30, v47;
	v49 =	vld [tilespmem:s12+$0x2990]  }
0x695: {  	v48 =	vperm.xlane v26, v12;
	[tilespmem:v28+s3+$0x0] =	vst.idx.add.f32.msk $0xffff, v29  }
0x696: {  	[tilespmem:v27+s3+$0x0] =	vst.idx.add.f32.msk $0xffff, v30  }
0x697: {  	v51 =	vperm.xlane v24, v13;
	v52 =	vor.u32 v4, v48;
	v29 =	vld [tilespmem:s12+$0x27A0]  }
0x698: {  	v56 =	vperm.xlane v25, v13;
	v54 =	vperm.xlane v23, v12;
	v30 =	vld [tilespmem:s12+$0x28A0]  }
0x699: {  	v28 =	vor.u32 v4, v51  }
0x69a: {  	v55 =	vperm.xlane v21, v13;
	v27 =	vor.u32 v4, v56;
	v33 =	vmul.f32 v49, v54  }
0x69b: {  	v45 =	vperm.xlane v20, v14;
	v46 =	vld [tilespmem:s12+$0x26B0];
	v57 =	vperm.xlane v22, v13  }
0x69c: {  	v29 =	vmul.f32 v29, v55;
	[tilespmem:v52+s3+$0x0] =	vst.idx.add.f32.msk $0xffff, v33  }
0x69d: {  	v34 =	vor.u32 v4, v45;
	v30 =	vmul.f32 v30, v57;
	v33 =	vld [tilespmem:s12+$0x29A0]  }
0x69e: {  	v50 =	vperm.xlane v19, v14;
	v58 =	vperm.xlane v26, v13;
	[tilespmem:v28+s3+$0x0] =	vst.idx.add.f32.msk $0xffff, v29  }
0x69f: {  	[tilespmem:v27+s3+$0x0] =	vst.idx.add.f32.msk $0xffff, v30  }
0x6a0: {  	v59 =	vperm.xlane v24, v14;
	v53 =	vmul.f32 v46, v50;
	v60 =	vor.u32 v4, v58;
	v29 =	vld [tilespmem:s12+$0x27B0]  }
0x6a1: {  	v39 =	vperm.xlane v25, v14;
	v62 =	vperm.xlane v23, v13;
	v30 =	vld [tilespmem:s12+$0x28B0]  }
0x6a2: {  	[tilespmem:v34+s3+$0x0] =	vst.idx.add.f32.msk $0xffff, v53;
	v28 =	vor.u32 v4, v59  }
0x6a3: {  	v63 =	vperm.xlane v21, v14;
	v27 =	vor.u32 v4, v39;
	v33 =	vmul.f32 v33, v62  }
0x6a4: {  	v34 =	vld [tilespmem:s12+$0x26C0];
	v41 =	vperm.xlane v22, v14  }
0x6a5: {  	v61 =	vperm.xlane v20, v15;
	v29 =	vmul.f32 v29, v63;
	[tilespmem:v60+s3+$0x0] =	vst.idx.add.f32.msk $0xffff, v33  }
0x6a6: {  	v30 =	vmul.f32 v30, v41;
	v43 =	vld [tilespmem:s12+$0x29B0]  }
0x6a7: {  	v42 =	vperm.xlane v26, v14;
	v32 =	vor.u32 v4, v61;
	[tilespmem:v28+s3+$0x0] =	vst.idx.add.f32.msk $0xffff, v29  }
0x6a8: {  	v40 =	vperm.xlane v19, v15;
	[tilespmem:v27+s3+$0x0] =	vst.idx.add.f32.msk $0xffff, v30  }
0x6a9: {  	v48 =	vperm.xlane v25, v15;
	v44 =	vperm.xlane v24, v15;
	v45 =	vor.u32 v4, v42;
	v29 =	vld [tilespmem:s12+$0x27C0]  }
0x6aa: {  	v46 =	vperm.xlane v23, v14;
	v34 =	vmul.f32 v34, v40;
	v30 =	vld [tilespmem:s12+$0x28C0]  }
0x6ab: {  	v47 =	vperm.xlane v21, v15;
	v28 =	vor.u32 v4, v44  }
0x6ac: {  	[tilespmem:v32+s3+$0x0] =	vst.idx.add.f32.msk $0xffff, v34;
	v27 =	vor.u32 v4, v48;
	v32 =	vmul.f32 v43, v46  }
0x6ad: {  	v51 =	vperm.xlane v22, v15;
	v50 =	vld [tilespmem:s12+$0x26D0]  }
0x6ae: {  	v49 =	vperm.xlane v20, v16;
	v29 =	vmul.f32 v29, v47;
	[tilespmem:v45+s3+$0x0] =	vst.idx.add.f32.msk $0xffff, v32  }
0x6af: {  	v52 =	vperm.xlane v26, v15;
	v30 =	vmul.f32 v30, v51;
	v53 =	vld [tilespmem:s12+$0x29C0]  }
0x6b0: {  	v34 =	vor.u32 v4, v49;
	[tilespmem:v28+s3+$0x0] =	vst.idx.add.f32.msk $0xffff, v29  }
0x6b1: {  	v54 =	vperm.xlane v19, v16;
	v55 =	vor.u32 v4, v52;
	[tilespmem:v27+s3+$0x0] =	vst.idx.add.f32.msk $0xffff, v30  }
0x6b2: {  	v56 =	vperm.xlane v24, v16;
	v57 =	vperm.xlane v23, v15;
	v29 =	vld [tilespmem:s12+$0x27D0]  }
0x6b3: {  	v60 =	vperm.xlane v25, v16;
	v28 =	vmul.f32 v50, v54;
	v61 =	vld [tilespmem:s12+$0x28D0]  }
0x6b4: {  	v59 =	vor.u32 v4, v56;
	v33 =	vmul.f32 v53, v57  }
0x6b5: {  	v58 =	vperm.xlane v21, v16;
	v63 =	vor.u32 v4, v60;
	[tilespmem:v34+s3+$0x0] =	vst.idx.add.f32.msk $0xffff, v28  }
0x6b6: {  	v39 =	vperm.xlane v22, v16;
	[tilespmem:v55+s3+$0x0] =	vst.idx.add.f32.msk $0xffff, v33  }
0x6b7: {  	v40 =	vperm.xlane v26, v16;
	v62 =	vmul.f32 v29, v58;
	v33 =	vld [tilespmem:s12+$0x29D0]  }
0x6b8: {  	v34 =	vld [tilespmem:s12+$0x26E0];
	v41 =	vmul.f32 v61, v39  }
0x6b9: {  	v42 =	vor.u32 v4, v40;
	v43 =	vperm.xlane v20, v17;
	[tilespmem:v59+s3+$0x0] =	vst.idx.add.f32.msk $0xffff, v62  }
0x6ba: {  	v45 =	vperm.xlane v23, v16;
	[tilespmem:v63+s3+$0x0] =	vst.idx.add.f32.msk $0xffff, v41  }
0x6bb: {  	v49 =	vperm.xlane v25, v17;
	v47 =	vperm.xlane v24, v17;
	v48 =	vor.u32 v4, v43;
	v44 =	vld [tilespmem:s12+$0x27E0]  }
0x6bc: {  	v46 =	vperm.xlane v19, v17;
	v50 =	vld [tilespmem:s12+$0x28E0];
	v32 =	vmul.f32 v33, v45  }
0x6bd: {  	v52 =	vor.u32 v4, v47;
	v53 =	vperm.xlane v21, v17  }
0x6be: {  	v29 =	vor.u32 v4, v49;
	v51 =	vmul.f32 v34, v46;
	[tilespmem:v42+s3+$0x0] =	vst.idx.add.f32.msk $0xffff, v32  }
0x6bf: {  	v54 =	vperm.xlane v22, v17;
	v55 =	vperm.xlane v26, v17;
	v56 =	vld [tilespmem:s12+$0x29E0]  }
0x6c0: {  	[tilespmem:v48+s3+$0x0] =	vst.idx.add.f32.msk $0xffff, v51;
	v31 =	vmul.f32 v44, v53  }
0x6c1: {  	v58 =	vor.u32 v4, v55;
	v60 =	vld [tilespmem:s12+$0x26F0];
	v57 =	vmul.f32 v50, v54  }
0x6c2: {  	v59 =	vperm.xlane v23, v17;
	[tilespmem:v52+s3+$0x0] =	vst.idx.add.f32.msk $0xffff, v31  }
0x6c3: {  	[tilespmem:v29+s3+$0x0] =	vst.idx.add.f32.msk $0xffff, v57  }
0x6c4: {  	v20 =	vperm.xlane v20, v18;
	v62 =	vld [tilespmem:s12+$0x27F0];
	v61 =	vmul.f32 v56, v59  }
0x6c5: {  	v24 =	vperm.xlane v24, v18;
	v63 =	vld [tilespmem:s12+$0x28F0]  }
0x6c6: {  	v25 =	vperm.xlane v25, v18;
	v20 =	vor.u32 v4, v20;
	[tilespmem:v58+s3+$0x0] =	vst.idx.add.f32.msk $0xffff, v61  }
0x6c7: {  	v19 =	vperm.xlane v19, v18;
	v24 =	vor.u32 v4, v24;
	v26 =	vperm.xlane v26, v18;
	v29 =	vld [tilespmem:s12+$0x29F0]  }
0x6c8: {  	v25 =	vor.u32 v4, v25;
	v21 =	vperm.xlane v21, v18  }
0x6c9: {  	p1 =	por p0, p0;
	v22 =	vperm.xlane v22, v18;
	v26 =	vor.u32 v4, v26;
	v19 =	vmul.f32 v60, v19  }
.Ltmp19:
0x6ca: {  	v23 =	vperm.xlane v23, v18;
	v21 =	vmul.f32 v62, v21;
	(pc) =	sbr.rel @p1 .LBB2_41-.Ltmp19, $4  }
0x6cb: {  	[tilespmem:v20+s3+$0x0] =	vst.idx.add.f32.msk $0xffff, v19;
	v19 =	vmul.f32 v63, v22  }
0x6cc: {  	[tilespmem:v24+s3+$0x0] =	vst.idx.add.f32.msk $0xffff, v21;
	v20 =	vmul.f32 v29, v23  }
0x6cd: {  	[tilespmem:v25+s3+$0x0] =	vst.idx.add.f32.msk $0xffff, v19  }
0x6ce: {  	p0 =	por $0x0, $0x0;
	s12 =	simm.s32 $0x4;
	[tilespmem:v26+s3+$0x0] =	vst.idx.add.f32.msk $0xffff, v20  }
0x6cf: {  	s12 =	sadd.s32 $0x600, s15  }
0x6d0: {  	s12 =	sand.u32 $0x7E00, s12  }
0x6d1: {  	s12 =	sor.u32 s7, s12  }
0x6d2: {  	s14 =	sadd.s32 $0x1, s14;
	s12 =	sshrl.u32 s12, $0x3  }
0x6d3: {  	p0 =	sne.s32 s14, $0x20;
	s13 =	sadd.s32 s6, s12  }
0x6d4: {  	[tilespmem:s26], [sflag:$0x2] =	stream.linear.gather [hbm4b:s13+s2], $0x200, $0x38;
	[tilespmem:$0x12E00] =	vst v63  }
.Ltmp20:
0x6d5: {  	_ = 	snop;
	(pc) =	sbr.rel @p0 .LBB2_10-.Ltmp20, $4  }
0x6d6: {  	s17 =	sadd.s32 s5, s12  }
0x6d7: {  	[tilespmem:s28], [sflag:$0x2] =	stream.linear.gather [hbm4b:s17+s2], $0x200, $0x38;
	[tilespmem:$0x12E00] =	vst v63  }
0x6d8: {  	s12 =	sadd.s32 s1, s12  }
0x6d9: {  	[tilespmem:s29], [sflag:$0x2] =	stream.linear.gather [hbm4b:s12+s2], $0x200, $0x38;
	[tilespmem:$0x12E00] =	vst v63  }
0x6da: {  	_ =	swait.ge [sflag:s0], $0x800  }
0x6db: {  	[sflag:s0] =	ssyncset.done $0x0  }
0x6dc: {  	[sflag:s0] =	ssyncadd.s32 $0xFFFFF800  }
0x6dd: {  	_ =	swait.ge [sflag:s9], $0x800  }
0x6de: {  	[sflag:s9] =	ssyncset.done $0x0  }
0x6df: {  	[sflag:s9] =	ssyncadd.s32 $0xFFFFF800  }
0x6e0: {  	_ =	swait.ge [sflag:s10], $0x800  }
0x6e1: {  	[sflag:s10] =	ssyncset.done $0x0  }
0x6e2: {  	[sflag:s10] =	ssyncadd.s32 $0xFFFFF800  }
0x6e3: {  	_ =	swait.ge [sflag:s8], $0x200  }
0x6e4: {  	[sflag:s8] =	ssyncset.done $0x0  }
0x6e5: {  	[sflag:s8] =	ssyncadd.s32 $0xFFFFFE00  }
0x6e6: {  	_ =	swait.ge [sflag:s8], $0x200  }
0x6e7: {  	[sflag:s8] =	ssyncset.done $0x0  }
0x6e8: {  	[sflag:s8] =	ssyncadd.s32 $0xFFFFFE00  }
0x6e9: {  	_ =	swait.ge [sflag:s8], $0x200  }
0x6ea: {  	[sflag:s8] =	ssyncset.done $0x0  }
0x6eb: {  	s13 =	simm.s32 $0x7;
	s12 =	rddreg [dreg:$0x9];
	[sflag:s8] =	ssyncadd.s32 $0xFFFFFE00  }
0x6ec: {  	[hbm4b:s12+s2] =	stream.linear.scatter [tilespmem:s3], [sflag:$0x7], $0x10000, $0x38;
	[tilespmem:$0x12E00] =	vst v63  }
0x6ed: {  	_ =	swait.ge [sflag:s13], $0x10000  }
0x6ee: {  	s14 =	rddreg [dreg:$0xb]  }
0x6ef: {  	s17 =	rddreg [dreg:$0xa];
	s14 =	sadd.s32 $0x1, s14  }
0x6f0: {  	p0 =	sne.s32 s14, s17  }
.Ltmp21:
0x6f1: {  	_ = 	snop;
	(pc) =	sbr.rel @p0 .LBB2_1-.Ltmp21, $3  }
0x6f2: {  	_ =	sdelay $0x1  }
0x6f3: {  	[sflag:s13] =	ssyncset.done $0x0  }
0x6f4: {  	[sflag:s13] =	ssyncadd.s32 $0xFFFF0000  }
0x6f5: {  	_ =	sfence.sel $0x180000  }
0x6f6: {  	[bflag:$0x0] =	sbarrier.arrive $0xFFFF  }
0x6f7: {  	_ =	strace $0x90000047  }
0x6f8: {  	s0 =	stileid.u32;
	[bflag:$0x2] =	sbarrier.arrive $0xFFFF  }
0x6f9: {  	p0 =	sne.s32 s0, $0x0;
	s0 =	rddreg [dreg:$0x2]  }
0x6fa: {  	s0 =	sadd.s32 @!p0 $0x100000, s0  }
0x6fb: {  	[sflag:s0] =	ssyncadd.tile.s32 @!p0 $0x1;
	_ =	shalt  }
.Lfunc_end2:
_tile_overlayer_lowered:
.L_overlay_start_2:
0x6fc: {  	(tag) =	ssettag $0x2  }
0x6fd: {  	s0 =	rddreg [dreg:$0x0];
	s2 =	stileid.u32  }
0x6fe: {  	s1 =	rddreg [dreg:$0x1];
	p0 =	sne.s32 s2, $0x0  }
0x6ff: {  	s3 =	rddreg [dreg:$0x2];
	[bflag:$0x3] =	sbarrier.arrive $0xFFFF;
	s2 =	simm.s32 @!p0 $0x1C07  }
0x700: {  	[timem:s3], [sflag:s2] =	dma.local @!p0 [hbm:s0], s1  }
0x701: {  	s0 =	simm.s32 @!p0 $0x7  }
0x702: {  	_ =	swait.ge @!p0 [sflag:s0], s1  }
0x703: {  	s1 =	ssub.s32 @!p0 $0x0, s1;
	[sflag:s0] =	ssyncset.done @!p0 $0x0  }
0x704: {  	[sflag:s0] =	ssyncadd.s32 @!p0 s1  }
0x705: {  	[bflag:$0x3] =	sbarrier.arrive $0xFFFF  }
0x706: {  	_ =	shalt  }

</sc_bundles>
